<compile_context>
chip_gen: v7x
topology: tpu7x:2x2x1
jax: 0.10.2.dev20260603
libtpu: 0.0.44.dev20260713+nightly
codegen_flags: <defaults>
</compile_context>

<pallas_src>
import functools

import jax
import jax.numpy as jnp
from jax import lax
from jax.experimental import pallas as pl
from jax.experimental.pallas import tpu as pltpu
from jax.experimental.pallas import tpu_sc as plsc

N = 100000
E = 1600000
D = 32
H = 32
G = 16
B = 128
T = 5

NC = 2
NS = 16
HH = H // 2

NP = 100352
NP8 = NP // 8
TRASH = N
EP = 1605632
CH = 512
KJ = 1
KD = 8
DCH = 128
NROW = EP // (16 * CH)
NMACRO = NROW // KJ
DROW = EP // (2 * 16 * DCH)
DMACRO = DROW // KD
SL = NP // 16

_MESH = plsc.VectorSubcoreMesh(
    core_axis_name="c", subcore_axis_name="s", num_cores=NC, num_subcores=NS)



@functools.partial(
    pl.kernel,
    out_type=jax.ShapeDtypeStruct((NC, NP, HH), jnp.float32),
    mesh=_MESH,
    scratch_types=[
        pltpu.VMEM_SHARED((NP, HH), jnp.float32),
        pltpu.VMEM((KD, DCH), jnp.int32),
        pltpu.VMEM((DCH, HH), jnp.float32),
        pltpu.SemaphoreType.DMA,
    ],
    compiler_params=pltpu.CompilerParams(use_tc_tiling_on_sc=False),
)
def _sc_degree(dst_hbm, zeros_hbm, out_hbm, acc, dbuf, onesv, ssem):
    c = lax.axis_index("c")
    t = lax.axis_index("s")
    pltpu.sync_copy(zeros_hbm.at[pl.ds(t * SL, SL)], acc.at[pl.ds(t * SL, SL)])
    for i in range(DCH):
        onesv[i] = jnp.full((HH,), 1.0, jnp.float32)
    plsc.subcore_barrier()

    def macro(kb, carry):
        pltpu.sync_copy(dst_hbm.at[c, t, pl.ds(kb * KD, KD)], dbuf)
        descs = [
            pltpu.async_copy(onesv, acc.at[dbuf.at[j]], ssem, add=True)
            for j in range(KD)
        ]
        for d in descs:
            d.wait()
        return carry

    lax.fori_loop(0, DMACRO, macro, 0)
    plsc.subcore_barrier()
    pltpu.sync_copy(acc.at[pl.ds(t * SL, SL)], out_hbm.at[c, pl.ds(t * SL, SL)])


@functools.partial(
    pl.kernel,
    out_type=jax.ShapeDtypeStruct((NC, NP, HH), jnp.float32),
    mesh=_MESH,
    scratch_types=[
        pltpu.VMEM_SHARED((NP, HH), jnp.float32),
        pltpu.VMEM((2, KJ, CH), jnp.int32),
        pltpu.VMEM((2, KJ, CH), jnp.int32),
        pltpu.VMEM((2, KJ, CH, HH), jnp.float32),
        pltpu.SemaphoreType.DMA,
        pltpu.SemaphoreType.DMA,
    ],
    compiler_params=pltpu.CompilerParams(use_tc_tiling_on_sc=False),
)
def _sc_aggregate(s_hbm, src_hbm, dst_hbm, out_hbm,
                  acc, sbuf, dbuf, rows, gsem, ssem):
    c = lax.axis_index("c")
    t = lax.axis_index("s")
    pltpu.sync_copy(s_hbm.at[c, pl.ds(t * SL, SL)], acc.at[pl.ds(t * SL, SL)])
    plsc.subcore_barrier()

    def load_idx(kb, p):
        pltpu.sync_copy(src_hbm.at[t, pl.ds(kb * KJ, KJ)], sbuf.at[p])
        pltpu.sync_copy(dst_hbm.at[t, pl.ds(kb * KJ, KJ)], dbuf.at[p])

    def fire_gathers(p):
        for j in range(KJ):
            pltpu.async_copy(s_hbm.at[c].at[sbuf.at[p, j]], rows.at[p, j],
                             gsem)

    def wait_gathers(p):
        for j in range(KJ):
            pltpu.make_async_copy(s_hbm.at[c].at[sbuf.at[p, j]],
                                  rows.at[p, j], gsem).wait()

    def scatter_sync(p):
        sd = [
            pltpu.async_copy(rows.at[p, j], acc.at[dbuf.at[p, j]], ssem,
                             add=True)
            for j in range(KJ)
        ]
        for d in sd:
            d.wait()

    load_idx(0, 0)
    fire_gathers(0)

    def macro2(kb2, carry):
        kb = kb2 * 2
        load_idx(kb + 1, 1)
        wait_gathers(0)
        fire_gathers(1)
        scatter_sync(0)

        @pl.when(kb2 < NMACRO // 2 - 1)
        def _():
            load_idx(kb + 2, 0)

        wait_gathers(1)

        @pl.when(kb2 < NMACRO // 2 - 1)
        def _():
            fire_gathers(0)

        scatter_sync(1)
        return carry

    lax.fori_loop(0, NMACRO // 2, macro2, 0)
    plsc.subcore_barrier()
    pltpu.sync_copy(acc.at[pl.ds(t * SL, SL)], out_hbm.at[c, pl.ds(t * SL, SL)])



BN_R = 14336
BN8 = BN_R // 8
NG = NP // BN_R


def _prep_body(p_ref, x_ref, xexp_ref, s0m_ref, s1m_ref,
               dqh_ref, dq2_ref, s_ref):
    cnt = p_ref[0] + p_ref[1]
    dqh = lax.rsqrt(1.0 + cnt)
    dqh_ref[...] = dqh
    dq2 = jnp.dot(dqh, xexp_ref[...], preferred_element_type=jnp.float32, precision=lax.Precision.HIGHEST)
    dq2_ref[...] = dq2
    s = x_ref[...] * dq2
    s_ref[0] = jnp.dot(s, s0m_ref[...], preferred_element_type=jnp.float32, precision=lax.Precision.HIGHEST)
    s_ref[1] = jnp.dot(s, s1m_ref[...], preferred_element_type=jnp.float32, precision=lax.Precision.HIGHEST)


def _tc_prep(p, x, xexp, s0m, s1m):
    return pl.pallas_call(
        _prep_body,
        grid=(NG,),
        in_specs=[
            pl.BlockSpec((NC, BN8, 128), lambda i: (0, i, 0)),
            pl.BlockSpec((BN8, 256), lambda i: (i, 0)),
            pl.BlockSpec((128, 256), lambda i: (0, 0)),
            pl.BlockSpec((256, 128), lambda i: (0, 0)),
            pl.BlockSpec((256, 128), lambda i: (0, 0)),
        ],
        out_specs=[
            pl.BlockSpec((BN8, 128), lambda i: (i, 0)),
            pl.BlockSpec((BN8, 256), lambda i: (i, 0)),
            pl.BlockSpec((NC, BN8, 128), lambda i: (0, i, 0)),
        ],
        out_shape=[
            jax.ShapeDtypeStruct((NP8, 128), jnp.float32),
            jax.ShapeDtypeStruct((NP8, 256), jnp.float32),
            jax.ShapeDtypeStruct((NC, NP8, 128), jnp.float32),
        ],
    )(p, x, xexp, s0m, s1m)


def _node_mask(i, width):
    r = lax.broadcasted_iota(jnp.int32, (BN8, 256), 0)
    lane = lax.broadcasted_iota(jnp.int32, (BN8, 256), 1)
    return (i * BN_R + r * 8 + lane // width) < N


def _matstats_body(a_ref, dqh_ref, w0_ref, w1_ref, b_ref,
                   y_ref, ssum_ref, ssq_ref):
    i = pl.program_id(0)
    dqh = dqh_ref[...]
    y = (jnp.dot(a_ref[0] * dqh, w0_ref[...],
                 preferred_element_type=jnp.float32)
         + jnp.dot(a_ref[1] * dqh, w1_ref[...],
                   preferred_element_type=jnp.float32)
         + b_ref[...])
    y_ref[...] = y
    ym = jnp.where(_node_mask(i, 32), y, 0.0)

    @pl.when(i == 0)
    def _():
        ssum_ref[...] = jnp.zeros_like(ssum_ref)
        ssq_ref[...] = jnp.zeros_like(ssq_ref)

    ssum_ref[...] += jnp.sum(ym, axis=0, keepdims=True)
    ssq_ref[...] += jnp.sum(ym * ym, axis=0, keepdims=True)


def _tc_matstats(agg, dqh, w0, w1, b):
    return pl.pallas_call(
        _matstats_body,
        grid=(NG,),
        in_specs=[
            pl.BlockSpec((NC, BN8, 128), lambda i: (0, i, 0)),
            pl.BlockSpec((BN8, 128), lambda i: (i, 0)),
            pl.BlockSpec((128, 256), lambda i: (0, 0)),
            pl.BlockSpec((128, 256), lambda i: (0, 0)),
            pl.BlockSpec((1, 256), lambda i: (0, 0)),
        ],
        out_specs=[
            pl.BlockSpec((BN8, 256), lambda i: (i, 0)),
            pl.BlockSpec((1, 256), lambda i: (0, 0)),
            pl.BlockSpec((1, 256), lambda i: (0, 0)),
        ],
        out_shape=[
            jax.ShapeDtypeStruct((NP8, 256), jnp.float32),
            jax.ShapeDtypeStruct((1, 256), jnp.float32),
            jax.ShapeDtypeStruct((1, 256), jnp.float32),
        ],
        compiler_params=pltpu.CompilerParams(
            dimension_semantics=("arbitrary",)),
    )(agg, dqh, w0, w1, b)


def _bnrelu_body(y_ref, ssum_ref, ssq_ref, dq2_ref, g_ref, be_ref,
                 fold_ref, exp_ref, s0m_ref, s1m_ref, s_ref):
    fold = fold_ref[...]
    mean32 = jnp.dot(ssum_ref[...], fold,
                     preferred_element_type=jnp.float32, precision=lax.Precision.HIGHEST) / N
    var32 = jnp.dot(ssq_ref[...], fold,
                    preferred_element_type=jnp.float32, precision=lax.Precision.HIGHEST) / N - mean32 * mean32
    inv32 = lax.rsqrt(var32 + 1e-5)
    mean = jnp.dot(mean32, exp_ref[...], preferred_element_type=jnp.float32, precision=lax.Precision.HIGHEST)
    inv = jnp.dot(inv32, exp_ref[...], preferred_element_type=jnp.float32, precision=lax.Precision.HIGHEST)
    h = jnp.maximum((y_ref[...] - mean) * inv * g_ref[...] + be_ref[...], 0.0)
    s = h * dq2_ref[...]
    s_ref[0] = jnp.dot(s, s0m_ref[...], preferred_element_type=jnp.float32, precision=lax.Precision.HIGHEST)
    s_ref[1] = jnp.dot(s, s1m_ref[...], preferred_element_type=jnp.float32, precision=lax.Precision.HIGHEST)


def _tc_bnrelu(y, ssum, ssq, dq2, g, be, fold, expm, s0m, s1m):
    return pl.pallas_call(
        _bnrelu_body,
        grid=(NG,),
        in_specs=[
            pl.BlockSpec((BN8, 256), lambda i: (i, 0)),
            pl.BlockSpec((1, 256), lambda i: (0, 0)),
            pl.BlockSpec((1, 256), lambda i: (0, 0)),
            pl.BlockSpec((BN8, 256), lambda i: (i, 0)),
            pl.BlockSpec((1, 256), lambda i: (0, 0)),
            pl.BlockSpec((1, 256), lambda i: (0, 0)),
            pl.BlockSpec((256, 32), lambda i: (0, 0)),
            pl.BlockSpec((32, 256), lambda i: (0, 0)),
            pl.BlockSpec((256, 128), lambda i: (0, 0)),
            pl.BlockSpec((256, 128), lambda i: (0, 0)),
        ],
        out_specs=[pl.BlockSpec((NC, BN8, 128), lambda i: (0, i, 0))],
        out_shape=[jax.ShapeDtypeStruct((NC, NP8, 128), jnp.float32)],
    )(y, ssum, ssq, dq2, g, be, fold, expm, s0m, s1m)


def _pool_body(a_ref, dqh_ref, w0_ref, w1_ref, b_ref, bp_ref,
               psum_ref, pcnt_ref):
    dqh = dqh_ref[...]
    y = (jnp.dot(a_ref[0] * dqh, w0_ref[...],
                 preferred_element_type=jnp.float32)
         + jnp.dot(a_ref[1] * dqh, w1_ref[...],
                   preferred_element_type=jnp.float32)
         + b_ref[...])

    @pl.when(pl.program_id(0) == 0)
    def _():
        psum_ref[...] = jnp.zeros_like(psum_ref)
        pcnt_ref[...] = jnp.zeros_like(pcnt_ref)

    seg = lax.broadcasted_iota(jnp.int32, (BN8, B), 1)
    ones = jnp.ones((BN8, 1), jnp.float32)
    for k in range(8):
        ohk = jnp.where(bp_ref[:, k:k + 1] == seg, 1.0, 0.0)
        psum_ref[...] += lax.dot_general(
            ohk, y[:, 32 * k:32 * k + 32], (((0,), (0,)), ((), ())),
            preferred_element_type=jnp.float32, precision=lax.Precision.HIGHEST)
        pcnt_ref[...] += lax.dot_general(
            ohk, ones, (((0,), (0,)), ((), ())),
            preferred_element_type=jnp.float32, precision=lax.Precision.HIGHEST)


def _tc_pool(agg, dqh, w0, w1, b, bp):
    return pl.pallas_call(
        _pool_body,
        grid=(NG,),
        in_specs=[
            pl.BlockSpec((NC, BN8, 128), lambda i: (0, i, 0)),
            pl.BlockSpec((BN8, 128), lambda i: (i, 0)),
            pl.BlockSpec((128, 256), lambda i: (0, 0)),
            pl.BlockSpec((128, 256), lambda i: (0, 0)),
            pl.BlockSpec((1, 256), lambda i: (0, 0)),
            pl.BlockSpec((BN8, 8), lambda i: (i, 0)),
        ],
        out_specs=[
            pl.BlockSpec((B, H), lambda i: (0, 0)),
            pl.BlockSpec((B, 1), lambda i: (0, 0)),
        ],
        out_shape=[
            jax.ShapeDtypeStruct((B, H), jnp.float32),
            jax.ShapeDtypeStruct((B, 1), jnp.float32),
        ],
        compiler_params=pltpu.CompilerParams(
            dimension_semantics=("arbitrary",)),
    )(agg, dqh, w0, w1, b, bp)


def _head_body(psum_ref, pcnt_ref, gf_ref, gw_ref, gb_ref,
               w1a_ref, w1b_ref, b1_ref, w2_ref, b2_ref, out_ref):
    pooled = psum_ref[...] / jnp.maximum(pcnt_ref[...], 1.0)
    grepr = jnp.maximum(
        jnp.dot(gf_ref[...], gw_ref[...], preferred_element_type=jnp.float32)
        + gb_ref[...], 0.0)
    hid = jnp.maximum(
        jnp.dot(pooled, w1a_ref[...], preferred_element_type=jnp.float32)
        + jnp.dot(grepr, w1b_ref[...], preferred_element_type=jnp.float32)
        + b1_ref[...], 0.0)
    out_ref[...] = (
        jnp.dot(hid, w2_ref[...], preferred_element_type=jnp.float32)
        + b2_ref[...])


def _tc_head(psum, pcnt, gf, gw, gb, w1a, w1b, b1, w2p, b2p):
    return pl.pallas_call(
        _head_body,
        out_shape=jax.ShapeDtypeStruct((B, 8), jnp.float32),
    )(psum, pcnt, gf, gw, gb, w1a, w1b, b1, w2p, b2p)



def kernel(x, edge_index, batch, global_features, W1, b1, W2, b2, W3, b3,
           g1, be1, g2, be2, gW, gb, pW1, pb1, pW2, pb2):
    f32 = jnp.float32
    pad_e = EP - E
    pad_idx = TRASH + jnp.arange(pad_e, dtype=jnp.int32) % (NP - N)
    src_p = jnp.concatenate([edge_index[0], pad_idx]).reshape(16, NROW, CH)
    dst_flat = jnp.concatenate([edge_index[1], pad_idx])
    dst_p = dst_flat.reshape(16, NROW, CH)
    dst_deg = dst_flat.reshape(NC, 16, DROW, DCH)

    x_pk = jnp.concatenate([x, jnp.zeros((NP - N, D), f32)],
                           axis=0).reshape(NP8, 256)
    bp = jnp.concatenate(
        [batch, jnp.full((NP - N,), B, jnp.int32)]).reshape(NP8, 8)
    zeros_nph = jnp.zeros((NP, HH), f32)

    i8 = jnp.eye(8, dtype=f32)
    e16 = jnp.eye(16, dtype=f32)
    e32 = jnp.eye(32, dtype=f32)
    s0m = jnp.kron(i8, jnp.concatenate([e16, jnp.zeros((16, 16), f32)], 0))
    s1m = jnp.kron(i8, jnp.concatenate([jnp.zeros((16, 16), f32), e16], 0))
    xexp = jnp.kron(i8, jnp.zeros((16, 32), f32).at[0].set(1.0))
    fold = jnp.kron(jnp.ones((8, 1), f32), e32)
    expm = jnp.kron(jnp.ones((1, 8), f32), e32)

    def wpack(W):
        return jnp.kron(i8, W[:HH]), jnp.kron(i8, W[HH:])

    w10, w11 = wpack(W1)
    w20, w21 = wpack(W2)
    w30, w31 = wpack(W3)
    b1r = jnp.tile(b1, 8).reshape(1, 256)
    b2r = jnp.tile(b2, 8).reshape(1, 256)
    b3r = jnp.tile(b3, 8).reshape(1, 256)
    g1r, be1r = jnp.tile(g1, 8).reshape(1, 256), jnp.tile(be1, 8).reshape(1, 256)
    g2r, be2r = jnp.tile(g2, 8).reshape(1, 256), jnp.tile(be2, 8).reshape(1, 256)
    gbr = gb.reshape(1, G)
    pW1a, pW1b = pW1[:H], pW1[H:]
    pb1r = pb1.reshape(1, H)
    pW2p = jnp.concatenate([pW2, jnp.zeros((H, 8 - T), f32)], axis=1)
    pb2p = jnp.concatenate([pb2, jnp.zeros((8 - T,), f32)]).reshape(1, 8)

    p = _sc_degree(dst_deg, zeros_nph)
    dqh, dq2, s = _tc_prep(p.reshape(NC, NP8, 128), x_pk, xexp, s0m, s1m)

    def layer(s, w0, w1, br, gr, ber):
        agg = _sc_aggregate(s.reshape(NC, NP, HH), src_p, dst_p)
        y, ssum, ssq = _tc_matstats(agg.reshape(NC, NP8, 128), dqh, w0, w1, br)
        return _tc_bnrelu(y, ssum, ssq, dq2, gr, ber, fold, expm, s0m, s1m)[0]

    s = layer(s, w10, w11, b1r, g1r, be1r)
    s = layer(s, w20, w21, b2r, g2r, be2r)

    agg = _sc_aggregate(s.reshape(NC, NP, HH), src_p, dst_p)
    psum, pcnt = _tc_pool(agg.reshape(NC, NP8, 128), dqh, w30, w31, b3r, bp)

    out = _tc_head(psum, pcnt, global_features, gW, gbr,
                   pW1a, pW1b, pb1r, pW2p, pb2p)
    return out[:, :T]

# --- scband reference (transcript-rebuilt; emitter-appended) ---
"""Pipeline reference for scband-simple-gcn-6640019440134 (READ-ONLY COPY).

The authoritative reference and input builder live on the scoring server;
editing this copy changes nothing except your own understanding.
"""

import jax, jax.numpy as jnp
import numpy as np

N = 100000
E = 1600000
D = 32
H = 32
G = 16
B = 128
T = 5


def setup_inputs(seed: int = 0) -> dict:
    key = jax.random.key(seed)
    ks = jax.random.split(key, 16)

    def w(i, shape, fan):
        return jax.random.normal(ks[i], shape, jnp.float32) / np.sqrt(fan)

    inp = {
        "x": jax.random.normal(ks[0], (N, D), jnp.float32),
        "edge_index": jax.random.randint(ks[1], (2, E), 0, N, jnp.int32),
        "batch": jnp.sort(jax.random.randint(ks[2], (N,), 0, B, jnp.int32)),
        "global_features": jax.random.normal(ks[3], (B, G), jnp.float32),
        "W1": w(4, (D, H), D), "b1": jnp.zeros((H,), jnp.float32),
        "W2": w(5, (H, H), H), "b2": jnp.zeros((H,), jnp.float32),
        "W3": w(6, (H, H), H), "b3": jnp.zeros((H,), jnp.float32),
        "g1": jnp.ones((H,), jnp.float32), "be1": jnp.zeros((H,), jnp.float32),
        "g2": jnp.ones((H,), jnp.float32), "be2": jnp.zeros((H,), jnp.float32),
        "gW": w(7, (G, H // 2), G), "gb": jnp.zeros((H // 2,), jnp.float32),
        "pW1": w(8, (H + H // 2, H), H + H // 2), "pb1": jnp.zeros((H,), jnp.float32),
        "pW2": w(9, (H, T), H), "pb2": jnp.zeros((T,), jnp.float32),
    }
    return inp


def _gcn(x, src, dst, deg_isqrt, W, b):
    h = x @ W
    norm = deg_isqrt[src] * deg_isqrt[dst]
    msg = h[src] * norm[:, None]
    out = jax.ops.segment_sum(msg, dst, num_segments=N)
    return out + b


def _bn(h, g, b):
    m = h.mean(axis=0)
    v = h.var(axis=0)
    return (h - m) / jnp.sqrt(v + 1e-5) * g + b


def reference(x, edge_index, batch, global_features, W1, b1, W2, b2, W3, b3,
              g1, be1, g2, be2, gW, gb, pW1, pb1, pW2, pb2):
    loop = jnp.arange(N, dtype=edge_index.dtype)
    src = jnp.concatenate([edge_index[0], loop])
    dst = jnp.concatenate([edge_index[1], loop])
    deg = jax.ops.segment_sum(jnp.ones_like(src, dtype=x.dtype), dst, num_segments=N)
    deg_isqrt = 1.0 / jnp.sqrt(jnp.maximum(deg, 1.0))

    h = jax.nn.relu(_bn(_gcn(x, src, dst, deg_isqrt, W1, b1), g1, be1))
    h = jax.nn.relu(_bn(_gcn(h, src, dst, deg_isqrt, W2, b2), g2, be2))
    h = _gcn(h, src, dst, deg_isqrt, W3, b3)

    sums = jax.ops.segment_sum(h, batch, num_segments=B)
    cnt = jax.ops.segment_sum(jnp.ones((N,), x.dtype), batch, num_segments=B)
    pooled = sums / jnp.maximum(cnt, 1.0)[:, None]

    grepr = jax.nn.relu(global_features @ gW + gb)
    comb = jnp.concatenate([pooled, grepr], axis=1)
    hid = jax.nn.relu(comb @ pW1 + pb1)
    return hid @ pW2 + pb2

if __name__ == "__main__":
    import jax
    _d = setup_inputs()
    print(jax.jit(kernel)(*tuple(_d.values())))

</pallas_src>

<mosaic_0001>
#map = affine_map<(d0, d1) -> (0, 0, 0)>
module attributes {stable_mosaic.version = 14 : i64} {
  func.func @_sc_aggregate(%arg0: i32, %arg1: i32, %arg2: memref<2x100352x16xf32, #tpu.memory_space<hbm>>, %arg3: memref<16x196x512xi32, #tpu.memory_space<hbm>>, %arg4: memref<16x196x512xi32, #tpu.memory_space<hbm>>, %arg5: memref<2x100352x16xf32, #tpu.memory_space<hbm>>, %arg6: memref<100352x16xf32, #tpu.memory_space<vmem_shared>>, %arg7: memref<2x1x512xi32, #tpu.memory_space<vmem>>, %arg8: memref<2x1x512xi32, #tpu.memory_space<vmem>>, %arg9: memref<2x1x512x16xf32, #tpu.memory_space<vmem>>, %arg10: memref<!tpu.dma_semaphore, #tpu.memory_space<semaphore_mem>>, %arg11: memref<!tpu.dma_semaphore, #tpu.memory_space<semaphore_mem>>) attributes {dimension_semantics = [#tpu.dimension_semantics<core_parallel>, #tpu.dimension_semantics<subcore_parallel>], iteration_bounds = array<i64: 2, 16>, scalar_prefetch = 0 : i64, scratch_operands = 6 : i64, tpu.core_type = #tpu.core_type<sc_vector_subcore>, window_params = [{transform_indices = #map}, {transform_indices = #map}, {transform_indices = #map}, {transform_indices = #map}]} {
    %mul3A = arith.constant 6272 : i32
    %mul3A_0 = arith.muli %arg1, %mul3A : i32
    %mul3A_1 = arith.constant 6272 : i32
    %mul3A_2 = arith.muli %arg1, %mul3A_1 : i32
    "tpu.region"() ({
      %run_scoped3A_31 = tpu.sem_alloc : memref<!tpu.dma_semaphore, #tpu.memory_space<semaphore_mem>>
      %dma_start3A_32 = arith.constant 0 : i32
      %dma_start3A_33 = tpu.memref_slice %arg6[%mul3A_2, %dma_start3A_32] : memref<100352x16xf32, #tpu.memory_space<vmem_shared>> -> memref<6272x16xf32, #tpu.memory_space<vmem_shared>>
      %dma_start3A_34 = arith.constant 0 : i32
      %dma_start3A_35 = tpu.memref_slice %arg2[%arg0, %mul3A_0, %dma_start3A_34] : memref<2x100352x16xf32, #tpu.memory_space<hbm>> -> memref<1x6272x16xf32, #tpu.memory_space<hbm>>
      %dma_start3A_36 = tpu.memref_squeeze %dma_start3A_35 : memref<1x6272x16xf32, #tpu.memory_space<hbm>> -> memref<6272x16xf32, #tpu.memory_space<hbm>>
      tpu.enqueue_dma source(%dma_start3A_36 : memref<6272x16xf32, #tpu.memory_space<hbm>>) target(%dma_start3A_33 : memref<6272x16xf32, #tpu.memory_space<vmem_shared>>) target_semaphore(%run_scoped3A_31 : memref<!tpu.dma_semaphore, #tpu.memory_space<semaphore_mem>>)
      %dma_wait3A = arith.constant 0 : i32
      %dma_wait3A_37 = tpu.memref_slice %arg6[%mul3A_2, %dma_wait3A] : memref<100352x16xf32, #tpu.memory_space<vmem_shared>> -> memref<6272x16xf32, #tpu.memory_space<vmem_shared>>
      %dma_wait3A_38 = arith.constant 0 : i32
      %dma_wait3A_39 = tpu.memref_slice %arg2[%arg0, %mul3A_0, %dma_wait3A_38] : memref<2x100352x16xf32, #tpu.memory_space<hbm>> -> memref<1x6272x16xf32, #tpu.memory_space<hbm>>
      %dma_wait3A_40 = tpu.memref_squeeze %dma_wait3A_39 : memref<1x6272x16xf32, #tpu.memory_space<hbm>> -> memref<6272x16xf32, #tpu.memory_space<hbm>>
      tpu.wait_dma2 semaphore(%run_scoped3A_31 : memref<!tpu.dma_semaphore, #tpu.memory_space<semaphore_mem>>) src(%dma_wait3A_40 : memref<6272x16xf32, #tpu.memory_space<hbm>>) dst(%dma_wait3A_37 : memref<6272x16xf32, #tpu.memory_space<vmem_shared>>)
      tpu.yield
    }) : () -> ()
    %barrier3A = arith.constant 0 : index
    tpu.barrier barrier_id(%barrier3A)
    %run_scoped3A = arith.constant 0 : i32
    "tpu.region"() ({
      %run_scoped3A_31 = tpu.sem_alloc : memref<!tpu.dma_semaphore, #tpu.memory_space<semaphore_mem>>
      %dma_start3A_32 = arith.constant 0 : i32
      %dma_start3A_33 = arith.constant 0 : i32
      %dma_start3A_34 = tpu.memref_slice %arg7[%run_scoped3A, %dma_start3A_32, %dma_start3A_33] : memref<2x1x512xi32, #tpu.memory_space<vmem>> -> memref<1x1x512xi32, #tpu.memory_space<vmem>>
      %dma_start3A_35 = tpu.memref_squeeze %dma_start3A_34 : memref<1x1x512xi32, #tpu.memory_space<vmem>> -> memref<1x512xi32, #tpu.memory_space<vmem>>
      %dma_start3A_36 = arith.constant 0 : i32
      %dma_start3A_37 = arith.constant 0 : i32
      %dma_start3A_38 = tpu.memref_slice %arg3[%arg1, %dma_start3A_36, %dma_start3A_37] : memref<16x196x512xi32, #tpu.memory_space<hbm>> -> memref<1x1x512xi32, #tpu.memory_space<hbm>>
      %dma_start3A_39 = tpu.memref_squeeze %dma_start3A_38 : memref<1x1x512xi32, #tpu.memory_space<hbm>> -> memref<1x512xi32, #tpu.memory_space<hbm>>
      %dma_start3A_40 = arith.constant 0 : i32
      %dma_start3A_41 = arith.constant 0 : i32
      %dma_start3A_42 = tpu.memref_slice %arg7[%run_scoped3A, %dma_start3A_40, %dma_start3A_41] : memref<2x1x512xi32, #tpu.memory_space<vmem>> -> memref<1x1x512xi32, #tpu.memory_space<vmem>>
      %dma_start3A_43 = tpu.memref_squeeze %dma_start3A_42 : memref<1x1x512xi32, #tpu.memory_space<vmem>> -> memref<1x512xi32, #tpu.memory_space<vmem>>
      %dma_start3A_44 = arith.constant 0 : i32
      %dma_start3A_45 = arith.constant 0 : i32
      %dma_start3A_46 = tpu.memref_slice %arg3[%arg1, %dma_start3A_44, %dma_start3A_45] : memref<16x196x512xi32, #tpu.memory_space<hbm>> -> memref<1x1x512xi32, #tpu.memory_space<hbm>>
      %dma_start3A_47 = tpu.memref_squeeze %dma_start3A_46 : memref<1x1x512xi32, #tpu.memory_space<hbm>> -> memref<1x512xi32, #tpu.memory_space<hbm>>
      tpu.enqueue_dma source(%dma_start3A_47 : memref<1x512xi32, #tpu.memory_space<hbm>>) target(%dma_start3A_43 : memref<1x512xi32, #tpu.memory_space<vmem>>) target_semaphore(%run_scoped3A_31 : memref<!tpu.dma_semaphore, #tpu.memory_space<semaphore_mem>>)
      %dma_wait3A = arith.constant 0 : i32
      %dma_wait3A_48 = arith.constant 0 : i32
      %dma_wait3A_49 = tpu.memref_slice %arg7[%run_scoped3A, %dma_wait3A, %dma_wait3A_48] : memref<2x1x512xi32, #tpu.memory_space<vmem>> -> memref<1x1x512xi32, #tpu.memory_space<vmem>>
      %dma_wait3A_50 = tpu.memref_squeeze %dma_wait3A_49 : memref<1x1x512xi32, #tpu.memory_space<vmem>> -> memref<1x512xi32, #tpu.memory_space<vmem>>
      %dma_wait3A_51 = arith.constant 0 : i32
      %dma_wait3A_52 = arith.constant 0 : i32
      %dma_wait3A_53 = tpu.memref_slice %arg3[%arg1, %dma_wait3A_51, %dma_wait3A_52] : memref<16x196x512xi32, #tpu.memory_space<hbm>> -> memref<1x1x512xi32, #tpu.memory_space<hbm>>
      %dma_wait3A_54 = tpu.memref_squeeze %dma_wait3A_53 : memref<1x1x512xi32, #tpu.memory_space<hbm>> -> memref<1x512xi32, #tpu.memory_space<hbm>>
      %dma_wait3A_55 = arith.constant 0 : i32
      %dma_wait3A_56 = arith.constant 0 : i32
      %dma_wait3A_57 = tpu.memref_slice %arg7[%run_scoped3A, %dma_wait3A_55, %dma_wait3A_56] : memref<2x1x512xi32, #tpu.memory_space<vmem>> -> memref<1x1x512xi32, #tpu.memory_space<vmem>>
      %dma_wait3A_58 = tpu.memref_squeeze %dma_wait3A_57 : memref<1x1x512xi32, #tpu.memory_space<vmem>> -> memref<1x512xi32, #tpu.memory_space<vmem>>
      %dma_wait3A_59 = arith.constant 0 : i32
      %dma_wait3A_60 = arith.constant 0 : i32
      %dma_wait3A_61 = tpu.memref_slice %arg3[%arg1, %dma_wait3A_59, %dma_wait3A_60] : memref<16x196x512xi32, #tpu.memory_space<hbm>> -> memref<1x1x512xi32, #tpu.memory_space<hbm>>
      %dma_wait3A_62 = tpu.memref_squeeze %dma_wait3A_61 : memref<1x1x512xi32, #tpu.memory_space<hbm>> -> memref<1x512xi32, #tpu.memory_space<hbm>>
      tpu.wait_dma2 semaphore(%run_scoped3A_31 : memref<!tpu.dma_semaphore, #tpu.memory_space<semaphore_mem>>) src(%dma_wait3A_62 : memref<1x512xi32, #tpu.memory_space<hbm>>) dst(%dma_wait3A_58 : memref<1x512xi32, #tpu.memory_space<vmem>>)
      tpu.yield
    }) : () -> ()
    %run_scoped3A_3 = arith.constant 0 : i32
    "tpu.region"() ({
      %run_scoped3A_31 = tpu.sem_alloc : memref<!tpu.dma_semaphore, #tpu.memory_space<semaphore_mem>>
      %dma_start3A_32 = arith.constant 0 : i32
      %dma_start3A_33 = arith.constant 0 : i32
      %dma_start3A_34 = tpu.memref_slice %arg8[%run_scoped3A_3, %dma_start3A_32, %dma_start3A_33] : memref<2x1x512xi32, #tpu.memory_space<vmem>> -> memref<1x1x512xi32, #tpu.memory_space<vmem>>
      %dma_start3A_35 = tpu.memref_squeeze %dma_start3A_34 : memref<1x1x512xi32, #tpu.memory_space<vmem>> -> memref<1x512xi32, #tpu.memory_space<vmem>>
      %dma_start3A_36 = arith.constant 0 : i32
      %dma_start3A_37 = arith.constant 0 : i32
      %dma_start3A_38 = tpu.memref_slice %arg4[%arg1, %dma_start3A_36, %dma_start3A_37] : memref<16x196x512xi32, #tpu.memory_space<hbm>> -> memref<1x1x512xi32, #tpu.memory_space<hbm>>
      %dma_start3A_39 = tpu.memref_squeeze %dma_start3A_38 : memref<1x1x512xi32, #tpu.memory_space<hbm>> -> memref<1x512xi32, #tpu.memory_space<hbm>>
      %dma_start3A_40 = arith.constant 0 : i32
      %dma_start3A_41 = arith.constant 0 : i32
      %dma_start3A_42 = tpu.memref_slice %arg8[%run_scoped3A_3, %dma_start3A_40, %dma_start3A_41] : memref<2x1x512xi32, #tpu.memory_space<vmem>> -> memref<1x1x512xi32, #tpu.memory_space<vmem>>
      %dma_start3A_43 = tpu.memref_squeeze %dma_start3A_42 : memref<1x1x512xi32, #tpu.memory_space<vmem>> -> memref<1x512xi32, #tpu.memory_space<vmem>>
      %dma_start3A_44 = arith.constant 0 : i32
      %dma_start3A_45 = arith.constant 0 : i32
      %dma_start3A_46 = tpu.memref_slice %arg4[%arg1, %dma_start3A_44, %dma_start3A_45] : memref<16x196x512xi32, #tpu.memory_space<hbm>> -> memref<1x1x512xi32, #tpu.memory_space<hbm>>
      %dma_start3A_47 = tpu.memref_squeeze %dma_start3A_46 : memref<1x1x512xi32, #tpu.memory_space<hbm>> -> memref<1x512xi32, #tpu.memory_space<hbm>>
      tpu.enqueue_dma source(%dma_start3A_47 : memref<1x512xi32, #tpu.memory_space<hbm>>) target(%dma_start3A_43 : memref<1x512xi32, #tpu.memory_space<vmem>>) target_semaphore(%run_scoped3A_31 : memref<!tpu.dma_semaphore, #tpu.memory_space<semaphore_mem>>)
      %dma_wait3A = arith.constant 0 : i32
      %dma_wait3A_48 = arith.constant 0 : i32
      %dma_wait3A_49 = tpu.memref_slice %arg8[%run_scoped3A_3, %dma_wait3A, %dma_wait3A_48] : memref<2x1x512xi32, #tpu.memory_space<vmem>> -> memref<1x1x512xi32, #tpu.memory_space<vmem>>
      %dma_wait3A_50 = tpu.memref_squeeze %dma_wait3A_49 : memref<1x1x512xi32, #tpu.memory_space<vmem>> -> memref<1x512xi32, #tpu.memory_space<vmem>>
      %dma_wait3A_51 = arith.constant 0 : i32
      %dma_wait3A_52 = arith.constant 0 : i32
      %dma_wait3A_53 = tpu.memref_slice %arg4[%arg1, %dma_wait3A_51, %dma_wait3A_52] : memref<16x196x512xi32, #tpu.memory_space<hbm>> -> memref<1x1x512xi32, #tpu.memory_space<hbm>>
      %dma_wait3A_54 = tpu.memref_squeeze %dma_wait3A_53 : memref<1x1x512xi32, #tpu.memory_space<hbm>> -> memref<1x512xi32, #tpu.memory_space<hbm>>
      %dma_wait3A_55 = arith.constant 0 : i32
      %dma_wait3A_56 = arith.constant 0 : i32
      %dma_wait3A_57 = tpu.memref_slice %arg8[%run_scoped3A_3, %dma_wait3A_55, %dma_wait3A_56] : memref<2x1x512xi32, #tpu.memory_space<vmem>> -> memref<1x1x512xi32, #tpu.memory_space<vmem>>
      %dma_wait3A_58 = tpu.memref_squeeze %dma_wait3A_57 : memref<1x1x512xi32, #tpu.memory_space<vmem>> -> memref<1x512xi32, #tpu.memory_space<vmem>>
      %dma_wait3A_59 = arith.constant 0 : i32
      %dma_wait3A_60 = arith.constant 0 : i32
      %dma_wait3A_61 = tpu.memref_slice %arg4[%arg1, %dma_wait3A_59, %dma_wait3A_60] : memref<16x196x512xi32, #tpu.memory_space<hbm>> -> memref<1x1x512xi32, #tpu.memory_space<hbm>>
      %dma_wait3A_62 = tpu.memref_squeeze %dma_wait3A_61 : memref<1x1x512xi32, #tpu.memory_space<hbm>> -> memref<1x512xi32, #tpu.memory_space<hbm>>
      tpu.wait_dma2 semaphore(%run_scoped3A_31 : memref<!tpu.dma_semaphore, #tpu.memory_space<semaphore_mem>>) src(%dma_wait3A_62 : memref<1x512xi32, #tpu.memory_space<hbm>>) dst(%dma_wait3A_58 : memref<1x512xi32, #tpu.memory_space<vmem>>)
      tpu.yield
    }) : () -> ()
    %dma_start3A = arith.constant 0 : i32
    %dma_start3A_4 = arith.constant 0 : i32
    %dma_start3A_5 = arith.constant 0 : i32
    %dma_start3A_6 = arith.constant 0 : i32
    %dma_start3A_7 = arith.constant 0 : i32
    %dma_start3A_8 = arith.constant 0 : i32
    %dma_start3A_9 = tpu.memref_slice %arg9[%dma_start3A_5, %dma_start3A_6, %dma_start3A_7, %dma_start3A_8] : memref<2x1x512x16xf32, #tpu.memory_space<vmem>> -> memref<1x1x512x16xf32, #tpu.memory_space<vmem>>
    %dma_start3A_10 = tpu.memref_squeeze %dma_start3A_9 : memref<1x1x512x16xf32, #tpu.memory_space<vmem>> -> memref<512x16xf32, #tpu.memory_space<vmem>>
    %dma_start3A_11 = arith.constant 0 : i32
    %dma_start3A_12 = tpu.memref_slice %arg7[%dma_start3A, %dma_start3A_4, %dma_start3A_11] : memref<2x1x512xi32, #tpu.memory_space<vmem>> -> memref<1x1x512xi32, #tpu.memory_space<vmem>>
    %dma_start3A_13 = tpu.memref_squeeze %dma_start3A_12 : memref<1x1x512xi32, #tpu.memory_space<vmem>> -> memref<512xi32, #tpu.memory_space<vmem>>
    %dma_start3A_14 = arith.constant 0 : i32
    %dma_start3A_15 = arith.constant 0 : i32
    %dma_start3A_16 = tpu.memref_slice %arg2[%arg0, %dma_start3A_14, %dma_start3A_15] : memref<2x100352x16xf32, #tpu.memory_space<hbm>> -> memref<1x100352x16xf32, #tpu.memory_space<hbm>>
    %dma_start3A_17 = tpu.memref_squeeze %dma_start3A_16 : memref<1x100352x16xf32, #tpu.memory_space<hbm>> -> memref<100352x16xf32, #tpu.memory_space<hbm>>
    %dma_start3A_18 = arith.constant 0 : i32
    %dma_start3A_19 = arith.constant 0 : i32
    %dma_start3A_20 = tpu.memref_slice %dma_start3A_17[%dma_start3A_18, %dma_start3A_19] : memref<100352x16xf32, #tpu.memory_space<hbm>> -> memref<100352x16xf32, #tpu.memory_space<hbm>>
    tpu.enqueue_indirect_dma source(%dma_start3A_20 : memref<100352x16xf32, #tpu.memory_space<hbm>>) target(%dma_start3A_10 : memref<512x16xf32, #tpu.memory_space<vmem>>) offsets(%dma_start3A_13 : memref<512xi32, #tpu.memory_space<vmem>>) semaphore(%arg10 : memref<!tpu.dma_semaphore, #tpu.memory_space<semaphore_mem>>)
    %scan3A = arith.constant 0 : i32
    %scan3A_21 = arith.constant 0 : i32
    %scan3A_22 = arith.constant 98 : i32
    %scan3A_23 = arith.addi %scan3A_21, %scan3A_22 : i32
    %scan3A_24 = arith.constant 1 : i32
    scf.for %scan3A_31 = %scan3A_21 to %scan3A_23 step %scan3A_24  : i32 {
      %mul3A_32 = arith.constant 2 : i32
      %mul3A_33 = arith.muli %scan3A_31, %mul3A_32 : i32
      %add3A = arith.constant 1 : i32
      %add3A_34 = arith.addi %mul3A_33, %add3A : i32
      %mul3A_35 = arith.constant 1 : i32
      %mul3A_36 = arith.muli %add3A_34, %mul3A_35 : i32
      %run_scoped3A_37 = arith.constant 1 : i32
      "tpu.region"() ({
        %run_scoped3A_157 = tpu.sem_alloc : memref<!tpu.dma_semaphore, #tpu.memory_space<semaphore_mem>>
        %dma_start3A_158 = arith.constant 0 : i32
        %dma_start3A_159 = arith.constant 0 : i32
        %dma_start3A_160 = tpu.memref_slice %arg7[%run_scoped3A_37, %dma_start3A_158, %dma_start3A_159] : memref<2x1x512xi32, #tpu.memory_space<vmem>> -> memref<1x1x512xi32, #tpu.memory_space<vmem>>
        %dma_start3A_161 = tpu.memref_squeeze %dma_start3A_160 : memref<1x1x512xi32, #tpu.memory_space<vmem>> -> memref<1x512xi32, #tpu.memory_space<vmem>>
        %dma_start3A_162 = arith.constant 0 : i32
        %dma_start3A_163 = tpu.memref_slice %arg3[%arg1, %mul3A_36, %dma_start3A_162] : memref<16x196x512xi32, #tpu.memory_space<hbm>> -> memref<1x1x512xi32, #tpu.memory_space<hbm>>
        %dma_start3A_164 = tpu.memref_squeeze %dma_start3A_163 : memref<1x1x512xi32, #tpu.memory_space<hbm>> -> memref<1x512xi32, #tpu.memory_space<hbm>>
        %dma_start3A_165 = arith.constant 0 : i32
        %dma_start3A_166 = arith.constant 0 : i32
        %dma_start3A_167 = tpu.memref_slice %arg7[%run_scoped3A_37, %dma_start3A_165, %dma_start3A_166] : memref<2x1x512xi32, #tpu.memory_space<vmem>> -> memref<1x1x512xi32, #tpu.memory_space<vmem>>
        %dma_start3A_168 = tpu.memref_squeeze %dma_start3A_167 : memref<1x1x512xi32, #tpu.memory_space<vmem>> -> memref<1x512xi32, #tpu.memory_space<vmem>>
        %dma_start3A_169 = arith.constant 0 : i32
        %dma_start3A_170 = tpu.memref_slice %arg3[%arg1, %mul3A_36, %dma_start3A_169] : memref<16x196x512xi32, #tpu.memory_space<hbm>> -> memref<1x1x512xi32, #tpu.memory_space<hbm>>
        %dma_start3A_171 = tpu.memref_squeeze %dma_start3A_170 : memref<1x1x512xi32, #tpu.memory_space<hbm>> -> memref<1x512xi32, #tpu.memory_space<hbm>>
        tpu.enqueue_dma source(%dma_start3A_171 : memref<1x512xi32, #tpu.memory_space<hbm>>) target(%dma_start3A_168 : memref<1x512xi32, #tpu.memory_space<vmem>>) target_semaphore(%run_scoped3A_157 : memref<!tpu.dma_semaphore, #tpu.memory_space<semaphore_mem>>)
        %dma_wait3A_172 = arith.constant 0 : i32
        %dma_wait3A_173 = arith.constant 0 : i32
        %dma_wait3A_174 = tpu.memref_slice %arg7[%run_scoped3A_37, %dma_wait3A_172, %dma_wait3A_173] : memref<2x1x512xi32, #tpu.memory_space<vmem>> -> memref<1x1x512xi32, #tpu.memory_space<vmem>>
        %dma_wait3A_175 = tpu.memref_squeeze %dma_wait3A_174 : memref<1x1x512xi32, #tpu.memory_space<vmem>> -> memref<1x512xi32, #tpu.memory_space<vmem>>
        %dma_wait3A_176 = arith.constant 0 : i32
        %dma_wait3A_177 = tpu.memref_slice %arg3[%arg1, %mul3A_36, %dma_wait3A_176] : memref<16x196x512xi32, #tpu.memory_space<hbm>> -> memref<1x1x512xi32, #tpu.memory_space<hbm>>
        %dma_wait3A_178 = tpu.memref_squeeze %dma_wait3A_177 : memref<1x1x512xi32, #tpu.memory_space<hbm>> -> memref<1x512xi32, #tpu.memory_space<hbm>>
        %dma_wait3A_179 = arith.constant 0 : i32
        %dma_wait3A_180 = arith.constant 0 : i32
        %dma_wait3A_181 = tpu.memref_slice %arg7[%run_scoped3A_37, %dma_wait3A_179, %dma_wait3A_180] : memref<2x1x512xi32, #tpu.memory_space<vmem>> -> memref<1x1x512xi32, #tpu.memory_space<vmem>>
        %dma_wait3A_182 = tpu.memref_squeeze %dma_wait3A_181 : memref<1x1x512xi32, #tpu.memory_space<vmem>> -> memref<1x512xi32, #tpu.memory_space<vmem>>
        %dma_wait3A_183 = arith.constant 0 : i32
        %dma_wait3A_184 = tpu.memref_slice %arg3[%arg1, %mul3A_36, %dma_wait3A_183] : memref<16x196x512xi32, #tpu.memory_space<hbm>> -> memref<1x1x512xi32, #tpu.memory_space<hbm>>
        %dma_wait3A_185 = tpu.memref_squeeze %dma_wait3A_184 : memref<1x1x512xi32, #tpu.memory_space<hbm>> -> memref<1x512xi32, #tpu.memory_space<hbm>>
        tpu.wait_dma2 semaphore(%run_scoped3A_157 : memref<!tpu.dma_semaphore, #tpu.memory_space<semaphore_mem>>) src(%dma_wait3A_185 : memref<1x512xi32, #tpu.memory_space<hbm>>) dst(%dma_wait3A_182 : memref<1x512xi32, #tpu.memory_space<vmem>>)
        tpu.yield
      }) : () -> ()
      %mul3A_38 = arith.constant 1 : i32
      %mul3A_39 = arith.muli %add3A_34, %mul3A_38 : i32
      %run_scoped3A_40 = arith.constant 1 : i32
      "tpu.region"() ({
        %run_scoped3A_157 = tpu.sem_alloc : memref<!tpu.dma_semaphore, #tpu.memory_space<semaphore_mem>>
        %dma_start3A_158 = arith.constant 0 : i32
        %dma_start3A_159 = arith.constant 0 : i32
        %dma_start3A_160 = tpu.memref_slice %arg8[%run_scoped3A_40, %dma_start3A_158, %dma_start3A_159] : memref<2x1x512xi32, #tpu.memory_space<vmem>> -> memref<1x1x512xi32, #tpu.memory_space<vmem>>
        %dma_start3A_161 = tpu.memref_squeeze %dma_start3A_160 : memref<1x1x512xi32, #tpu.memory_space<vmem>> -> memref<1x512xi32, #tpu.memory_space<vmem>>
        %dma_start3A_162 = arith.constant 0 : i32
        %dma_start3A_163 = tpu.memref_slice %arg4[%arg1, %mul3A_39, %dma_start3A_162] : memref<16x196x512xi32, #tpu.memory_space<hbm>> -> memref<1x1x512xi32, #tpu.memory_space<hbm>>
        %dma_start3A_164 = tpu.memref_squeeze %dma_start3A_163 : memref<1x1x512xi32, #tpu.memory_space<hbm>> -> memref<1x512xi32, #tpu.memory_space<hbm>>
        %dma_start3A_165 = arith.constant 0 : i32
        %dma_start3A_166 = arith.constant 0 : i32
        %dma_start3A_167 = tpu.memref_slice %arg8[%run_scoped3A_40, %dma_start3A_165, %dma_start3A_166] : memref<2x1x512xi32, #tpu.memory_space<vmem>> -> memref<1x1x512xi32, #tpu.memory_space<vmem>>
        %dma_start3A_168 = tpu.memref_squeeze %dma_start3A_167 : memref<1x1x512xi32, #tpu.memory_space<vmem>> -> memref<1x512xi32, #tpu.memory_space<vmem>>
        %dma_start3A_169 = arith.constant 0 : i32
        %dma_start3A_170 = tpu.memref_slice %arg4[%arg1, %mul3A_39, %dma_start3A_169] : memref<16x196x512xi32, #tpu.memory_space<hbm>> -> memref<1x1x512xi32, #tpu.memory_space<hbm>>
        %dma_start3A_171 = tpu.memref_squeeze %dma_start3A_170 : memref<1x1x512xi32, #tpu.memory_space<hbm>> -> memref<1x512xi32, #tpu.memory_space<hbm>>
        tpu.enqueue_dma source(%dma_start3A_171 : memref<1x512xi32, #tpu.memory_space<hbm>>) target(%dma_start3A_168 : memref<1x512xi32, #tpu.memory_space<vmem>>) target_semaphore(%run_scoped3A_157 : memref<!tpu.dma_semaphore, #tpu.memory_space<semaphore_mem>>)
        %dma_wait3A_172 = arith.constant 0 : i32
        %dma_wait3A_173 = arith.constant 0 : i32
        %dma_wait3A_174 = tpu.memref_slice %arg8[%run_scoped3A_40, %dma_wait3A_172, %dma_wait3A_173] : memref<2x1x512xi32, #tpu.memory_space<vmem>> -> memref<1x1x512xi32, #tpu.memory_space<vmem>>
        %dma_wait3A_175 = tpu.memref_squeeze %dma_wait3A_174 : memref<1x1x512xi32, #tpu.memory_space<vmem>> -> memref<1x512xi32, #tpu.memory_space<vmem>>
        %dma_wait3A_176 = arith.constant 0 : i32
        %dma_wait3A_177 = tpu.memref_slice %arg4[%arg1, %mul3A_39, %dma_wait3A_176] : memref<16x196x512xi32, #tpu.memory_space<hbm>> -> memref<1x1x512xi32, #tpu.memory_space<hbm>>
        %dma_wait3A_178 = tpu.memref_squeeze %dma_wait3A_177 : memref<1x1x512xi32, #tpu.memory_space<hbm>> -> memref<1x512xi32, #tpu.memory_space<hbm>>
        %dma_wait3A_179 = arith.constant 0 : i32
        %dma_wait3A_180 = arith.constant 0 : i32
        %dma_wait3A_181 = tpu.memref_slice %arg8[%run_scoped3A_40, %dma_wait3A_179, %dma_wait3A_180] : memref<2x1x512xi32, #tpu.memory_space<vmem>> -> memref<1x1x512xi32, #tpu.memory_space<vmem>>
        %dma_wait3A_182 = tpu.memref_squeeze %dma_wait3A_181 : memref<1x1x512xi32, #tpu.memory_space<vmem>> -> memref<1x512xi32, #tpu.memory_space<vmem>>
        %dma_wait3A_183 = arith.constant 0 : i32
        %dma_wait3A_184 = tpu.memref_slice %arg4[%arg1, %mul3A_39, %dma_wait3A_183] : memref<16x196x512xi32, #tpu.memory_space<hbm>> -> memref<1x1x512xi32, #tpu.memory_space<hbm>>
        %dma_wait3A_185 = tpu.memref_squeeze %dma_wait3A_184 : memref<1x1x512xi32, #tpu.memory_space<hbm>> -> memref<1x512xi32, #tpu.memory_space<hbm>>
        tpu.wait_dma2 semaphore(%run_scoped3A_157 : memref<!tpu.dma_semaphore, #tpu.memory_space<semaphore_mem>>) src(%dma_wait3A_185 : memref<1x512xi32, #tpu.memory_space<hbm>>) dst(%dma_wait3A_182 : memref<1x512xi32, #tpu.memory_space<vmem>>)
        tpu.yield
      }) : () -> ()
      %dma_wait3A = arith.constant 0 : i32
      %dma_wait3A_41 = arith.constant 0 : i32
      %dma_wait3A_42 = arith.constant 0 : i32
      %dma_wait3A_43 = arith.constant 0 : i32
      %dma_wait3A_44 = arith.constant 0 : i32
      %dma_wait3A_45 = arith.constant 0 : i32
      %dma_wait3A_46 = tpu.memref_slice %arg9[%dma_wait3A_42, %dma_wait3A_43, %dma_wait3A_44, %dma_wait3A_45] : memref<2x1x512x16xf32, #tpu.memory_space<vmem>> -> memref<1x1x512x16xf32, #tpu.memory_space<vmem>>
      %dma_wait3A_47 = tpu.memref_squeeze %dma_wait3A_46 : memref<1x1x512x16xf32, #tpu.memory_space<vmem>> -> memref<512x16xf32, #tpu.memory_space<vmem>>
      %dma_wait3A_48 = arith.constant 0 : i32
      %dma_wait3A_49 = tpu.memref_slice %arg7[%dma_wait3A, %dma_wait3A_41, %dma_wait3A_48] : memref<2x1x512xi32, #tpu.memory_space<vmem>> -> memref<1x1x512xi32, #tpu.memory_space<vmem>>
      %dma_wait3A_50 = tpu.memref_squeeze %dma_wait3A_49 : memref<1x1x512xi32, #tpu.memory_space<vmem>> -> memref<512xi32, #tpu.memory_space<vmem>>
      %dma_wait3A_51 = arith.constant 0 : i32
      %dma_wait3A_52 = arith.constant 0 : i32
      %dma_wait3A_53 = tpu.memref_slice %arg2[%arg0, %dma_wait3A_51, %dma_wait3A_52] : memref<2x100352x16xf32, #tpu.memory_space<hbm>> -> memref<1x100352x16xf32, #tpu.memory_space<hbm>>
      %dma_wait3A_54 = tpu.memref_squeeze %dma_wait3A_53 : memref<1x100352x16xf32, #tpu.memory_space<hbm>> -> memref<100352x16xf32, #tpu.memory_space<hbm>>
      %dma_wait3A_55 = arith.constant 0 : i32
      %dma_wait3A_56 = arith.constant 0 : i32
      %dma_wait3A_57 = tpu.memref_slice %dma_wait3A_54[%dma_wait3A_55, %dma_wait3A_56] : memref<100352x16xf32, #tpu.memory_space<hbm>> -> memref<100352x16xf32, #tpu.memory_space<hbm>>
      tpu.wait_indirect_dma semaphore(%arg10 : memref<!tpu.dma_semaphore, #tpu.memory_space<semaphore_mem>>) src(%dma_wait3A_57 : memref<100352x16xf32, #tpu.memory_space<hbm>>) dst(%dma_wait3A_47 : memref<512x16xf32, #tpu.memory_space<vmem>>)
      %dma_start3A_58 = arith.constant 1 : i32
      %dma_start3A_59 = arith.constant 0 : i32
      %dma_start3A_60 = arith.constant 1 : i32
      %dma_start3A_61 = arith.constant 0 : i32
      %dma_start3A_62 = arith.constant 0 : i32
      %dma_start3A_63 = arith.constant 0 : i32
      %dma_start3A_64 = tpu.memref_slice %arg9[%dma_start3A_60, %dma_start3A_61, %dma_start3A_62, %dma_start3A_63] : memref<2x1x512x16xf32, #tpu.memory_space<vmem>> -> memref<1x1x512x16xf32, #tpu.memory_space<vmem>>
      %dma_start3A_65 = tpu.memref_squeeze %dma_start3A_64 : memref<1x1x512x16xf32, #tpu.memory_space<vmem>> -> memref<512x16xf32, #tpu.memory_space<vmem>>
      %dma_start3A_66 = arith.constant 0 : i32
      %dma_start3A_67 = tpu.memref_slice %arg7[%dma_start3A_58, %dma_start3A_59, %dma_start3A_66] : memref<2x1x512xi32, #tpu.memory_space<vmem>> -> memref<1x1x512xi32, #tpu.memory_space<vmem>>
      %dma_start3A_68 = tpu.memref_squeeze %dma_start3A_67 : memref<1x1x512xi32, #tpu.memory_space<vmem>> -> memref<512xi32, #tpu.memory_space<vmem>>
      %dma_start3A_69 = arith.constant 0 : i32
      %dma_start3A_70 = arith.constant 0 : i32
      %dma_start3A_71 = tpu.memref_slice %arg2[%arg0, %dma_start3A_69, %dma_start3A_70] : memref<2x100352x16xf32, #tpu.memory_space<hbm>> -> memref<1x100352x16xf32, #tpu.memory_space<hbm>>
      %dma_start3A_72 = tpu.memref_squeeze %dma_start3A_71 : memref<1x100352x16xf32, #tpu.memory_space<hbm>> -> memref<100352x16xf32, #tpu.memory_space<hbm>>
      %dma_start3A_73 = arith.constant 0 : i32
      %dma_start3A_74 = arith.constant 0 : i32
      %dma_start3A_75 = tpu.memref_slice %dma_start3A_72[%dma_start3A_73, %dma_start3A_74] : memref<100352x16xf32, #tpu.memory_space<hbm>> -> memref<100352x16xf32, #tpu.memory_space<hbm>>
      tpu.enqueue_indirect_dma source(%dma_start3A_75 : memref<100352x16xf32, #tpu.memory_space<hbm>>) target(%dma_start3A_65 : memref<512x16xf32, #tpu.memory_space<vmem>>) offsets(%dma_start3A_68 : memref<512xi32, #tpu.memory_space<vmem>>) semaphore(%arg10 : memref<!tpu.dma_semaphore, #tpu.memory_space<semaphore_mem>>)
      %dma_start3A_76 = arith.constant 0 : i32
      %dma_start3A_77 = arith.constant 0 : i32
      %dma_start3A_78 = arith.constant 0 : i32
      %dma_start3A_79 = arith.constant 0 : i32
      %dma_start3A_80 = arith.constant 0 : i32
      %dma_start3A_81 = arith.constant 0 : i32
      %dma_start3A_82 = tpu.memref_slice %arg9[%dma_start3A_76, %dma_start3A_77, %dma_start3A_80, %dma_start3A_81] : memref<2x1x512x16xf32, #tpu.memory_space<vmem>> -> memref<1x1x512x16xf32, #tpu.memory_space<vmem>>
      %dma_start3A_83 = tpu.memref_squeeze %dma_start3A_82 : memref<1x1x512x16xf32, #tpu.memory_space<vmem>> -> memref<512x16xf32, #tpu.memory_space<vmem>>
      %dma_start3A_84 = arith.constant 0 : i32
      %dma_start3A_85 = tpu.memref_slice %arg8[%dma_start3A_78, %dma_start3A_79, %dma_start3A_84] : memref<2x1x512xi32, #tpu.memory_space<vmem>> -> memref<1x1x512xi32, #tpu.memory_space<vmem>>
      %dma_start3A_86 = tpu.memref_squeeze %dma_start3A_85 : memref<1x1x512xi32, #tpu.memory_space<vmem>> -> memref<512xi32, #tpu.memory_space<vmem>>
      %dma_start3A_87 = arith.constant 0 : i32
      %dma_start3A_88 = arith.constant 0 : i32
      %dma_start3A_89 = tpu.memref_slice %arg6[%dma_start3A_87, %dma_start3A_88] : memref<100352x16xf32, #tpu.memory_space<vmem_shared>> -> memref<100352x16xf32, #tpu.memory_space<vmem_shared>>
      tpu.enqueue_indirect_dma source(%dma_start3A_83 : memref<512x16xf32, #tpu.memory_space<vmem>>) target(%dma_start3A_89 : memref<100352x16xf32, #tpu.memory_space<vmem_shared>>) offsets(%dma_start3A_86 : memref<512xi32, #tpu.memory_space<vmem>>) semaphore(%arg11 : memref<!tpu.dma_semaphore, #tpu.memory_space<semaphore_mem>>) {add = true}
      %dma_wait3A_90 = arith.constant 0 : i32
      %dma_wait3A_91 = arith.constant 0 : i32
      %dma_wait3A_92 = arith.constant 0 : i32
      %dma_wait3A_93 = arith.constant 0 : i32
      %dma_wait3A_94 = arith.constant 0 : i32
      %dma_wait3A_95 = arith.constant 0 : i32
      %dma_wait3A_96 = tpu.memref_slice %arg9[%dma_wait3A_90, %dma_wait3A_91, %dma_wait3A_94, %dma_wait3A_95] : memref<2x1x512x16xf32, #tpu.memory_space<vmem>> -> memref<1x1x512x16xf32, #tpu.memory_space<vmem>>
      %dma_wait3A_97 = tpu.memref_squeeze %dma_wait3A_96 : memref<1x1x512x16xf32, #tpu.memory_space<vmem>> -> memref<512x16xf32, #tpu.memory_space<vmem>>
      %dma_wait3A_98 = arith.constant 0 : i32
      %dma_wait3A_99 = tpu.memref_slice %arg8[%dma_wait3A_92, %dma_wait3A_93, %dma_wait3A_98] : memref<2x1x512xi32, #tpu.memory_space<vmem>> -> memref<1x1x512xi32, #tpu.memory_space<vmem>>
      %dma_wait3A_100 = tpu.memref_squeeze %dma_wait3A_99 : memref<1x1x512xi32, #tpu.memory_space<vmem>> -> memref<512xi32, #tpu.memory_space<vmem>>
      %dma_wait3A_101 = arith.constant 0 : i32
      %dma_wait3A_102 = arith.constant 0 : i32
      %dma_wait3A_103 = tpu.memref_slice %arg6[%dma_wait3A_101, %dma_wait3A_102] : memref<100352x16xf32, #tpu.memory_space<vmem_shared>> -> memref<100352x16xf32, #tpu.memory_space<vmem_shared>>
      tpu.wait_indirect_dma semaphore(%arg11 : memref<!tpu.dma_semaphore, #tpu.memory_space<semaphore_mem>>) src(%dma_wait3A_97 : memref<512x16xf32, #tpu.memory_space<vmem>>) dst(%dma_wait3A_103 : memref<100352x16xf32, #tpu.memory_space<vmem_shared>>)
      %lt3A = arith.constant 97 : i32
      %lt3A_104 = arith.cmpi slt, %scan3A_31, %lt3A : i32
      %convert_element_type3A = arith.extui %lt3A_104 : i1 to i32
      %cond3A = arith.constant 0 : i32
      %cond3A_105 = arith.cmpi ne, %convert_element_type3A, %cond3A : i32
      scf.if %cond3A_105 {
        %add3A_157 = arith.constant 2 : i32
        %add3A_158 = arith.addi %mul3A_33, %add3A_157 : i32
        %mul3A_159 = arith.constant 1 : i32
        %mul3A_160 = arith.muli %add3A_158, %mul3A_159 : i32
        %run_scoped3A_161 = arith.constant 0 : i32
        "tpu.region"() ({
          %run_scoped3A_165 = tpu.sem_alloc : memref<!tpu.dma_semaphore, #tpu.memory_space<semaphore_mem>>
          %dma_start3A_166 = arith.constant 0 : i32
          %dma_start3A_167 = arith.constant 0 : i32
          %dma_start3A_168 = tpu.memref_slice %arg7[%run_scoped3A_161, %dma_start3A_166, %dma_start3A_167] : memref<2x1x512xi32, #tpu.memory_space<vmem>> -> memref<1x1x512xi32, #tpu.memory_space<vmem>>
          %dma_start3A_169 = tpu.memref_squeeze %dma_start3A_168 : memref<1x1x512xi32, #tpu.memory_space<vmem>> -> memref<1x512xi32, #tpu.memory_space<vmem>>
          %dma_start3A_170 = arith.constant 0 : i32
          %dma_start3A_171 = tpu.memref_slice %arg3[%arg1, %mul3A_160, %dma_start3A_170] : memref<16x196x512xi32, #tpu.memory_space<hbm>> -> memref<1x1x512xi32, #tpu.memory_space<hbm>>
          %dma_start3A_172 = tpu.memref_squeeze %dma_start3A_171 : memref<1x1x512xi32, #tpu.memory_space<hbm>> -> memref<1x512xi32, #tpu.memory_space<hbm>>
          %dma_start3A_173 = arith.constant 0 : i32
          %dma_start3A_174 = arith.constant 0 : i32
          %dma_start3A_175 = tpu.memref_slice %arg7[%run_scoped3A_161, %dma_start3A_173, %dma_start3A_174] : memref<2x1x512xi32, #tpu.memory_space<vmem>> -> memref<1x1x512xi32, #tpu.memory_space<vmem>>
          %dma_start3A_176 = tpu.memref_squeeze %dma_start3A_175 : memref<1x1x512xi32, #tpu.memory_space<vmem>> -> memref<1x512xi32, #tpu.memory_space<vmem>>
          %dma_start3A_177 = arith.constant 0 : i32
          %dma_start3A_178 = tpu.memref_slice %arg3[%arg1, %mul3A_160, %dma_start3A_177] : memref<16x196x512xi32, #tpu.memory_space<hbm>> -> memref<1x1x512xi32, #tpu.memory_space<hbm>>
          %dma_start3A_179 = tpu.memref_squeeze %dma_start3A_178 : memref<1x1x512xi32, #tpu.memory_space<hbm>> -> memref<1x512xi32, #tpu.memory_space<hbm>>
          tpu.enqueue_dma source(%dma_start3A_179 : memref<1x512xi32, #tpu.memory_space<hbm>>) target(%dma_start3A_176 : memref<1x512xi32, #tpu.memory_space<vmem>>) target_semaphore(%run_scoped3A_165 : memref<!tpu.dma_semaphore, #tpu.memory_space<semaphore_mem>>)
          %dma_wait3A_180 = arith.constant 0 : i32
          %dma_wait3A_181 = arith.constant 0 : i32
          %dma_wait3A_182 = tpu.memref_slice %arg7[%run_scoped3A_161, %dma_wait3A_180, %dma_wait3A_181] : memref<2x1x512xi32, #tpu.memory_space<vmem>> -> memref<1x1x512xi32, #tpu.memory_space<vmem>>
          %dma_wait3A_183 = tpu.memref_squeeze %dma_wait3A_182 : memref<1x1x512xi32, #tpu.memory_space<vmem>> -> memref<1x512xi32, #tpu.memory_space<vmem>>
          %dma_wait3A_184 = arith.constant 0 : i32
          %dma_wait3A_185 = tpu.memref_slice %arg3[%arg1, %mul3A_160, %dma_wait3A_184] : memref<16x196x512xi32, #tpu.memory_space<hbm>> -> memref<1x1x512xi32, #tpu.memory_space<hbm>>
          %dma_wait3A_186 = tpu.memref_squeeze %dma_wait3A_185 : memref<1x1x512xi32, #tpu.memory_space<hbm>> -> memref<1x512xi32, #tpu.memory_space<hbm>>
          %dma_wait3A_187 = arith.constant 0 : i32
          %dma_wait3A_188 = arith.constant 0 : i32
          %dma_wait3A_189 = tpu.memref_slice %arg7[%run_scoped3A_161, %dma_wait3A_187, %dma_wait3A_188] : memref<2x1x512xi32, #tpu.memory_space<vmem>> -> memref<1x1x512xi32, #tpu.memory_space<vmem>>
          %dma_wait3A_190 = tpu.memref_squeeze %dma_wait3A_189 : memref<1x1x512xi32, #tpu.memory_space<vmem>> -> memref<1x512xi32, #tpu.memory_space<vmem>>
          %dma_wait3A_191 = arith.constant 0 : i32
          %dma_wait3A_192 = tpu.memref_slice %arg3[%arg1, %mul3A_160, %dma_wait3A_191] : memref<16x196x512xi32, #tpu.memory_space<hbm>> -> memref<1x1x512xi32, #tpu.memory_space<hbm>>
          %dma_wait3A_193 = tpu.memref_squeeze %dma_wait3A_192 : memref<1x1x512xi32, #tpu.memory_space<hbm>> -> memref<1x512xi32, #tpu.memory_space<hbm>>
          tpu.wait_dma2 semaphore(%run_scoped3A_165 : memref<!tpu.dma_semaphore, #tpu.memory_space<semaphore_mem>>) src(%dma_wait3A_193 : memref<1x512xi32, #tpu.memory_space<hbm>>) dst(%dma_wait3A_190 : memref<1x512xi32, #tpu.memory_space<vmem>>)
          tpu.yield
        }) : () -> ()
        %mul3A_162 = arith.constant 1 : i32
        %mul3A_163 = arith.muli %add3A_158, %mul3A_162 : i32
        %run_scoped3A_164 = arith.constant 0 : i32
        "tpu.region"() ({
          %run_scoped3A_165 = tpu.sem_alloc : memref<!tpu.dma_semaphore, #tpu.memory_space<semaphore_mem>>
          %dma_start3A_166 = arith.constant 0 : i32
          %dma_start3A_167 = arith.constant 0 : i32
          %dma_start3A_168 = tpu.memref_slice %arg8[%run_scoped3A_164, %dma_start3A_166, %dma_start3A_167] : memref<2x1x512xi32, #tpu.memory_space<vmem>> -> memref<1x1x512xi32, #tpu.memory_space<vmem>>
          %dma_start3A_169 = tpu.memref_squeeze %dma_start3A_168 : memref<1x1x512xi32, #tpu.memory_space<vmem>> -> memref<1x512xi32, #tpu.memory_space<vmem>>
          %dma_start3A_170 = arith.constant 0 : i32
          %dma_start3A_171 = tpu.memref_slice %arg4[%arg1, %mul3A_163, %dma_start3A_170] : memref<16x196x512xi32, #tpu.memory_space<hbm>> -> memref<1x1x512xi32, #tpu.memory_space<hbm>>
          %dma_start3A_172 = tpu.memref_squeeze %dma_start3A_171 : memref<1x1x512xi32, #tpu.memory_space<hbm>> -> memref<1x512xi32, #tpu.memory_space<hbm>>
          %dma_start3A_173 = arith.constant 0 : i32
          %dma_start3A_174 = arith.constant 0 : i32
          %dma_start3A_175 = tpu.memref_slice %arg8[%run_scoped3A_164, %dma_start3A_173, %dma_start3A_174] : memref<2x1x512xi32, #tpu.memory_space<vmem>> -> memref<1x1x512xi32, #tpu.memory_space<vmem>>
          %dma_start3A_176 = tpu.memref_squeeze %dma_start3A_175 : memref<1x1x512xi32, #tpu.memory_space<vmem>> -> memref<1x512xi32, #tpu.memory_space<vmem>>
          %dma_start3A_177 = arith.constant 0 : i32
          %dma_start3A_178 = tpu.memref_slice %arg4[%arg1, %mul3A_163, %dma_start3A_177] : memref<16x196x512xi32, #tpu.memory_space<hbm>> -> memref<1x1x512xi32, #tpu.memory_space<hbm>>
          %dma_start3A_179 = tpu.memref_squeeze %dma_start3A_178 : memref<1x1x512xi32, #tpu.memory_space<hbm>> -> memref<1x512xi32, #tpu.memory_space<hbm>>
          tpu.enqueue_dma source(%dma_start3A_179 : memref<1x512xi32, #tpu.memory_space<hbm>>) target(%dma_start3A_176 : memref<1x512xi32, #tpu.memory_space<vmem>>) target_semaphore(%run_scoped3A_165 : memref<!tpu.dma_semaphore, #tpu.memory_space<semaphore_mem>>)
          %dma_wait3A_180 = arith.constant 0 : i32
          %dma_wait3A_181 = arith.constant 0 : i32
          %dma_wait3A_182 = tpu.memref_slice %arg8[%run_scoped3A_164, %dma_wait3A_180, %dma_wait3A_181] : memref<2x1x512xi32, #tpu.memory_space<vmem>> -> memref<1x1x512xi32, #tpu.memory_space<vmem>>
          %dma_wait3A_183 = tpu.memref_squeeze %dma_wait3A_182 : memref<1x1x512xi32, #tpu.memory_space<vmem>> -> memref<1x512xi32, #tpu.memory_space<vmem>>
          %dma_wait3A_184 = arith.constant 0 : i32
          %dma_wait3A_185 = tpu.memref_slice %arg4[%arg1, %mul3A_163, %dma_wait3A_184] : memref<16x196x512xi32, #tpu.memory_space<hbm>> -> memref<1x1x512xi32, #tpu.memory_space<hbm>>
          %dma_wait3A_186 = tpu.memref_squeeze %dma_wait3A_185 : memref<1x1x512xi32, #tpu.memory_space<hbm>> -> memref<1x512xi32, #tpu.memory_space<hbm>>
          %dma_wait3A_187 = arith.constant 0 : i32
          %dma_wait3A_188 = arith.constant 0 : i32
          %dma_wait3A_189 = tpu.memref_slice %arg8[%run_scoped3A_164, %dma_wait3A_187, %dma_wait3A_188] : memref<2x1x512xi32, #tpu.memory_space<vmem>> -> memref<1x1x512xi32, #tpu.memory_space<vmem>>
          %dma_wait3A_190 = tpu.memref_squeeze %dma_wait3A_189 : memref<1x1x512xi32, #tpu.memory_space<vmem>> -> memref<1x512xi32, #tpu.memory_space<vmem>>
          %dma_wait3A_191 = arith.constant 0 : i32
          %dma_wait3A_192 = tpu.memref_slice %arg4[%arg1, %mul3A_163, %dma_wait3A_191] : memref<16x196x512xi32, #tpu.memory_space<hbm>> -> memref<1x1x512xi32, #tpu.memory_space<hbm>>
          %dma_wait3A_193 = tpu.memref_squeeze %dma_wait3A_192 : memref<1x1x512xi32, #tpu.memory_space<hbm>> -> memref<1x512xi32, #tpu.memory_space<hbm>>
          tpu.wait_dma2 semaphore(%run_scoped3A_165 : memref<!tpu.dma_semaphore, #tpu.memory_space<semaphore_mem>>) src(%dma_wait3A_193 : memref<1x512xi32, #tpu.memory_space<hbm>>) dst(%dma_wait3A_190 : memref<1x512xi32, #tpu.memory_space<vmem>>)
          tpu.yield
        }) : () -> ()
      } else {
      }
      %dma_wait3A_106 = arith.constant 1 : i32
      %dma_wait3A_107 = arith.constant 0 : i32
      %dma_wait3A_108 = arith.constant 1 : i32
      %dma_wait3A_109 = arith.constant 0 : i32
      %dma_wait3A_110 = arith.constant 0 : i32
      %dma_wait3A_111 = arith.constant 0 : i32
      %dma_wait3A_112 = tpu.memref_slice %arg9[%dma_wait3A_108, %dma_wait3A_109, %dma_wait3A_110, %dma_wait3A_111] : memref<2x1x512x16xf32, #tpu.memory_space<vmem>> -> memref<1x1x512x16xf32, #tpu.memory_space<vmem>>
      %dma_wait3A_113 = tpu.memref_squeeze %dma_wait3A_112 : memref<1x1x512x16xf32, #tpu.memory_space<vmem>> -> memref<512x16xf32, #tpu.memory_space<vmem>>
      %dma_wait3A_114 = arith.constant 0 : i32
      %dma_wait3A_115 = tpu.memref_slice %arg7[%dma_wait3A_106, %dma_wait3A_107, %dma_wait3A_114] : memref<2x1x512xi32, #tpu.memory_space<vmem>> -> memref<1x1x512xi32, #tpu.memory_space<vmem>>
      %dma_wait3A_116 = tpu.memref_squeeze %dma_wait3A_115 : memref<1x1x512xi32, #tpu.memory_space<vmem>> -> memref<512xi32, #tpu.memory_space<vmem>>
      %dma_wait3A_117 = arith.constant 0 : i32
      %dma_wait3A_118 = arith.constant 0 : i32
      %dma_wait3A_119 = tpu.memref_slice %arg2[%arg0, %dma_wait3A_117, %dma_wait3A_118] : memref<2x100352x16xf32, #tpu.memory_space<hbm>> -> memref<1x100352x16xf32, #tpu.memory_space<hbm>>
      %dma_wait3A_120 = tpu.memref_squeeze %dma_wait3A_119 : memref<1x100352x16xf32, #tpu.memory_space<hbm>> -> memref<100352x16xf32, #tpu.memory_space<hbm>>
      %dma_wait3A_121 = arith.constant 0 : i32
      %dma_wait3A_122 = arith.constant 0 : i32
      %dma_wait3A_123 = tpu.memref_slice %dma_wait3A_120[%dma_wait3A_121, %dma_wait3A_122] : memref<100352x16xf32, #tpu.memory_space<hbm>> -> memref<100352x16xf32, #tpu.memory_space<hbm>>
      tpu.wait_indirect_dma semaphore(%arg10 : memref<!tpu.dma_semaphore, #tpu.memory_space<semaphore_mem>>) src(%dma_wait3A_123 : memref<100352x16xf32, #tpu.memory_space<hbm>>) dst(%dma_wait3A_113 : memref<512x16xf32, #tpu.memory_space<vmem>>)
      %lt3A_124 = arith.constant 97 : i32
      %lt3A_125 = arith.cmpi slt, %scan3A_31, %lt3A_124 : i32
      %convert_element_type3A_126 = arith.extui %lt3A_125 : i1 to i32
      %cond3A_127 = arith.constant 0 : i32
      %cond3A_128 = arith.cmpi ne, %convert_element_type3A_126, %cond3A_127 : i32
      scf.if %cond3A_128 {
        %dma_start3A_157 = arith.constant 0 : i32
        %dma_start3A_158 = arith.constant 0 : i32
        %dma_start3A_159 = arith.constant 0 : i32
        %dma_start3A_160 = arith.constant 0 : i32
        %dma_start3A_161 = arith.constant 0 : i32
        %dma_start3A_162 = arith.constant 0 : i32
        %dma_start3A_163 = tpu.memref_slice %arg9[%dma_start3A_159, %dma_start3A_160, %dma_start3A_161, %dma_start3A_162] : memref<2x1x512x16xf32, #tpu.memory_space<vmem>> -> memref<1x1x512x16xf32, #tpu.memory_space<vmem>>
        %dma_start3A_164 = tpu.memref_squeeze %dma_start3A_163 : memref<1x1x512x16xf32, #tpu.memory_space<vmem>> -> memref<512x16xf32, #tpu.memory_space<vmem>>
        %dma_start3A_165 = arith.constant 0 : i32
        %dma_start3A_166 = tpu.memref_slice %arg7[%dma_start3A_157, %dma_start3A_158, %dma_start3A_165] : memref<2x1x512xi32, #tpu.memory_space<vmem>> -> memref<1x1x512xi32, #tpu.memory_space<vmem>>
        %dma_start3A_167 = tpu.memref_squeeze %dma_start3A_166 : memref<1x1x512xi32, #tpu.memory_space<vmem>> -> memref<512xi32, #tpu.memory_space<vmem>>
        %dma_start3A_168 = arith.constant 0 : i32
        %dma_start3A_169 = arith.constant 0 : i32
        %dma_start3A_170 = tpu.memref_slice %arg2[%arg0, %dma_start3A_168, %dma_start3A_169] : memref<2x100352x16xf32, #tpu.memory_space<hbm>> -> memref<1x100352x16xf32, #tpu.memory_space<hbm>>
        %dma_start3A_171 = tpu.memref_squeeze %dma_start3A_170 : memref<1x100352x16xf32, #tpu.memory_space<hbm>> -> memref<100352x16xf32, #tpu.memory_space<hbm>>
        %dma_start3A_172 = arith.constant 0 : i32
        %dma_start3A_173 = arith.constant 0 : i32
        %dma_start3A_174 = tpu.memref_slice %dma_start3A_171[%dma_start3A_172, %dma_start3A_173] : memref<100352x16xf32, #tpu.memory_space<hbm>> -> memref<100352x16xf32, #tpu.memory_space<hbm>>
        tpu.enqueue_indirect_dma source(%dma_start3A_174 : memref<100352x16xf32, #tpu.memory_space<hbm>>) target(%dma_start3A_164 : memref<512x16xf32, #tpu.memory_space<vmem>>) offsets(%dma_start3A_167 : memref<512xi32, #tpu.memory_space<vmem>>) semaphore(%arg10 : memref<!tpu.dma_semaphore, #tpu.memory_space<semaphore_mem>>)
      } else {
      }
      %dma_start3A_129 = arith.constant 1 : i32
      %dma_start3A_130 = arith.constant 0 : i32
      %dma_start3A_131 = arith.constant 1 : i32
      %dma_start3A_132 = arith.constant 0 : i32
      %dma_start3A_133 = arith.constant 0 : i32
      %dma_start3A_134 = arith.constant 0 : i32
      %dma_start3A_135 = tpu.memref_slice %arg9[%dma_start3A_129, %dma_start3A_130, %dma_start3A_133, %dma_start3A_134] : memref<2x1x512x16xf32, #tpu.memory_space<vmem>> -> memref<1x1x512x16xf32, #tpu.memory_space<vmem>>
      %dma_start3A_136 = tpu.memref_squeeze %dma_start3A_135 : memref<1x1x512x16xf32, #tpu.memory_space<vmem>> -> memref<512x16xf32, #tpu.memory_space<vmem>>
      %dma_start3A_137 = arith.constant 0 : i32
      %dma_start3A_138 = tpu.memref_slice %arg8[%dma_start3A_131, %dma_start3A_132, %dma_start3A_137] : memref<2x1x512xi32, #tpu.memory_space<vmem>> -> memref<1x1x512xi32, #tpu.memory_space<vmem>>
      %dma_start3A_139 = tpu.memref_squeeze %dma_start3A_138 : memref<1x1x512xi32, #tpu.memory_space<vmem>> -> memref<512xi32, #tpu.memory_space<vmem>>
      %dma_start3A_140 = arith.constant 0 : i32
      %dma_start3A_141 = arith.constant 0 : i32
      %dma_start3A_142 = tpu.memref_slice %arg6[%dma_start3A_140, %dma_start3A_141] : memref<100352x16xf32, #tpu.memory_space<vmem_shared>> -> memref<100352x16xf32, #tpu.memory_space<vmem_shared>>
      tpu.enqueue_indirect_dma source(%dma_start3A_136 : memref<512x16xf32, #tpu.memory_space<vmem>>) target(%dma_start3A_142 : memref<100352x16xf32, #tpu.memory_space<vmem_shared>>) offsets(%dma_start3A_139 : memref<512xi32, #tpu.memory_space<vmem>>) semaphore(%arg11 : memref<!tpu.dma_semaphore, #tpu.memory_space<semaphore_mem>>) {add = true}
      %dma_wait3A_143 = arith.constant 1 : i32
      %dma_wait3A_144 = arith.constant 0 : i32
      %dma_wait3A_145 = arith.constant 1 : i32
      %dma_wait3A_146 = arith.constant 0 : i32
      %dma_wait3A_147 = arith.constant 0 : i32
      %dma_wait3A_148 = arith.constant 0 : i32
      %dma_wait3A_149 = tpu.memref_slice %arg9[%dma_wait3A_143, %dma_wait3A_144, %dma_wait3A_147, %dma_wait3A_148] : memref<2x1x512x16xf32, #tpu.memory_space<vmem>> -> memref<1x1x512x16xf32, #tpu.memory_space<vmem>>
      %dma_wait3A_150 = tpu.memref_squeeze %dma_wait3A_149 : memref<1x1x512x16xf32, #tpu.memory_space<vmem>> -> memref<512x16xf32, #tpu.memory_space<vmem>>
      %dma_wait3A_151 = arith.constant 0 : i32
      %dma_wait3A_152 = tpu.memref_slice %arg8[%dma_wait3A_145, %dma_wait3A_146, %dma_wait3A_151] : memref<2x1x512xi32, #tpu.memory_space<vmem>> -> memref<1x1x512xi32, #tpu.memory_space<vmem>>
      %dma_wait3A_153 = tpu.memref_squeeze %dma_wait3A_152 : memref<1x1x512xi32, #tpu.memory_space<vmem>> -> memref<512xi32, #tpu.memory_space<vmem>>
      %dma_wait3A_154 = arith.constant 0 : i32
      %dma_wait3A_155 = arith.constant 0 : i32
      %dma_wait3A_156 = tpu.memref_slice %arg6[%dma_wait3A_154, %dma_wait3A_155] : memref<100352x16xf32, #tpu.memory_space<vmem_shared>> -> memref<100352x16xf32, #tpu.memory_space<vmem_shared>>
      tpu.wait_indirect_dma semaphore(%arg11 : memref<!tpu.dma_semaphore, #tpu.memory_space<semaphore_mem>>) src(%dma_wait3A_150 : memref<512x16xf32, #tpu.memory_space<vmem>>) dst(%dma_wait3A_156 : memref<100352x16xf32, #tpu.memory_space<vmem_shared>>)
    }
    %scan3A_25 = arith.constant 98 : i32
    %barrier3A_26 = arith.constant 0 : index
    tpu.barrier barrier_id(%barrier3A_26)
    %mul3A_27 = arith.constant 6272 : i32
    %mul3A_28 = arith.muli %arg1, %mul3A_27 : i32
    %mul3A_29 = arith.constant 6272 : i32
    %mul3A_30 = arith.muli %arg1, %mul3A_29 : i32
    "tpu.region"() ({
      %run_scoped3A_31 = tpu.sem_alloc : memref<!tpu.dma_semaphore, #tpu.memory_space<semaphore_mem>>
      %dma_start3A_32 = arith.constant 0 : i32
      %dma_start3A_33 = tpu.memref_slice %arg5[%arg0, %mul3A_30, %dma_start3A_32] : memref<2x100352x16xf32, #tpu.memory_space<hbm>> -> memref<1x6272x16xf32, #tpu.memory_space<hbm>>
      %dma_start3A_34 = tpu.memref_squeeze %dma_start3A_33 : memref<1x6272x16xf32, #tpu.memory_space<hbm>> -> memref<6272x16xf32, #tpu.memory_space<hbm>>
      %dma_start3A_35 = arith.constant 0 : i32
      %dma_start3A_36 = tpu.memref_slice %arg6[%mul3A_28, %dma_start3A_35] : memref<100352x16xf32, #tpu.memory_space<vmem_shared>> -> memref<6272x16xf32, #tpu.memory_space<vmem_shared>>
      tpu.enqueue_dma source(%dma_start3A_36 : memref<6272x16xf32, #tpu.memory_space<vmem_shared>>) target(%dma_start3A_34 : memref<6272x16xf32, #tpu.memory_space<hbm>>) target_semaphore(%run_scoped3A_31 : memref<!tpu.dma_semaphore, #tpu.memory_space<semaphore_mem>>)
      %dma_wait3A = arith.constant 0 : i32
      %dma_wait3A_37 = tpu.memref_slice %arg5[%arg0, %mul3A_30, %dma_wait3A] : memref<2x100352x16xf32, #tpu.memory_space<hbm>> -> memref<1x6272x16xf32, #tpu.memory_space<hbm>>
      %dma_wait3A_38 = tpu.memref_squeeze %dma_wait3A_37 : memref<1x6272x16xf32, #tpu.memory_space<hbm>> -> memref<6272x16xf32, #tpu.memory_space<hbm>>
      %dma_wait3A_39 = arith.constant 0 : i32
      %dma_wait3A_40 = tpu.memref_slice %arg6[%mul3A_28, %dma_wait3A_39] : memref<100352x16xf32, #tpu.memory_space<vmem_shared>> -> memref<6272x16xf32, #tpu.memory_space<vmem_shared>>
      tpu.wait_dma2 semaphore(%run_scoped3A_31 : memref<!tpu.dma_semaphore, #tpu.memory_space<semaphore_mem>>) src(%dma_wait3A_40 : memref<6272x16xf32, #tpu.memory_space<vmem_shared>>) dst(%dma_wait3A_38 : memref<6272x16xf32, #tpu.memory_space<hbm>>)
      tpu.yield
    }) : () -> ()
    return
  }
}

#map = affine_map<(d0, d1) -> (0, 0, 0)>
module attributes {stable_mosaic.version = 14 : i64} {
  func.func @_sc_aggregate(%arg0: i32, %arg1: i32, %arg2: memref<2x100352x16xf32, #tpu.memory_space<hbm>>, %arg3: memref<16x196x512xi32, #tpu.memory_space<hbm>>, %arg4: memref<16x196x512xi32, #tpu.memory_space<hbm>>, %arg5: memref<2x100352x16xf32, #tpu.memory_space<hbm>>, %arg6: memref<100352x16xf32, #tpu.memory_space<vmem_shared>>, %arg7: memref<2x1x512xi32, #tpu.memory_space<vmem>>, %arg8: memref<2x1x512xi32, #tpu.memory_space<vmem>>, %arg9: memref<2x1x512x16xf32, #tpu.memory_space<vmem>>, %arg10: memref<!tpu.dma_semaphore, #tpu.memory_space<semaphore_mem>>, %arg11: memref<!tpu.dma_semaphore, #tpu.memory_space<semaphore_mem>>) attributes {dimension_semantics = [#tpu.dimension_semantics<core_parallel>, #tpu.dimension_semantics<subcore_parallel>], iteration_bounds = array<i64: 2, 16>, scalar_prefetch = 0 : i64, scratch_operands = 6 : i64, tpu.core_type = #tpu.core_type<sc_vector_subcore>, window_params = [{transform_indices = #map}, {transform_indices = #map}, {transform_indices = #map}, {transform_indices = #map}]} {
    %mul3A = arith.constant 6272 : i32
    %mul3A_0 = arith.muli %arg1, %mul3A : i32
    %mul3A_1 = arith.constant 6272 : i32
    %mul3A_2 = arith.muli %arg1, %mul3A_1 : i32
    "tpu.region"() ({
      %run_scoped3A_31 = tpu.sem_alloc : memref<!tpu.dma_semaphore, #tpu.memory_space<semaphore_mem>>
      %dma_start3A_32 = arith.constant 0 : i32
      %dma_start3A_33 = tpu.memref_slice %arg6[%mul3A_2, %dma_start3A_32] : memref<100352x16xf32, #tpu.memory_space<vmem_shared>> -> memref<6272x16xf32, #tpu.memory_space<vmem_shared>>
      %dma_start3A_34 = arith.constant 0 : i32
      %dma_start3A_35 = tpu.memref_slice %arg2[%arg0, %mul3A_0, %dma_start3A_34] : memref<2x100352x16xf32, #tpu.memory_space<hbm>> -> memref<1x6272x16xf32, #tpu.memory_space<hbm>>
      %dma_start3A_36 = tpu.memref_squeeze %dma_start3A_35 : memref<1x6272x16xf32, #tpu.memory_space<hbm>> -> memref<6272x16xf32, #tpu.memory_space<hbm>>
      tpu.enqueue_dma source(%dma_start3A_36 : memref<6272x16xf32, #tpu.memory_space<hbm>>) target(%dma_start3A_33 : memref<6272x16xf32, #tpu.memory_space<vmem_shared>>) target_semaphore(%run_scoped3A_31 : memref<!tpu.dma_semaphore, #tpu.memory_space<semaphore_mem>>)
      %dma_wait3A = arith.constant 0 : i32
      %dma_wait3A_37 = tpu.memref_slice %arg6[%mul3A_2, %dma_wait3A] : memref<100352x16xf32, #tpu.memory_space<vmem_shared>> -> memref<6272x16xf32, #tpu.memory_space<vmem_shared>>
      %dma_wait3A_38 = arith.constant 0 : i32
      %dma_wait3A_39 = tpu.memref_slice %arg2[%arg0, %mul3A_0, %dma_wait3A_38] : memref<2x100352x16xf32, #tpu.memory_space<hbm>> -> memref<1x6272x16xf32, #tpu.memory_space<hbm>>
      %dma_wait3A_40 = tpu.memref_squeeze %dma_wait3A_39 : memref<1x6272x16xf32, #tpu.memory_space<hbm>> -> memref<6272x16xf32, #tpu.memory_space<hbm>>
      tpu.wait_dma2 semaphore(%run_scoped3A_31 : memref<!tpu.dma_semaphore, #tpu.memory_space<semaphore_mem>>) src(%dma_wait3A_40 : memref<6272x16xf32, #tpu.memory_space<hbm>>) dst(%dma_wait3A_37 : memref<6272x16xf32, #tpu.memory_space<vmem_shared>>)
      tpu.yield
    }) : () -> ()
    %barrier3A = arith.constant 0 : index
    tpu.barrier barrier_id(%barrier3A)
    %run_scoped3A = arith.constant 0 : i32
    "tpu.region"() ({
      %run_scoped3A_31 = tpu.sem_alloc : memref<!tpu.dma_semaphore, #tpu.memory_space<semaphore_mem>>
      %dma_start3A_32 = arith.constant 0 : i32
      %dma_start3A_33 = arith.constant 0 : i32
      %dma_start3A_34 = tpu.memref_slice %arg7[%run_scoped3A, %dma_start3A_32, %dma_start3A_33] : memref<2x1x512xi32, #tpu.memory_space<vmem>> -> memref<1x1x512xi32, #tpu.memory_space<vmem>>
      %dma_start3A_35 = tpu.memref_squeeze %dma_start3A_34 : memref<1x1x512xi32, #tpu.memory_space<vmem>> -> memref<1x512xi32, #tpu.memory_space<vmem>>
      %dma_start3A_36 = arith.constant 0 : i32
      %dma_start3A_37 = arith.constant 0 : i32
      %dma_start3A_38 = tpu.memref_slice %arg3[%arg1, %dma_start3A_36, %dma_start3A_37] : memref<16x196x512xi32, #tpu.memory_space<hbm>> -> memref<1x1x512xi32, #tpu.memory_space<hbm>>
      %dma_start3A_39 = tpu.memref_squeeze %dma_start3A_38 : memref<1x1x512xi32, #tpu.memory_space<hbm>> -> memref<1x512xi32, #tpu.memory_space<hbm>>
      %dma_start3A_40 = arith.constant 0 : i32
      %dma_start3A_41 = arith.constant 0 : i32
      %dma_start3A_42 = tpu.memref_slice %arg7[%run_scoped3A, %dma_start3A_40, %dma_start3A_41] : memref<2x1x512xi32, #tpu.memory_space<vmem>> -> memref<1x1x512xi32, #tpu.memory_space<vmem>>
      %dma_start3A_43 = tpu.memref_squeeze %dma_start3A_42 : memref<1x1x512xi32, #tpu.memory_space<vmem>> -> memref<1x512xi32, #tpu.memory_space<vmem>>
      %dma_start3A_44 = arith.constant 0 : i32
      %dma_start3A_45 = arith.constant 0 : i32
      %dma_start3A_46 = tpu.memref_slice %arg3[%arg1, %dma_start3A_44, %dma_start3A_45] : memref<16x196x512xi32, #tpu.memory_space<hbm>> -> memref<1x1x512xi32, #tpu.memory_space<hbm>>
      %dma_start3A_47 = tpu.memref_squeeze %dma_start3A_46 : memref<1x1x512xi32, #tpu.memory_space<hbm>> -> memref<1x512xi32, #tpu.memory_space<hbm>>
      tpu.enqueue_dma source(%dma_start3A_47 : memref<1x512xi32, #tpu.memory_space<hbm>>) target(%dma_start3A_43 : memref<1x512xi32, #tpu.memory_space<vmem>>) target_semaphore(%run_scoped3A_31 : memref<!tpu.dma_semaphore, #tpu.memory_space<semaphore_mem>>)
      %dma_wait3A = arith.constant 0 : i32
      %dma_wait3A_48 = arith.constant 0 : i32
      %dma_wait3A_49 = tpu.memref_slice %arg7[%run_scoped3A, %dma_wait3A, %dma_wait3A_48] : memref<2x1x512xi32, #tpu.memory_space<vmem>> -> memref<1x1x512xi32, #tpu.memory_space<vmem>>
      %dma_wait3A_50 = tpu.memref_squeeze %dma_wait3A_49 : memref<1x1x512xi32, #tpu.memory_space<vmem>> -> memref<1x512xi32, #tpu.memory_space<vmem>>
      %dma_wait3A_51 = arith.constant 0 : i32
      %dma_wait3A_52 = arith.constant 0 : i32
      %dma_wait3A_53 = tpu.memref_slice %arg3[%arg1, %dma_wait3A_51, %dma_wait3A_52] : memref<16x196x512xi32, #tpu.memory_space<hbm>> -> memref<1x1x512xi32, #tpu.memory_space<hbm>>
      %dma_wait3A_54 = tpu.memref_squeeze %dma_wait3A_53 : memref<1x1x512xi32, #tpu.memory_space<hbm>> -> memref<1x512xi32, #tpu.memory_space<hbm>>
      %dma_wait3A_55 = arith.constant 0 : i32
      %dma_wait3A_56 = arith.constant 0 : i32
      %dma_wait3A_57 = tpu.memref_slice %arg7[%run_scoped3A, %dma_wait3A_55, %dma_wait3A_56] : memref<2x1x512xi32, #tpu.memory_space<vmem>> -> memref<1x1x512xi32, #tpu.memory_space<vmem>>
      %dma_wait3A_58 = tpu.memref_squeeze %dma_wait3A_57 : memref<1x1x512xi32, #tpu.memory_space<vmem>> -> memref<1x512xi32, #tpu.memory_space<vmem>>
      %dma_wait3A_59 = arith.constant 0 : i32
      %dma_wait3A_60 = arith.constant 0 : i32
      %dma_wait3A_61 = tpu.memref_slice %arg3[%arg1, %dma_wait3A_59, %dma_wait3A_60] : memref<16x196x512xi32, #tpu.memory_space<hbm>> -> memref<1x1x512xi32, #tpu.memory_space<hbm>>
      %dma_wait3A_62 = tpu.memref_squeeze %dma_wait3A_61 : memref<1x1x512xi32, #tpu.memory_space<hbm>> -> memref<1x512xi32, #tpu.memory_space<hbm>>
      tpu.wait_dma2 semaphore(%run_scoped3A_31 : memref<!tpu.dma_semaphore, #tpu.memory_space<semaphore_mem>>) src(%dma_wait3A_62 : memref<1x512xi32, #tpu.memory_space<hbm>>) dst(%dma_wait3A_58 : memref<1x512xi32, #tpu.memory_space<vmem>>)
      tpu.yield
    }) : () -> ()
    %run_scoped3A_3 = arith.constant 0 : i32
    "tpu.region"() ({
      %run_scoped3A_31 = tpu.sem_alloc : memref<!tpu.dma_semaphore, #tpu.memory_space<semaphore_mem>>
      %dma_start3A_32 = arith.constant 0 : i32
      %dma_start3A_33 = arith.constant 0 : i32
      %dma_start3A_34 = tpu.memref_slice %arg8[%run_scoped3A_3, %dma_start3A_32, %dma_start3A_33] : memref<2x1x512xi32, #tpu.memory_space<vmem>> -> memref<1x1x512xi32, #tpu.memory_space<vmem>>
      %dma_start3A_35 = tpu.memref_squeeze %dma_start3A_34 : memref<1x1x512xi32, #tpu.memory_space<vmem>> -> memref<1x512xi32, #tpu.memory_space<vmem>>
      %dma_start3A_36 = arith.constant 0 : i32
      %dma_start3A_37 = arith.constant 0 : i32
      %dma_start3A_38 = tpu.memref_slice %arg4[%arg1, %dma_start3A_36, %dma_start3A_37] : memref<16x196x512xi32, #tpu.memory_space<hbm>> -> memref<1x1x512xi32, #tpu.memory_space<hbm>>
      %dma_start3A_39 = tpu.memref_squeeze %dma_start3A_38 : memref<1x1x512xi32, #tpu.memory_space<hbm>> -> memref<1x512xi32, #tpu.memory_space<hbm>>
      %dma_start3A_40 = arith.constant 0 : i32
      %dma_start3A_41 = arith.constant 0 : i32
      %dma_start3A_42 = tpu.memref_slice %arg8[%run_scoped3A_3, %dma_start3A_40, %dma_start3A_41] : memref<2x1x512xi32, #tpu.memory_space<vmem>> -> memref<1x1x512xi32, #tpu.memory_space<vmem>>
      %dma_start3A_43 = tpu.memref_squeeze %dma_start3A_42 : memref<1x1x512xi32, #tpu.memory_space<vmem>> -> memref<1x512xi32, #tpu.memory_space<vmem>>
      %dma_start3A_44 = arith.constant 0 : i32
      %dma_start3A_45 = arith.constant 0 : i32
      %dma_start3A_46 = tpu.memref_slice %arg4[%arg1, %dma_start3A_44, %dma_start3A_45] : memref<16x196x512xi32, #tpu.memory_space<hbm>> -> memref<1x1x512xi32, #tpu.memory_space<hbm>>
      %dma_start3A_47 = tpu.memref_squeeze %dma_start3A_46 : memref<1x1x512xi32, #tpu.memory_space<hbm>> -> memref<1x512xi32, #tpu.memory_space<hbm>>
      tpu.enqueue_dma source(%dma_start3A_47 : memref<1x512xi32, #tpu.memory_space<hbm>>) target(%dma_start3A_43 : memref<1x512xi32, #tpu.memory_space<vmem>>) target_semaphore(%run_scoped3A_31 : memref<!tpu.dma_semaphore, #tpu.memory_space<semaphore_mem>>)
      %dma_wait3A = arith.constant 0 : i32
      %dma_wait3A_48 = arith.constant 0 : i32
      %dma_wait3A_49 = tpu.memref_slice %arg8[%run_scoped3A_3, %dma_wait3A, %dma_wait3A_48] : memref<2x1x512xi32, #tpu.memory_space<vmem>> -> memref<1x1x512xi32, #tpu.memory_space<vmem>>
      %dma_wait3A_50 = tpu.memref_squeeze %dma_wait3A_49 : memref<1x1x512xi32, #tpu.memory_space<vmem>> -> memref<1x512xi32, #tpu.memory_space<vmem>>
      %dma_wait3A_51 = arith.constant 0 : i32
      %dma_wait3A_52 = arith.constant 0 : i32
      %dma_wait3A_53 = tpu.memref_slice %arg4[%arg1, %dma_wait3A_51, %dma_wait3A_52] : memref<16x196x512xi32, #tpu.memory_space<hbm>> -> memref<1x1x512xi32, #tpu.memory_space<hbm>>
      %dma_wait3A_54 = tpu.memref_squeeze %dma_wait3A_53 : memref<1x1x512xi32, #tpu.memory_space<hbm>> -> memref<1x512xi32, #tpu.memory_space<hbm>>
      %dma_wait3A_55 = arith.constant 0 : i32
      %dma_wait3A_56 = arith.constant 0 : i32
      %dma_wait3A_57 = tpu.memref_slice %arg8[%run_scoped3A_3, %dma_wait3A_55, %dma_wait3A_56] : memref<2x1x512xi32, #tpu.memory_space<vmem>> -> memref<1x1x512xi32, #tpu.memory_space<vmem>>
      %dma_wait3A_58 = tpu.memref_squeeze %dma_wait3A_57 : memref<1x1x512xi32, #tpu.memory_space<vmem>> -> memref<1x512xi32, #tpu.memory_space<vmem>>
      %dma_wait3A_59 = arith.constant 0 : i32
      %dma_wait3A_60 = arith.constant 0 : i32
      %dma_wait3A_61 = tpu.memref_slice %arg4[%arg1, %dma_wait3A_59, %dma_wait3A_60] : memref<16x196x512xi32, #tpu.memory_space<hbm>> -> memref<1x1x512xi32, #tpu.memory_space<hbm>>
      %dma_wait3A_62 = tpu.memref_squeeze %dma_wait3A_61 : memref<1x1x512xi32, #tpu.memory_space<hbm>> -> memref<1x512xi32, #tpu.memory_space<hbm>>
      tpu.wait_dma2 semaphore(%run_scoped3A_31 : memref<!tpu.dma_semaphore, #tpu.memory_space<semaphore_mem>>) src(%dma_wait3A_62 : memref<1x512xi32, #tpu.memory_space<hbm>>) dst(%dma_wait3A_58 : memref<1x512xi32, #tpu.memory_space<vmem>>)
      tpu.yield
    }) : () -> ()
    %dma_start3A = arith.constant 0 : i32
    %dma_start3A_4 = arith.constant 0 : i32
    %dma_start3A_5 = arith.constant 0 : i32
    %dma_start3A_6 = arith.constant 0 : i32
    %dma_start3A_7 = arith.constant 0 : i32
    %dma_start3A_8 = arith.constant 0 : i32
    %dma_start3A_9 = tpu.memref_slice %arg9[%dma_start3A_5, %dma_start3A_6, %dma_start3A_7, %dma_start3A_8] : memref<2x1x512x16xf32, #tpu.memory_space<vmem>> -> memref<1x1x512x16xf32, #tpu.memory_space<vmem>>
    %dma_start3A_10 = tpu.memref_squeeze %dma_start3A_9 : memref<1x1x512x16xf32, #tpu.memory_space<vmem>> -> memref<512x16xf32, #tpu.memory_space<vmem>>
    %dma_start3A_11 = arith.constant 0 : i32
    %dma_start3A_12 = tpu.memref_slice %arg7[%dma_start3A, %dma_start3A_4, %dma_start3A_11] : memref<2x1x512xi32, #tpu.memory_space<vmem>> -> memref<1x1x512xi32, #tpu.memory_space<vmem>>
    %dma_start3A_13 = tpu.memref_squeeze %dma_start3A_12 : memref<1x1x512xi32, #tpu.memory_space<vmem>> -> memref<512xi32, #tpu.memory_space<vmem>>
    %dma_start3A_14 = arith.constant 0 : i32
    %dma_start3A_15 = arith.constant 0 : i32
    %dma_start3A_16 = tpu.memref_slice %arg2[%arg0, %dma_start3A_14, %dma_start3A_15] : memref<2x100352x16xf32, #tpu.memory_space<hbm>> -> memref<1x100352x16xf32, #tpu.memory_space<hbm>>
    %dma_start3A_17 = tpu.memref_squeeze %dma_start3A_16 : memref<1x100352x16xf32, #tpu.memory_space<hbm>> -> memref<100352x16xf32, #tpu.memory_space<hbm>>
    %dma_start3A_18 = arith.constant 0 : i32
    %dma_start3A_19 = arith.constant 0 : i32
    %dma_start3A_20 = tpu.memref_slice %dma_start3A_17[%dma_start3A_18, %dma_start3A_19] : memref<100352x16xf32, #tpu.memory_space<hbm>> -> memref<100352x16xf32, #tpu.memory_space<hbm>>
    tpu.enqueue_indirect_dma source(%dma_start3A_20 : memref<100352x16xf32, #tpu.memory_space<hbm>>) target(%dma_start3A_10 : memref<512x16xf32, #tpu.memory_space<vmem>>) offsets(%dma_start3A_13 : memref<512xi32, #tpu.memory_space<vmem>>) semaphore(%arg10 : memref<!tpu.dma_semaphore, #tpu.memory_space<semaphore_mem>>)
    %scan3A = arith.constant 0 : i32
    %scan3A_21 = arith.constant 0 : i32
    %scan3A_22 = arith.constant 98 : i32
    %scan3A_23 = arith.addi %scan3A_21, %scan3A_22 : i32
    %scan3A_24 = arith.constant 1 : i32
    scf.for %scan3A_31 = %scan3A_21 to %scan3A_23 step %scan3A_24  : i32 {
      %mul3A_32 = arith.constant 2 : i32
      %mul3A_33 = arith.muli %scan3A_31, %mul3A_32 : i32
      %add3A = arith.constant 1 : i32
      %add3A_34 = arith.addi %mul3A_33, %add3A : i32
      %mul3A_35 = arith.constant 1 : i32
      %mul3A_36 = arith.muli %add3A_34, %mul3A_35 : i32
      %run_scoped3A_37 = arith.constant 1 : i32
      "tpu.region"() ({
        %run_scoped3A_157 = tpu.sem_alloc : memref<!tpu.dma_semaphore, #tpu.memory_space<semaphore_mem>>
        %dma_start3A_158 = arith.constant 0 : i32
        %dma_start3A_159 = arith.constant 0 : i32
        %dma_start3A_160 = tpu.memref_slice %arg7[%run_scoped3A_37, %dma_start3A_158, %dma_start3A_159] : memref<2x1x512xi32, #tpu.memory_space<vmem>> -> memref<1x1x512xi32, #tpu.memory_space<vmem>>
        %dma_start3A_161 = tpu.memref_squeeze %dma_start3A_160 : memref<1x1x512xi32, #tpu.memory_space<vmem>> -> memref<1x512xi32, #tpu.memory_space<vmem>>
        %dma_start3A_162 = arith.constant 0 : i32
        %dma_start3A_163 = tpu.memref_slice %arg3[%arg1, %mul3A_36, %dma_start3A_162] : memref<16x196x512xi32, #tpu.memory_space<hbm>> -> memref<1x1x512xi32, #tpu.memory_space<hbm>>
        %dma_start3A_164 = tpu.memref_squeeze %dma_start3A_163 : memref<1x1x512xi32, #tpu.memory_space<hbm>> -> memref<1x512xi32, #tpu.memory_space<hbm>>
        %dma_start3A_165 = arith.constant 0 : i32
        %dma_start3A_166 = arith.constant 0 : i32
        %dma_start3A_167 = tpu.memref_slice %arg7[%run_scoped3A_37, %dma_start3A_165, %dma_start3A_166] : memref<2x1x512xi32, #tpu.memory_space<vmem>> -> memref<1x1x512xi32, #tpu.memory_space<vmem>>
        %dma_start3A_168 = tpu.memref_squeeze %dma_start3A_167 : memref<1x1x512xi32, #tpu.memory_space<vmem>> -> memref<1x512xi32, #tpu.memory_space<vmem>>
        %dma_start3A_169 = arith.constant 0 : i32
        %dma_start3A_170 = tpu.memref_slice %arg3[%arg1, %mul3A_36, %dma_start3A_169] : memref<16x196x512xi32, #tpu.memory_space<hbm>> -> memref<1x1x512xi32, #tpu.memory_space<hbm>>
        %dma_start3A_171 = tpu.memref_squeeze %dma_start3A_170 : memref<1x1x512xi32, #tpu.memory_space<hbm>> -> memref<1x512xi32, #tpu.memory_space<hbm>>
        tpu.enqueue_dma source(%dma_start3A_171 : memref<1x512xi32, #tpu.memory_space<hbm>>) target(%dma_start3A_168 : memref<1x512xi32, #tpu.memory_space<vmem>>) target_semaphore(%run_scoped3A_157 : memref<!tpu.dma_semaphore, #tpu.memory_space<semaphore_mem>>)
        %dma_wait3A_172 = arith.constant 0 : i32
        %dma_wait3A_173 = arith.constant 0 : i32
        %dma_wait3A_174 = tpu.memref_slice %arg7[%run_scoped3A_37, %dma_wait3A_172, %dma_wait3A_173] : memref<2x1x512xi32, #tpu.memory_space<vmem>> -> memref<1x1x512xi32, #tpu.memory_space<vmem>>
        %dma_wait3A_175 = tpu.memref_squeeze %dma_wait3A_174 : memref<1x1x512xi32, #tpu.memory_space<vmem>> -> memref<1x512xi32, #tpu.memory_space<vmem>>
        %dma_wait3A_176 = arith.constant 0 : i32
        %dma_wait3A_177 = tpu.memref_slice %arg3[%arg1, %mul3A_36, %dma_wait3A_176] : memref<16x196x512xi32, #tpu.memory_space<hbm>> -> memref<1x1x512xi32, #tpu.memory_space<hbm>>
        %dma_wait3A_178 = tpu.memref_squeeze %dma_wait3A_177 : memref<1x1x512xi32, #tpu.memory_space<hbm>> -> memref<1x512xi32, #tpu.memory_space<hbm>>
        %dma_wait3A_179 = arith.constant 0 : i32
        %dma_wait3A_180 = arith.constant 0 : i32
        %dma_wait3A_181 = tpu.memref_slice %arg7[%run_scoped3A_37, %dma_wait3A_179, %dma_wait3A_180] : memref<2x1x512xi32, #tpu.memory_space<vmem>> -> memref<1x1x512xi32, #tpu.memory_space<vmem>>
        %dma_wait3A_182 = tpu.memref_squeeze %dma_wait3A_181 : memref<1x1x512xi32, #tpu.memory_space<vmem>> -> memref<1x512xi32, #tpu.memory_space<vmem>>
        %dma_wait3A_183 = arith.constant 0 : i32
        %dma_wait3A_184 = tpu.memref_slice %arg3[%arg1, %mul3A_36, %dma_wait3A_183] : memref<16x196x512xi32, #tpu.memory_space<hbm>> -> memref<1x1x512xi32, #tpu.memory_space<hbm>>
        %dma_wait3A_185 = tpu.memref_squeeze %dma_wait3A_184 : memref<1x1x512xi32, #tpu.memory_space<hbm>> -> memref<1x512xi32, #tpu.memory_space<hbm>>
        tpu.wait_dma2 semaphore(%run_scoped3A_157 : memref<!tpu.dma_semaphore, #tpu.memory_space<semaphore_mem>>) src(%dma_wait3A_185 : memref<1x512xi32, #tpu.memory_space<hbm>>) dst(%dma_wait3A_182 : memref<1x512xi32, #tpu.memory_space<vmem>>)
        tpu.yield
      }) : () -> ()
      %mul3A_38 = arith.constant 1 : i32
      %mul3A_39 = arith.muli %add3A_34, %mul3A_38 : i32
      %run_scoped3A_40 = arith.constant 1 : i32
      "tpu.region"() ({
        %run_scoped3A_157 = tpu.sem_alloc : memref<!tpu.dma_semaphore, #tpu.memory_space<semaphore_mem>>
        %dma_start3A_158 = arith.constant 0 : i32
        %dma_start3A_159 = arith.constant 0 : i32
        %dma_start3A_160 = tpu.memref_slice %arg8[%run_scoped3A_40, %dma_start3A_158, %dma_start3A_159] : memref<2x1x512xi32, #tpu.memory_space<vmem>> -> memref<1x1x512xi32, #tpu.memory_space<vmem>>
        %dma_start3A_161 = tpu.memref_squeeze %dma_start3A_160 : memref<1x1x512xi32, #tpu.memory_space<vmem>> -> memref<1x512xi32, #tpu.memory_space<vmem>>
        %dma_start3A_162 = arith.constant 0 : i32
        %dma_start3A_163 = tpu.memref_slice %arg4[%arg1, %mul3A_39, %dma_start3A_162] : memref<16x196x512xi32, #tpu.memory_space<hbm>> -> memref<1x1x512xi32, #tpu.memory_space<hbm>>
        %dma_start3A_164 = tpu.memref_squeeze %dma_start3A_163 : memref<1x1x512xi32, #tpu.memory_space<hbm>> -> memref<1x512xi32, #tpu.memory_space<hbm>>
        %dma_start3A_165 = arith.constant 0 : i32
        %dma_start3A_166 = arith.constant 0 : i32
        %dma_start3A_167 = tpu.memref_slice %arg8[%run_scoped3A_40, %dma_start3A_165, %dma_start3A_166] : memref<2x1x512xi32, #tpu.memory_space<vmem>> -> memref<1x1x512xi32, #tpu.memory_space<vmem>>
        %dma_start3A_168 = tpu.memref_squeeze %dma_start3A_167 : memref<1x1x512xi32, #tpu.memory_space<vmem>> -> memref<1x512xi32, #tpu.memory_space<vmem>>
        %dma_start3A_169 = arith.constant 0 : i32
        %dma_start3A_170 = tpu.memref_slice %arg4[%arg1, %mul3A_39, %dma_start3A_169] : memref<16x196x512xi32, #tpu.memory_space<hbm>> -> memref<1x1x512xi32, #tpu.memory_space<hbm>>
        %dma_start3A_171 = tpu.memref_squeeze %dma_start3A_170 : memref<1x1x512xi32, #tpu.memory_space<hbm>> -> memref<1x512xi32, #tpu.memory_space<hbm>>
        tpu.enqueue_dma source(%dma_start3A_171 : memref<1x512xi32, #tpu.memory_space<hbm>>) target(%dma_start3A_168 : memref<1x512xi32, #tpu.memory_space<vmem>>) target_semaphore(%run_scoped3A_157 : memref<!tpu.dma_semaphore, #tpu.memory_space<semaphore_mem>>)
        %dma_wait3A_172 = arith.constant 0 : i32
        %dma_wait3A_173 = arith.constant 0 : i32
        %dma_wait3A_174 = tpu.memref_slice %arg8[%run_scoped3A_40, %dma_wait3A_172, %dma_wait3A_173] : memref<2x1x512xi32, #tpu.memory_space<vmem>> -> memref<1x1x512xi32, #tpu.memory_space<vmem>>
        %dma_wait3A_175 = tpu.memref_squeeze %dma_wait3A_174 : memref<1x1x512xi32, #tpu.memory_space<vmem>> -> memref<1x512xi32, #tpu.memory_space<vmem>>
        %dma_wait3A_176 = arith.constant 0 : i32
        %dma_wait3A_177 = tpu.memref_slice %arg4[%arg1, %mul3A_39, %dma_wait3A_176] : memref<16x196x512xi32, #tpu.memory_space<hbm>> -> memref<1x1x512xi32, #tpu.memory_space<hbm>>
        %dma_wait3A_178 = tpu.memref_squeeze %dma_wait3A_177 : memref<1x1x512xi32, #tpu.memory_space<hbm>> -> memref<1x512xi32, #tpu.memory_space<hbm>>
        %dma_wait3A_179 = arith.constant 0 : i32
        %dma_wait3A_180 = arith.constant 0 : i32
        %dma_wait3A_181 = tpu.memref_slice %arg8[%run_scoped3A_40, %dma_wait3A_179, %dma_wait3A_180] : memref<2x1x512xi32, #tpu.memory_space<vmem>> -> memref<1x1x512xi32, #tpu.memory_space<vmem>>
        %dma_wait3A_182 = tpu.memref_squeeze %dma_wait3A_181 : memref<1x1x512xi32, #tpu.memory_space<vmem>> -> memref<1x512xi32, #tpu.memory_space<vmem>>
        %dma_wait3A_183 = arith.constant 0 : i32
        %dma_wait3A_184 = tpu.memref_slice %arg4[%arg1, %mul3A_39, %dma_wait3A_183] : memref<16x196x512xi32, #tpu.memory_space<hbm>> -> memref<1x1x512xi32, #tpu.memory_space<hbm>>
        %dma_wait3A_185 = tpu.memref_squeeze %dma_wait3A_184 : memref<1x1x512xi32, #tpu.memory_space<hbm>> -> memref<1x512xi32, #tpu.memory_space<hbm>>
        tpu.wait_dma2 semaphore(%run_scoped3A_157 : memref<!tpu.dma_semaphore, #tpu.memory_space<semaphore_mem>>) src(%dma_wait3A_185 : memref<1x512xi32, #tpu.memory_space<hbm>>) dst(%dma_wait3A_182 : memref<1x512xi32, #tpu.memory_space<vmem>>)
        tpu.yield
      }) : () -> ()
      %dma_wait3A = arith.constant 0 : i32
      %dma_wait3A_41 = arith.constant 0 : i32
      %dma_wait3A_42 = arith.constant 0 : i32
      %dma_wait3A_43 = arith.constant 0 : i32
      %dma_wait3A_44 = arith.constant 0 : i32
      %dma_wait3A_45 = arith.constant 0 : i32
      %dma_wait3A_46 = tpu.memref_slice %arg9[%dma_wait3A_42, %dma_wait3A_43, %dma_wait3A_44, %dma_wait3A_45] : memref<2x1x512x16xf32, #tpu.memory_space<vmem>> -> memref<1x1x512x16xf32, #tpu.memory_space<vmem>>
      %dma_wait3A_47 = tpu.memref_squeeze %dma_wait3A_46 : memref<1x1x512x16xf32, #tpu.memory_space<vmem>> -> memref<512x16xf32, #tpu.memory_space<vmem>>
      %dma_wait3A_48 = arith.constant 0 : i32
      %dma_wait3A_49 = tpu.memref_slice %arg7[%dma_wait3A, %dma_wait3A_41, %dma_wait3A_48] : memref<2x1x512xi32, #tpu.memory_space<vmem>> -> memref<1x1x512xi32, #tpu.memory_space<vmem>>
      %dma_wait3A_50 = tpu.memref_squeeze %dma_wait3A_49 : memref<1x1x512xi32, #tpu.memory_space<vmem>> -> memref<512xi32, #tpu.memory_space<vmem>>
      %dma_wait3A_51 = arith.constant 0 : i32
      %dma_wait3A_52 = arith.constant 0 : i32
      %dma_wait3A_53 = tpu.memref_slice %arg2[%arg0, %dma_wait3A_51, %dma_wait3A_52] : memref<2x100352x16xf32, #tpu.memory_space<hbm>> -> memref<1x100352x16xf32, #tpu.memory_space<hbm>>
      %dma_wait3A_54 = tpu.memref_squeeze %dma_wait3A_53 : memref<1x100352x16xf32, #tpu.memory_space<hbm>> -> memref<100352x16xf32, #tpu.memory_space<hbm>>
      %dma_wait3A_55 = arith.constant 0 : i32
      %dma_wait3A_56 = arith.constant 0 : i32
      %dma_wait3A_57 = tpu.memref_slice %dma_wait3A_54[%dma_wait3A_55, %dma_wait3A_56] : memref<100352x16xf32, #tpu.memory_space<hbm>> -> memref<100352x16xf32, #tpu.memory_space<hbm>>
      tpu.wait_indirect_dma semaphore(%arg10 : memref<!tpu.dma_semaphore, #tpu.memory_space<semaphore_mem>>) src(%dma_wait3A_57 : memref<100352x16xf32, #tpu.memory_space<hbm>>) dst(%dma_wait3A_47 : memref<512x16xf32, #tpu.memory_space<vmem>>)
      %dma_start3A_58 = arith.constant 1 : i32
      %dma_start3A_59 = arith.constant 0 : i32
      %dma_start3A_60 = arith.constant 1 : i32
      %dma_start3A_61 = arith.constant 0 : i32
      %dma_start3A_62 = arith.constant 0 : i32
      %dma_start3A_63 = arith.constant 0 : i32
      %dma_start3A_64 = tpu.memref_slice %arg9[%dma_start3A_60, %dma_start3A_61, %dma_start3A_62, %dma_start3A_63] : memref<2x1x512x16xf32, #tpu.memory_space<vmem>> -> memref<1x1x512x16xf32, #tpu.memory_space<vmem>>
      %dma_start3A_65 = tpu.memref_squeeze %dma_start3A_64 : memref<1x1x512x16xf32, #tpu.memory_space<vmem>> -> memref<512x16xf32, #tpu.memory_space<vmem>>
      %dma_start3A_66 = arith.constant 0 : i32
      %dma_start3A_67 = tpu.memref_slice %arg7[%dma_start3A_58, %dma_start3A_59, %dma_start3A_66] : memref<2x1x512xi32, #tpu.memory_space<vmem>> -> memref<1x1x512xi32, #tpu.memory_space<vmem>>
      %dma_start3A_68 = tpu.memref_squeeze %dma_start3A_67 : memref<1x1x512xi32, #tpu.memory_space<vmem>> -> memref<512xi32, #tpu.memory_space<vmem>>
      %dma_start3A_69 = arith.constant 0 : i32
      %dma_start3A_70 = arith.constant 0 : i32
      %dma_start3A_71 = tpu.memref_slice %arg2[%arg0, %dma_start3A_69, %dma_start3A_70] : memref<2x100352x16xf32, #tpu.memory_space<hbm>> -> memref<1x100352x16xf32, #tpu.memory_space<hbm>>
      %dma_start3A_72 = tpu.memref_squeeze %dma_start3A_71 : memref<1x100352x16xf32, #tpu.memory_space<hbm>> -> memref<100352x16xf32, #tpu.memory_space<hbm>>
      %dma_start3A_73 = arith.constant 0 : i32
      %dma_start3A_74 = arith.constant 0 : i32
      %dma_start3A_75 = tpu.memref_slice %dma_start3A_72[%dma_start3A_73, %dma_start3A_74] : memref<100352x16xf32, #tpu.memory_space<hbm>> -> memref<100352x16xf32, #tpu.memory_space<hbm>>
      tpu.enqueue_indirect_dma source(%dma_start3A_75 : memref<100352x16xf32, #tpu.memory_space<hbm>>) target(%dma_start3A_65 : memref<512x16xf32, #tpu.memory_space<vmem>>) offsets(%dma_start3A_68 : memref<512xi32, #tpu.memory_space<vmem>>) semaphore(%arg10 : memref<!tpu.dma_semaphore, #tpu.memory_space<semaphore_mem>>)
      %dma_start3A_76 = arith.constant 0 : i32
      %dma_start3A_77 = arith.constant 0 : i32
      %dma_start3A_78 = arith.constant 0 : i32
      %dma_start3A_79 = arith.constant 0 : i32
      %dma_start3A_80 = arith.constant 0 : i32
      %dma_start3A_81 = arith.constant 0 : i32
      %dma_start3A_82 = tpu.memref_slice %arg9[%dma_start3A_76, %dma_start3A_77, %dma_start3A_80, %dma_start3A_81] : memref<2x1x512x16xf32, #tpu.memory_space<vmem>> -> memref<1x1x512x16xf32, #tpu.memory_space<vmem>>
      %dma_start3A_83 = tpu.memref_squeeze %dma_start3A_82 : memref<1x1x512x16xf32, #tpu.memory_space<vmem>> -> memref<512x16xf32, #tpu.memory_space<vmem>>
      %dma_start3A_84 = arith.constant 0 : i32
      %dma_start3A_85 = tpu.memref_slice %arg8[%dma_start3A_78, %dma_start3A_79, %dma_start3A_84] : memref<2x1x512xi32, #tpu.memory_space<vmem>> -> memref<1x1x512xi32, #tpu.memory_space<vmem>>
      %dma_start3A_86 = tpu.memref_squeeze %dma_start3A_85 : memref<1x1x512xi32, #tpu.memory_space<vmem>> -> memref<512xi32, #tpu.memory_space<vmem>>
      %dma_start3A_87 = arith.constant 0 : i32
      %dma_start3A_88 = arith.constant 0 : i32
      %dma_start3A_89 = tpu.memref_slice %arg6[%dma_start3A_87, %dma_start3A_88] : memref<100352x16xf32, #tpu.memory_space<vmem_shared>> -> memref<100352x16xf32, #tpu.memory_space<vmem_shared>>
      tpu.enqueue_indirect_dma source(%dma_start3A_83 : memref<512x16xf32, #tpu.memory_space<vmem>>) target(%dma_start3A_89 : memref<100352x16xf32, #tpu.memory_space<vmem_shared>>) offsets(%dma_start3A_86 : memref<512xi32, #tpu.memory_space<vmem>>) semaphore(%arg11 : memref<!tpu.dma_semaphore, #tpu.memory_space<semaphore_mem>>) {add = true}
      %dma_wait3A_90 = arith.constant 0 : i32
      %dma_wait3A_91 = arith.constant 0 : i32
      %dma_wait3A_92 = arith.constant 0 : i32
      %dma_wait3A_93 = arith.constant 0 : i32
      %dma_wait3A_94 = arith.constant 0 : i32
      %dma_wait3A_95 = arith.constant 0 : i32
      %dma_wait3A_96 = tpu.memref_slice %arg9[%dma_wait3A_90, %dma_wait3A_91, %dma_wait3A_94, %dma_wait3A_95] : memref<2x1x512x16xf32, #tpu.memory_space<vmem>> -> memref<1x1x512x16xf32, #tpu.memory_space<vmem>>
      %dma_wait3A_97 = tpu.memref_squeeze %dma_wait3A_96 : memref<1x1x512x16xf32, #tpu.memory_space<vmem>> -> memref<512x16xf32, #tpu.memory_space<vmem>>
      %dma_wait3A_98 = arith.constant 0 : i32
      %dma_wait3A_99 = tpu.memref_slice %arg8[%dma_wait3A_92, %dma_wait3A_93, %dma_wait3A_98] : memref<2x1x512xi32, #tpu.memory_space<vmem>> -> memref<1x1x512xi32, #tpu.memory_space<vmem>>
      %dma_wait3A_100 = tpu.memref_squeeze %dma_wait3A_99 : memref<1x1x512xi32, #tpu.memory_space<vmem>> -> memref<512xi32, #tpu.memory_space<vmem>>
      %dma_wait3A_101 = arith.constant 0 : i32
      %dma_wait3A_102 = arith.constant 0 : i32
      %dma_wait3A_103 = tpu.memref_slice %arg6[%dma_wait3A_101, %dma_wait3A_102] : memref<100352x16xf32, #tpu.memory_space<vmem_shared>> -> memref<100352x16xf32, #tpu.memory_space<vmem_shared>>
      tpu.wait_indirect_dma semaphore(%arg11 : memref<!tpu.dma_semaphore, #tpu.memory_space<semaphore_mem>>) src(%dma_wait3A_97 : memref<512x16xf32, #tpu.memory_space<vmem>>) dst(%dma_wait3A_103 : memref<100352x16xf32, #tpu.memory_space<vmem_shared>>)
      %lt3A = arith.constant 97 : i32
      %lt3A_104 = arith.cmpi slt, %scan3A_31, %lt3A : i32
      %convert_element_type3A = arith.extui %lt3A_104 : i1 to i32
      %cond3A = arith.constant 0 : i32
      %cond3A_105 = arith.cmpi ne, %convert_element_type3A, %cond3A : i32
      scf.if %cond3A_105 {
        %add3A_157 = arith.constant 2 : i32
        %add3A_158 = arith.addi %mul3A_33, %add3A_157 : i32
        %mul3A_159 = arith.constant 1 : i32
        %mul3A_160 = arith.muli %add3A_158, %mul3A_159 : i32
        %run_scoped3A_161 = arith.constant 0 : i32
        "tpu.region"() ({
          %run_scoped3A_165 = tpu.sem_alloc : memref<!tpu.dma_semaphore, #tpu.memory_space<semaphore_mem>>
          %dma_start3A_166 = arith.constant 0 : i32
          %dma_start3A_167 = arith.constant 0 : i32
          %dma_start3A_168 = tpu.memref_slice %arg7[%run_scoped3A_161, %dma_start3A_166, %dma_start3A_167] : memref<2x1x512xi32, #tpu.memory_space<vmem>> -> memref<1x1x512xi32, #tpu.memory_space<vmem>>
          %dma_start3A_169 = tpu.memref_squeeze %dma_start3A_168 : memref<1x1x512xi32, #tpu.memory_space<vmem>> -> memref<1x512xi32, #tpu.memory_space<vmem>>
          %dma_start3A_170 = arith.constant 0 : i32
          %dma_start3A_171 = tpu.memref_slice %arg3[%arg1, %mul3A_160, %dma_start3A_170] : memref<16x196x512xi32, #tpu.memory_space<hbm>> -> memref<1x1x512xi32, #tpu.memory_space<hbm>>
          %dma_start3A_172 = tpu.memref_squeeze %dma_start3A_171 : memref<1x1x512xi32, #tpu.memory_space<hbm>> -> memref<1x512xi32, #tpu.memory_space<hbm>>
          %dma_start3A_173 = arith.constant 0 : i32
          %dma_start3A_174 = arith.constant 0 : i32
          %dma_start3A_175 = tpu.memref_slice %arg7[%run_scoped3A_161, %dma_start3A_173, %dma_start3A_174] : memref<2x1x512xi32, #tpu.memory_space<vmem>> -> memref<1x1x512xi32, #tpu.memory_space<vmem>>
          %dma_start3A_176 = tpu.memref_squeeze %dma_start3A_175 : memref<1x1x512xi32, #tpu.memory_space<vmem>> -> memref<1x512xi32, #tpu.memory_space<vmem>>
          %dma_start3A_177 = arith.constant 0 : i32
          %dma_start3A_178 = tpu.memref_slice %arg3[%arg1, %mul3A_160, %dma_start3A_177] : memref<16x196x512xi32, #tpu.memory_space<hbm>> -> memref<1x1x512xi32, #tpu.memory_space<hbm>>
          %dma_start3A_179 = tpu.memref_squeeze %dma_start3A_178 : memref<1x1x512xi32, #tpu.memory_space<hbm>> -> memref<1x512xi32, #tpu.memory_space<hbm>>
          tpu.enqueue_dma source(%dma_start3A_179 : memref<1x512xi32, #tpu.memory_space<hbm>>) target(%dma_start3A_176 : memref<1x512xi32, #tpu.memory_space<vmem>>) target_semaphore(%run_scoped3A_165 : memref<!tpu.dma_semaphore, #tpu.memory_space<semaphore_mem>>)
          %dma_wait3A_180 = arith.constant 0 : i32
          %dma_wait3A_181 = arith.constant 0 : i32
          %dma_wait3A_182 = tpu.memref_slice %arg7[%run_scoped3A_161, %dma_wait3A_180, %dma_wait3A_181] : memref<2x1x512xi32, #tpu.memory_space<vmem>> -> memref<1x1x512xi32, #tpu.memory_space<vmem>>
          %dma_wait3A_183 = tpu.memref_squeeze %dma_wait3A_182 : memref<1x1x512xi32, #tpu.memory_space<vmem>> -> memref<1x512xi32, #tpu.memory_space<vmem>>
          %dma_wait3A_184 = arith.constant 0 : i32
          %dma_wait3A_185 = tpu.memref_slice %arg3[%arg1, %mul3A_160, %dma_wait3A_184] : memref<16x196x512xi32, #tpu.memory_space<hbm>> -> memref<1x1x512xi32, #tpu.memory_space<hbm>>
          %dma_wait3A_186 = tpu.memref_squeeze %dma_wait3A_185 : memref<1x1x512xi32, #tpu.memory_space<hbm>> -> memref<1x512xi32, #tpu.memory_space<hbm>>
          %dma_wait3A_187 = arith.constant 0 : i32
          %dma_wait3A_188 = arith.constant 0 : i32
          %dma_wait3A_189 = tpu.memref_slice %arg7[%run_scoped3A_161, %dma_wait3A_187, %dma_wait3A_188] : memref<2x1x512xi32, #tpu.memory_space<vmem>> -> memref<1x1x512xi32, #tpu.memory_space<vmem>>
          %dma_wait3A_190 = tpu.memref_squeeze %dma_wait3A_189 : memref<1x1x512xi32, #tpu.memory_space<vmem>> -> memref<1x512xi32, #tpu.memory_space<vmem>>
          %dma_wait3A_191 = arith.constant 0 : i32
          %dma_wait3A_192 = tpu.memref_slice %arg3[%arg1, %mul3A_160, %dma_wait3A_191] : memref<16x196x512xi32, #tpu.memory_space<hbm>> -> memref<1x1x512xi32, #tpu.memory_space<hbm>>
          %dma_wait3A_193 = tpu.memref_squeeze %dma_wait3A_192 : memref<1x1x512xi32, #tpu.memory_space<hbm>> -> memref<1x512xi32, #tpu.memory_space<hbm>>
          tpu.wait_dma2 semaphore(%run_scoped3A_165 : memref<!tpu.dma_semaphore, #tpu.memory_space<semaphore_mem>>) src(%dma_wait3A_193 : memref<1x512xi32, #tpu.memory_space<hbm>>) dst(%dma_wait3A_190 : memref<1x512xi32, #tpu.memory_space<vmem>>)
          tpu.yield
        }) : () -> ()
        %mul3A_162 = arith.constant 1 : i32
        %mul3A_163 = arith.muli %add3A_158, %mul3A_162 : i32
        %run_scoped3A_164 = arith.constant 0 : i32
        "tpu.region"() ({
          %run_scoped3A_165 = tpu.sem_alloc : memref<!tpu.dma_semaphore, #tpu.memory_space<semaphore_mem>>
          %dma_start3A_166 = arith.constant 0 : i32
          %dma_start3A_167 = arith.constant 0 : i32
          %dma_start3A_168 = tpu.memref_slice %arg8[%run_scoped3A_164, %dma_start3A_166, %dma_start3A_167] : memref<2x1x512xi32, #tpu.memory_space<vmem>> -> memref<1x1x512xi32, #tpu.memory_space<vmem>>
          %dma_start3A_169 = tpu.memref_squeeze %dma_start3A_168 : memref<1x1x512xi32, #tpu.memory_space<vmem>> -> memref<1x512xi32, #tpu.memory_space<vmem>>
          %dma_start3A_170 = arith.constant 0 : i32
          %dma_start3A_171 = tpu.memref_slice %arg4[%arg1, %mul3A_163, %dma_start3A_170] : memref<16x196x512xi32, #tpu.memory_space<hbm>> -> memref<1x1x512xi32, #tpu.memory_space<hbm>>
          %dma_start3A_172 = tpu.memref_squeeze %dma_start3A_171 : memref<1x1x512xi32, #tpu.memory_space<hbm>> -> memref<1x512xi32, #tpu.memory_space<hbm>>
          %dma_start3A_173 = arith.constant 0 : i32
          %dma_start3A_174 = arith.constant 0 : i32
          %dma_start3A_175 = tpu.memref_slice %arg8[%run_scoped3A_164, %dma_start3A_173, %dma_start3A_174] : memref<2x1x512xi32, #tpu.memory_space<vmem>> -> memref<1x1x512xi32, #tpu.memory_space<vmem>>
          %dma_start3A_176 = tpu.memref_squeeze %dma_start3A_175 : memref<1x1x512xi32, #tpu.memory_space<vmem>> -> memref<1x512xi32, #tpu.memory_space<vmem>>
          %dma_start3A_177 = arith.constant 0 : i32
          %dma_start3A_178 = tpu.memref_slice %arg4[%arg1, %mul3A_163, %dma_start3A_177] : memref<16x196x512xi32, #tpu.memory_space<hbm>> -> memref<1x1x512xi32, #tpu.memory_space<hbm>>
          %dma_start3A_179 = tpu.memref_squeeze %dma_start3A_178 : memref<1x1x512xi32, #tpu.memory_space<hbm>> -> memref<1x512xi32, #tpu.memory_space<hbm>>
          tpu.enqueue_dma source(%dma_start3A_179 : memref<1x512xi32, #tpu.memory_space<hbm>>) target(%dma_start3A_176 : memref<1x512xi32, #tpu.memory_space<vmem>>) target_semaphore(%run_scoped3A_165 : memref<!tpu.dma_semaphore, #tpu.memory_space<semaphore_mem>>)
          %dma_wait3A_180 = arith.constant 0 : i32
          %dma_wait3A_181 = arith.constant 0 : i32
          %dma_wait3A_182 = tpu.memref_slice %arg8[%run_scoped3A_164, %dma_wait3A_180, %dma_wait3A_181] : memref<2x1x512xi32, #tpu.memory_space<vmem>> -> memref<1x1x512xi32, #tpu.memory_space<vmem>>
          %dma_wait3A_183 = tpu.memref_squeeze %dma_wait3A_182 : memref<1x1x512xi32, #tpu.memory_space<vmem>> -> memref<1x512xi32, #tpu.memory_space<vmem>>
          %dma_wait3A_184 = arith.constant 0 : i32
          %dma_wait3A_185 = tpu.memref_slice %arg4[%arg1, %mul3A_163, %dma_wait3A_184] : memref<16x196x512xi32, #tpu.memory_space<hbm>> -> memref<1x1x512xi32, #tpu.memory_space<hbm>>
          %dma_wait3A_186 = tpu.memref_squeeze %dma_wait3A_185 : memref<1x1x512xi32, #tpu.memory_space<hbm>> -> memref<1x512xi32, #tpu.memory_space<hbm>>
          %dma_wait3A_187 = arith.constant 0 : i32
          %dma_wait3A_188 = arith.constant 0 : i32
          %dma_wait3A_189 = tpu.memref_slice %arg8[%run_scoped3A_164, %dma_wait3A_187, %dma_wait3A_188] : memref<2x1x512xi32, #tpu.memory_space<vmem>> -> memref<1x1x512xi32, #tpu.memory_space<vmem>>
          %dma_wait3A_190 = tpu.memref_squeeze %dma_wait3A_189 : memref<1x1x512xi32, #tpu.memory_space<vmem>> -> memref<1x512xi32, #tpu.memory_space<vmem>>
          %dma_wait3A_191 = arith.constant 0 : i32
          %dma_wait3A_192 = tpu.memref_slice %arg4[%arg1, %mul3A_163, %dma_wait3A_191] : memref<16x196x512xi32, #tpu.memory_space<hbm>> -> memref<1x1x512xi32, #tpu.memory_space<hbm>>
          %dma_wait3A_193 = tpu.memref_squeeze %dma_wait3A_192 : memref<1x1x512xi32, #tpu.memory_space<hbm>> -> memref<1x512xi32, #tpu.memory_space<hbm>>
          tpu.wait_dma2 semaphore(%run_scoped3A_165 : memref<!tpu.dma_semaphore, #tpu.memory_space<semaphore_mem>>) src(%dma_wait3A_193 : memref<1x512xi32, #tpu.memory_space<hbm>>) dst(%dma_wait3A_190 : memref<1x512xi32, #tpu.memory_space<vmem>>)
          tpu.yield
        }) : () -> ()
      } else {
      }
      %dma_wait3A_106 = arith.constant 1 : i32
      %dma_wait3A_107 = arith.constant 0 : i32
      %dma_wait3A_108 = arith.constant 1 : i32
      %dma_wait3A_109 = arith.constant 0 : i32
      %dma_wait3A_110 = arith.constant 0 : i32
      %dma_wait3A_111 = arith.constant 0 : i32
      %dma_wait3A_112 = tpu.memref_slice %arg9[%dma_wait3A_108, %dma_wait3A_109, %dma_wait3A_110, %dma_wait3A_111] : memref<2x1x512x16xf32, #tpu.memory_space<vmem>> -> memref<1x1x512x16xf32, #tpu.memory_space<vmem>>
      %dma_wait3A_113 = tpu.memref_squeeze %dma_wait3A_112 : memref<1x1x512x16xf32, #tpu.memory_space<vmem>> -> memref<512x16xf32, #tpu.memory_space<vmem>>
      %dma_wait3A_114 = arith.constant 0 : i32
      %dma_wait3A_115 = tpu.memref_slice %arg7[%dma_wait3A_106, %dma_wait3A_107, %dma_wait3A_114] : memref<2x1x512xi32, #tpu.memory_space<vmem>> -> memref<1x1x512xi32, #tpu.memory_space<vmem>>
      %dma_wait3A_116 = tpu.memref_squeeze %dma_wait3A_115 : memref<1x1x512xi32, #tpu.memory_space<vmem>> -> memref<512xi32, #tpu.memory_space<vmem>>
      %dma_wait3A_117 = arith.constant 0 : i32
      %dma_wait3A_118 = arith.constant 0 : i32
      %dma_wait3A_119 = tpu.memref_slice %arg2[%arg0, %dma_wait3A_117, %dma_wait3A_118] : memref<2x100352x16xf32, #tpu.memory_space<hbm>> -> memref<1x100352x16xf32, #tpu.memory_space<hbm>>
      %dma_wait3A_120 = tpu.memref_squeeze %dma_wait3A_119 : memref<1x100352x16xf32, #tpu.memory_space<hbm>> -> memref<100352x16xf32, #tpu.memory_space<hbm>>
      %dma_wait3A_121 = arith.constant 0 : i32
      %dma_wait3A_122 = arith.constant 0 : i32
      %dma_wait3A_123 = tpu.memref_slice %dma_wait3A_120[%dma_wait3A_121, %dma_wait3A_122] : memref<100352x16xf32, #tpu.memory_space<hbm>> -> memref<100352x16xf32, #tpu.memory_space<hbm>>
      tpu.wait_indirect_dma semaphore(%arg10 : memref<!tpu.dma_semaphore, #tpu.memory_space<semaphore_mem>>) src(%dma_wait3A_123 : memref<100352x16xf32, #tpu.memory_space<hbm>>) dst(%dma_wait3A_113 : memref<512x16xf32, #tpu.memory_space<vmem>>)
      %lt3A_124 = arith.constant 97 : i32
      %lt3A_125 = arith.cmpi slt, %scan3A_31, %lt3A_124 : i32
      %convert_element_type3A_126 = arith.extui %lt3A_125 : i1 to i32
      %cond3A_127 = arith.constant 0 : i32
      %cond3A_128 = arith.cmpi ne, %convert_element_type3A_126, %cond3A_127 : i32
      scf.if %cond3A_128 {
        %dma_start3A_157 = arith.constant 0 : i32
        %dma_start3A_158 = arith.constant 0 : i32
        %dma_start3A_159 = arith.constant 0 : i32
        %dma_start3A_160 = arith.constant 0 : i32
        %dma_start3A_161 = arith.constant 0 : i32
        %dma_start3A_162 = arith.constant 0 : i32
        %dma_start3A_163 = tpu.memref_slice %arg9[%dma_start3A_159, %dma_start3A_160, %dma_start3A_161, %dma_start3A_162] : memref<2x1x512x16xf32, #tpu.memory_space<vmem>> -> memref<1x1x512x16xf32, #tpu.memory_space<vmem>>
        %dma_start3A_164 = tpu.memref_squeeze %dma_start3A_163 : memref<1x1x512x16xf32, #tpu.memory_space<vmem>> -> memref<512x16xf32, #tpu.memory_space<vmem>>
        %dma_start3A_165 = arith.constant 0 : i32
        %dma_start3A_166 = tpu.memref_slice %arg7[%dma_start3A_157, %dma_start3A_158, %dma_start3A_165] : memref<2x1x512xi32, #tpu.memory_space<vmem>> -> memref<1x1x512xi32, #tpu.memory_space<vmem>>
        %dma_start3A_167 = tpu.memref_squeeze %dma_start3A_166 : memref<1x1x512xi32, #tpu.memory_space<vmem>> -> memref<512xi32, #tpu.memory_space<vmem>>
        %dma_start3A_168 = arith.constant 0 : i32
        %dma_start3A_169 = arith.constant 0 : i32
        %dma_start3A_170 = tpu.memref_slice %arg2[%arg0, %dma_start3A_168, %dma_start3A_169] : memref<2x100352x16xf32, #tpu.memory_space<hbm>> -> memref<1x100352x16xf32, #tpu.memory_space<hbm>>
        %dma_start3A_171 = tpu.memref_squeeze %dma_start3A_170 : memref<1x100352x16xf32, #tpu.memory_space<hbm>> -> memref<100352x16xf32, #tpu.memory_space<hbm>>
        %dma_start3A_172 = arith.constant 0 : i32
        %dma_start3A_173 = arith.constant 0 : i32
        %dma_start3A_174 = tpu.memref_slice %dma_start3A_171[%dma_start3A_172, %dma_start3A_173] : memref<100352x16xf32, #tpu.memory_space<hbm>> -> memref<100352x16xf32, #tpu.memory_space<hbm>>
        tpu.enqueue_indirect_dma source(%dma_start3A_174 : memref<100352x16xf32, #tpu.memory_space<hbm>>) target(%dma_start3A_164 : memref<512x16xf32, #tpu.memory_space<vmem>>) offsets(%dma_start3A_167 : memref<512xi32, #tpu.memory_space<vmem>>) semaphore(%arg10 : memref<!tpu.dma_semaphore, #tpu.memory_space<semaphore_mem>>)
      } else {
      }
      %dma_start3A_129 = arith.constant 1 : i32
      %dma_start3A_130 = arith.constant 0 : i32
      %dma_start3A_131 = arith.constant 1 : i32
      %dma_start3A_132 = arith.constant 0 : i32
      %dma_start3A_133 = arith.constant 0 : i32
      %dma_start3A_134 = arith.constant 0 : i32
      %dma_start3A_135 = tpu.memref_slice %arg9[%dma_start3A_129, %dma_start3A_130, %dma_start3A_133, %dma_start3A_134] : memref<2x1x512x16xf32, #tpu.memory_space<vmem>> -> memref<1x1x512x16xf32, #tpu.memory_space<vmem>>
      %dma_start3A_136 = tpu.memref_squeeze %dma_start3A_135 : memref<1x1x512x16xf32, #tpu.memory_space<vmem>> -> memref<512x16xf32, #tpu.memory_space<vmem>>
      %dma_start3A_137 = arith.constant 0 : i32
      %dma_start3A_138 = tpu.memref_slice %arg8[%dma_start3A_131, %dma_start3A_132, %dma_start3A_137] : memref<2x1x512xi32, #tpu.memory_space<vmem>> -> memref<1x1x512xi32, #tpu.memory_space<vmem>>
      %dma_start3A_139 = tpu.memref_squeeze %dma_start3A_138 : memref<1x1x512xi32, #tpu.memory_space<vmem>> -> memref<512xi32, #tpu.memory_space<vmem>>
      %dma_start3A_140 = arith.constant 0 : i32
      %dma_start3A_141 = arith.constant 0 : i32
      %dma_start3A_142 = tpu.memref_slice %arg6[%dma_start3A_140, %dma_start3A_141] : memref<100352x16xf32, #tpu.memory_space<vmem_shared>> -> memref<100352x16xf32, #tpu.memory_space<vmem_shared>>
      tpu.enqueue_indirect_dma source(%dma_start3A_136 : memref<512x16xf32, #tpu.memory_space<vmem>>) target(%dma_start3A_142 : memref<100352x16xf32, #tpu.memory_space<vmem_shared>>) offsets(%dma_start3A_139 : memref<512xi32, #tpu.memory_space<vmem>>) semaphore(%arg11 : memref<!tpu.dma_semaphore, #tpu.memory_space<semaphore_mem>>) {add = true}
      %dma_wait3A_143 = arith.constant 1 : i32
      %dma_wait3A_144 = arith.constant 0 : i32
      %dma_wait3A_145 = arith.constant 1 : i32
      %dma_wait3A_146 = arith.constant 0 : i32
      %dma_wait3A_147 = arith.constant 0 : i32
      %dma_wait3A_148 = arith.constant 0 : i32
      %dma_wait3A_149 = tpu.memref_slice %arg9[%dma_wait3A_143, %dma_wait3A_144, %dma_wait3A_147, %dma_wait3A_148] : memref<2x1x512x16xf32, #tpu.memory_space<vmem>> -> memref<1x1x512x16xf32, #tpu.memory_space<vmem>>
      %dma_wait3A_150 = tpu.memref_squeeze %dma_wait3A_149 : memref<1x1x512x16xf32, #tpu.memory_space<vmem>> -> memref<512x16xf32, #tpu.memory_space<vmem>>
      %dma_wait3A_151 = arith.constant 0 : i32
      %dma_wait3A_152 = tpu.memref_slice %arg8[%dma_wait3A_145, %dma_wait3A_146, %dma_wait3A_151] : memref<2x1x512xi32, #tpu.memory_space<vmem>> -> memref<1x1x512xi32, #tpu.memory_space<vmem>>
      %dma_wait3A_153 = tpu.memref_squeeze %dma_wait3A_152 : memref<1x1x512xi32, #tpu.memory_space<vmem>> -> memref<512xi32, #tpu.memory_space<vmem>>
      %dma_wait3A_154 = arith.constant 0 : i32
      %dma_wait3A_155 = arith.constant 0 : i32
      %dma_wait3A_156 = tpu.memref_slice %arg6[%dma_wait3A_154, %dma_wait3A_155] : memref<100352x16xf32, #tpu.memory_space<vmem_shared>> -> memref<100352x16xf32, #tpu.memory_space<vmem_shared>>
      tpu.wait_indirect_dma semaphore(%arg11 : memref<!tpu.dma_semaphore, #tpu.memory_space<semaphore_mem>>) src(%dma_wait3A_150 : memref<512x16xf32, #tpu.memory_space<vmem>>) dst(%dma_wait3A_156 : memref<100352x16xf32, #tpu.memory_space<vmem_shared>>)
    }
    %scan3A_25 = arith.constant 98 : i32
    %barrier3A_26 = arith.constant 0 : index
    tpu.barrier barrier_id(%barrier3A_26)
    %mul3A_27 = arith.constant 6272 : i32
    %mul3A_28 = arith.muli %arg1, %mul3A_27 : i32
    %mul3A_29 = arith.constant 6272 : i32
    %mul3A_30 = arith.muli %arg1, %mul3A_29 : i32
    "tpu.region"() ({
      %run_scoped3A_31 = tpu.sem_alloc : memref<!tpu.dma_semaphore, #tpu.memory_space<semaphore_mem>>
      %dma_start3A_32 = arith.constant 0 : i32
      %dma_start3A_33 = tpu.memref_slice %arg5[%arg0, %mul3A_30, %dma_start3A_32] : memref<2x100352x16xf32, #tpu.memory_space<hbm>> -> memref<1x6272x16xf32, #tpu.memory_space<hbm>>
      %dma_start3A_34 = tpu.memref_squeeze %dma_start3A_33 : memref<1x6272x16xf32, #tpu.memory_space<hbm>> -> memref<6272x16xf32, #tpu.memory_space<hbm>>
      %dma_start3A_35 = arith.constant 0 : i32
      %dma_start3A_36 = tpu.memref_slice %arg6[%mul3A_28, %dma_start3A_35] : memref<100352x16xf32, #tpu.memory_space<vmem_shared>> -> memref<6272x16xf32, #tpu.memory_space<vmem_shared>>
      tpu.enqueue_dma source(%dma_start3A_36 : memref<6272x16xf32, #tpu.memory_space<vmem_shared>>) target(%dma_start3A_34 : memref<6272x16xf32, #tpu.memory_space<hbm>>) target_semaphore(%run_scoped3A_31 : memref<!tpu.dma_semaphore, #tpu.memory_space<semaphore_mem>>)
      %dma_wait3A = arith.constant 0 : i32
      %dma_wait3A_37 = tpu.memref_slice %arg5[%arg0, %mul3A_30, %dma_wait3A] : memref<2x100352x16xf32, #tpu.memory_space<hbm>> -> memref<1x6272x16xf32, #tpu.memory_space<hbm>>
      %dma_wait3A_38 = tpu.memref_squeeze %dma_wait3A_37 : memref<1x6272x16xf32, #tpu.memory_space<hbm>> -> memref<6272x16xf32, #tpu.memory_space<hbm>>
      %dma_wait3A_39 = arith.constant 0 : i32
      %dma_wait3A_40 = tpu.memref_slice %arg6[%mul3A_28, %dma_wait3A_39] : memref<100352x16xf32, #tpu.memory_space<vmem_shared>> -> memref<6272x16xf32, #tpu.memory_space<vmem_shared>>
      tpu.wait_dma2 semaphore(%run_scoped3A_31 : memref<!tpu.dma_semaphore, #tpu.memory_space<semaphore_mem>>) src(%dma_wait3A_40 : memref<6272x16xf32, #tpu.memory_space<vmem_shared>>) dst(%dma_wait3A_38 : memref<6272x16xf32, #tpu.memory_space<hbm>>)
      tpu.yield
    }) : () -> ()
    return
  }
}

#map = affine_map<(d0, d1) -> (0, 0, 0)>
module attributes {stable_mosaic.version = 14 : i64} {
  func.func @_sc_aggregate(%arg0: i32, %arg1: i32, %arg2: memref<2x100352x16xf32, #tpu.memory_space<hbm>>, %arg3: memref<16x196x512xi32, #tpu.memory_space<hbm>>, %arg4: memref<16x196x512xi32, #tpu.memory_space<hbm>>, %arg5: memref<2x100352x16xf32, #tpu.memory_space<hbm>>, %arg6: memref<100352x16xf32, #tpu.memory_space<vmem_shared>>, %arg7: memref<2x1x512xi32, #tpu.memory_space<vmem>>, %arg8: memref<2x1x512xi32, #tpu.memory_space<vmem>>, %arg9: memref<2x1x512x16xf32, #tpu.memory_space<vmem>>, %arg10: memref<!tpu.dma_semaphore, #tpu.memory_space<semaphore_mem>>, %arg11: memref<!tpu.dma_semaphore, #tpu.memory_space<semaphore_mem>>) attributes {dimension_semantics = [#tpu.dimension_semantics<core_parallel>, #tpu.dimension_semantics<subcore_parallel>], iteration_bounds = array<i64: 2, 16>, scalar_prefetch = 0 : i64, scratch_operands = 6 : i64, tpu.core_type = #tpu.core_type<sc_vector_subcore>, window_params = [{transform_indices = #map}, {transform_indices = #map}, {transform_indices = #map}, {transform_indices = #map}]} {
    %mul3A = arith.constant 6272 : i32
    %mul3A_0 = arith.muli %arg1, %mul3A : i32
    %mul3A_1 = arith.constant 6272 : i32
    %mul3A_2 = arith.muli %arg1, %mul3A_1 : i32
    "tpu.region"() ({
      %run_scoped3A_31 = tpu.sem_alloc : memref<!tpu.dma_semaphore, #tpu.memory_space<semaphore_mem>>
      %dma_start3A_32 = arith.constant 0 : i32
      %dma_start3A_33 = tpu.memref_slice %arg6[%mul3A_2, %dma_start3A_32] : memref<100352x16xf32, #tpu.memory_space<vmem_shared>> -> memref<6272x16xf32, #tpu.memory_space<vmem_shared>>
      %dma_start3A_34 = arith.constant 0 : i32
      %dma_start3A_35 = tpu.memref_slice %arg2[%arg0, %mul3A_0, %dma_start3A_34] : memref<2x100352x16xf32, #tpu.memory_space<hbm>> -> memref<1x6272x16xf32, #tpu.memory_space<hbm>>
      %dma_start3A_36 = tpu.memref_squeeze %dma_start3A_35 : memref<1x6272x16xf32, #tpu.memory_space<hbm>> -> memref<6272x16xf32, #tpu.memory_space<hbm>>
      tpu.enqueue_dma source(%dma_start3A_36 : memref<6272x16xf32, #tpu.memory_space<hbm>>) target(%dma_start3A_33 : memref<6272x16xf32, #tpu.memory_space<vmem_shared>>) target_semaphore(%run_scoped3A_31 : memref<!tpu.dma_semaphore, #tpu.memory_space<semaphore_mem>>)
      %dma_wait3A = arith.constant 0 : i32
      %dma_wait3A_37 = tpu.memref_slice %arg6[%mul3A_2, %dma_wait3A] : memref<100352x16xf32, #tpu.memory_space<vmem_shared>> -> memref<6272x16xf32, #tpu.memory_space<vmem_shared>>
      %dma_wait3A_38 = arith.constant 0 : i32
      %dma_wait3A_39 = tpu.memref_slice %arg2[%arg0, %mul3A_0, %dma_wait3A_38] : memref<2x100352x16xf32, #tpu.memory_space<hbm>> -> memref<1x6272x16xf32, #tpu.memory_space<hbm>>
      %dma_wait3A_40 = tpu.memref_squeeze %dma_wait3A_39 : memref<1x6272x16xf32, #tpu.memory_space<hbm>> -> memref<6272x16xf32, #tpu.memory_space<hbm>>
      tpu.wait_dma2 semaphore(%run_scoped3A_31 : memref<!tpu.dma_semaphore, #tpu.memory_space<semaphore_mem>>) src(%dma_wait3A_40 : memref<6272x16xf32, #tpu.memory_space<hbm>>) dst(%dma_wait3A_37 : memref<6272x16xf32, #tpu.memory_space<vmem_shared>>)
      tpu.yield
    }) : () -> ()
    %barrier3A = arith.constant 0 : index
    tpu.barrier barrier_id(%barrier3A)
    %run_scoped3A = arith.constant 0 : i32
    "tpu.region"() ({
      %run_scoped3A_31 = tpu.sem_alloc : memref<!tpu.dma_semaphore, #tpu.memory_space<semaphore_mem>>
      %dma_start3A_32 = arith.constant 0 : i32
      %dma_start3A_33 = arith.constant 0 : i32
      %dma_start3A_34 = tpu.memref_slice %arg7[%run_scoped3A, %dma_start3A_32, %dma_start3A_33] : memref<2x1x512xi32, #tpu.memory_space<vmem>> -> memref<1x1x512xi32, #tpu.memory_space<vmem>>
      %dma_start3A_35 = tpu.memref_squeeze %dma_start3A_34 : memref<1x1x512xi32, #tpu.memory_space<vmem>> -> memref<1x512xi32, #tpu.memory_space<vmem>>
      %dma_start3A_36 = arith.constant 0 : i32
      %dma_start3A_37 = arith.constant 0 : i32
      %dma_start3A_38 = tpu.memref_slice %arg3[%arg1, %dma_start3A_36, %dma_start3A_37] : memref<16x196x512xi32, #tpu.memory_space<hbm>> -> memref<1x1x512xi32, #tpu.memory_space<hbm>>
      %dma_start3A_39 = tpu.memref_squeeze %dma_start3A_38 : memref<1x1x512xi32, #tpu.memory_space<hbm>> -> memref<1x512xi32, #tpu.memory_space<hbm>>
      %dma_start3A_40 = arith.constant 0 : i32
      %dma_start3A_41 = arith.constant 0 : i32
      %dma_start3A_42 = tpu.memref_slice %arg7[%run_scoped3A, %dma_start3A_40, %dma_start3A_41] : memref<2x1x512xi32, #tpu.memory_space<vmem>> -> memref<1x1x512xi32, #tpu.memory_space<vmem>>
      %dma_start3A_43 = tpu.memref_squeeze %dma_start3A_42 : memref<1x1x512xi32, #tpu.memory_space<vmem>> -> memref<1x512xi32, #tpu.memory_space<vmem>>
      %dma_start3A_44 = arith.constant 0 : i32
      %dma_start3A_45 = arith.constant 0 : i32
      %dma_start3A_46 = tpu.memref_slice %arg3[%arg1, %dma_start3A_44, %dma_start3A_45] : memref<16x196x512xi32, #tpu.memory_space<hbm>> -> memref<1x1x512xi32, #tpu.memory_space<hbm>>
      %dma_start3A_47 = tpu.memref_squeeze %dma_start3A_46 : memref<1x1x512xi32, #tpu.memory_space<hbm>> -> memref<1x512xi32, #tpu.memory_space<hbm>>
      tpu.enqueue_dma source(%dma_start3A_47 : memref<1x512xi32, #tpu.memory_space<hbm>>) target(%dma_start3A_43 : memref<1x512xi32, #tpu.memory_space<vmem>>) target_semaphore(%run_scoped3A_31 : memref<!tpu.dma_semaphore, #tpu.memory_space<semaphore_mem>>)
      %dma_wait3A = arith.constant 0 : i32
      %dma_wait3A_48 = arith.constant 0 : i32
      %dma_wait3A_49 = tpu.memref_slice %arg7[%run_scoped3A, %dma_wait3A, %dma_wait3A_48] : memref<2x1x512xi32, #tpu.memory_space<vmem>> -> memref<1x1x512xi32, #tpu.memory_space<vmem>>
      %dma_wait3A_50 = tpu.memref_squeeze %dma_wait3A_49 : memref<1x1x512xi32, #tpu.memory_space<vmem>> -> memref<1x512xi32, #tpu.memory_space<vmem>>
      %dma_wait3A_51 = arith.constant 0 : i32
      %dma_wait3A_52 = arith.constant 0 : i32
      %dma_wait3A_53 = tpu.memref_slice %arg3[%arg1, %dma_wait3A_51, %dma_wait3A_52] : memref<16x196x512xi32, #tpu.memory_space<hbm>> -> memref<1x1x512xi32, #tpu.memory_space<hbm>>
      %dma_wait3A_54 = tpu.memref_squeeze %dma_wait3A_53 : memref<1x1x512xi32, #tpu.memory_space<hbm>> -> memref<1x512xi32, #tpu.memory_space<hbm>>
      %dma_wait3A_55 = arith.constant 0 : i32
      %dma_wait3A_56 = arith.constant 0 : i32
      %dma_wait3A_57 = tpu.memref_slice %arg7[%run_scoped3A, %dma_wait3A_55, %dma_wait3A_56] : memref<2x1x512xi32, #tpu.memory_space<vmem>> -> memref<1x1x512xi32, #tpu.memory_space<vmem>>
      %dma_wait3A_58 = tpu.memref_squeeze %dma_wait3A_57 : memref<1x1x512xi32, #tpu.memory_space<vmem>> -> memref<1x512xi32, #tpu.memory_space<vmem>>
      %dma_wait3A_59 = arith.constant 0 : i32
      %dma_wait3A_60 = arith.constant 0 : i32
      %dma_wait3A_61 = tpu.memref_slice %arg3[%arg1, %dma_wait3A_59, %dma_wait3A_60] : memref<16x196x512xi32, #tpu.memory_space<hbm>> -> memref<1x1x512xi32, #tpu.memory_space<hbm>>
      %dma_wait3A_62 = tpu.memref_squeeze %dma_wait3A_61 : memref<1x1x512xi32, #tpu.memory_space<hbm>> -> memref<1x512xi32, #tpu.memory_space<hbm>>
      tpu.wait_dma2 semaphore(%run_scoped3A_31 : memref<!tpu.dma_semaphore, #tpu.memory_space<semaphore_mem>>) src(%dma_wait3A_62 : memref<1x512xi32, #tpu.memory_space<hbm>>) dst(%dma_wait3A_58 : memref<1x512xi32, #tpu.memory_space<vmem>>)
      tpu.yield
    }) : () -> ()
    %run_scoped3A_3 = arith.constant 0 : i32
    "tpu.region"() ({
      %run_scoped3A_31 = tpu.sem_alloc : memref<!tpu.dma_semaphore, #tpu.memory_space<semaphore_mem>>
      %dma_start3A_32 = arith.constant 0 : i32
      %dma_start3A_33 = arith.constant 0 : i32
      %dma_start3A_34 = tpu.memref_slice %arg8[%run_scoped3A_3, %dma_start3A_32, %dma_start3A_33] : memref<2x1x512xi32, #tpu.memory_space<vmem>> -> memref<1x1x512xi32, #tpu.memory_space<vmem>>
      %dma_start3A_35 = tpu.memref_squeeze %dma_start3A_34 : memref<1x1x512xi32, #tpu.memory_space<vmem>> -> memref<1x512xi32, #tpu.memory_space<vmem>>
      %dma_start3A_36 = arith.constant 0 : i32
      %dma_start3A_37 = arith.constant 0 : i32
      %dma_start3A_38 = tpu.memref_slice %arg4[%arg1, %dma_start3A_36, %dma_start3A_37] : memref<16x196x512xi32, #tpu.memory_space<hbm>> -> memref<1x1x512xi32, #tpu.memory_space<hbm>>
      %dma_start3A_39 = tpu.memref_squeeze %dma_start3A_38 : memref<1x1x512xi32, #tpu.memory_space<hbm>> -> memref<1x512xi32, #tpu.memory_space<hbm>>
      %dma_start3A_40 = arith.constant 0 : i32
      %dma_start3A_41 = arith.constant 0 : i32
      %dma_start3A_42 = tpu.memref_slice %arg8[%run_scoped3A_3, %dma_start3A_40, %dma_start3A_41] : memref<2x1x512xi32, #tpu.memory_space<vmem>> -> memref<1x1x512xi32, #tpu.memory_space<vmem>>
      %dma_start3A_43 = tpu.memref_squeeze %dma_start3A_42 : memref<1x1x512xi32, #tpu.memory_space<vmem>> -> memref<1x512xi32, #tpu.memory_space<vmem>>
      %dma_start3A_44 = arith.constant 0 : i32
      %dma_start3A_45 = arith.constant 0 : i32
      %dma_start3A_46 = tpu.memref_slice %arg4[%arg1, %dma_start3A_44, %dma_start3A_45] : memref<16x196x512xi32, #tpu.memory_space<hbm>> -> memref<1x1x512xi32, #tpu.memory_space<hbm>>
      %dma_start3A_47 = tpu.memref_squeeze %dma_start3A_46 : memref<1x1x512xi32, #tpu.memory_space<hbm>> -> memref<1x512xi32, #tpu.memory_space<hbm>>
      tpu.enqueue_dma source(%dma_start3A_47 : memref<1x512xi32, #tpu.memory_space<hbm>>) target(%dma_start3A_43 : memref<1x512xi32, #tpu.memory_space<vmem>>) target_semaphore(%run_scoped3A_31 : memref<!tpu.dma_semaphore, #tpu.memory_space<semaphore_mem>>)
      %dma_wait3A = arith.constant 0 : i32
      %dma_wait3A_48 = arith.constant 0 : i32
      %dma_wait3A_49 = tpu.memref_slice %arg8[%run_scoped3A_3, %dma_wait3A, %dma_wait3A_48] : memref<2x1x512xi32, #tpu.memory_space<vmem>> -> memref<1x1x512xi32, #tpu.memory_space<vmem>>
      %dma_wait3A_50 = tpu.memref_squeeze %dma_wait3A_49 : memref<1x1x512xi32, #tpu.memory_space<vmem>> -> memref<1x512xi32, #tpu.memory_space<vmem>>
      %dma_wait3A_51 = arith.constant 0 : i32
      %dma_wait3A_52 = arith.constant 0 : i32
      %dma_wait3A_53 = tpu.memref_slice %arg4[%arg1, %dma_wait3A_51, %dma_wait3A_52] : memref<16x196x512xi32, #tpu.memory_space<hbm>> -> memref<1x1x512xi32, #tpu.memory_space<hbm>>
      %dma_wait3A_54 = tpu.memref_squeeze %dma_wait3A_53 : memref<1x1x512xi32, #tpu.memory_space<hbm>> -> memref<1x512xi32, #tpu.memory_space<hbm>>
      %dma_wait3A_55 = arith.constant 0 : i32
      %dma_wait3A_56 = arith.constant 0 : i32
      %dma_wait3A_57 = tpu.memref_slice %arg8[%run_scoped3A_3, %dma_wait3A_55, %dma_wait3A_56] : memref<2x1x512xi32, #tpu.memory_space<vmem>> -> memref<1x1x512xi32, #tpu.memory_space<vmem>>
      %dma_wait3A_58 = tpu.memref_squeeze %dma_wait3A_57 : memref<1x1x512xi32, #tpu.memory_space<vmem>> -> memref<1x512xi32, #tpu.memory_space<vmem>>
      %dma_wait3A_59 = arith.constant 0 : i32
      %dma_wait3A_60 = arith.constant 0 : i32
      %dma_wait3A_61 = tpu.memref_slice %arg4[%arg1, %dma_wait3A_59, %dma_wait3A_60] : memref<16x196x512xi32, #tpu.memory_space<hbm>> -> memref<1x1x512xi32, #tpu.memory_space<hbm>>
      %dma_wait3A_62 = tpu.memref_squeeze %dma_wait3A_61 : memref<1x1x512xi32, #tpu.memory_space<hbm>> -> memref<1x512xi32, #tpu.memory_space<hbm>>
      tpu.wait_dma2 semaphore(%run_scoped3A_31 : memref<!tpu.dma_semaphore, #tpu.memory_space<semaphore_mem>>) src(%dma_wait3A_62 : memref<1x512xi32, #tpu.memory_space<hbm>>) dst(%dma_wait3A_58 : memref<1x512xi32, #tpu.memory_space<vmem>>)
      tpu.yield
    }) : () -> ()
    %dma_start3A = arith.constant 0 : i32
    %dma_start3A_4 = arith.constant 0 : i32
    %dma_start3A_5 = arith.constant 0 : i32
    %dma_start3A_6 = arith.constant 0 : i32
    %dma_start3A_7 = arith.constant 0 : i32
    %dma_start3A_8 = arith.constant 0 : i32
    %dma_start3A_9 = tpu.memref_slice %arg9[%dma_start3A_5, %dma_start3A_6, %dma_start3A_7, %dma_start3A_8] : memref<2x1x512x16xf32, #tpu.memory_space<vmem>> -> memref<1x1x512x16xf32, #tpu.memory_space<vmem>>
    %dma_start3A_10 = tpu.memref_squeeze %dma_start3A_9 : memref<1x1x512x16xf32, #tpu.memory_space<vmem>> -> memref<512x16xf32, #tpu.memory_space<vmem>>
    %dma_start3A_11 = arith.constant 0 : i32
    %dma_start3A_12 = tpu.memref_slice %arg7[%dma_start3A, %dma_start3A_4, %dma_start3A_11] : memref<2x1x512xi32, #tpu.memory_space<vmem>> -> memref<1x1x512xi32, #tpu.memory_space<vmem>>
    %dma_start3A_13 = tpu.memref_squeeze %dma_start3A_12 : memref<1x1x512xi32, #tpu.memory_space<vmem>> -> memref<512xi32, #tpu.memory_space<vmem>>
    %dma_start3A_14 = arith.constant 0 : i32
    %dma_start3A_15 = arith.constant 0 : i32
    %dma_start3A_16 = tpu.memref_slice %arg2[%arg0, %dma_start3A_14, %dma_start3A_15] : memref<2x100352x16xf32, #tpu.memory_space<hbm>> -> memref<1x100352x16xf32, #tpu.memory_space<hbm>>
    %dma_start3A_17 = tpu.memref_squeeze %dma_start3A_16 : memref<1x100352x16xf32, #tpu.memory_space<hbm>> -> memref<100352x16xf32, #tpu.memory_space<hbm>>
    %dma_start3A_18 = arith.constant 0 : i32
    %dma_start3A_19 = arith.constant 0 : i32
    %dma_start3A_20 = tpu.memref_slice %dma_start3A_17[%dma_start3A_18, %dma_start3A_19] : memref<100352x16xf32, #tpu.memory_space<hbm>> -> memref<100352x16xf32, #tpu.memory_space<hbm>>
    tpu.enqueue_indirect_dma source(%dma_start3A_20 : memref<100352x16xf32, #tpu.memory_space<hbm>>) target(%dma_start3A_10 : memref<512x16xf32, #tpu.memory_space<vmem>>) offsets(%dma_start3A_13 : memref<512xi32, #tpu.memory_space<vmem>>) semaphore(%arg10 : memref<!tpu.dma_semaphore, #tpu.memory_space<semaphore_mem>>)
    %scan3A = arith.constant 0 : i32
    %scan3A_21 = arith.constant 0 : i32
    %scan3A_22 = arith.constant 98 : i32
    %scan3A_23 = arith.addi %scan3A_21, %scan3A_22 : i32
    %scan3A_24 = arith.constant 1 : i32
    scf.for %scan3A_31 = %scan3A_21 to %scan3A_23 step %scan3A_24  : i32 {
      %mul3A_32 = arith.constant 2 : i32
      %mul3A_33 = arith.muli %scan3A_31, %mul3A_32 : i32
      %add3A = arith.constant 1 : i32
      %add3A_34 = arith.addi %mul3A_33, %add3A : i32
      %mul3A_35 = arith.constant 1 : i32
      %mul3A_36 = arith.muli %add3A_34, %mul3A_35 : i32
      %run_scoped3A_37 = arith.constant 1 : i32
      "tpu.region"() ({
        %run_scoped3A_157 = tpu.sem_alloc : memref<!tpu.dma_semaphore, #tpu.memory_space<semaphore_mem>>
        %dma_start3A_158 = arith.constant 0 : i32
        %dma_start3A_159 = arith.constant 0 : i32
        %dma_start3A_160 = tpu.memref_slice %arg7[%run_scoped3A_37, %dma_start3A_158, %dma_start3A_159] : memref<2x1x512xi32, #tpu.memory_space<vmem>> -> memref<1x1x512xi32, #tpu.memory_space<vmem>>
        %dma_start3A_161 = tpu.memref_squeeze %dma_start3A_160 : memref<1x1x512xi32, #tpu.memory_space<vmem>> -> memref<1x512xi32, #tpu.memory_space<vmem>>
        %dma_start3A_162 = arith.constant 0 : i32
        %dma_start3A_163 = tpu.memref_slice %arg3[%arg1, %mul3A_36, %dma_start3A_162] : memref<16x196x512xi32, #tpu.memory_space<hbm>> -> memref<1x1x512xi32, #tpu.memory_space<hbm>>
        %dma_start3A_164 = tpu.memref_squeeze %dma_start3A_163 : memref<1x1x512xi32, #tpu.memory_space<hbm>> -> memref<1x512xi32, #tpu.memory_space<hbm>>
        %dma_start3A_165 = arith.constant 0 : i32
        %dma_start3A_166 = arith.constant 0 : i32
        %dma_start3A_167 = tpu.memref_slice %arg7[%run_scoped3A_37, %dma_start3A_165, %dma_start3A_166] : memref<2x1x512xi32, #tpu.memory_space<vmem>> -> memref<1x1x512xi32, #tpu.memory_space<vmem>>
        %dma_start3A_168 = tpu.memref_squeeze %dma_start3A_167 : memref<1x1x512xi32, #tpu.memory_space<vmem>> -> memref<1x512xi32, #tpu.memory_space<vmem>>
        %dma_start3A_169 = arith.constant 0 : i32
        %dma_start3A_170 = tpu.memref_slice %arg3[%arg1, %mul3A_36, %dma_start3A_169] : memref<16x196x512xi32, #tpu.memory_space<hbm>> -> memref<1x1x512xi32, #tpu.memory_space<hbm>>
        %dma_start3A_171 = tpu.memref_squeeze %dma_start3A_170 : memref<1x1x512xi32, #tpu.memory_space<hbm>> -> memref<1x512xi32, #tpu.memory_space<hbm>>
        tpu.enqueue_dma source(%dma_start3A_171 : memref<1x512xi32, #tpu.memory_space<hbm>>) target(%dma_start3A_168 : memref<1x512xi32, #tpu.memory_space<vmem>>) target_semaphore(%run_scoped3A_157 : memref<!tpu.dma_semaphore, #tpu.memory_space<semaphore_mem>>)
        %dma_wait3A_172 = arith.constant 0 : i32
        %dma_wait3A_173 = arith.constant 0 : i32
        %dma_wait3A_174 = tpu.memref_slice %arg7[%run_scoped3A_37, %dma_wait3A_172, %dma_wait3A_173] : memref<2x1x512xi32, #tpu.memory_space<vmem>> -> memref<1x1x512xi32, #tpu.memory_space<vmem>>
        %dma_wait3A_175 = tpu.memref_squeeze %dma_wait3A_174 : memref<1x1x512xi32, #tpu.memory_space<vmem>> -> memref<1x512xi32, #tpu.memory_space<vmem>>
        %dma_wait3A_176 = arith.constant 0 : i32
        %dma_wait3A_177 = tpu.memref_slice %arg3[%arg1, %mul3A_36, %dma_wait3A_176] : memref<16x196x512xi32, #tpu.memory_space<hbm>> -> memref<1x1x512xi32, #tpu.memory_space<hbm>>
        %dma_wait3A_178 = tpu.memref_squeeze %dma_wait3A_177 : memref<1x1x512xi32, #tpu.memory_space<hbm>> -> memref<1x512xi32, #tpu.memory_space<hbm>>
        %dma_wait3A_179 = arith.constant 0 : i32
        %dma_wait3A_180 = arith.constant 0 : i32
        %dma_wait3A_181 = tpu.memref_slice %arg7[%run_scoped3A_37, %dma_wait3A_179, %dma_wait3A_180] : memref<2x1x512xi32, #tpu.memory_space<vmem>> -> memref<1x1x512xi32, #tpu.memory_space<vmem>>
        %dma_wait3A_182 = tpu.memref_squeeze %dma_wait3A_181 : memref<1x1x512xi32, #tpu.memory_space<vmem>> -> memref<1x512xi32, #tpu.memory_space<vmem>>
        %dma_wait3A_183 = arith.constant 0 : i32
        %dma_wait3A_184 = tpu.memref_slice %arg3[%arg1, %mul3A_36, %dma_wait3A_183] : memref<16x196x512xi32, #tpu.memory_space<hbm>> -> memref<1x1x512xi32, #tpu.memory_space<hbm>>
        %dma_wait3A_185 = tpu.memref_squeeze %dma_wait3A_184 : memref<1x1x512xi32, #tpu.memory_space<hbm>> -> memref<1x512xi32, #tpu.memory_space<hbm>>
        tpu.wait_dma2 semaphore(%run_scoped3A_157 : memref<!tpu.dma_semaphore, #tpu.memory_space<semaphore_mem>>) src(%dma_wait3A_185 : memref<1x512xi32, #tpu.memory_space<hbm>>) dst(%dma_wait3A_182 : memref<1x512xi32, #tpu.memory_space<vmem>>)
        tpu.yield
      }) : () -> ()
      %mul3A_38 = arith.constant 1 : i32
      %mul3A_39 = arith.muli %add3A_34, %mul3A_38 : i32
      %run_scoped3A_40 = arith.constant 1 : i32
      "tpu.region"() ({
        %run_scoped3A_157 = tpu.sem_alloc : memref<!tpu.dma_semaphore, #tpu.memory_space<semaphore_mem>>
        %dma_start3A_158 = arith.constant 0 : i32
        %dma_start3A_159 = arith.constant 0 : i32
        %dma_start3A_160 = tpu.memref_slice %arg8[%run_scoped3A_40, %dma_start3A_158, %dma_start3A_159] : memref<2x1x512xi32, #tpu.memory_space<vmem>> -> memref<1x1x512xi32, #tpu.memory_space<vmem>>
        %dma_start3A_161 = tpu.memref_squeeze %dma_start3A_160 : memref<1x1x512xi32, #tpu.memory_space<vmem>> -> memref<1x512xi32, #tpu.memory_space<vmem>>
        %dma_start3A_162 = arith.constant 0 : i32
        %dma_start3A_163 = tpu.memref_slice %arg4[%arg1, %mul3A_39, %dma_start3A_162] : memref<16x196x512xi32, #tpu.memory_space<hbm>> -> memref<1x1x512xi32, #tpu.memory_space<hbm>>
        %dma_start3A_164 = tpu.memref_squeeze %dma_start3A_163 : memref<1x1x512xi32, #tpu.memory_space<hbm>> -> memref<1x512xi32, #tpu.memory_space<hbm>>
        %dma_start3A_165 = arith.constant 0 : i32
        %dma_start3A_166 = arith.constant 0 : i32
        %dma_start3A_167 = tpu.memref_slice %arg8[%run_scoped3A_40, %dma_start3A_165, %dma_start3A_166] : memref<2x1x512xi32, #tpu.memory_space<vmem>> -> memref<1x1x512xi32, #tpu.memory_space<vmem>>
        %dma_start3A_168 = tpu.memref_squeeze %dma_start3A_167 : memref<1x1x512xi32, #tpu.memory_space<vmem>> -> memref<1x512xi32, #tpu.memory_space<vmem>>
        %dma_start3A_169 = arith.constant 0 : i32
        %dma_start3A_170 = tpu.memref_slice %arg4[%arg1, %mul3A_39, %dma_start3A_169] : memref<16x196x512xi32, #tpu.memory_space<hbm>> -> memref<1x1x512xi32, #tpu.memory_space<hbm>>
        %dma_start3A_171 = tpu.memref_squeeze %dma_start3A_170 : memref<1x1x512xi32, #tpu.memory_space<hbm>> -> memref<1x512xi32, #tpu.memory_space<hbm>>
        tpu.enqueue_dma source(%dma_start3A_171 : memref<1x512xi32, #tpu.memory_space<hbm>>) target(%dma_start3A_168 : memref<1x512xi32, #tpu.memory_space<vmem>>) target_semaphore(%run_scoped3A_157 : memref<!tpu.dma_semaphore, #tpu.memory_space<semaphore_mem>>)
        %dma_wait3A_172 = arith.constant 0 : i32
        %dma_wait3A_173 = arith.constant 0 : i32
        %dma_wait3A_174 = tpu.memref_slice %arg8[%run_scoped3A_40, %dma_wait3A_172, %dma_wait3A_173] : memref<2x1x512xi32, #tpu.memory_space<vmem>> -> memref<1x1x512xi32, #tpu.memory_space<vmem>>
        %dma_wait3A_175 = tpu.memref_squeeze %dma_wait3A_174 : memref<1x1x512xi32, #tpu.memory_space<vmem>> -> memref<1x512xi32, #tpu.memory_space<vmem>>
        %dma_wait3A_176 = arith.constant 0 : i32
        %dma_wait3A_177 = tpu.memref_slice %arg4[%arg1, %mul3A_39, %dma_wait3A_176] : memref<16x196x512xi32, #tpu.memory_space<hbm>> -> memref<1x1x512xi32, #tpu.memory_space<hbm>>
        %dma_wait3A_178 = tpu.memref_squeeze %dma_wait3A_177 : memref<1x1x512xi32, #tpu.memory_space<hbm>> -> memref<1x512xi32, #tpu.memory_space<hbm>>
        %dma_wait3A_179 = arith.constant 0 : i32
        %dma_wait3A_180 = arith.constant 0 : i32
        %dma_wait3A_181 = tpu.memref_slice %arg8[%run_scoped3A_40, %dma_wait3A_179, %dma_wait3A_180] : memref<2x1x512xi32, #tpu.memory_space<vmem>> -> memref<1x1x512xi32, #tpu.memory_space<vmem>>
        %dma_wait3A_182 = tpu.memref_squeeze %dma_wait3A_181 : memref<1x1x512xi32, #tpu.memory_space<vmem>> -> memref<1x512xi32, #tpu.memory_space<vmem>>
        %dma_wait3A_183 = arith.constant 0 : i32
        %dma_wait3A_184 = tpu.memref_slice %arg4[%arg1, %mul3A_39, %dma_wait3A_183] : memref<16x196x512xi32, #tpu.memory_space<hbm>> -> memref<1x1x512xi32, #tpu.memory_space<hbm>>
        %dma_wait3A_185 = tpu.memref_squeeze %dma_wait3A_184 : memref<1x1x512xi32, #tpu.memory_space<hbm>> -> memref<1x512xi32, #tpu.memory_space<hbm>>
        tpu.wait_dma2 semaphore(%run_scoped3A_157 : memref<!tpu.dma_semaphore, #tpu.memory_space<semaphore_mem>>) src(%dma_wait3A_185 : memref<1x512xi32, #tpu.memory_space<hbm>>) dst(%dma_wait3A_182 : memref<1x512xi32, #tpu.memory_space<vmem>>)
        tpu.yield
      }) : () -> ()
      %dma_wait3A = arith.constant 0 : i32
      %dma_wait3A_41 = arith.constant 0 : i32
      %dma_wait3A_42 = arith.constant 0 : i32
      %dma_wait3A_43 = arith.constant 0 : i32
      %dma_wait3A_44 = arith.constant 0 : i32
      %dma_wait3A_45 = arith.constant 0 : i32
      %dma_wait3A_46 = tpu.memref_slice %arg9[%dma_wait3A_42, %dma_wait3A_43, %dma_wait3A_44, %dma_wait3A_45] : memref<2x1x512x16xf32, #tpu.memory_space<vmem>> -> memref<1x1x512x16xf32, #tpu.memory_space<vmem>>
      %dma_wait3A_47 = tpu.memref_squeeze %dma_wait3A_46 : memref<1x1x512x16xf32, #tpu.memory_space<vmem>> -> memref<512x16xf32, #tpu.memory_space<vmem>>
      %dma_wait3A_48 = arith.constant 0 : i32
      %dma_wait3A_49 = tpu.memref_slice %arg7[%dma_wait3A, %dma_wait3A_41, %dma_wait3A_48] : memref<2x1x512xi32, #tpu.memory_space<vmem>> -> memref<1x1x512xi32, #tpu.memory_space<vmem>>
      %dma_wait3A_50 = tpu.memref_squeeze %dma_wait3A_49 : memref<1x1x512xi32, #tpu.memory_space<vmem>> -> memref<512xi32, #tpu.memory_space<vmem>>
      %dma_wait3A_51 = arith.constant 0 : i32
      %dma_wait3A_52 = arith.constant 0 : i32
      %dma_wait3A_53 = tpu.memref_slice %arg2[%arg0, %dma_wait3A_51, %dma_wait3A_52] : memref<2x100352x16xf32, #tpu.memory_space<hbm>> -> memref<1x100352x16xf32, #tpu.memory_space<hbm>>
      %dma_wait3A_54 = tpu.memref_squeeze %dma_wait3A_53 : memref<1x100352x16xf32, #tpu.memory_space<hbm>> -> memref<100352x16xf32, #tpu.memory_space<hbm>>
      %dma_wait3A_55 = arith.constant 0 : i32
      %dma_wait3A_56 = arith.constant 0 : i32
      %dma_wait3A_57 = tpu.memref_slice %dma_wait3A_54[%dma_wait3A_55, %dma_wait3A_56] : memref<100352x16xf32, #tpu.memory_space<hbm>> -> memref<100352x16xf32, #tpu.memory_space<hbm>>
      tpu.wait_indirect_dma semaphore(%arg10 : memref<!tpu.dma_semaphore, #tpu.memory_space<semaphore_mem>>) src(%dma_wait3A_57 : memref<100352x16xf32, #tpu.memory_space<hbm>>) dst(%dma_wait3A_47 : memref<512x16xf32, #tpu.memory_space<vmem>>)
      %dma_start3A_58 = arith.constant 1 : i32
      %dma_start3A_59 = arith.constant 0 : i32
      %dma_start3A_60 = arith.constant 1 : i32
      %dma_start3A_61 = arith.constant 0 : i32
      %dma_start3A_62 = arith.constant 0 : i32
      %dma_start3A_63 = arith.constant 0 : i32
      %dma_start3A_64 = tpu.memref_slice %arg9[%dma_start3A_60, %dma_start3A_61, %dma_start3A_62, %dma_start3A_63] : memref<2x1x512x16xf32, #tpu.memory_space<vmem>> -> memref<1x1x512x16xf32, #tpu.memory_space<vmem>>
      %dma_start3A_65 = tpu.memref_squeeze %dma_start3A_64 : memref<1x1x512x16xf32, #tpu.memory_space<vmem>> -> memref<512x16xf32, #tpu.memory_space<vmem>>
      %dma_start3A_66 = arith.constant 0 : i32
      %dma_start3A_67 = tpu.memref_slice %arg7[%dma_start3A_58, %dma_start3A_59, %dma_start3A_66] : memref<2x1x512xi32, #tpu.memory_space<vmem>> -> memref<1x1x512xi32, #tpu.memory_space<vmem>>
      %dma_start3A_68 = tpu.memref_squeeze %dma_start3A_67 : memref<1x1x512xi32, #tpu.memory_space<vmem>> -> memref<512xi32, #tpu.memory_space<vmem>>
      %dma_start3A_69 = arith.constant 0 : i32
      %dma_start3A_70 = arith.constant 0 : i32
      %dma_start3A_71 = tpu.memref_slice %arg2[%arg0, %dma_start3A_69, %dma_start3A_70] : memref<2x100352x16xf32, #tpu.memory_space<hbm>> -> memref<1x100352x16xf32, #tpu.memory_space<hbm>>
      %dma_start3A_72 = tpu.memref_squeeze %dma_start3A_71 : memref<1x100352x16xf32, #tpu.memory_space<hbm>> -> memref<100352x16xf32, #tpu.memory_space<hbm>>
      %dma_start3A_73 = arith.constant 0 : i32
      %dma_start3A_74 = arith.constant 0 : i32
      %dma_start3A_75 = tpu.memref_slice %dma_start3A_72[%dma_start3A_73, %dma_start3A_74] : memref<100352x16xf32, #tpu.memory_space<hbm>> -> memref<100352x16xf32, #tpu.memory_space<hbm>>
      tpu.enqueue_indirect_dma source(%dma_start3A_75 : memref<100352x16xf32, #tpu.memory_space<hbm>>) target(%dma_start3A_65 : memref<512x16xf32, #tpu.memory_space<vmem>>) offsets(%dma_start3A_68 : memref<512xi32, #tpu.memory_space<vmem>>) semaphore(%arg10 : memref<!tpu.dma_semaphore, #tpu.memory_space<semaphore_mem>>)
      %dma_start3A_76 = arith.constant 0 : i32
      %dma_start3A_77 = arith.constant 0 : i32
      %dma_start3A_78 = arith.constant 0 : i32
      %dma_start3A_79 = arith.constant 0 : i32
      %dma_start3A_80 = arith.constant 0 : i32
      %dma_start3A_81 = arith.constant 0 : i32
      %dma_start3A_82 = tpu.memref_slice %arg9[%dma_start3A_76, %dma_start3A_77, %dma_start3A_80, %dma_start3A_81] : memref<2x1x512x16xf32, #tpu.memory_space<vmem>> -> memref<1x1x512x16xf32, #tpu.memory_space<vmem>>
      %dma_start3A_83 = tpu.memref_squeeze %dma_start3A_82 : memref<1x1x512x16xf32, #tpu.memory_space<vmem>> -> memref<512x16xf32, #tpu.memory_space<vmem>>
      %dma_start3A_84 = arith.constant 0 : i32
      %dma_start3A_85 = tpu.memref_slice %arg8[%dma_start3A_78, %dma_start3A_79, %dma_start3A_84] : memref<2x1x512xi32, #tpu.memory_space<vmem>> -> memref<1x1x512xi32, #tpu.memory_space<vmem>>
      %dma_start3A_86 = tpu.memref_squeeze %dma_start3A_85 : memref<1x1x512xi32, #tpu.memory_space<vmem>> -> memref<512xi32, #tpu.memory_space<vmem>>
      %dma_start3A_87 = arith.constant 0 : i32
      %dma_start3A_88 = arith.constant 0 : i32
      %dma_start3A_89 = tpu.memref_slice %arg6[%dma_start3A_87, %dma_start3A_88] : memref<100352x16xf32, #tpu.memory_space<vmem_shared>> -> memref<100352x16xf32, #tpu.memory_space<vmem_shared>>
      tpu.enqueue_indirect_dma source(%dma_start3A_83 : memref<512x16xf32, #tpu.memory_space<vmem>>) target(%dma_start3A_89 : memref<100352x16xf32, #tpu.memory_space<vmem_shared>>) offsets(%dma_start3A_86 : memref<512xi32, #tpu.memory_space<vmem>>) semaphore(%arg11 : memref<!tpu.dma_semaphore, #tpu.memory_space<semaphore_mem>>) {add = true}
      %dma_wait3A_90 = arith.constant 0 : i32
      %dma_wait3A_91 = arith.constant 0 : i32
      %dma_wait3A_92 = arith.constant 0 : i32
      %dma_wait3A_93 = arith.constant 0 : i32
      %dma_wait3A_94 = arith.constant 0 : i32
      %dma_wait3A_95 = arith.constant 0 : i32
      %dma_wait3A_96 = tpu.memref_slice %arg9[%dma_wait3A_90, %dma_wait3A_91, %dma_wait3A_94, %dma_wait3A_95] : memref<2x1x512x16xf32, #tpu.memory_space<vmem>> -> memref<1x1x512x16xf32, #tpu.memory_space<vmem>>
      %dma_wait3A_97 = tpu.memref_squeeze %dma_wait3A_96 : memref<1x1x512x16xf32, #tpu.memory_space<vmem>> -> memref<512x16xf32, #tpu.memory_space<vmem>>
      %dma_wait3A_98 = arith.constant 0 : i32
      %dma_wait3A_99 = tpu.memref_slice %arg8[%dma_wait3A_92, %dma_wait3A_93, %dma_wait3A_98] : memref<2x1x512xi32, #tpu.memory_space<vmem>> -> memref<1x1x512xi32, #tpu.memory_space<vmem>>
      %dma_wait3A_100 = tpu.memref_squeeze %dma_wait3A_99 : memref<1x1x512xi32, #tpu.memory_space<vmem>> -> memref<512xi32, #tpu.memory_space<vmem>>
      %dma_wait3A_101 = arith.constant 0 : i32
      %dma_wait3A_102 = arith.constant 0 : i32
      %dma_wait3A_103 = tpu.memref_slice %arg6[%dma_wait3A_101, %dma_wait3A_102] : memref<100352x16xf32, #tpu.memory_space<vmem_shared>> -> memref<100352x16xf32, #tpu.memory_space<vmem_shared>>
      tpu.wait_indirect_dma semaphore(%arg11 : memref<!tpu.dma_semaphore, #tpu.memory_space<semaphore_mem>>) src(%dma_wait3A_97 : memref<512x16xf32, #tpu.memory_space<vmem>>) dst(%dma_wait3A_103 : memref<100352x16xf32, #tpu.memory_space<vmem_shared>>)
      %lt3A = arith.constant 97 : i32
      %lt3A_104 = arith.cmpi slt, %scan3A_31, %lt3A : i32
      %convert_element_type3A = arith.extui %lt3A_104 : i1 to i32
      %cond3A = arith.constant 0 : i32
      %cond3A_105 = arith.cmpi ne, %convert_element_type3A, %cond3A : i32
      scf.if %cond3A_105 {
        %add3A_157 = arith.constant 2 : i32
        %add3A_158 = arith.addi %mul3A_33, %add3A_157 : i32
        %mul3A_159 = arith.constant 1 : i32
        %mul3A_160 = arith.muli %add3A_158, %mul3A_159 : i32
        %run_scoped3A_161 = arith.constant 0 : i32
        "tpu.region"() ({
          %run_scoped3A_165 = tpu.sem_alloc : memref<!tpu.dma_semaphore, #tpu.memory_space<semaphore_mem>>
          %dma_start3A_166 = arith.constant 0 : i32
          %dma_start3A_167 = arith.constant 0 : i32
          %dma_start3A_168 = tpu.memref_slice %arg7[%run_scoped3A_161, %dma_start3A_166, %dma_start3A_167] : memref<2x1x512xi32, #tpu.memory_space<vmem>> -> memref<1x1x512xi32, #tpu.memory_space<vmem>>
          %dma_start3A_169 = tpu.memref_squeeze %dma_start3A_168 : memref<1x1x512xi32, #tpu.memory_space<vmem>> -> memref<1x512xi32, #tpu.memory_space<vmem>>
          %dma_start3A_170 = arith.constant 0 : i32
          %dma_start3A_171 = tpu.memref_slice %arg3[%arg1, %mul3A_160, %dma_start3A_170] : memref<16x196x512xi32, #tpu.memory_space<hbm>> -> memref<1x1x512xi32, #tpu.memory_space<hbm>>
          %dma_start3A_172 = tpu.memref_squeeze %dma_start3A_171 : memref<1x1x512xi32, #tpu.memory_space<hbm>> -> memref<1x512xi32, #tpu.memory_space<hbm>>
          %dma_start3A_173 = arith.constant 0 : i32
          %dma_start3A_174 = arith.constant 0 : i32
          %dma_start3A_175 = tpu.memref_slice %arg7[%run_scoped3A_161, %dma_start3A_173, %dma_start3A_174] : memref<2x1x512xi32, #tpu.memory_space<vmem>> -> memref<1x1x512xi32, #tpu.memory_space<vmem>>
          %dma_start3A_176 = tpu.memref_squeeze %dma_start3A_175 : memref<1x1x512xi32, #tpu.memory_space<vmem>> -> memref<1x512xi32, #tpu.memory_space<vmem>>
          %dma_start3A_177 = arith.constant 0 : i32
          %dma_start3A_178 = tpu.memref_slice %arg3[%arg1, %mul3A_160, %dma_start3A_177] : memref<16x196x512xi32, #tpu.memory_space<hbm>> -> memref<1x1x512xi32, #tpu.memory_space<hbm>>
          %dma_start3A_179 = tpu.memref_squeeze %dma_start3A_178 : memref<1x1x512xi32, #tpu.memory_space<hbm>> -> memref<1x512xi32, #tpu.memory_space<hbm>>
          tpu.enqueue_dma source(%dma_start3A_179 : memref<1x512xi32, #tpu.memory_space<hbm>>) target(%dma_start3A_176 : memref<1x512xi32, #tpu.memory_space<vmem>>) target_semaphore(%run_scoped3A_165 : memref<!tpu.dma_semaphore, #tpu.memory_space<semaphore_mem>>)
          %dma_wait3A_180 = arith.constant 0 : i32
          %dma_wait3A_181 = arith.constant 0 : i32
          %dma_wait3A_182 = tpu.memref_slice %arg7[%run_scoped3A_161, %dma_wait3A_180, %dma_wait3A_181] : memref<2x1x512xi32, #tpu.memory_space<vmem>> -> memref<1x1x512xi32, #tpu.memory_space<vmem>>
          %dma_wait3A_183 = tpu.memref_squeeze %dma_wait3A_182 : memref<1x1x512xi32, #tpu.memory_space<vmem>> -> memref<1x512xi32, #tpu.memory_space<vmem>>
          %dma_wait3A_184 = arith.constant 0 : i32
          %dma_wait3A_185 = tpu.memref_slice %arg3[%arg1, %mul3A_160, %dma_wait3A_184] : memref<16x196x512xi32, #tpu.memory_space<hbm>> -> memref<1x1x512xi32, #tpu.memory_space<hbm>>
          %dma_wait3A_186 = tpu.memref_squeeze %dma_wait3A_185 : memref<1x1x512xi32, #tpu.memory_space<hbm>> -> memref<1x512xi32, #tpu.memory_space<hbm>>
          %dma_wait3A_187 = arith.constant 0 : i32
          %dma_wait3A_188 = arith.constant 0 : i32
          %dma_wait3A_189 = tpu.memref_slice %arg7[%run_scoped3A_161, %dma_wait3A_187, %dma_wait3A_188] : memref<2x1x512xi32, #tpu.memory_space<vmem>> -> memref<1x1x512xi32, #tpu.memory_space<vmem>>
          %dma_wait3A_190 = tpu.memref_squeeze %dma_wait3A_189 : memref<1x1x512xi32, #tpu.memory_space<vmem>> -> memref<1x512xi32, #tpu.memory_space<vmem>>
          %dma_wait3A_191 = arith.constant 0 : i32
          %dma_wait3A_192 = tpu.memref_slice %arg3[%arg1, %mul3A_160, %dma_wait3A_191] : memref<16x196x512xi32, #tpu.memory_space<hbm>> -> memref<1x1x512xi32, #tpu.memory_space<hbm>>
          %dma_wait3A_193 = tpu.memref_squeeze %dma_wait3A_192 : memref<1x1x512xi32, #tpu.memory_space<hbm>> -> memref<1x512xi32, #tpu.memory_space<hbm>>
          tpu.wait_dma2 semaphore(%run_scoped3A_165 : memref<!tpu.dma_semaphore, #tpu.memory_space<semaphore_mem>>) src(%dma_wait3A_193 : memref<1x512xi32, #tpu.memory_space<hbm>>) dst(%dma_wait3A_190 : memref<1x512xi32, #tpu.memory_space<vmem>>)
          tpu.yield
        }) : () -> ()
        %mul3A_162 = arith.constant 1 : i32
        %mul3A_163 = arith.muli %add3A_158, %mul3A_162 : i32
        %run_scoped3A_164 = arith.constant 0 : i32
        "tpu.region"() ({
          %run_scoped3A_165 = tpu.sem_alloc : memref<!tpu.dma_semaphore, #tpu.memory_space<semaphore_mem>>
          %dma_start3A_166 = arith.constant 0 : i32
          %dma_start3A_167 = arith.constant 0 : i32
          %dma_start3A_168 = tpu.memref_slice %arg8[%run_scoped3A_164, %dma_start3A_166, %dma_start3A_167] : memref<2x1x512xi32, #tpu.memory_space<vmem>> -> memref<1x1x512xi32, #tpu.memory_space<vmem>>
          %dma_start3A_169 = tpu.memref_squeeze %dma_start3A_168 : memref<1x1x512xi32, #tpu.memory_space<vmem>> -> memref<1x512xi32, #tpu.memory_space<vmem>>
          %dma_start3A_170 = arith.constant 0 : i32
          %dma_start3A_171 = tpu.memref_slice %arg4[%arg1, %mul3A_163, %dma_start3A_170] : memref<16x196x512xi32, #tpu.memory_space<hbm>> -> memref<1x1x512xi32, #tpu.memory_space<hbm>>
          %dma_start3A_172 = tpu.memref_squeeze %dma_start3A_171 : memref<1x1x512xi32, #tpu.memory_space<hbm>> -> memref<1x512xi32, #tpu.memory_space<hbm>>
          %dma_start3A_173 = arith.constant 0 : i32
          %dma_start3A_174 = arith.constant 0 : i32
          %dma_start3A_175 = tpu.memref_slice %arg8[%run_scoped3A_164, %dma_start3A_173, %dma_start3A_174] : memref<2x1x512xi32, #tpu.memory_space<vmem>> -> memref<1x1x512xi32, #tpu.memory_space<vmem>>
          %dma_start3A_176 = tpu.memref_squeeze %dma_start3A_175 : memref<1x1x512xi32, #tpu.memory_space<vmem>> -> memref<1x512xi32, #tpu.memory_space<vmem>>
          %dma_start3A_177 = arith.constant 0 : i32
          %dma_start3A_178 = tpu.memref_slice %arg4[%arg1, %mul3A_163, %dma_start3A_177] : memref<16x196x512xi32, #tpu.memory_space<hbm>> -> memref<1x1x512xi32, #tpu.memory_space<hbm>>
          %dma_start3A_179 = tpu.memref_squeeze %dma_start3A_178 : memref<1x1x512xi32, #tpu.memory_space<hbm>> -> memref<1x512xi32, #tpu.memory_space<hbm>>
          tpu.enqueue_dma source(%dma_start3A_179 : memref<1x512xi32, #tpu.memory_space<hbm>>) target(%dma_start3A_176 : memref<1x512xi32, #tpu.memory_space<vmem>>) target_semaphore(%run_scoped3A_165 : memref<!tpu.dma_semaphore, #tpu.memory_space<semaphore_mem>>)
          %dma_wait3A_180 = arith.constant 0 : i32
          %dma_wait3A_181 = arith.constant 0 : i32
          %dma_wait3A_182 = tpu.memref_slice %arg8[%run_scoped3A_164, %dma_wait3A_180, %dma_wait3A_181] : memref<2x1x512xi32, #tpu.memory_space<vmem>> -> memref<1x1x512xi32, #tpu.memory_space<vmem>>
          %dma_wait3A_183 = tpu.memref_squeeze %dma_wait3A_182 : memref<1x1x512xi32, #tpu.memory_space<vmem>> -> memref<1x512xi32, #tpu.memory_space<vmem>>
          %dma_wait3A_184 = arith.constant 0 : i32
          %dma_wait3A_185 = tpu.memref_slice %arg4[%arg1, %mul3A_163, %dma_wait3A_184] : memref<16x196x512xi32, #tpu.memory_space<hbm>> -> memref<1x1x512xi32, #tpu.memory_space<hbm>>
          %dma_wait3A_186 = tpu.memref_squeeze %dma_wait3A_185 : memref<1x1x512xi32, #tpu.memory_space<hbm>> -> memref<1x512xi32, #tpu.memory_space<hbm>>
          %dma_wait3A_187 = arith.constant 0 : i32
          %dma_wait3A_188 = arith.constant 0 : i32
          %dma_wait3A_189 = tpu.memref_slice %arg8[%run_scoped3A_164, %dma_wait3A_187, %dma_wait3A_188] : memref<2x1x512xi32, #tpu.memory_space<vmem>> -> memref<1x1x512xi32, #tpu.memory_space<vmem>>
          %dma_wait3A_190 = tpu.memref_squeeze %dma_wait3A_189 : memref<1x1x512xi32, #tpu.memory_space<vmem>> -> memref<1x512xi32, #tpu.memory_space<vmem>>
          %dma_wait3A_191 = arith.constant 0 : i32
          %dma_wait3A_192 = tpu.memref_slice %arg4[%arg1, %mul3A_163, %dma_wait3A_191] : memref<16x196x512xi32, #tpu.memory_space<hbm>> -> memref<1x1x512xi32, #tpu.memory_space<hbm>>
          %dma_wait3A_193 = tpu.memref_squeeze %dma_wait3A_192 : memref<1x1x512xi32, #tpu.memory_space<hbm>> -> memref<1x512xi32, #tpu.memory_space<hbm>>
          tpu.wait_dma2 semaphore(%run_scoped3A_165 : memref<!tpu.dma_semaphore, #tpu.memory_space<semaphore_mem>>) src(%dma_wait3A_193 : memref<1x512xi32, #tpu.memory_space<hbm>>) dst(%dma_wait3A_190 : memref<1x512xi32, #tpu.memory_space<vmem>>)
          tpu.yield
        }) : () -> ()
      } else {
      }
      %dma_wait3A_106 = arith.constant 1 : i32
      %dma_wait3A_107 = arith.constant 0 : i32
      %dma_wait3A_108 = arith.constant 1 : i32
      %dma_wait3A_109 = arith.constant 0 : i32
      %dma_wait3A_110 = arith.constant 0 : i32
      %dma_wait3A_111 = arith.constant 0 : i32
      %dma_wait3A_112 = tpu.memref_slice %arg9[%dma_wait3A_108, %dma_wait3A_109, %dma_wait3A_110, %dma_wait3A_111] : memref<2x1x512x16xf32, #tpu.memory_space<vmem>> -> memref<1x1x512x16xf32, #tpu.memory_space<vmem>>
      %dma_wait3A_113 = tpu.memref_squeeze %dma_wait3A_112 : memref<1x1x512x16xf32, #tpu.memory_space<vmem>> -> memref<512x16xf32, #tpu.memory_space<vmem>>
      %dma_wait3A_114 = arith.constant 0 : i32
      %dma_wait3A_115 = tpu.memref_slice %arg7[%dma_wait3A_106, %dma_wait3A_107, %dma_wait3A_114] : memref<2x1x512xi32, #tpu.memory_space<vmem>> -> memref<1x1x512xi32, #tpu.memory_space<vmem>>
      %dma_wait3A_116 = tpu.memref_squeeze %dma_wait3A_115 : memref<1x1x512xi32, #tpu.memory_space<vmem>> -> memref<512xi32, #tpu.memory_space<vmem>>
      %dma_wait3A_117 = arith.constant 0 : i32
      %dma_wait3A_118 = arith.constant 0 : i32
      %dma_wait3A_119 = tpu.memref_slice %arg2[%arg0, %dma_wait3A_117, %dma_wait3A_118] : memref<2x100352x16xf32, #tpu.memory_space<hbm>> -> memref<1x100352x16xf32, #tpu.memory_space<hbm>>
      %dma_wait3A_120 = tpu.memref_squeeze %dma_wait3A_119 : memref<1x100352x16xf32, #tpu.memory_space<hbm>> -> memref<100352x16xf32, #tpu.memory_space<hbm>>
      %dma_wait3A_121 = arith.constant 0 : i32
      %dma_wait3A_122 = arith.constant 0 : i32
      %dma_wait3A_123 = tpu.memref_slice %dma_wait3A_120[%dma_wait3A_121, %dma_wait3A_122] : memref<100352x16xf32, #tpu.memory_space<hbm>> -> memref<100352x16xf32, #tpu.memory_space<hbm>>
      tpu.wait_indirect_dma semaphore(%arg10 : memref<!tpu.dma_semaphore, #tpu.memory_space<semaphore_mem>>) src(%dma_wait3A_123 : memref<100352x16xf32, #tpu.memory_space<hbm>>) dst(%dma_wait3A_113 : memref<512x16xf32, #tpu.memory_space<vmem>>)
      %lt3A_124 = arith.constant 97 : i32
      %lt3A_125 = arith.cmpi slt, %scan3A_31, %lt3A_124 : i32
      %convert_element_type3A_126 = arith.extui %lt3A_125 : i1 to i32
      %cond3A_127 = arith.constant 0 : i32
      %cond3A_128 = arith.cmpi ne, %convert_element_type3A_126, %cond3A_127 : i32
      scf.if %cond3A_128 {
        %dma_start3A_157 = arith.constant 0 : i32
        %dma_start3A_158 = arith.constant 0 : i32
        %dma_start3A_159 = arith.constant 0 : i32
        %dma_start3A_160 = arith.constant 0 : i32
        %dma_start3A_161 = arith.constant 0 : i32
        %dma_start3A_162 = arith.constant 0 : i32
        %dma_start3A_163 = tpu.memref_slice %arg9[%dma_start3A_159, %dma_start3A_160, %dma_start3A_161, %dma_start3A_162] : memref<2x1x512x16xf32, #tpu.memory_space<vmem>> -> memref<1x1x512x16xf32, #tpu.memory_space<vmem>>
        %dma_start3A_164 = tpu.memref_squeeze %dma_start3A_163 : memref<1x1x512x16xf32, #tpu.memory_space<vmem>> -> memref<512x16xf32, #tpu.memory_space<vmem>>
        %dma_start3A_165 = arith.constant 0 : i32
        %dma_start3A_166 = tpu.memref_slice %arg7[%dma_start3A_157, %dma_start3A_158, %dma_start3A_165] : memref<2x1x512xi32, #tpu.memory_space<vmem>> -> memref<1x1x512xi32, #tpu.memory_space<vmem>>
        %dma_start3A_167 = tpu.memref_squeeze %dma_start3A_166 : memref<1x1x512xi32, #tpu.memory_space<vmem>> -> memref<512xi32, #tpu.memory_space<vmem>>
        %dma_start3A_168 = arith.constant 0 : i32
        %dma_start3A_169 = arith.constant 0 : i32
        %dma_start3A_170 = tpu.memref_slice %arg2[%arg0, %dma_start3A_168, %dma_start3A_169] : memref<2x100352x16xf32, #tpu.memory_space<hbm>> -> memref<1x100352x16xf32, #tpu.memory_space<hbm>>
        %dma_start3A_171 = tpu.memref_squeeze %dma_start3A_170 : memref<1x100352x16xf32, #tpu.memory_space<hbm>> -> memref<100352x16xf32, #tpu.memory_space<hbm>>
        %dma_start3A_172 = arith.constant 0 : i32
        %dma_start3A_173 = arith.constant 0 : i32
        %dma_start3A_174 = tpu.memref_slice %dma_start3A_171[%dma_start3A_172, %dma_start3A_173] : memref<100352x16xf32, #tpu.memory_space<hbm>> -> memref<100352x16xf32, #tpu.memory_space<hbm>>
        tpu.enqueue_indirect_dma source(%dma_start3A_174 : memref<100352x16xf32, #tpu.memory_space<hbm>>) target(%dma_start3A_164 : memref<512x16xf32, #tpu.memory_space<vmem>>) offsets(%dma_start3A_167 : memref<512xi32, #tpu.memory_space<vmem>>) semaphore(%arg10 : memref<!tpu.dma_semaphore, #tpu.memory_space<semaphore_mem>>)
      } else {
      }
      %dma_start3A_129 = arith.constant 1 : i32
      %dma_start3A_130 = arith.constant 0 : i32
      %dma_start3A_131 = arith.constant 1 : i32
      %dma_start3A_132 = arith.constant 0 : i32
      %dma_start3A_133 = arith.constant 0 : i32
      %dma_start3A_134 = arith.constant 0 : i32
      %dma_start3A_135 = tpu.memref_slice %arg9[%dma_start3A_129, %dma_start3A_130, %dma_start3A_133, %dma_start3A_134] : memref<2x1x512x16xf32, #tpu.memory_space<vmem>> -> memref<1x1x512x16xf32, #tpu.memory_space<vmem>>
      %dma_start3A_136 = tpu.memref_squeeze %dma_start3A_135 : memref<1x1x512x16xf32, #tpu.memory_space<vmem>> -> memref<512x16xf32, #tpu.memory_space<vmem>>
      %dma_start3A_137 = arith.constant 0 : i32
      %dma_start3A_138 = tpu.memref_slice %arg8[%dma_start3A_131, %dma_start3A_132, %dma_start3A_137] : memref<2x1x512xi32, #tpu.memory_space<vmem>> -> memref<1x1x512xi32, #tpu.memory_space<vmem>>
      %dma_start3A_139 = tpu.memref_squeeze %dma_start3A_138 : memref<1x1x512xi32, #tpu.memory_space<vmem>> -> memref<512xi32, #tpu.memory_space<vmem>>
      %dma_start3A_140 = arith.constant 0 : i32
      %dma_start3A_141 = arith.constant 0 : i32
      %dma_start3A_142 = tpu.memref_slice %arg6[%dma_start3A_140, %dma_start3A_141] : memref<100352x16xf32, #tpu.memory_space<vmem_shared>> -> memref<100352x16xf32, #tpu.memory_space<vmem_shared>>
      tpu.enqueue_indirect_dma source(%dma_start3A_136 : memref<512x16xf32, #tpu.memory_space<vmem>>) target(%dma_start3A_142 : memref<100352x16xf32, #tpu.memory_space<vmem_shared>>) offsets(%dma_start3A_139 : memref<512xi32, #tpu.memory_space<vmem>>) semaphore(%arg11 : memref<!tpu.dma_semaphore, #tpu.memory_space<semaphore_mem>>) {add = true}
      %dma_wait3A_143 = arith.constant 1 : i32
      %dma_wait3A_144 = arith.constant 0 : i32
      %dma_wait3A_145 = arith.constant 1 : i32
      %dma_wait3A_146 = arith.constant 0 : i32
      %dma_wait3A_147 = arith.constant 0 : i32
      %dma_wait3A_148 = arith.constant 0 : i32
      %dma_wait3A_149 = tpu.memref_slice %arg9[%dma_wait3A_143, %dma_wait3A_144, %dma_wait3A_147, %dma_wait3A_148] : memref<2x1x512x16xf32, #tpu.memory_space<vmem>> -> memref<1x1x512x16xf32, #tpu.memory_space<vmem>>
      %dma_wait3A_150 = tpu.memref_squeeze %dma_wait3A_149 : memref<1x1x512x16xf32, #tpu.memory_space<vmem>> -> memref<512x16xf32, #tpu.memory_space<vmem>>
      %dma_wait3A_151 = arith.constant 0 : i32
      %dma_wait3A_152 = tpu.memref_slice %arg8[%dma_wait3A_145, %dma_wait3A_146, %dma_wait3A_151] : memref<2x1x512xi32, #tpu.memory_space<vmem>> -> memref<1x1x512xi32, #tpu.memory_space<vmem>>
      %dma_wait3A_153 = tpu.memref_squeeze %dma_wait3A_152 : memref<1x1x512xi32, #tpu.memory_space<vmem>> -> memref<512xi32, #tpu.memory_space<vmem>>
      %dma_wait3A_154 = arith.constant 0 : i32
      %dma_wait3A_155 = arith.constant 0 : i32
      %dma_wait3A_156 = tpu.memref_slice %arg6[%dma_wait3A_154, %dma_wait3A_155] : memref<100352x16xf32, #tpu.memory_space<vmem_shared>> -> memref<100352x16xf32, #tpu.memory_space<vmem_shared>>
      tpu.wait_indirect_dma semaphore(%arg11 : memref<!tpu.dma_semaphore, #tpu.memory_space<semaphore_mem>>) src(%dma_wait3A_150 : memref<512x16xf32, #tpu.memory_space<vmem>>) dst(%dma_wait3A_156 : memref<100352x16xf32, #tpu.memory_space<vmem_shared>>)
    }
    %scan3A_25 = arith.constant 98 : i32
    %barrier3A_26 = arith.constant 0 : index
    tpu.barrier barrier_id(%barrier3A_26)
    %mul3A_27 = arith.constant 6272 : i32
    %mul3A_28 = arith.muli %arg1, %mul3A_27 : i32
    %mul3A_29 = arith.constant 6272 : i32
    %mul3A_30 = arith.muli %arg1, %mul3A_29 : i32
    "tpu.region"() ({
      %run_scoped3A_31 = tpu.sem_alloc : memref<!tpu.dma_semaphore, #tpu.memory_space<semaphore_mem>>
      %dma_start3A_32 = arith.constant 0 : i32
      %dma_start3A_33 = tpu.memref_slice %arg5[%arg0, %mul3A_30, %dma_start3A_32] : memref<2x100352x16xf32, #tpu.memory_space<hbm>> -> memref<1x6272x16xf32, #tpu.memory_space<hbm>>
      %dma_start3A_34 = tpu.memref_squeeze %dma_start3A_33 : memref<1x6272x16xf32, #tpu.memory_space<hbm>> -> memref<6272x16xf32, #tpu.memory_space<hbm>>
      %dma_start3A_35 = arith.constant 0 : i32
      %dma_start3A_36 = tpu.memref_slice %arg6[%mul3A_28, %dma_start3A_35] : memref<100352x16xf32, #tpu.memory_space<vmem_shared>> -> memref<6272x16xf32, #tpu.memory_space<vmem_shared>>
      tpu.enqueue_dma source(%dma_start3A_36 : memref<6272x16xf32, #tpu.memory_space<vmem_shared>>) target(%dma_start3A_34 : memref<6272x16xf32, #tpu.memory_space<hbm>>) target_semaphore(%run_scoped3A_31 : memref<!tpu.dma_semaphore, #tpu.memory_space<semaphore_mem>>)
      %dma_wait3A = arith.constant 0 : i32
      %dma_wait3A_37 = tpu.memref_slice %arg5[%arg0, %mul3A_30, %dma_wait3A] : memref<2x100352x16xf32, #tpu.memory_space<hbm>> -> memref<1x6272x16xf32, #tpu.memory_space<hbm>>
      %dma_wait3A_38 = tpu.memref_squeeze %dma_wait3A_37 : memref<1x6272x16xf32, #tpu.memory_space<hbm>> -> memref<6272x16xf32, #tpu.memory_space<hbm>>
      %dma_wait3A_39 = arith.constant 0 : i32
      %dma_wait3A_40 = tpu.memref_slice %arg6[%mul3A_28, %dma_wait3A_39] : memref<100352x16xf32, #tpu.memory_space<vmem_shared>> -> memref<6272x16xf32, #tpu.memory_space<vmem_shared>>
      tpu.wait_dma2 semaphore(%run_scoped3A_31 : memref<!tpu.dma_semaphore, #tpu.memory_space<semaphore_mem>>) src(%dma_wait3A_40 : memref<6272x16xf32, #tpu.memory_space<vmem_shared>>) dst(%dma_wait3A_38 : memref<6272x16xf32, #tpu.memory_space<hbm>>)
      tpu.yield
    }) : () -> ()
    return
  }
}

#map = affine_map<(d0, d1) -> (0, 0, 0, 0)>
#map1 = affine_map<(d0, d1) -> (0, 0)>
#map2 = affine_map<(d0, d1) -> (0, 0, 0)>
module attributes {stable_mosaic.version = 14 : i64} {
  func.func @_sc_degree(%arg0: i32, %arg1: i32, %arg2: memref<2x16x392x128xi32, #tpu.memory_space<hbm>>, %arg3: memref<100352x16xf32, #tpu.memory_space<hbm>>, %arg4: memref<2x100352x16xf32, #tpu.memory_space<hbm>>, %arg5: memref<100352x16xf32, #tpu.memory_space<vmem_shared>>, %arg6: memref<8x128xi32, #tpu.memory_space<vmem>>, %arg7: memref<128x16xf32, #tpu.memory_space<vmem>>, %arg8: memref<!tpu.dma_semaphore, #tpu.memory_space<semaphore_mem>>) attributes {dimension_semantics = [#tpu.dimension_semantics<core_parallel>, #tpu.dimension_semantics<subcore_parallel>], iteration_bounds = array<i64: 2, 16>, scalar_prefetch = 0 : i64, scratch_operands = 4 : i64, tpu.core_type = #tpu.core_type<sc_vector_subcore>, window_params = [{transform_indices = #map}, {transform_indices = #map1}, {transform_indices = #map2}]} {
    %mul3A = arith.constant 6272 : i32
    %mul3A_0 = arith.muli %arg1, %mul3A : i32
    %mul3A_1 = arith.constant 6272 : i32
    %mul3A_2 = arith.muli %arg1, %mul3A_1 : i32
    "tpu.region"() ({
      %run_scoped3A = tpu.sem_alloc : memref<!tpu.dma_semaphore, #tpu.memory_space<semaphore_mem>>
      %dma_start3A = arith.constant 0 : i32
      %dma_start3A_1035 = tpu.memref_slice %arg5[%mul3A_2, %dma_start3A] : memref<100352x16xf32, #tpu.memory_space<vmem_shared>> -> memref<6272x16xf32, #tpu.memory_space<vmem_shared>>
      %dma_start3A_1036 = arith.constant 0 : i32
      %dma_start3A_1037 = tpu.memref_slice %arg3[%mul3A_0, %dma_start3A_1036] : memref<100352x16xf32, #tpu.memory_space<hbm>> -> memref<6272x16xf32, #tpu.memory_space<hbm>>
      tpu.enqueue_dma source(%dma_start3A_1037 : memref<6272x16xf32, #tpu.memory_space<hbm>>) target(%dma_start3A_1035 : memref<6272x16xf32, #tpu.memory_space<vmem_shared>>) target_semaphore(%run_scoped3A : memref<!tpu.dma_semaphore, #tpu.memory_space<semaphore_mem>>)
      %dma_wait3A = arith.constant 0 : i32
      %dma_wait3A_1038 = tpu.memref_slice %arg5[%mul3A_2, %dma_wait3A] : memref<100352x16xf32, #tpu.memory_space<vmem_shared>> -> memref<6272x16xf32, #tpu.memory_space<vmem_shared>>
      %dma_wait3A_1039 = arith.constant 0 : i32
      %dma_wait3A_1040 = tpu.memref_slice %arg3[%mul3A_0, %dma_wait3A_1039] : memref<100352x16xf32, #tpu.memory_space<hbm>> -> memref<6272x16xf32, #tpu.memory_space<hbm>>
      tpu.wait_dma2 semaphore(%run_scoped3A : memref<!tpu.dma_semaphore, #tpu.memory_space<semaphore_mem>>) src(%dma_wait3A_1040 : memref<6272x16xf32, #tpu.memory_space<hbm>>) dst(%dma_wait3A_1038 : memref<6272x16xf32, #tpu.memory_space<vmem_shared>>)
      tpu.yield
    }) : () -> ()
    %broadcast_in_dim3A = arith.constant 1.000000e+00 : f32
    %broadcast_in_dim3A_3 = vector.broadcast %broadcast_in_dim3A : f32 to vector<16xf32>
    %swap3A = arith.constant 0 : i32
    %swap3A_4 = arith.index_cast %swap3A : i32 to index
    %swap3A_5 = arith.constant 0 : index
    %swap3A_6 = tpu.vector_load %arg7[%swap3A_4, %swap3A_5] {strides = array<i32>} : memref<128x16xf32, #tpu.memory_space<vmem>>, vector<1x16xf32>,
    %swap3A_7 = vector.shape_cast %swap3A_6 : vector<1x16xf32> to vector<16xf32>
    %swap3A_8 = vector.shape_cast %broadcast_in_dim3A_3 : vector<16xf32> to vector<1x16xf32>
    tpu.vector_store %arg7[%swap3A_4, %swap3A_5], %swap3A_8 {strides = array<i32>} : memref<128x16xf32, #tpu.memory_space<vmem>>, vector<1x16xf32>,
    %broadcast_in_dim3A_9 = arith.constant 1.000000e+00 : f32
    %broadcast_in_dim3A_10 = vector.broadcast %broadcast_in_dim3A_9 : f32 to vector<16xf32>
    %swap3A_11 = arith.constant 1 : i32
    %swap3A_12 = arith.index_cast %swap3A_11 : i32 to index
    %swap3A_13 = arith.constant 0 : index
    %swap3A_14 = tpu.vector_load %arg7[%swap3A_12, %swap3A_13] {strides = array<i32>} : memref<128x16xf32, #tpu.memory_space<vmem>>, vector<1x16xf32>,
    %swap3A_15 = vector.shape_cast %swap3A_14 : vector<1x16xf32> to vector<16xf32>
    %swap3A_16 = vector.shape_cast %broadcast_in_dim3A_10 : vector<16xf32> to vector<1x16xf32>
    tpu.vector_store %arg7[%swap3A_12, %swap3A_13], %swap3A_16 {strides = array<i32>} : memref<128x16xf32, #tpu.memory_space<vmem>>, vector<1x16xf32>,
    %broadcast_in_dim3A_17 = arith.constant 1.000000e+00 : f32
    %broadcast_in_dim3A_18 = vector.broadcast %broadcast_in_dim3A_17 : f32 to vector<16xf32>
    %swap3A_19 = arith.constant 2 : i32
    %swap3A_20 = arith.index_cast %swap3A_19 : i32 to index
    %swap3A_21 = arith.constant 0 : index
    %swap3A_22 = tpu.vector_load %arg7[%swap3A_20, %swap3A_21] {strides = array<i32>} : memref<128x16xf32, #tpu.memory_space<vmem>>, vector<1x16xf32>,
    %swap3A_23 = vector.shape_cast %swap3A_22 : vector<1x16xf32> to vector<16xf32>
    %swap3A_24 = vector.shape_cast %broadcast_in_dim3A_18 : vector<16xf32> to vector<1x16xf32>
    tpu.vector_store %arg7[%swap3A_20, %swap3A_21], %swap3A_24 {strides = array<i32>} : memref<128x16xf32, #tpu.memory_space<vmem>>, vector<1x16xf32>,
    %broadcast_in_dim3A_25 = arith.constant 1.000000e+00 : f32
    %broadcast_in_dim3A_26 = vector.broadcast %broadcast_in_dim3A_25 : f32 to vector<16xf32>
    %swap3A_27 = arith.constant 3 : i32
    %swap3A_28 = arith.index_cast %swap3A_27 : i32 to index
    %swap3A_29 = arith.constant 0 : index
    %swap3A_30 = tpu.vector_load %arg7[%swap3A_28, %swap3A_29] {strides = array<i32>} : memref<128x16xf32, #tpu.memory_space<vmem>>, vector<1x16xf32>,
    %swap3A_31 = vector.shape_cast %swap3A_30 : vector<1x16xf32> to vector<16xf32>
    %swap3A_32 = vector.shape_cast %broadcast_in_dim3A_26 : vector<16xf32> to vector<1x16xf32>
    tpu.vector_store %arg7[%swap3A_28, %swap3A_29], %swap3A_32 {strides = array<i32>} : memref<128x16xf32, #tpu.memory_space<vmem>>, vector<1x16xf32>,
    %broadcast_in_dim3A_33 = arith.constant 1.000000e+00 : f32
    %broadcast_in_dim3A_34 = vector.broadcast %broadcast_in_dim3A_33 : f32 to vector<16xf32>
    %swap3A_35 = arith.constant 4 : i32
    %swap3A_36 = arith.index_cast %swap3A_35 : i32 to index
    %swap3A_37 = arith.constant 0 : index
    %swap3A_38 = tpu.vector_load %arg7[%swap3A_36, %swap3A_37] {strides = array<i32>} : memref<128x16xf32, #tpu.memory_space<vmem>>, vector<1x16xf32>,
    %swap3A_39 = vector.shape_cast %swap3A_38 : vector<1x16xf32> to vector<16xf32>
    %swap3A_40 = vector.shape_cast %broadcast_in_dim3A_34 : vector<16xf32> to vector<1x16xf32>
    tpu.vector_store %arg7[%swap3A_36, %swap3A_37], %swap3A_40 {strides = array<i32>} : memref<128x16xf32, #tpu.memory_space<vmem>>, vector<1x16xf32>,
    %broadcast_in_dim3A_41 = arith.constant 1.000000e+00 : f32
    %broadcast_in_dim3A_42 = vector.broadcast %broadcast_in_dim3A_41 : f32 to vector<16xf32>
    %swap3A_43 = arith.constant 5 : i32
    %swap3A_44 = arith.index_cast %swap3A_43 : i32 to index
    %swap3A_45 = arith.constant 0 : index
    %swap3A_46 = tpu.vector_load %arg7[%swap3A_44, %swap3A_45] {strides = array<i32>} : memref<128x16xf32, #tpu.memory_space<vmem>>, vector<1x16xf32>,
    %swap3A_47 = vector.shape_cast %swap3A_46 : vector<1x16xf32> to vector<16xf32>
    %swap3A_48 = vector.shape_cast %broadcast_in_dim3A_42 : vector<16xf32> to vector<1x16xf32>
    tpu.vector_store %arg7[%swap3A_44, %swap3A_45], %swap3A_48 {strides = array<i32>} : memref<128x16xf32, #tpu.memory_space<vmem>>, vector<1x16xf32>,
    %broadcast_in_dim3A_49 = arith.constant 1.000000e+00 : f32
    %broadcast_in_dim3A_50 = vector.broadcast %broadcast_in_dim3A_49 : f32 to vector<16xf32>
    %swap3A_51 = arith.constant 6 : i32
    %swap3A_52 = arith.index_cast %swap3A_51 : i32 to index
    %swap3A_53 = arith.constant 0 : index
    %swap3A_54 = tpu.vector_load %arg7[%swap3A_52, %swap3A_53] {strides = array<i32>} : memref<128x16xf32, #tpu.memory_space<vmem>>, vector<1x16xf32>,
    %swap3A_55 = vector.shape_cast %swap3A_54 : vector<1x16xf32> to vector<16xf32>
    %swap3A_56 = vector.shape_cast %broadcast_in_dim3A_50 : vector<16xf32> to vector<1x16xf32>
    tpu.vector_store %arg7[%swap3A_52, %swap3A_53], %swap3A_56 {strides = array<i32>} : memref<128x16xf32, #tpu.memory_space<vmem>>, vector<1x16xf32>,
    %broadcast_in_dim3A_57 = arith.constant 1.000000e+00 : f32
    %broadcast_in_dim3A_58 = vector.broadcast %broadcast_in_dim3A_57 : f32 to vector<16xf32>
    %swap3A_59 = arith.constant 7 : i32
    %swap3A_60 = arith.index_cast %swap3A_59 : i32 to index
    %swap3A_61 = arith.constant 0 : index
    %swap3A_62 = tpu.vector_load %arg7[%swap3A_60, %swap3A_61] {strides = array<i32>} : memref<128x16xf32, #tpu.memory_space<vmem>>, vector<1x16xf32>,
    %swap3A_63 = vector.shape_cast %swap3A_62 : vector<1x16xf32> to vector<16xf32>
    %swap3A_64 = vector.shape_cast %broadcast_in_dim3A_58 : vector<16xf32> to vector<1x16xf32>
    tpu.vector_store %arg7[%swap3A_60, %swap3A_61], %swap3A_64 {strides = array<i32>} : memref<128x16xf32, #tpu.memory_space<vmem>>, vector<1x16xf32>,
    %broadcast_in_dim3A_65 = arith.constant 1.000000e+00 : f32
    %broadcast_in_dim3A_66 = vector.broadcast %broadcast_in_dim3A_65 : f32 to vector<16xf32>
    %swap3A_67 = arith.constant 8 : i32
    %swap3A_68 = arith.index_cast %swap3A_67 : i32 to index
    %swap3A_69 = arith.constant 0 : index
    %swap3A_70 = tpu.vector_load %arg7[%swap3A_68, %swap3A_69] {strides = array<i32>} : memref<128x16xf32, #tpu.memory_space<vmem>>, vector<1x16xf32>,
    %swap3A_71 = vector.shape_cast %swap3A_70 : vector<1x16xf32> to vector<16xf32>
    %swap3A_72 = vector.shape_cast %broadcast_in_dim3A_66 : vector<16xf32> to vector<1x16xf32>
    tpu.vector_store %arg7[%swap3A_68, %swap3A_69], %swap3A_72 {strides = array<i32>} : memref<128x16xf32, #tpu.memory_space<vmem>>, vector<1x16xf32>,
    %broadcast_in_dim3A_73 = arith.constant 1.000000e+00 : f32
    %broadcast_in_dim3A_74 = vector.broadcast %broadcast_in_dim3A_73 : f32 to vector<16xf32>
    %swap3A_75 = arith.constant 9 : i32
    %swap3A_76 = arith.index_cast %swap3A_75 : i32 to index
    %swap3A_77 = arith.constant 0 : index
    %swap3A_78 = tpu.vector_load %arg7[%swap3A_76, %swap3A_77] {strides = array<i32>} : memref<128x16xf32, #tpu.memory_space<vmem>>, vector<1x16xf32>,
    %swap3A_79 = vector.shape_cast %swap3A_78 : vector<1x16xf32> to vector<16xf32>
    %swap3A_80 = vector.shape_cast %broadcast_in_dim3A_74 : vector<16xf32> to vector<1x16xf32>
    tpu.vector_store %arg7[%swap3A_76, %swap3A_77], %swap3A_80 {strides = array<i32>} : memref<128x16xf32, #tpu.memory_space<vmem>>, vector<1x16xf32>,
    %broadcast_in_dim3A_81 = arith.constant 1.000000e+00 : f32
    %broadcast_in_dim3A_82 = vector.broadcast %broadcast_in_dim3A_81 : f32 to vector<16xf32>
    %swap3A_83 = arith.constant 10 : i32
    %swap3A_84 = arith.index_cast %swap3A_83 : i32 to index
    %swap3A_85 = arith.constant 0 : index
    %swap3A_86 = tpu.vector_load %arg7[%swap3A_84, %swap3A_85] {strides = array<i32>} : memref<128x16xf32, #tpu.memory_space<vmem>>, vector<1x16xf32>,
    %swap3A_87 = vector.shape_cast %swap3A_86 : vector<1x16xf32> to vector<16xf32>
    %swap3A_88 = vector.shape_cast %broadcast_in_dim3A_82 : vector<16xf32> to vector<1x16xf32>
    tpu.vector_store %arg7[%swap3A_84, %swap3A_85], %swap3A_88 {strides = array<i32>} : memref<128x16xf32, #tpu.memory_space<vmem>>, vector<1x16xf32>,
    %broadcast_in_dim3A_89 = arith.constant 1.000000e+00 : f32
    %broadcast_in_dim3A_90 = vector.broadcast %broadcast_in_dim3A_89 : f32 to vector<16xf32>
    %swap3A_91 = arith.constant 11 : i32
    %swap3A_92 = arith.index_cast %swap3A_91 : i32 to index
    %swap3A_93 = arith.constant 0 : index
    %swap3A_94 = tpu.vector_load %arg7[%swap3A_92, %swap3A_93] {strides = array<i32>} : memref<128x16xf32, #tpu.memory_space<vmem>>, vector<1x16xf32>,
    %swap3A_95 = vector.shape_cast %swap3A_94 : vector<1x16xf32> to vector<16xf32>
    %swap3A_96 = vector.shape_cast %broadcast_in_dim3A_90 : vector<16xf32> to vector<1x16xf32>
    tpu.vector_store %arg7[%swap3A_92, %swap3A_93], %swap3A_96 {strides = array<i32>} : memref<128x16xf32, #tpu.memory_space<vmem>>, vector<1x16xf32>,
    %broadcast_in_dim3A_97 = arith.constant 1.000000e+00 : f32
    %broadcast_in_dim3A_98 = vector.broadcast %broadcast_in_dim3A_97 : f32 to vector<16xf32>
    %swap3A_99 = arith.constant 12 : i32
    %swap3A_100 = arith.index_cast %swap3A_99 : i32 to index
    %swap3A_101 = arith.constant 0 : index
    %swap3A_102 = tpu.vector_load %arg7[%swap3A_100, %swap3A_101] {strides = array<i32>} : memref<128x16xf32, #tpu.memory_space<vmem>>, vector<1x16xf32>,
    %swap3A_103 = vector.shape_cast %swap3A_102 : vector<1x16xf32> to vector<16xf32>
    %swap3A_104 = vector.shape_cast %broadcast_in_dim3A_98 : vector<16xf32> to vector<1x16xf32>
    tpu.vector_store %arg7[%swap3A_100, %swap3A_101], %swap3A_104 {strides = array<i32>} : memref<128x16xf32, #tpu.memory_space<vmem>>, vector<1x16xf32>,
    %broadcast_in_dim3A_105 = arith.constant 1.000000e+00 : f32
    %broadcast_in_dim3A_106 = vector.broadcast %broadcast_in_dim3A_105 : f32 to vector<16xf32>
    %swap3A_107 = arith.constant 13 : i32
    %swap3A_108 = arith.index_cast %swap3A_107 : i32 to index
    %swap3A_109 = arith.constant 0 : index
    %swap3A_110 = tpu.vector_load %arg7[%swap3A_108, %swap3A_109] {strides = array<i32>} : memref<128x16xf32, #tpu.memory_space<vmem>>, vector<1x16xf32>,
    %swap3A_111 = vector.shape_cast %swap3A_110 : vector<1x16xf32> to vector<16xf32>
    %swap3A_112 = vector.shape_cast %broadcast_in_dim3A_106 : vector<16xf32> to vector<1x16xf32>
    tpu.vector_store %arg7[%swap3A_108, %swap3A_109], %swap3A_112 {strides = array<i32>} : memref<128x16xf32, #tpu.memory_space<vmem>>, vector<1x16xf32>,
    %broadcast_in_dim3A_113 = arith.constant 1.000000e+00 : f32
    %broadcast_in_dim3A_114 = vector.broadcast %broadcast_in_dim3A_113 : f32 to vector<16xf32>
    %swap3A_115 = arith.constant 14 : i32
    %swap3A_116 = arith.index_cast %swap3A_115 : i32 to index
    %swap3A_117 = arith.constant 0 : index
    %swap3A_118 = tpu.vector_load %arg7[%swap3A_116, %swap3A_117] {strides = array<i32>} : memref<128x16xf32, #tpu.memory_space<vmem>>, vector<1x16xf32>,
    %swap3A_119 = vector.shape_cast %swap3A_118 : vector<1x16xf32> to vector<16xf32>
    %swap3A_120 = vector.shape_cast %broadcast_in_dim3A_114 : vector<16xf32> to vector<1x16xf32>
    tpu.vector_store %arg7[%swap3A_116, %swap3A_117], %swap3A_120 {strides = array<i32>} : memref<128x16xf32, #tpu.memory_space<vmem>>, vector<1x16xf32>,
    %broadcast_in_dim3A_121 = arith.constant 1.000000e+00 : f32
    %broadcast_in_dim3A_122 = vector.broadcast %broadcast_in_dim3A_121 : f32 to vector<16xf32>
    %swap3A_123 = arith.constant 15 : i32
    %swap3A_124 = arith.index_cast %swap3A_123 : i32 to index
    %swap3A_125 = arith.constant 0 : index
    %swap3A_126 = tpu.vector_load %arg7[%swap3A_124, %swap3A_125] {strides = array<i32>} : memref<128x16xf32, #tpu.memory_space<vmem>>, vector<1x16xf32>,
    %swap3A_127 = vector.shape_cast %swap3A_126 : vector<1x16xf32> to vector<16xf32>
    %swap3A_128 = vector.shape_cast %broadcast_in_dim3A_122 : vector<16xf32> to vector<1x16xf32>
    tpu.vector_store %arg7[%swap3A_124, %swap3A_125], %swap3A_128 {strides = array<i32>} : memref<128x16xf32, #tpu.memory_space<vmem>>, vector<1x16xf32>,
    %broadcast_in_dim3A_129 = arith.constant 1.000000e+00 : f32
    %broadcast_in_dim3A_130 = vector.broadcast %broadcast_in_dim3A_129 : f32 to vector<16xf32>
    %swap3A_131 = arith.constant 16 : i32
    %swap3A_132 = arith.index_cast %swap3A_131 : i32 to index
    %swap3A_133 = arith.constant 0 : index
    %swap3A_134 = tpu.vector_load %arg7[%swap3A_132, %swap3A_133] {strides = array<i32>} : memref<128x16xf32, #tpu.memory_space<vmem>>, vector<1x16xf32>,
    %swap3A_135 = vector.shape_cast %swap3A_134 : vector<1x16xf32> to vector<16xf32>
    %swap3A_136 = vector.shape_cast %broadcast_in_dim3A_130 : vector<16xf32> to vector<1x16xf32>
    tpu.vector_store %arg7[%swap3A_132, %swap3A_133], %swap3A_136 {strides = array<i32>} : memref<128x16xf32, #tpu.memory_space<vmem>>, vector<1x16xf32>,
    %broadcast_in_dim3A_137 = arith.constant 1.000000e+00 : f32
    %broadcast_in_dim3A_138 = vector.broadcast %broadcast_in_dim3A_137 : f32 to vector<16xf32>
    %swap3A_139 = arith.constant 17 : i32
    %swap3A_140 = arith.index_cast %swap3A_139 : i32 to index
    %swap3A_141 = arith.constant 0 : index
    %swap3A_142 = tpu.vector_load %arg7[%swap3A_140, %swap3A_141] {strides = array<i32>} : memref<128x16xf32, #tpu.memory_space<vmem>>, vector<1x16xf32>,
    %swap3A_143 = vector.shape_cast %swap3A_142 : vector<1x16xf32> to vector<16xf32>
    %swap3A_144 = vector.shape_cast %broadcast_in_dim3A_138 : vector<16xf32> to vector<1x16xf32>
    tpu.vector_store %arg7[%swap3A_140, %swap3A_141], %swap3A_144 {strides = array<i32>} : memref<128x16xf32, #tpu.memory_space<vmem>>, vector<1x16xf32>,
    %broadcast_in_dim3A_145 = arith.constant 1.000000e+00 : f32
    %broadcast_in_dim3A_146 = vector.broadcast %broadcast_in_dim3A_145 : f32 to vector<16xf32>
    %swap3A_147 = arith.constant 18 : i32
    %swap3A_148 = arith.index_cast %swap3A_147 : i32 to index
    %swap3A_149 = arith.constant 0 : index
    %swap3A_150 = tpu.vector_load %arg7[%swap3A_148, %swap3A_149] {strides = array<i32>} : memref<128x16xf32, #tpu.memory_space<vmem>>, vector<1x16xf32>,
    %swap3A_151 = vector.shape_cast %swap3A_150 : vector<1x16xf32> to vector<16xf32>
    %swap3A_152 = vector.shape_cast %broadcast_in_dim3A_146 : vector<16xf32> to vector<1x16xf32>
    tpu.vector_store %arg7[%swap3A_148, %swap3A_149], %swap3A_152 {strides = array<i32>} : memref<128x16xf32, #tpu.memory_space<vmem>>, vector<1x16xf32>,
    %broadcast_in_dim3A_153 = arith.constant 1.000000e+00 : f32
    %broadcast_in_dim3A_154 = vector.broadcast %broadcast_in_dim3A_153 : f32 to vector<16xf32>
    %swap3A_155 = arith.constant 19 : i32
    %swap3A_156 = arith.index_cast %swap3A_155 : i32 to index
    %swap3A_157 = arith.constant 0 : index
    %swap3A_158 = tpu.vector_load %arg7[%swap3A_156, %swap3A_157] {strides = array<i32>} : memref<128x16xf32, #tpu.memory_space<vmem>>, vector<1x16xf32>,
    %swap3A_159 = vector.shape_cast %swap3A_158 : vector<1x16xf32> to vector<16xf32>
    %swap3A_160 = vector.shape_cast %broadcast_in_dim3A_154 : vector<16xf32> to vector<1x16xf32>
    tpu.vector_store %arg7[%swap3A_156, %swap3A_157], %swap3A_160 {strides = array<i32>} : memref<128x16xf32, #tpu.memory_space<vmem>>, vector<1x16xf32>,
    %broadcast_in_dim3A_161 = arith.constant 1.000000e+00 : f32
    %broadcast_in_dim3A_162 = vector.broadcast %broadcast_in_dim3A_161 : f32 to vector<16xf32>
    %swap3A_163 = arith.constant 20 : i32
    %swap3A_164 = arith.index_cast %swap3A_163 : i32 to index
    %swap3A_165 = arith.constant 0 : index
    %swap3A_166 = tpu.vector_load %arg7[%swap3A_164, %swap3A_165] {strides = array<i32>} : memref<128x16xf32, #tpu.memory_space<vmem>>, vector<1x16xf32>,
    %swap3A_167 = vector.shape_cast %swap3A_166 : vector<1x16xf32> to vector<16xf32>
    %swap3A_168 = vector.shape_cast %broadcast_in_dim3A_162 : vector<16xf32> to vector<1x16xf32>
    tpu.vector_store %arg7[%swap3A_164, %swap3A_165], %swap3A_168 {strides = array<i32>} : memref<128x16xf32, #tpu.memory_space<vmem>>, vector<1x16xf32>,
    %broadcast_in_dim3A_169 = arith.constant 1.000000e+00 : f32
    %broadcast_in_dim3A_170 = vector.broadcast %broadcast_in_dim3A_169 : f32 to vector<16xf32>
    %swap3A_171 = arith.constant 21 : i32
    %swap3A_172 = arith.index_cast %swap3A_171 : i32 to index
    %swap3A_173 = arith.constant 0 : index
    %swap3A_174 = tpu.vector_load %arg7[%swap3A_172, %swap3A_173] {strides = array<i32>} : memref<128x16xf32, #tpu.memory_space<vmem>>, vector<1x16xf32>,
    %swap3A_175 = vector.shape_cast %swap3A_174 : vector<1x16xf32> to vector<16xf32>
    %swap3A_176 = vector.shape_cast %broadcast_in_dim3A_170 : vector<16xf32> to vector<1x16xf32>
    tpu.vector_store %arg7[%swap3A_172, %swap3A_173], %swap3A_176 {strides = array<i32>} : memref<128x16xf32, #tpu.memory_space<vmem>>, vector<1x16xf32>,
    %broadcast_in_dim3A_177 = arith.constant 1.000000e+00 : f32
    %broadcast_in_dim3A_178 = vector.broadcast %broadcast_in_dim3A_177 : f32 to vector<16xf32>
    %swap3A_179 = arith.constant 22 : i32
    %swap3A_180 = arith.index_cast %swap3A_179 : i32 to index
    %swap3A_181 = arith.constant 0 : index
    %swap3A_182 = tpu.vector_load %arg7[%swap3A_180, %swap3A_181] {strides = array<i32>} : memref<128x16xf32, #tpu.memory_space<vmem>>, vector<1x16xf32>,
    %swap3A_183 = vector.shape_cast %swap3A_182 : vector<1x16xf32> to vector<16xf32>
    %swap3A_184 = vector.shape_cast %broadcast_in_dim3A_178 : vector<16xf32> to vector<1x16xf32>
    tpu.vector_store %arg7[%swap3A_180, %swap3A_181], %swap3A_184 {strides = array<i32>} : memref<128x16xf32, #tpu.memory_space<vmem>>, vector<1x16xf32>,
    %broadcast_in_dim3A_185 = arith.constant 1.000000e+00 : f32
    %broadcast_in_dim3A_186 = vector.broadcast %broadcast_in_dim3A_185 : f32 to vector<16xf32>
    %swap3A_187 = arith.constant 23 : i32
    %swap3A_188 = arith.index_cast %swap3A_187 : i32 to index
    %swap3A_189 = arith.constant 0 : index
    %swap3A_190 = tpu.vector_load %arg7[%swap3A_188, %swap3A_189] {strides = array<i32>} : memref<128x16xf32, #tpu.memory_space<vmem>>, vector<1x16xf32>,
    %swap3A_191 = vector.shape_cast %swap3A_190 : vector<1x16xf32> to vector<16xf32>
    %swap3A_192 = vector.shape_cast %broadcast_in_dim3A_186 : vector<16xf32> to vector<1x16xf32>
    tpu.vector_store %arg7[%swap3A_188, %swap3A_189], %swap3A_192 {strides = array<i32>} : memref<128x16xf32, #tpu.memory_space<vmem>>, vector<1x16xf32>,
    %broadcast_in_dim3A_193 = arith.constant 1.000000e+00 : f32
    %broadcast_in_dim3A_194 = vector.broadcast %broadcast_in_dim3A_193 : f32 to vector<16xf32>
    %swap3A_195 = arith.constant 24 : i32
    %swap3A_196 = arith.index_cast %swap3A_195 : i32 to index
    %swap3A_197 = arith.constant 0 : index
    %swap3A_198 = tpu.vector_load %arg7[%swap3A_196, %swap3A_197] {strides = array<i32>} : memref<128x16xf32, #tpu.memory_space<vmem>>, vector<1x16xf32>,
    %swap3A_199 = vector.shape_cast %swap3A_198 : vector<1x16xf32> to vector<16xf32>
    %swap3A_200 = vector.shape_cast %broadcast_in_dim3A_194 : vector<16xf32> to vector<1x16xf32>
    tpu.vector_store %arg7[%swap3A_196, %swap3A_197], %swap3A_200 {strides = array<i32>} : memref<128x16xf32, #tpu.memory_space<vmem>>, vector<1x16xf32>,
    %broadcast_in_dim3A_201 = arith.constant 1.000000e+00 : f32
    %broadcast_in_dim3A_202 = vector.broadcast %broadcast_in_dim3A_201 : f32 to vector<16xf32>
    %swap3A_203 = arith.constant 25 : i32
    %swap3A_204 = arith.index_cast %swap3A_203 : i32 to index
    %swap3A_205 = arith.constant 0 : index
    %swap3A_206 = tpu.vector_load %arg7[%swap3A_204, %swap3A_205] {strides = array<i32>} : memref<128x16xf32, #tpu.memory_space<vmem>>, vector<1x16xf32>,
    %swap3A_207 = vector.shape_cast %swap3A_206 : vector<1x16xf32> to vector<16xf32>
    %swap3A_208 = vector.shape_cast %broadcast_in_dim3A_202 : vector<16xf32> to vector<1x16xf32>
    tpu.vector_store %arg7[%swap3A_204, %swap3A_205], %swap3A_208 {strides = array<i32>} : memref<128x16xf32, #tpu.memory_space<vmem>>, vector<1x16xf32>,
    %broadcast_in_dim3A_209 = arith.constant 1.000000e+00 : f32
    %broadcast_in_dim3A_210 = vector.broadcast %broadcast_in_dim3A_209 : f32 to vector<16xf32>
    %swap3A_211 = arith.constant 26 : i32
    %swap3A_212 = arith.index_cast %swap3A_211 : i32 to index
    %swap3A_213 = arith.constant 0 : index
    %swap3A_214 = tpu.vector_load %arg7[%swap3A_212, %swap3A_213] {strides = array<i32>} : memref<128x16xf32, #tpu.memory_space<vmem>>, vector<1x16xf32>,
    %swap3A_215 = vector.shape_cast %swap3A_214 : vector<1x16xf32> to vector<16xf32>
    %swap3A_216 = vector.shape_cast %broadcast_in_dim3A_210 : vector<16xf32> to vector<1x16xf32>
    tpu.vector_store %arg7[%swap3A_212, %swap3A_213], %swap3A_216 {strides = array<i32>} : memref<128x16xf32, #tpu.memory_space<vmem>>, vector<1x16xf32>,
    %broadcast_in_dim3A_217 = arith.constant 1.000000e+00 : f32
    %broadcast_in_dim3A_218 = vector.broadcast %broadcast_in_dim3A_217 : f32 to vector<16xf32>
    %swap3A_219 = arith.constant 27 : i32
    %swap3A_220 = arith.index_cast %swap3A_219 : i32 to index
    %swap3A_221 = arith.constant 0 : index
    %swap3A_222 = tpu.vector_load %arg7[%swap3A_220, %swap3A_221] {strides = array<i32>} : memref<128x16xf32, #tpu.memory_space<vmem>>, vector<1x16xf32>,
    %swap3A_223 = vector.shape_cast %swap3A_222 : vector<1x16xf32> to vector<16xf32>
    %swap3A_224 = vector.shape_cast %broadcast_in_dim3A_218 : vector<16xf32> to vector<1x16xf32>
    tpu.vector_store %arg7[%swap3A_220, %swap3A_221], %swap3A_224 {strides = array<i32>} : memref<128x16xf32, #tpu.memory_space<vmem>>, vector<1x16xf32>,
    %broadcast_in_dim3A_225 = arith.constant 1.000000e+00 : f32
    %broadcast_in_dim3A_226 = vector.broadcast %broadcast_in_dim3A_225 : f32 to vector<16xf32>
    %swap3A_227 = arith.constant 28 : i32
    %swap3A_228 = arith.index_cast %swap3A_227 : i32 to index
    %swap3A_229 = arith.constant 0 : index
    %swap3A_230 = tpu.vector_load %arg7[%swap3A_228, %swap3A_229] {strides = array<i32>} : memref<128x16xf32, #tpu.memory_space<vmem>>, vector<1x16xf32>,
    %swap3A_231 = vector.shape_cast %swap3A_230 : vector<1x16xf32> to vector<16xf32>
    %swap3A_232 = vector.shape_cast %broadcast_in_dim3A_226 : vector<16xf32> to vector<1x16xf32>
    tpu.vector_store %arg7[%swap3A_228, %swap3A_229], %swap3A_232 {strides = array<i32>} : memref<128x16xf32, #tpu.memory_space<vmem>>, vector<1x16xf32>,
    %broadcast_in_dim3A_233 = arith.constant 1.000000e+00 : f32
    %broadcast_in_dim3A_234 = vector.broadcast %broadcast_in_dim3A_233 : f32 to vector<16xf32>
    %swap3A_235 = arith.constant 29 : i32
    %swap3A_236 = arith.index_cast %swap3A_235 : i32 to index
    %swap3A_237 = arith.constant 0 : index
    %swap3A_238 = tpu.vector_load %arg7[%swap3A_236, %swap3A_237] {strides = array<i32>} : memref<128x16xf32, #tpu.memory_space<vmem>>, vector<1x16xf32>,
    %swap3A_239 = vector.shape_cast %swap3A_238 : vector<1x16xf32> to vector<16xf32>
    %swap3A_240 = vector.shape_cast %broadcast_in_dim3A_234 : vector<16xf32> to vector<1x16xf32>
    tpu.vector_store %arg7[%swap3A_236, %swap3A_237], %swap3A_240 {strides = array<i32>} : memref<128x16xf32, #tpu.memory_space<vmem>>, vector<1x16xf32>,
    %broadcast_in_dim3A_241 = arith.constant 1.000000e+00 : f32
    %broadcast_in_dim3A_242 = vector.broadcast %broadcast_in_dim3A_241 : f32 to vector<16xf32>
    %swap3A_243 = arith.constant 30 : i32
    %swap3A_244 = arith.index_cast %swap3A_243 : i32 to index
    %swap3A_245 = arith.constant 0 : index
    %swap3A_246 = tpu.vector_load %arg7[%swap3A_244, %swap3A_245] {strides = array<i32>} : memref<128x16xf32, #tpu.memory_space<vmem>>, vector<1x16xf32>,
    %swap3A_247 = vector.shape_cast %swap3A_246 : vector<1x16xf32> to vector<16xf32>
    %swap3A_248 = vector.shape_cast %broadcast_in_dim3A_242 : vector<16xf32> to vector<1x16xf32>
    tpu.vector_store %arg7[%swap3A_244, %swap3A_245], %swap3A_248 {strides = array<i32>} : memref<128x16xf32, #tpu.memory_space<vmem>>, vector<1x16xf32>,
    %broadcast_in_dim3A_249 = arith.constant 1.000000e+00 : f32
    %broadcast_in_dim3A_250 = vector.broadcast %broadcast_in_dim3A_249 : f32 to vector<16xf32>
    %swap3A_251 = arith.constant 31 : i32
    %swap3A_252 = arith.index_cast %swap3A_251 : i32 to index
    %swap3A_253 = arith.constant 0 : index
    %swap3A_254 = tpu.vector_load %arg7[%swap3A_252, %swap3A_253] {strides = array<i32>} : memref<128x16xf32, #tpu.memory_space<vmem>>, vector<1x16xf32>,
    %swap3A_255 = vector.shape_cast %swap3A_254 : vector<1x16xf32> to vector<16xf32>
    %swap3A_256 = vector.shape_cast %broadcast_in_dim3A_250 : vector<16xf32> to vector<1x16xf32>
    tpu.vector_store %arg7[%swap3A_252, %swap3A_253], %swap3A_256 {strides = array<i32>} : memref<128x16xf32, #tpu.memory_space<vmem>>, vector<1x16xf32>,
    %broadcast_in_dim3A_257 = arith.constant 1.000000e+00 : f32
    %broadcast_in_dim3A_258 = vector.broadcast %broadcast_in_dim3A_257 : f32 to vector<16xf32>
    %swap3A_259 = arith.constant 32 : i32
    %swap3A_260 = arith.index_cast %swap3A_259 : i32 to index
    %swap3A_261 = arith.constant 0 : index
    %swap3A_262 = tpu.vector_load %arg7[%swap3A_260, %swap3A_261] {strides = array<i32>} : memref<128x16xf32, #tpu.memory_space<vmem>>, vector<1x16xf32>,
    %swap3A_263 = vector.shape_cast %swap3A_262 : vector<1x16xf32> to vector<16xf32>
    %swap3A_264 = vector.shape_cast %broadcast_in_dim3A_258 : vector<16xf32> to vector<1x16xf32>
    tpu.vector_store %arg7[%swap3A_260, %swap3A_261], %swap3A_264 {strides = array<i32>} : memref<128x16xf32, #tpu.memory_space<vmem>>, vector<1x16xf32>,
    %broadcast_in_dim3A_265 = arith.constant 1.000000e+00 : f32
    %broadcast_in_dim3A_266 = vector.broadcast %broadcast_in_dim3A_265 : f32 to vector<16xf32>
    %swap3A_267 = arith.constant 33 : i32
    %swap3A_268 = arith.index_cast %swap3A_267 : i32 to index
    %swap3A_269 = arith.constant 0 : index
    %swap3A_270 = tpu.vector_load %arg7[%swap3A_268, %swap3A_269] {strides = array<i32>} : memref<128x16xf32, #tpu.memory_space<vmem>>, vector<1x16xf32>,
    %swap3A_271 = vector.shape_cast %swap3A_270 : vector<1x16xf32> to vector<16xf32>
    %swap3A_272 = vector.shape_cast %broadcast_in_dim3A_266 : vector<16xf32> to vector<1x16xf32>
    tpu.vector_store %arg7[%swap3A_268, %swap3A_269], %swap3A_272 {strides = array<i32>} : memref<128x16xf32, #tpu.memory_space<vmem>>, vector<1x16xf32>,
    %broadcast_in_dim3A_273 = arith.constant 1.000000e+00 : f32
    %broadcast_in_dim3A_274 = vector.broadcast %broadcast_in_dim3A_273 : f32 to vector<16xf32>
    %swap3A_275 = arith.constant 34 : i32
    %swap3A_276 = arith.index_cast %swap3A_275 : i32 to index
    %swap3A_277 = arith.constant 0 : index
    %swap3A_278 = tpu.vector_load %arg7[%swap3A_276, %swap3A_277] {strides = array<i32>} : memref<128x16xf32, #tpu.memory_space<vmem>>, vector<1x16xf32>,
    %swap3A_279 = vector.shape_cast %swap3A_278 : vector<1x16xf32> to vector<16xf32>
    %swap3A_280 = vector.shape_cast %broadcast_in_dim3A_274 : vector<16xf32> to vector<1x16xf32>
    tpu.vector_store %arg7[%swap3A_276, %swap3A_277], %swap3A_280 {strides = array<i32>} : memref<128x16xf32, #tpu.memory_space<vmem>>, vector<1x16xf32>,
    %broadcast_in_dim3A_281 = arith.constant 1.000000e+00 : f32
    %broadcast_in_dim3A_282 = vector.broadcast %broadcast_in_dim3A_281 : f32 to vector<16xf32>
    %swap3A_283 = arith.constant 35 : i32
    %swap3A_284 = arith.index_cast %swap3A_283 : i32 to index
    %swap3A_285 = arith.constant 0 : index
    %swap3A_286 = tpu.vector_load %arg7[%swap3A_284, %swap3A_285] {strides = array<i32>} : memref<128x16xf32, #tpu.memory_space<vmem>>, vector<1x16xf32>,
    %swap3A_287 = vector.shape_cast %swap3A_286 : vector<1x16xf32> to vector<16xf32>
    %swap3A_288 = vector.shape_cast %broadcast_in_dim3A_282 : vector<16xf32> to vector<1x16xf32>
    tpu.vector_store %arg7[%swap3A_284, %swap3A_285], %swap3A_288 {strides = array<i32>} : memref<128x16xf32, #tpu.memory_space<vmem>>, vector<1x16xf32>,
    %broadcast_in_dim3A_289 = arith.constant 1.000000e+00 : f32
    %broadcast_in_dim3A_290 = vector.broadcast %broadcast_in_dim3A_289 : f32 to vector<16xf32>
    %swap3A_291 = arith.constant 36 : i32
    %swap3A_292 = arith.index_cast %swap3A_291 : i32 to index
    %swap3A_293 = arith.constant 0 : index
    %swap3A_294 = tpu.vector_load %arg7[%swap3A_292, %swap3A_293] {strides = array<i32>} : memref<128x16xf32, #tpu.memory_space<vmem>>, vector<1x16xf32>,
    %swap3A_295 = vector.shape_cast %swap3A_294 : vector<1x16xf32> to vector<16xf32>
    %swap3A_296 = vector.shape_cast %broadcast_in_dim3A_290 : vector<16xf32> to vector<1x16xf32>
    tpu.vector_store %arg7[%swap3A_292, %swap3A_293], %swap3A_296 {strides = array<i32>} : memref<128x16xf32, #tpu.memory_space<vmem>>, vector<1x16xf32>,
    %broadcast_in_dim3A_297 = arith.constant 1.000000e+00 : f32
    %broadcast_in_dim3A_298 = vector.broadcast %broadcast_in_dim3A_297 : f32 to vector<16xf32>
    %swap3A_299 = arith.constant 37 : i32
    %swap3A_300 = arith.index_cast %swap3A_299 : i32 to index
    %swap3A_301 = arith.constant 0 : index
    %swap3A_302 = tpu.vector_load %arg7[%swap3A_300, %swap3A_301] {strides = array<i32>} : memref<128x16xf32, #tpu.memory_space<vmem>>, vector<1x16xf32>,
    %swap3A_303 = vector.shape_cast %swap3A_302 : vector<1x16xf32> to vector<16xf32>
    %swap3A_304 = vector.shape_cast %broadcast_in_dim3A_298 : vector<16xf32> to vector<1x16xf32>
    tpu.vector_store %arg7[%swap3A_300, %swap3A_301], %swap3A_304 {strides = array<i32>} : memref<128x16xf32, #tpu.memory_space<vmem>>, vector<1x16xf32>,
    %broadcast_in_dim3A_305 = arith.constant 1.000000e+00 : f32
    %broadcast_in_dim3A_306 = vector.broadcast %broadcast_in_dim3A_305 : f32 to vector<16xf32>
    %swap3A_307 = arith.constant 38 : i32
    %swap3A_308 = arith.index_cast %swap3A_307 : i32 to index
    %swap3A_309 = arith.constant 0 : index
    %swap3A_310 = tpu.vector_load %arg7[%swap3A_308, %swap3A_309] {strides = array<i32>} : memref<128x16xf32, #tpu.memory_space<vmem>>, vector<1x16xf32>,
    %swap3A_311 = vector.shape_cast %swap3A_310 : vector<1x16xf32> to vector<16xf32>
    %swap3A_312 = vector.shape_cast %broadcast_in_dim3A_306 : vector<16xf32> to vector<1x16xf32>
    tpu.vector_store %arg7[%swap3A_308, %swap3A_309], %swap3A_312 {strides = array<i32>} : memref<128x16xf32, #tpu.memory_space<vmem>>, vector<1x16xf32>,
    %broadcast_in_dim3A_313 = arith.constant 1.000000e+00 : f32
    %broadcast_in_dim3A_314 = vector.broadcast %broadcast_in_dim3A_313 : f32 to vector<16xf32>
    %swap3A_315 = arith.constant 39 : i32
    %swap3A_316 = arith.index_cast %swap3A_315 : i32 to index
    %swap3A_317 = arith.constant 0 : index
    %swap3A_318 = tpu.vector_load %arg7[%swap3A_316, %swap3A_317] {strides = array<i32>} : memref<128x16xf32, #tpu.memory_space<vmem>>, vector<1x16xf32>,
    %swap3A_319 = vector.shape_cast %swap3A_318 : vector<1x16xf32> to vector<16xf32>
    %swap3A_320 = vector.shape_cast %broadcast_in_dim3A_314 : vector<16xf32> to vector<1x16xf32>
    tpu.vector_store %arg7[%swap3A_316, %swap3A_317], %swap3A_320 {strides = array<i32>} : memref<128x16xf32, #tpu.memory_space<vmem>>, vector<1x16xf32>,
    %broadcast_in_dim3A_321 = arith.constant 1.000000e+00 : f32
    %broadcast_in_dim3A_322 = vector.broadcast %broadcast_in_dim3A_321 : f32 to vector<16xf32>
    %swap3A_323 = arith.constant 40 : i32
    %swap3A_324 = arith.index_cast %swap3A_323 : i32 to index
    %swap3A_325 = arith.constant 0 : index
    %swap3A_326 = tpu.vector_load %arg7[%swap3A_324, %swap3A_325] {strides = array<i32>} : memref<128x16xf32, #tpu.memory_space<vmem>>, vector<1x16xf32>,
    %swap3A_327 = vector.shape_cast %swap3A_326 : vector<1x16xf32> to vector<16xf32>
    %swap3A_328 = vector.shape_cast %broadcast_in_dim3A_322 : vector<16xf32> to vector<1x16xf32>
    tpu.vector_store %arg7[%swap3A_324, %swap3A_325], %swap3A_328 {strides = array<i32>} : memref<128x16xf32, #tpu.memory_space<vmem>>, vector<1x16xf32>,
    %broadcast_in_dim3A_329 = arith.constant 1.000000e+00 : f32
    %broadcast_in_dim3A_330 = vector.broadcast %broadcast_in_dim3A_329 : f32 to vector<16xf32>
    %swap3A_331 = arith.constant 41 : i32
    %swap3A_332 = arith.index_cast %swap3A_331 : i32 to index
    %swap3A_333 = arith.constant 0 : index
    %swap3A_334 = tpu.vector_load %arg7[%swap3A_332, %swap3A_333] {strides = array<i32>} : memref<128x16xf32, #tpu.memory_space<vmem>>, vector<1x16xf32>,
    %swap3A_335 = vector.shape_cast %swap3A_334 : vector<1x16xf32> to vector<16xf32>
    %swap3A_336 = vector.shape_cast %broadcast_in_dim3A_330 : vector<16xf32> to vector<1x16xf32>
    tpu.vector_store %arg7[%swap3A_332, %swap3A_333], %swap3A_336 {strides = array<i32>} : memref<128x16xf32, #tpu.memory_space<vmem>>, vector<1x16xf32>,
    %broadcast_in_dim3A_337 = arith.constant 1.000000e+00 : f32
    %broadcast_in_dim3A_338 = vector.broadcast %broadcast_in_dim3A_337 : f32 to vector<16xf32>
    %swap3A_339 = arith.constant 42 : i32
    %swap3A_340 = arith.index_cast %swap3A_339 : i32 to index
    %swap3A_341 = arith.constant 0 : index
    %swap3A_342 = tpu.vector_load %arg7[%swap3A_340, %swap3A_341] {strides = array<i32>} : memref<128x16xf32, #tpu.memory_space<vmem>>, vector<1x16xf32>,
    %swap3A_343 = vector.shape_cast %swap3A_342 : vector<1x16xf32> to vector<16xf32>
    %swap3A_344 = vector.shape_cast %broadcast_in_dim3A_338 : vector<16xf32> to vector<1x16xf32>
    tpu.vector_store %arg7[%swap3A_340, %swap3A_341], %swap3A_344 {strides = array<i32>} : memref<128x16xf32, #tpu.memory_space<vmem>>, vector<1x16xf32>,
    %broadcast_in_dim3A_345 = arith.constant 1.000000e+00 : f32
    %broadcast_in_dim3A_346 = vector.broadcast %broadcast_in_dim3A_345 : f32 to vector<16xf32>
    %swap3A_347 = arith.constant 43 : i32
    %swap3A_348 = arith.index_cast %swap3A_347 : i32 to index
    %swap3A_349 = arith.constant 0 : index
    %swap3A_350 = tpu.vector_load %arg7[%swap3A_348, %swap3A_349] {strides = array<i32>} : memref<128x16xf32, #tpu.memory_space<vmem>>, vector<1x16xf32>,
    %swap3A_351 = vector.shape_cast %swap3A_350 : vector<1x16xf32> to vector<16xf32>
    %swap3A_352 = vector.shape_cast %broadcast_in_dim3A_346 : vector<16xf32> to vector<1x16xf32>
    tpu.vector_store %arg7[%swap3A_348, %swap3A_349], %swap3A_352 {strides = array<i32>} : memref<128x16xf32, #tpu.memory_space<vmem>>, vector<1x16xf32>,
    %broadcast_in_dim3A_353 = arith.constant 1.000000e+00 : f32
    %broadcast_in_dim3A_354 = vector.broadcast %broadcast_in_dim3A_353 : f32 to vector<16xf32>
    %swap3A_355 = arith.constant 44 : i32
    %swap3A_356 = arith.index_cast %swap3A_355 : i32 to index
    %swap3A_357 = arith.constant 0 : index
    %swap3A_358 = tpu.vector_load %arg7[%swap3A_356, %swap3A_357] {strides = array<i32>} : memref<128x16xf32, #tpu.memory_space<vmem>>, vector<1x16xf32>,
    %swap3A_359 = vector.shape_cast %swap3A_358 : vector<1x16xf32> to vector<16xf32>
    %swap3A_360 = vector.shape_cast %broadcast_in_dim3A_354 : vector<16xf32> to vector<1x16xf32>
    tpu.vector_store %arg7[%swap3A_356, %swap3A_357], %swap3A_360 {strides = array<i32>} : memref<128x16xf32, #tpu.memory_space<vmem>>, vector<1x16xf32>,
    %broadcast_in_dim3A_361 = arith.constant 1.000000e+00 : f32
    %broadcast_in_dim3A_362 = vector.broadcast %broadcast_in_dim3A_361 : f32 to vector<16xf32>
    %swap3A_363 = arith.constant 45 : i32
    %swap3A_364 = arith.index_cast %swap3A_363 : i32 to index
    %swap3A_365 = arith.constant 0 : index
    %swap3A_366 = tpu.vector_load %arg7[%swap3A_364, %swap3A_365] {strides = array<i32>} : memref<128x16xf32, #tpu.memory_space<vmem>>, vector<1x16xf32>,
    %swap3A_367 = vector.shape_cast %swap3A_366 : vector<1x16xf32> to vector<16xf32>
    %swap3A_368 = vector.shape_cast %broadcast_in_dim3A_362 : vector<16xf32> to vector<1x16xf32>
    tpu.vector_store %arg7[%swap3A_364, %swap3A_365], %swap3A_368 {strides = array<i32>} : memref<128x16xf32, #tpu.memory_space<vmem>>, vector<1x16xf32>,
    %broadcast_in_dim3A_369 = arith.constant 1.000000e+00 : f32
    %broadcast_in_dim3A_370 = vector.broadcast %broadcast_in_dim3A_369 : f32 to vector<16xf32>
    %swap3A_371 = arith.constant 46 : i32
    %swap3A_372 = arith.index_cast %swap3A_371 : i32 to index
    %swap3A_373 = arith.constant 0 : index
    %swap3A_374 = tpu.vector_load %arg7[%swap3A_372, %swap3A_373] {strides = array<i32>} : memref<128x16xf32, #tpu.memory_space<vmem>>, vector<1x16xf32>,
    %swap3A_375 = vector.shape_cast %swap3A_374 : vector<1x16xf32> to vector<16xf32>
    %swap3A_376 = vector.shape_cast %broadcast_in_dim3A_370 : vector<16xf32> to vector<1x16xf32>
    tpu.vector_store %arg7[%swap3A_372, %swap3A_373], %swap3A_376 {strides = array<i32>} : memref<128x16xf32, #tpu.memory_space<vmem>>, vector<1x16xf32>,
    %broadcast_in_dim3A_377 = arith.constant 1.000000e+00 : f32
    %broadcast_in_dim3A_378 = vector.broadcast %broadcast_in_dim3A_377 : f32 to vector<16xf32>
    %swap3A_379 = arith.constant 47 : i32
    %swap3A_380 = arith.index_cast %swap3A_379 : i32 to index
    %swap3A_381 = arith.constant 0 : index
    %swap3A_382 = tpu.vector_load %arg7[%swap3A_380, %swap3A_381] {strides = array<i32>} : memref<128x16xf32, #tpu.memory_space<vmem>>, vector<1x16xf32>,
    %swap3A_383 = vector.shape_cast %swap3A_382 : vector<1x16xf32> to vector<16xf32>
    %swap3A_384 = vector.shape_cast %broadcast_in_dim3A_378 : vector<16xf32> to vector<1x16xf32>
    tpu.vector_store %arg7[%swap3A_380, %swap3A_381], %swap3A_384 {strides = array<i32>} : memref<128x16xf32, #tpu.memory_space<vmem>>, vector<1x16xf32>,
    %broadcast_in_dim3A_385 = arith.constant 1.000000e+00 : f32
    %broadcast_in_dim3A_386 = vector.broadcast %broadcast_in_dim3A_385 : f32 to vector<16xf32>
    %swap3A_387 = arith.constant 48 : i32
    %swap3A_388 = arith.index_cast %swap3A_387 : i32 to index
    %swap3A_389 = arith.constant 0 : index
    %swap3A_390 = tpu.vector_load %arg7[%swap3A_388, %swap3A_389] {strides = array<i32>} : memref<128x16xf32, #tpu.memory_space<vmem>>, vector<1x16xf32>,
    %swap3A_391 = vector.shape_cast %swap3A_390 : vector<1x16xf32> to vector<16xf32>
    %swap3A_392 = vector.shape_cast %broadcast_in_dim3A_386 : vector<16xf32> to vector<1x16xf32>
    tpu.vector_store %arg7[%swap3A_388, %swap3A_389], %swap3A_392 {strides = array<i32>} : memref<128x16xf32, #tpu.memory_space<vmem>>, vector<1x16xf32>,
    %broadcast_in_dim3A_393 = arith.constant 1.000000e+00 : f32
    %broadcast_in_dim3A_394 = vector.broadcast %broadcast_in_dim3A_393 : f32 to vector<16xf32>
    %swap3A_395 = arith.constant 49 : i32
    %swap3A_396 = arith.index_cast %swap3A_395 : i32 to index
    %swap3A_397 = arith.constant 0 : index
    %swap3A_398 = tpu.vector_load %arg7[%swap3A_396, %swap3A_397] {strides = array<i32>} : memref<128x16xf32, #tpu.memory_space<vmem>>, vector<1x16xf32>,
    %swap3A_399 = vector.shape_cast %swap3A_398 : vector<1x16xf32> to vector<16xf32>
    %swap3A_400 = vector.shape_cast %broadcast_in_dim3A_394 : vector<16xf32> to vector<1x16xf32>
    tpu.vector_store %arg7[%swap3A_396, %swap3A_397], %swap3A_400 {strides = array<i32>} : memref<128x16xf32, #tpu.memory_space<vmem>>, vector<1x16xf32>,
    %broadcast_in_dim3A_401 = arith.constant 1.000000e+00 : f32
    %broadcast_in_dim3A_402 = vector.broadcast %broadcast_in_dim3A_401 : f32 to vector<16xf32>
    %swap3A_403 = arith.constant 50 : i32
    %swap3A_404 = arith.index_cast %swap3A_403 : i32 to index
    %swap3A_405 = arith.constant 0 : index
    %swap3A_406 = tpu.vector_load %arg7[%swap3A_404, %swap3A_405] {strides = array<i32>} : memref<128x16xf32, #tpu.memory_space<vmem>>, vector<1x16xf32>,
    %swap3A_407 = vector.shape_cast %swap3A_406 : vector<1x16xf32> to vector<16xf32>
    %swap3A_408 = vector.shape_cast %broadcast_in_dim3A_402 : vector<16xf32> to vector<1x16xf32>
    tpu.vector_store %arg7[%swap3A_404, %swap3A_405], %swap3A_408 {strides = array<i32>} : memref<128x16xf32, #tpu.memory_space<vmem>>, vector<1x16xf32>,
    %broadcast_in_dim3A_409 = arith.constant 1.000000e+00 : f32
    %broadcast_in_dim3A_410 = vector.broadcast %broadcast_in_dim3A_409 : f32 to vector<16xf32>
    %swap3A_411 = arith.constant 51 : i32
    %swap3A_412 = arith.index_cast %swap3A_411 : i32 to index
    %swap3A_413 = arith.constant 0 : index
    %swap3A_414 = tpu.vector_load %arg7[%swap3A_412, %swap3A_413] {strides = array<i32>} : memref<128x16xf32, #tpu.memory_space<vmem>>, vector<1x16xf32>,
    %swap3A_415 = vector.shape_cast %swap3A_414 : vector<1x16xf32> to vector<16xf32>
    %swap3A_416 = vector.shape_cast %broadcast_in_dim3A_410 : vector<16xf32> to vector<1x16xf32>
    tpu.vector_store %arg7[%swap3A_412, %swap3A_413], %swap3A_416 {strides = array<i32>} : memref<128x16xf32, #tpu.memory_space<vmem>>, vector<1x16xf32>,
    %broadcast_in_dim3A_417 = arith.constant 1.000000e+00 : f32
    %broadcast_in_dim3A_418 = vector.broadcast %broadcast_in_dim3A_417 : f32 to vector<16xf32>
    %swap3A_419 = arith.constant 52 : i32
    %swap3A_420 = arith.index_cast %swap3A_419 : i32 to index
    %swap3A_421 = arith.constant 0 : index
    %swap3A_422 = tpu.vector_load %arg7[%swap3A_420, %swap3A_421] {strides = array<i32>} : memref<128x16xf32, #tpu.memory_space<vmem>>, vector<1x16xf32>,
    %swap3A_423 = vector.shape_cast %swap3A_422 : vector<1x16xf32> to vector<16xf32>
    %swap3A_424 = vector.shape_cast %broadcast_in_dim3A_418 : vector<16xf32> to vector<1x16xf32>
    tpu.vector_store %arg7[%swap3A_420, %swap3A_421], %swap3A_424 {strides = array<i32>} : memref<128x16xf32, #tpu.memory_space<vmem>>, vector<1x16xf32>,
    %broadcast_in_dim3A_425 = arith.constant 1.000000e+00 : f32
    %broadcast_in_dim3A_426 = vector.broadcast %broadcast_in_dim3A_425 : f32 to vector<16xf32>
    %swap3A_427 = arith.constant 53 : i32
    %swap3A_428 = arith.index_cast %swap3A_427 : i32 to index
    %swap3A_429 = arith.constant 0 : index
    %swap3A_430 = tpu.vector_load %arg7[%swap3A_428, %swap3A_429] {strides = array<i32>} : memref<128x16xf32, #tpu.memory_space<vmem>>, vector<1x16xf32>,
    %swap3A_431 = vector.shape_cast %swap3A_430 : vector<1x16xf32> to vector<16xf32>
    %swap3A_432 = vector.shape_cast %broadcast_in_dim3A_426 : vector<16xf32> to vector<1x16xf32>
    tpu.vector_store %arg7[%swap3A_428, %swap3A_429], %swap3A_432 {strides = array<i32>} : memref<128x16xf32, #tpu.memory_space<vmem>>, vector<1x16xf32>,
    %broadcast_in_dim3A_433 = arith.constant 1.000000e+00 : f32
    %broadcast_in_dim3A_434 = vector.broadcast %broadcast_in_dim3A_433 : f32 to vector<16xf32>
    %swap3A_435 = arith.constant 54 : i32
    %swap3A_436 = arith.index_cast %swap3A_435 : i32 to index
    %swap3A_437 = arith.constant 0 : index
    %swap3A_438 = tpu.vector_load %arg7[%swap3A_436, %swap3A_437] {strides = array<i32>} : memref<128x16xf32, #tpu.memory_space<vmem>>, vector<1x16xf32>,
    %swap3A_439 = vector.shape_cast %swap3A_438 : vector<1x16xf32> to vector<16xf32>
    %swap3A_440 = vector.shape_cast %broadcast_in_dim3A_434 : vector<16xf32> to vector<1x16xf32>
    tpu.vector_store %arg7[%swap3A_436, %swap3A_437], %swap3A_440 {strides = array<i32>} : memref<128x16xf32, #tpu.memory_space<vmem>>, vector<1x16xf32>,
    %broadcast_in_dim3A_441 = arith.constant 1.000000e+00 : f32
    %broadcast_in_dim3A_442 = vector.broadcast %broadcast_in_dim3A_441 : f32 to vector<16xf32>
    %swap3A_443 = arith.constant 55 : i32
    %swap3A_444 = arith.index_cast %swap3A_443 : i32 to index
    %swap3A_445 = arith.constant 0 : index
    %swap3A_446 = tpu.vector_load %arg7[%swap3A_444, %swap3A_445] {strides = array<i32>} : memref<128x16xf32, #tpu.memory_space<vmem>>, vector<1x16xf32>,
    %swap3A_447 = vector.shape_cast %swap3A_446 : vector<1x16xf32> to vector<16xf32>
    %swap3A_448 = vector.shape_cast %broadcast_in_dim3A_442 : vector<16xf32> to vector<1x16xf32>
    tpu.vector_store %arg7[%swap3A_444, %swap3A_445], %swap3A_448 {strides = array<i32>} : memref<128x16xf32, #tpu.memory_space<vmem>>, vector<1x16xf32>,
    %broadcast_in_dim3A_449 = arith.constant 1.000000e+00 : f32
    %broadcast_in_dim3A_450 = vector.broadcast %broadcast_in_dim3A_449 : f32 to vector<16xf32>
    %swap3A_451 = arith.constant 56 : i32
    %swap3A_452 = arith.index_cast %swap3A_451 : i32 to index
    %swap3A_453 = arith.constant 0 : index
    %swap3A_454 = tpu.vector_load %arg7[%swap3A_452, %swap3A_453] {strides = array<i32>} : memref<128x16xf32, #tpu.memory_space<vmem>>, vector<1x16xf32>,
    %swap3A_455 = vector.shape_cast %swap3A_454 : vector<1x16xf32> to vector<16xf32>
    %swap3A_456 = vector.shape_cast %broadcast_in_dim3A_450 : vector<16xf32> to vector<1x16xf32>
    tpu.vector_store %arg7[%swap3A_452, %swap3A_453], %swap3A_456 {strides = array<i32>} : memref<128x16xf32, #tpu.memory_space<vmem>>, vector<1x16xf32>,
    %broadcast_in_dim3A_457 = arith.constant 1.000000e+00 : f32
    %broadcast_in_dim3A_458 = vector.broadcast %broadcast_in_dim3A_457 : f32 to vector<16xf32>
    %swap3A_459 = arith.constant 57 : i32
    %swap3A_460 = arith.index_cast %swap3A_459 : i32 to index
    %swap3A_461 = arith.constant 0 : index
    %swap3A_462 = tpu.vector_load %arg7[%swap3A_460, %swap3A_461] {strides = array<i32>} : memref<128x16xf32, #tpu.memory_space<vmem>>, vector<1x16xf32>,
    %swap3A_463 = vector.shape_cast %swap3A_462 : vector<1x16xf32> to vector<16xf32>
    %swap3A_464 = vector.shape_cast %broadcast_in_dim3A_458 : vector<16xf32> to vector<1x16xf32>
    tpu.vector_store %arg7[%swap3A_460, %swap3A_461], %swap3A_464 {strides = array<i32>} : memref<128x16xf32, #tpu.memory_space<vmem>>, vector<1x16xf32>,
    %broadcast_in_dim3A_465 = arith.constant 1.000000e+00 : f32
    %broadcast_in_dim3A_466 = vector.broadcast %broadcast_in_dim3A_465 : f32 to vector<16xf32>
    %swap3A_467 = arith.constant 58 : i32
    %swap3A_468 = arith.index_cast %swap3A_467 : i32 to index
    %swap3A_469 = arith.constant 0 : index
    %swap3A_470 = tpu.vector_load %arg7[%swap3A_468, %swap3A_469] {strides = array<i32>} : memref<128x16xf32, #tpu.memory_space<vmem>>, vector<1x16xf32>,
    %swap3A_471 = vector.shape_cast %swap3A_470 : vector<1x16xf32> to vector<16xf32>
    %swap3A_472 = vector.shape_cast %broadcast_in_dim3A_466 : vector<16xf32> to vector<1x16xf32>
    tpu.vector_store %arg7[%swap3A_468, %swap3A_469], %swap3A_472 {strides = array<i32>} : memref<128x16xf32, #tpu.memory_space<vmem>>, vector<1x16xf32>,
    %broadcast_in_dim3A_473 = arith.constant 1.000000e+00 : f32
    %broadcast_in_dim3A_474 = vector.broadcast %broadcast_in_dim3A_473 : f32 to vector<16xf32>
    %swap3A_475 = arith.constant 59 : i32
    %swap3A_476 = arith.index_cast %swap3A_475 : i32 to index
    %swap3A_477 = arith.constant 0 : index
    %swap3A_478 = tpu.vector_load %arg7[%swap3A_476, %swap3A_477] {strides = array<i32>} : memref<128x16xf32, #tpu.memory_space<vmem>>, vector<1x16xf32>,
    %swap3A_479 = vector.shape_cast %swap3A_478 : vector<1x16xf32> to vector<16xf32>
    %swap3A_480 = vector.shape_cast %broadcast_in_dim3A_474 : vector<16xf32> to vector<1x16xf32>
    tpu.vector_store %arg7[%swap3A_476, %swap3A_477], %swap3A_480 {strides = array<i32>} : memref<128x16xf32, #tpu.memory_space<vmem>>, vector<1x16xf32>,
    %broadcast_in_dim3A_481 = arith.constant 1.000000e+00 : f32
    %broadcast_in_dim3A_482 = vector.broadcast %broadcast_in_dim3A_481 : f32 to vector<16xf32>
    %swap3A_483 = arith.constant 60 : i32
    %swap3A_484 = arith.index_cast %swap3A_483 : i32 to index
    %swap3A_485 = arith.constant 0 : index
    %swap3A_486 = tpu.vector_load %arg7[%swap3A_484, %swap3A_485] {strides = array<i32>} : memref<128x16xf32, #tpu.memory_space<vmem>>, vector<1x16xf32>,
    %swap3A_487 = vector.shape_cast %swap3A_486 : vector<1x16xf32> to vector<16xf32>
    %swap3A_488 = vector.shape_cast %broadcast_in_dim3A_482 : vector<16xf32> to vector<1x16xf32>
    tpu.vector_store %arg7[%swap3A_484, %swap3A_485], %swap3A_488 {strides = array<i32>} : memref<128x16xf32, #tpu.memory_space<vmem>>, vector<1x16xf32>,
    %broadcast_in_dim3A_489 = arith.constant 1.000000e+00 : f32
    %broadcast_in_dim3A_490 = vector.broadcast %broadcast_in_dim3A_489 : f32 to vector<16xf32>
    %swap3A_491 = arith.constant 61 : i32
    %swap3A_492 = arith.index_cast %swap3A_491 : i32 to index
    %swap3A_493 = arith.constant 0 : index
    %swap3A_494 = tpu.vector_load %arg7[%swap3A_492, %swap3A_493] {strides = array<i32>} : memref<128x16xf32, #tpu.memory_space<vmem>>, vector<1x16xf32>,
    %swap3A_495 = vector.shape_cast %swap3A_494 : vector<1x16xf32> to vector<16xf32>
    %swap3A_496 = vector.shape_cast %broadcast_in_dim3A_490 : vector<16xf32> to vector<1x16xf32>
    tpu.vector_store %arg7[%swap3A_492, %swap3A_493], %swap3A_496 {strides = array<i32>} : memref<128x16xf32, #tpu.memory_space<vmem>>, vector<1x16xf32>,
    %broadcast_in_dim3A_497 = arith.constant 1.000000e+00 : f32
    %broadcast_in_dim3A_498 = vector.broadcast %broadcast_in_dim3A_497 : f32 to vector<16xf32>
    %swap3A_499 = arith.constant 62 : i32
    %swap3A_500 = arith.index_cast %swap3A_499 : i32 to index
    %swap3A_501 = arith.constant 0 : index
    %swap3A_502 = tpu.vector_load %arg7[%swap3A_500, %swap3A_501] {strides = array<i32>} : memref<128x16xf32, #tpu.memory_space<vmem>>, vector<1x16xf32>,
    %swap3A_503 = vector.shape_cast %swap3A_502 : vector<1x16xf32> to vector<16xf32>
    %swap3A_504 = vector.shape_cast %broadcast_in_dim3A_498 : vector<16xf32> to vector<1x16xf32>
    tpu.vector_store %arg7[%swap3A_500, %swap3A_501], %swap3A_504 {strides = array<i32>} : memref<128x16xf32, #tpu.memory_space<vmem>>, vector<1x16xf32>,
    %broadcast_in_dim3A_505 = arith.constant 1.000000e+00 : f32
    %broadcast_in_dim3A_506 = vector.broadcast %broadcast_in_dim3A_505 : f32 to vector<16xf32>
    %swap3A_507 = arith.constant 63 : i32
    %swap3A_508 = arith.index_cast %swap3A_507 : i32 to index
    %swap3A_509 = arith.constant 0 : index
    %swap3A_510 = tpu.vector_load %arg7[%swap3A_508, %swap3A_509] {strides = array<i32>} : memref<128x16xf32, #tpu.memory_space<vmem>>, vector<1x16xf32>,
    %swap3A_511 = vector.shape_cast %swap3A_510 : vector<1x16xf32> to vector<16xf32>
    %swap3A_512 = vector.shape_cast %broadcast_in_dim3A_506 : vector<16xf32> to vector<1x16xf32>
    tpu.vector_store %arg7[%swap3A_508, %swap3A_509], %swap3A_512 {strides = array<i32>} : memref<128x16xf32, #tpu.memory_space<vmem>>, vector<1x16xf32>,
    %broadcast_in_dim3A_513 = arith.constant 1.000000e+00 : f32
    %broadcast_in_dim3A_514 = vector.broadcast %broadcast_in_dim3A_513 : f32 to vector<16xf32>
    %swap3A_515 = arith.constant 64 : i32
    %swap3A_516 = arith.index_cast %swap3A_515 : i32 to index
    %swap3A_517 = arith.constant 0 : index
    %swap3A_518 = tpu.vector_load %arg7[%swap3A_516, %swap3A_517] {strides = array<i32>} : memref<128x16xf32, #tpu.memory_space<vmem>>, vector<1x16xf32>,
    %swap3A_519 = vector.shape_cast %swap3A_518 : vector<1x16xf32> to vector<16xf32>
    %swap3A_520 = vector.shape_cast %broadcast_in_dim3A_514 : vector<16xf32> to vector<1x16xf32>
    tpu.vector_store %arg7[%swap3A_516, %swap3A_517], %swap3A_520 {strides = array<i32>} : memref<128x16xf32, #tpu.memory_space<vmem>>, vector<1x16xf32>,
    %broadcast_in_dim3A_521 = arith.constant 1.000000e+00 : f32
    %broadcast_in_dim3A_522 = vector.broadcast %broadcast_in_dim3A_521 : f32 to vector<16xf32>
    %swap3A_523 = arith.constant 65 : i32
    %swap3A_524 = arith.index_cast %swap3A_523 : i32 to index
    %swap3A_525 = arith.constant 0 : index
    %swap3A_526 = tpu.vector_load %arg7[%swap3A_524, %swap3A_525] {strides = array<i32>} : memref<128x16xf32, #tpu.memory_space<vmem>>, vector<1x16xf32>,
    %swap3A_527 = vector.shape_cast %swap3A_526 : vector<1x16xf32> to vector<16xf32>
    %swap3A_528 = vector.shape_cast %broadcast_in_dim3A_522 : vector<16xf32> to vector<1x16xf32>
    tpu.vector_store %arg7[%swap3A_524, %swap3A_525], %swap3A_528 {strides = array<i32>} : memref<128x16xf32, #tpu.memory_space<vmem>>, vector<1x16xf32>,
    %broadcast_in_dim3A_529 = arith.constant 1.000000e+00 : f32
    %broadcast_in_dim3A_530 = vector.broadcast %broadcast_in_dim3A_529 : f32 to vector<16xf32>
    %swap3A_531 = arith.constant 66 : i32
    %swap3A_532 = arith.index_cast %swap3A_531 : i32 to index
    %swap3A_533 = arith.constant 0 : index
    %swap3A_534 = tpu.vector_load %arg7[%swap3A_532, %swap3A_533] {strides = array<i32>} : memref<128x16xf32, #tpu.memory_space<vmem>>, vector<1x16xf32>,
    %swap3A_535 = vector.shape_cast %swap3A_534 : vector<1x16xf32> to vector<16xf32>
    %swap3A_536 = vector.shape_cast %broadcast_in_dim3A_530 : vector<16xf32> to vector<1x16xf32>
    tpu.vector_store %arg7[%swap3A_532, %swap3A_533], %swap3A_536 {strides = array<i32>} : memref<128x16xf32, #tpu.memory_space<vmem>>, vector<1x16xf32>,
    %broadcast_in_dim3A_537 = arith.constant 1.000000e+00 : f32
    %broadcast_in_dim3A_538 = vector.broadcast %broadcast_in_dim3A_537 : f32 to vector<16xf32>
    %swap3A_539 = arith.constant 67 : i32
    %swap3A_540 = arith.index_cast %swap3A_539 : i32 to index
    %swap3A_541 = arith.constant 0 : index
    %swap3A_542 = tpu.vector_load %arg7[%swap3A_540, %swap3A_541] {strides = array<i32>} : memref<128x16xf32, #tpu.memory_space<vmem>>, vector<1x16xf32>,
    %swap3A_543 = vector.shape_cast %swap3A_542 : vector<1x16xf32> to vector<16xf32>
    %swap3A_544 = vector.shape_cast %broadcast_in_dim3A_538 : vector<16xf32> to vector<1x16xf32>
    tpu.vector_store %arg7[%swap3A_540, %swap3A_541], %swap3A_544 {strides = array<i32>} : memref<128x16xf32, #tpu.memory_space<vmem>>, vector<1x16xf32>,
    %broadcast_in_dim3A_545 = arith.constant 1.000000e+00 : f32
    %broadcast_in_dim3A_546 = vector.broadcast %broadcast_in_dim3A_545 : f32 to vector<16xf32>
    %swap3A_547 = arith.constant 68 : i32
    %swap3A_548 = arith.index_cast %swap3A_547 : i32 to index
    %swap3A_549 = arith.constant 0 : index
    %swap3A_550 = tpu.vector_load %arg7[%swap3A_548, %swap3A_549] {strides = array<i32>} : memref<128x16xf32, #tpu.memory_space<vmem>>, vector<1x16xf32>,
    %swap3A_551 = vector.shape_cast %swap3A_550 : vector<1x16xf32> to vector<16xf32>
    %swap3A_552 = vector.shape_cast %broadcast_in_dim3A_546 : vector<16xf32> to vector<1x16xf32>
    tpu.vector_store %arg7[%swap3A_548, %swap3A_549], %swap3A_552 {strides = array<i32>} : memref<128x16xf32, #tpu.memory_space<vmem>>, vector<1x16xf32>,
    %broadcast_in_dim3A_553 = arith.constant 1.000000e+00 : f32
    %broadcast_in_dim3A_554 = vector.broadcast %broadcast_in_dim3A_553 : f32 to vector<16xf32>
    %swap3A_555 = arith.constant 69 : i32
    %swap3A_556 = arith.index_cast %swap3A_555 : i32 to index
    %swap3A_557 = arith.constant 0 : index
    %swap3A_558 = tpu.vector_load %arg7[%swap3A_556, %swap3A_557] {strides = array<i32>} : memref<128x16xf32, #tpu.memory_space<vmem>>, vector<1x16xf32>,
    %swap3A_559 = vector.shape_cast %swap3A_558 : vector<1x16xf32> to vector<16xf32>
    %swap3A_560 = vector.shape_cast %broadcast_in_dim3A_554 : vector<16xf32> to vector<1x16xf32>
    tpu.vector_store %arg7[%swap3A_556, %swap3A_557], %swap3A_560 {strides = array<i32>} : memref<128x16xf32, #tpu.memory_space<vmem>>, vector<1x16xf32>,
    %broadcast_in_dim3A_561 = arith.constant 1.000000e+00 : f32
    %broadcast_in_dim3A_562 = vector.broadcast %broadcast_in_dim3A_561 : f32 to vector<16xf32>
    %swap3A_563 = arith.constant 70 : i32
    %swap3A_564 = arith.index_cast %swap3A_563 : i32 to index
    %swap3A_565 = arith.constant 0 : index
    %swap3A_566 = tpu.vector_load %arg7[%swap3A_564, %swap3A_565] {strides = array<i32>} : memref<128x16xf32, #tpu.memory_space<vmem>>, vector<1x16xf32>,
    %swap3A_567 = vector.shape_cast %swap3A_566 : vector<1x16xf32> to vector<16xf32>
    %swap3A_568 = vector.shape_cast %broadcast_in_dim3A_562 : vector<16xf32> to vector<1x16xf32>
    tpu.vector_store %arg7[%swap3A_564, %swap3A_565], %swap3A_568 {strides = array<i32>} : memref<128x16xf32, #tpu.memory_space<vmem>>, vector<1x16xf32>,
    %broadcast_in_dim3A_569 = arith.constant 1.000000e+00 : f32
    %broadcast_in_dim3A_570 = vector.broadcast %broadcast_in_dim3A_569 : f32 to vector<16xf32>
    %swap3A_571 = arith.constant 71 : i32
    %swap3A_572 = arith.index_cast %swap3A_571 : i32 to index
    %swap3A_573 = arith.constant 0 : index
    %swap3A_574 = tpu.vector_load %arg7[%swap3A_572, %swap3A_573] {strides = array<i32>} : memref<128x16xf32, #tpu.memory_space<vmem>>, vector<1x16xf32>,
    %swap3A_575 = vector.shape_cast %swap3A_574 : vector<1x16xf32> to vector<16xf32>
    %swap3A_576 = vector.shape_cast %broadcast_in_dim3A_570 : vector<16xf32> to vector<1x16xf32>
    tpu.vector_store %arg7[%swap3A_572, %swap3A_573], %swap3A_576 {strides = array<i32>} : memref<128x16xf32, #tpu.memory_space<vmem>>, vector<1x16xf32>,
    %broadcast_in_dim3A_577 = arith.constant 1.000000e+00 : f32
    %broadcast_in_dim3A_578 = vector.broadcast %broadcast_in_dim3A_577 : f32 to vector<16xf32>
    %swap3A_579 = arith.constant 72 : i32
    %swap3A_580 = arith.index_cast %swap3A_579 : i32 to index
    %swap3A_581 = arith.constant 0 : index
    %swap3A_582 = tpu.vector_load %arg7[%swap3A_580, %swap3A_581] {strides = array<i32>} : memref<128x16xf32, #tpu.memory_space<vmem>>, vector<1x16xf32>,
    %swap3A_583 = vector.shape_cast %swap3A_582 : vector<1x16xf32> to vector<16xf32>
    %swap3A_584 = vector.shape_cast %broadcast_in_dim3A_578 : vector<16xf32> to vector<1x16xf32>
    tpu.vector_store %arg7[%swap3A_580, %swap3A_581], %swap3A_584 {strides = array<i32>} : memref<128x16xf32, #tpu.memory_space<vmem>>, vector<1x16xf32>,
    %broadcast_in_dim3A_585 = arith.constant 1.000000e+00 : f32
    %broadcast_in_dim3A_586 = vector.broadcast %broadcast_in_dim3A_585 : f32 to vector<16xf32>
    %swap3A_587 = arith.constant 73 : i32
    %swap3A_588 = arith.index_cast %swap3A_587 : i32 to index
    %swap3A_589 = arith.constant 0 : index
    %swap3A_590 = tpu.vector_load %arg7[%swap3A_588, %swap3A_589] {strides = array<i32>} : memref<128x16xf32, #tpu.memory_space<vmem>>, vector<1x16xf32>,
    %swap3A_591 = vector.shape_cast %swap3A_590 : vector<1x16xf32> to vector<16xf32>
    %swap3A_592 = vector.shape_cast %broadcast_in_dim3A_586 : vector<16xf32> to vector<1x16xf32>
    tpu.vector_store %arg7[%swap3A_588, %swap3A_589], %swap3A_592 {strides = array<i32>} : memref<128x16xf32, #tpu.memory_space<vmem>>, vector<1x16xf32>,
    %broadcast_in_dim3A_593 = arith.constant 1.000000e+00 : f32
    %broadcast_in_dim3A_594 = vector.broadcast %broadcast_in_dim3A_593 : f32 to vector<16xf32>
    %swap3A_595 = arith.constant 74 : i32
    %swap3A_596 = arith.index_cast %swap3A_595 : i32 to index
    %swap3A_597 = arith.constant 0 : index
    %swap3A_598 = tpu.vector_load %arg7[%swap3A_596, %swap3A_597] {strides = array<i32>} : memref<128x16xf32, #tpu.memory_space<vmem>>, vector<1x16xf32>,
    %swap3A_599 = vector.shape_cast %swap3A_598 : vector<1x16xf32> to vector<16xf32>
    %swap3A_600 = vector.shape_cast %broadcast_in_dim3A_594 : vector<16xf32> to vector<1x16xf32>
    tpu.vector_store %arg7[%swap3A_596, %swap3A_597], %swap3A_600 {strides = array<i32>} : memref<128x16xf32, #tpu.memory_space<vmem>>, vector<1x16xf32>,
    %broadcast_in_dim3A_601 = arith.constant 1.000000e+00 : f32
    %broadcast_in_dim3A_602 = vector.broadcast %broadcast_in_dim3A_601 : f32 to vector<16xf32>
    %swap3A_603 = arith.constant 75 : i32
    %swap3A_604 = arith.index_cast %swap3A_603 : i32 to index
    %swap3A_605 = arith.constant 0 : index
    %swap3A_606 = tpu.vector_load %arg7[%swap3A_604, %swap3A_605] {strides = array<i32>} : memref<128x16xf32, #tpu.memory_space<vmem>>, vector<1x16xf32>,
    %swap3A_607 = vector.shape_cast %swap3A_606 : vector<1x16xf32> to vector<16xf32>
    %swap3A_608 = vector.shape_cast %broadcast_in_dim3A_602 : vector<16xf32> to vector<1x16xf32>
    tpu.vector_store %arg7[%swap3A_604, %swap3A_605], %swap3A_608 {strides = array<i32>} : memref<128x16xf32, #tpu.memory_space<vmem>>, vector<1x16xf32>,
    %broadcast_in_dim3A_609 = arith.constant 1.000000e+00 : f32
    %broadcast_in_dim3A_610 = vector.broadcast %broadcast_in_dim3A_609 : f32 to vector<16xf32>
    %swap3A_611 = arith.constant 76 : i32
    %swap3A_612 = arith.index_cast %swap3A_611 : i32 to index
    %swap3A_613 = arith.constant 0 : index
    %swap3A_614 = tpu.vector_load %arg7[%swap3A_612, %swap3A_613] {strides = array<i32>} : memref<128x16xf32, #tpu.memory_space<vmem>>, vector<1x16xf32>,
    %swap3A_615 = vector.shape_cast %swap3A_614 : vector<1x16xf32> to vector<16xf32>
    %swap3A_616 = vector.shape_cast %broadcast_in_dim3A_610 : vector<16xf32> to vector<1x16xf32>
    tpu.vector_store %arg7[%swap3A_612, %swap3A_613], %swap3A_616 {strides = array<i32>} : memref<128x16xf32, #tpu.memory_space<vmem>>, vector<1x16xf32>,
    %broadcast_in_dim3A_617 = arith.constant 1.000000e+00 : f32
    %broadcast_in_dim3A_618 = vector.broadcast %broadcast_in_dim3A_617 : f32 to vector<16xf32>
    %swap3A_619 = arith.constant 77 : i32
    %swap3A_620 = arith.index_cast %swap3A_619 : i32 to index
    %swap3A_621 = arith.constant 0 : index
    %swap3A_622 = tpu.vector_load %arg7[%swap3A_620, %swap3A_621] {strides = array<i32>} : memref<128x16xf32, #tpu.memory_space<vmem>>, vector<1x16xf32>,
    %swap3A_623 = vector.shape_cast %swap3A_622 : vector<1x16xf32> to vector<16xf32>
    %swap3A_624 = vector.shape_cast %broadcast_in_dim3A_618 : vector<16xf32> to vector<1x16xf32>
    tpu.vector_store %arg7[%swap3A_620, %swap3A_621], %swap3A_624 {strides = array<i32>} : memref<128x16xf32, #tpu.memory_space<vmem>>, vector<1x16xf32>,
    %broadcast_in_dim3A_625 = arith.constant 1.000000e+00 : f32
    %broadcast_in_dim3A_626 = vector.broadcast %broadcast_in_dim3A_625 : f32 to vector<16xf32>
    %swap3A_627 = arith.constant 78 : i32
    %swap3A_628 = arith.index_cast %swap3A_627 : i32 to index
    %swap3A_629 = arith.constant 0 : index
    %swap3A_630 = tpu.vector_load %arg7[%swap3A_628, %swap3A_629] {strides = array<i32>} : memref<128x16xf32, #tpu.memory_space<vmem>>, vector<1x16xf32>,
    %swap3A_631 = vector.shape_cast %swap3A_630 : vector<1x16xf32> to vector<16xf32>
    %swap3A_632 = vector.shape_cast %broadcast_in_dim3A_626 : vector<16xf32> to vector<1x16xf32>
    tpu.vector_store %arg7[%swap3A_628, %swap3A_629], %swap3A_632 {strides = array<i32>} : memref<128x16xf32, #tpu.memory_space<vmem>>, vector<1x16xf32>,
    %broadcast_in_dim3A_633 = arith.constant 1.000000e+00 : f32
    %broadcast_in_dim3A_634 = vector.broadcast %broadcast_in_dim3A_633 : f32 to vector<16xf32>
    %swap3A_635 = arith.constant 79 : i32
    %swap3A_636 = arith.index_cast %swap3A_635 : i32 to index
    %swap3A_637 = arith.constant 0 : index
    %swap3A_638 = tpu.vector_load %arg7[%swap3A_636, %swap3A_637] {strides = array<i32>} : memref<128x16xf32, #tpu.memory_space<vmem>>, vector<1x16xf32>,
    %swap3A_639 = vector.shape_cast %swap3A_638 : vector<1x16xf32> to vector<16xf32>
    %swap3A_640 = vector.shape_cast %broadcast_in_dim3A_634 : vector<16xf32> to vector<1x16xf32>
    tpu.vector_store %arg7[%swap3A_636, %swap3A_637], %swap3A_640 {strides = array<i32>} : memref<128x16xf32, #tpu.memory_space<vmem>>, vector<1x16xf32>,
    %broadcast_in_dim3A_641 = arith.constant 1.000000e+00 : f32
    %broadcast_in_dim3A_642 = vector.broadcast %broadcast_in_dim3A_641 : f32 to vector<16xf32>
    %swap3A_643 = arith.constant 80 : i32
    %swap3A_644 = arith.index_cast %swap3A_643 : i32 to index
    %swap3A_645 = arith.constant 0 : index
    %swap3A_646 = tpu.vector_load %arg7[%swap3A_644, %swap3A_645] {strides = array<i32>} : memref<128x16xf32, #tpu.memory_space<vmem>>, vector<1x16xf32>,
    %swap3A_647 = vector.shape_cast %swap3A_646 : vector<1x16xf32> to vector<16xf32>
    %swap3A_648 = vector.shape_cast %broadcast_in_dim3A_642 : vector<16xf32> to vector<1x16xf32>
    tpu.vector_store %arg7[%swap3A_644, %swap3A_645], %swap3A_648 {strides = array<i32>} : memref<128x16xf32, #tpu.memory_space<vmem>>, vector<1x16xf32>,
    %broadcast_in_dim3A_649 = arith.constant 1.000000e+00 : f32
    %broadcast_in_dim3A_650 = vector.broadcast %broadcast_in_dim3A_649 : f32 to vector<16xf32>
    %swap3A_651 = arith.constant 81 : i32
    %swap3A_652 = arith.index_cast %swap3A_651 : i32 to index
    %swap3A_653 = arith.constant 0 : index
    %swap3A_654 = tpu.vector_load %arg7[%swap3A_652, %swap3A_653] {strides = array<i32>} : memref<128x16xf32, #tpu.memory_space<vmem>>, vector<1x16xf32>,
    %swap3A_655 = vector.shape_cast %swap3A_654 : vector<1x16xf32> to vector<16xf32>
    %swap3A_656 = vector.shape_cast %broadcast_in_dim3A_650 : vector<16xf32> to vector<1x16xf32>
    tpu.vector_store %arg7[%swap3A_652, %swap3A_653], %swap3A_656 {strides = array<i32>} : memref<128x16xf32, #tpu.memory_space<vmem>>, vector<1x16xf32>,
    %broadcast_in_dim3A_657 = arith.constant 1.000000e+00 : f32
    %broadcast_in_dim3A_658 = vector.broadcast %broadcast_in_dim3A_657 : f32 to vector<16xf32>
    %swap3A_659 = arith.constant 82 : i32
    %swap3A_660 = arith.index_cast %swap3A_659 : i32 to index
    %swap3A_661 = arith.constant 0 : index
    %swap3A_662 = tpu.vector_load %arg7[%swap3A_660, %swap3A_661] {strides = array<i32>} : memref<128x16xf32, #tpu.memory_space<vmem>>, vector<1x16xf32>,
    %swap3A_663 = vector.shape_cast %swap3A_662 : vector<1x16xf32> to vector<16xf32>
    %swap3A_664 = vector.shape_cast %broadcast_in_dim3A_658 : vector<16xf32> to vector<1x16xf32>
    tpu.vector_store %arg7[%swap3A_660, %swap3A_661], %swap3A_664 {strides = array<i32>} : memref<128x16xf32, #tpu.memory_space<vmem>>, vector<1x16xf32>,
    %broadcast_in_dim3A_665 = arith.constant 1.000000e+00 : f32
    %broadcast_in_dim3A_666 = vector.broadcast %broadcast_in_dim3A_665 : f32 to vector<16xf32>
    %swap3A_667 = arith.constant 83 : i32
    %swap3A_668 = arith.index_cast %swap3A_667 : i32 to index
    %swap3A_669 = arith.constant 0 : index
    %swap3A_670 = tpu.vector_load %arg7[%swap3A_668, %swap3A_669] {strides = array<i32>} : memref<128x16xf32, #tpu.memory_space<vmem>>, vector<1x16xf32>,
    %swap3A_671 = vector.shape_cast %swap3A_670 : vector<1x16xf32> to vector<16xf32>
    %swap3A_672 = vector.shape_cast %broadcast_in_dim3A_666 : vector<16xf32> to vector<1x16xf32>
    tpu.vector_store %arg7[%swap3A_668, %swap3A_669], %swap3A_672 {strides = array<i32>} : memref<128x16xf32, #tpu.memory_space<vmem>>, vector<1x16xf32>,
    %broadcast_in_dim3A_673 = arith.constant 1.000000e+00 : f32
    %broadcast_in_dim3A_674 = vector.broadcast %broadcast_in_dim3A_673 : f32 to vector<16xf32>
    %swap3A_675 = arith.constant 84 : i32
    %swap3A_676 = arith.index_cast %swap3A_675 : i32 to index
    %swap3A_677 = arith.constant 0 : index
    %swap3A_678 = tpu.vector_load %arg7[%swap3A_676, %swap3A_677] {strides = array<i32>} : memref<128x16xf32, #tpu.memory_space<vmem>>, vector<1x16xf32>,
    %swap3A_679 = vector.shape_cast %swap3A_678 : vector<1x16xf32> to vector<16xf32>
    %swap3A_680 = vector.shape_cast %broadcast_in_dim3A_674 : vector<16xf32> to vector<1x16xf32>
    tpu.vector_store %arg7[%swap3A_676, %swap3A_677], %swap3A_680 {strides = array<i32>} : memref<128x16xf32, #tpu.memory_space<vmem>>, vector<1x16xf32>,
    %broadcast_in_dim3A_681 = arith.constant 1.000000e+00 : f32
    %broadcast_in_dim3A_682 = vector.broadcast %broadcast_in_dim3A_681 : f32 to vector<16xf32>
    %swap3A_683 = arith.constant 85 : i32
    %swap3A_684 = arith.index_cast %swap3A_683 : i32 to index
    %swap3A_685 = arith.constant 0 : index
    %swap3A_686 = tpu.vector_load %arg7[%swap3A_684, %swap3A_685] {strides = array<i32>} : memref<128x16xf32, #tpu.memory_space<vmem>>, vector<1x16xf32>,
    %swap3A_687 = vector.shape_cast %swap3A_686 : vector<1x16xf32> to vector<16xf32>
    %swap3A_688 = vector.shape_cast %broadcast_in_dim3A_682 : vector<16xf32> to vector<1x16xf32>
    tpu.vector_store %arg7[%swap3A_684, %swap3A_685], %swap3A_688 {strides = array<i32>} : memref<128x16xf32, #tpu.memory_space<vmem>>, vector<1x16xf32>,
    %broadcast_in_dim3A_689 = arith.constant 1.000000e+00 : f32
    %broadcast_in_dim3A_690 = vector.broadcast %broadcast_in_dim3A_689 : f32 to vector<16xf32>
    %swap3A_691 = arith.constant 86 : i32
    %swap3A_692 = arith.index_cast %swap3A_691 : i32 to index
    %swap3A_693 = arith.constant 0 : index
    %swap3A_694 = tpu.vector_load %arg7[%swap3A_692, %swap3A_693] {strides = array<i32>} : memref<128x16xf32, #tpu.memory_space<vmem>>, vector<1x16xf32>,
    %swap3A_695 = vector.shape_cast %swap3A_694 : vector<1x16xf32> to vector<16xf32>
    %swap3A_696 = vector.shape_cast %broadcast_in_dim3A_690 : vector<16xf32> to vector<1x16xf32>
    tpu.vector_store %arg7[%swap3A_692, %swap3A_693], %swap3A_696 {strides = array<i32>} : memref<128x16xf32, #tpu.memory_space<vmem>>, vector<1x16xf32>,
    %broadcast_in_dim3A_697 = arith.constant 1.000000e+00 : f32
    %broadcast_in_dim3A_698 = vector.broadcast %broadcast_in_dim3A_697 : f32 to vector<16xf32>
    %swap3A_699 = arith.constant 87 : i32
    %swap3A_700 = arith.index_cast %swap3A_699 : i32 to index
    %swap3A_701 = arith.constant 0 : index
    %swap3A_702 = tpu.vector_load %arg7[%swap3A_700, %swap3A_701] {strides = array<i32>} : memref<128x16xf32, #tpu.memory_space<vmem>>, vector<1x16xf32>,
    %swap3A_703 = vector.shape_cast %swap3A_702 : vector<1x16xf32> to vector<16xf32>
    %swap3A_704 = vector.shape_cast %broadcast_in_dim3A_698 : vector<16xf32> to vector<1x16xf32>
    tpu.vector_store %arg7[%swap3A_700, %swap3A_701], %swap3A_704 {strides = array<i32>} : memref<128x16xf32, #tpu.memory_space<vmem>>, vector<1x16xf32>,
    %broadcast_in_dim3A_705 = arith.constant 1.000000e+00 : f32
    %broadcast_in_dim3A_706 = vector.broadcast %broadcast_in_dim3A_705 : f32 to vector<16xf32>
    %swap3A_707 = arith.constant 88 : i32
    %swap3A_708 = arith.index_cast %swap3A_707 : i32 to index
    %swap3A_709 = arith.constant 0 : index
    %swap3A_710 = tpu.vector_load %arg7[%swap3A_708, %swap3A_709] {strides = array<i32>} : memref<128x16xf32, #tpu.memory_space<vmem>>, vector<1x16xf32>,
    %swap3A_711 = vector.shape_cast %swap3A_710 : vector<1x16xf32> to vector<16xf32>
    %swap3A_712 = vector.shape_cast %broadcast_in_dim3A_706 : vector<16xf32> to vector<1x16xf32>
    tpu.vector_store %arg7[%swap3A_708, %swap3A_709], %swap3A_712 {strides = array<i32>} : memref<128x16xf32, #tpu.memory_space<vmem>>, vector<1x16xf32>,
    %broadcast_in_dim3A_713 = arith.constant 1.000000e+00 : f32
    %broadcast_in_dim3A_714 = vector.broadcast %broadcast_in_dim3A_713 : f32 to vector<16xf32>
    %swap3A_715 = arith.constant 89 : i32
    %swap3A_716 = arith.index_cast %swap3A_715 : i32 to index
    %swap3A_717 = arith.constant 0 : index
    %swap3A_718 = tpu.vector_load %arg7[%swap3A_716, %swap3A_717] {strides = array<i32>} : memref<128x16xf32, #tpu.memory_space<vmem>>, vector<1x16xf32>,
    %swap3A_719 = vector.shape_cast %swap3A_718 : vector<1x16xf32> to vector<16xf32>
    %swap3A_720 = vector.shape_cast %broadcast_in_dim3A_714 : vector<16xf32> to vector<1x16xf32>
    tpu.vector_store %arg7[%swap3A_716, %swap3A_717], %swap3A_720 {strides = array<i32>} : memref<128x16xf32, #tpu.memory_space<vmem>>, vector<1x16xf32>,
    %broadcast_in_dim3A_721 = arith.constant 1.000000e+00 : f32
    %broadcast_in_dim3A_722 = vector.broadcast %broadcast_in_dim3A_721 : f32 to vector<16xf32>
    %swap3A_723 = arith.constant 90 : i32
    %swap3A_724 = arith.index_cast %swap3A_723 : i32 to index
    %swap3A_725 = arith.constant 0 : index
    %swap3A_726 = tpu.vector_load %arg7[%swap3A_724, %swap3A_725] {strides = array<i32>} : memref<128x16xf32, #tpu.memory_space<vmem>>, vector<1x16xf32>,
    %swap3A_727 = vector.shape_cast %swap3A_726 : vector<1x16xf32> to vector<16xf32>
    %swap3A_728 = vector.shape_cast %broadcast_in_dim3A_722 : vector<16xf32> to vector<1x16xf32>
    tpu.vector_store %arg7[%swap3A_724, %swap3A_725], %swap3A_728 {strides = array<i32>} : memref<128x16xf32, #tpu.memory_space<vmem>>, vector<1x16xf32>,
    %broadcast_in_dim3A_729 = arith.constant 1.000000e+00 : f32
    %broadcast_in_dim3A_730 = vector.broadcast %broadcast_in_dim3A_729 : f32 to vector<16xf32>
    %swap3A_731 = arith.constant 91 : i32
    %swap3A_732 = arith.index_cast %swap3A_731 : i32 to index
    %swap3A_733 = arith.constant 0 : index
    %swap3A_734 = tpu.vector_load %arg7[%swap3A_732, %swap3A_733] {strides = array<i32>} : memref<128x16xf32, #tpu.memory_space<vmem>>, vector<1x16xf32>,
    %swap3A_735 = vector.shape_cast %swap3A_734 : vector<1x16xf32> to vector<16xf32>
    %swap3A_736 = vector.shape_cast %broadcast_in_dim3A_730 : vector<16xf32> to vector<1x16xf32>
    tpu.vector_store %arg7[%swap3A_732, %swap3A_733], %swap3A_736 {strides = array<i32>} : memref<128x16xf32, #tpu.memory_space<vmem>>, vector<1x16xf32>,
    %broadcast_in_dim3A_737 = arith.constant 1.000000e+00 : f32
    %broadcast_in_dim3A_738 = vector.broadcast %broadcast_in_dim3A_737 : f32 to vector<16xf32>
    %swap3A_739 = arith.constant 92 : i32
    %swap3A_740 = arith.index_cast %swap3A_739 : i32 to index
    %swap3A_741 = arith.constant 0 : index
    %swap3A_742 = tpu.vector_load %arg7[%swap3A_740, %swap3A_741] {strides = array<i32>} : memref<128x16xf32, #tpu.memory_space<vmem>>, vector<1x16xf32>,
    %swap3A_743 = vector.shape_cast %swap3A_742 : vector<1x16xf32> to vector<16xf32>
    %swap3A_744 = vector.shape_cast %broadcast_in_dim3A_738 : vector<16xf32> to vector<1x16xf32>
    tpu.vector_store %arg7[%swap3A_740, %swap3A_741], %swap3A_744 {strides = array<i32>} : memref<128x16xf32, #tpu.memory_space<vmem>>, vector<1x16xf32>,
    %broadcast_in_dim3A_745 = arith.constant 1.000000e+00 : f32
    %broadcast_in_dim3A_746 = vector.broadcast %broadcast_in_dim3A_745 : f32 to vector<16xf32>
    %swap3A_747 = arith.constant 93 : i32
    %swap3A_748 = arith.index_cast %swap3A_747 : i32 to index
    %swap3A_749 = arith.constant 0 : index
    %swap3A_750 = tpu.vector_load %arg7[%swap3A_748, %swap3A_749] {strides = array<i32>} : memref<128x16xf32, #tpu.memory_space<vmem>>, vector<1x16xf32>,
    %swap3A_751 = vector.shape_cast %swap3A_750 : vector<1x16xf32> to vector<16xf32>
    %swap3A_752 = vector.shape_cast %broadcast_in_dim3A_746 : vector<16xf32> to vector<1x16xf32>
    tpu.vector_store %arg7[%swap3A_748, %swap3A_749], %swap3A_752 {strides = array<i32>} : memref<128x16xf32, #tpu.memory_space<vmem>>, vector<1x16xf32>,
    %broadcast_in_dim3A_753 = arith.constant 1.000000e+00 : f32
    %broadcast_in_dim3A_754 = vector.broadcast %broadcast_in_dim3A_753 : f32 to vector<16xf32>
    %swap3A_755 = arith.constant 94 : i32
    %swap3A_756 = arith.index_cast %swap3A_755 : i32 to index
    %swap3A_757 = arith.constant 0 : index
    %swap3A_758 = tpu.vector_load %arg7[%swap3A_756, %swap3A_757] {strides = array<i32>} : memref<128x16xf32, #tpu.memory_space<vmem>>, vector<1x16xf32>,
    %swap3A_759 = vector.shape_cast %swap3A_758 : vector<1x16xf32> to vector<16xf32>
    %swap3A_760 = vector.shape_cast %broadcast_in_dim3A_754 : vector<16xf32> to vector<1x16xf32>
    tpu.vector_store %arg7[%swap3A_756, %swap3A_757], %swap3A_760 {strides = array<i32>} : memref<128x16xf32, #tpu.memory_space<vmem>>, vector<1x16xf32>,
    %broadcast_in_dim3A_761 = arith.constant 1.000000e+00 : f32
    %broadcast_in_dim3A_762 = vector.broadcast %broadcast_in_dim3A_761 : f32 to vector<16xf32>
    %swap3A_763 = arith.constant 95 : i32
    %swap3A_764 = arith.index_cast %swap3A_763 : i32 to index
    %swap3A_765 = arith.constant 0 : index
    %swap3A_766 = tpu.vector_load %arg7[%swap3A_764, %swap3A_765] {strides = array<i32>} : memref<128x16xf32, #tpu.memory_space<vmem>>, vector<1x16xf32>,
    %swap3A_767 = vector.shape_cast %swap3A_766 : vector<1x16xf32> to vector<16xf32>
    %swap3A_768 = vector.shape_cast %broadcast_in_dim3A_762 : vector<16xf32> to vector<1x16xf32>
    tpu.vector_store %arg7[%swap3A_764, %swap3A_765], %swap3A_768 {strides = array<i32>} : memref<128x16xf32, #tpu.memory_space<vmem>>, vector<1x16xf32>,
    %broadcast_in_dim3A_769 = arith.constant 1.000000e+00 : f32
    %broadcast_in_dim3A_770 = vector.broadcast %broadcast_in_dim3A_769 : f32 to vector<16xf32>
    %swap3A_771 = arith.constant 96 : i32
    %swap3A_772 = arith.index_cast %swap3A_771 : i32 to index
    %swap3A_773 = arith.constant 0 : index
    %swap3A_774 = tpu.vector_load %arg7[%swap3A_772, %swap3A_773] {strides = array<i32>} : memref<128x16xf32, #tpu.memory_space<vmem>>, vector<1x16xf32>,
    %swap3A_775 = vector.shape_cast %swap3A_774 : vector<1x16xf32> to vector<16xf32>
    %swap3A_776 = vector.shape_cast %broadcast_in_dim3A_770 : vector<16xf32> to vector<1x16xf32>
    tpu.vector_store %arg7[%swap3A_772, %swap3A_773], %swap3A_776 {strides = array<i32>} : memref<128x16xf32, #tpu.memory_space<vmem>>, vector<1x16xf32>,
    %broadcast_in_dim3A_777 = arith.constant 1.000000e+00 : f32
    %broadcast_in_dim3A_778 = vector.broadcast %broadcast_in_dim3A_777 : f32 to vector<16xf32>
    %swap3A_779 = arith.constant 97 : i32
    %swap3A_780 = arith.index_cast %swap3A_779 : i32 to index
    %swap3A_781 = arith.constant 0 : index
    %swap3A_782 = tpu.vector_load %arg7[%swap3A_780, %swap3A_781] {strides = array<i32>} : memref<128x16xf32, #tpu.memory_space<vmem>>, vector<1x16xf32>,
    %swap3A_783 = vector.shape_cast %swap3A_782 : vector<1x16xf32> to vector<16xf32>
    %swap3A_784 = vector.shape_cast %broadcast_in_dim3A_778 : vector<16xf32> to vector<1x16xf32>
    tpu.vector_store %arg7[%swap3A_780, %swap3A_781], %swap3A_784 {strides = array<i32>} : memref<128x16xf32, #tpu.memory_space<vmem>>, vector<1x16xf32>,
    %broadcast_in_dim3A_785 = arith.constant 1.000000e+00 : f32
    %broadcast_in_dim3A_786 = vector.broadcast %broadcast_in_dim3A_785 : f32 to vector<16xf32>
    %swap3A_787 = arith.constant 98 : i32
    %swap3A_788 = arith.index_cast %swap3A_787 : i32 to index
    %swap3A_789 = arith.constant 0 : index
    %swap3A_790 = tpu.vector_load %arg7[%swap3A_788, %swap3A_789] {strides = array<i32>} : memref<128x16xf32, #tpu.memory_space<vmem>>, vector<1x16xf32>,
    %swap3A_791 = vector.shape_cast %swap3A_790 : vector<1x16xf32> to vector<16xf32>
    %swap3A_792 = vector.shape_cast %broadcast_in_dim3A_786 : vector<16xf32> to vector<1x16xf32>
    tpu.vector_store %arg7[%swap3A_788, %swap3A_789], %swap3A_792 {strides = array<i32>} : memref<128x16xf32, #tpu.memory_space<vmem>>, vector<1x16xf32>,
    %broadcast_in_dim3A_793 = arith.constant 1.000000e+00 : f32
    %broadcast_in_dim3A_794 = vector.broadcast %broadcast_in_dim3A_793 : f32 to vector<16xf32>
    %swap3A_795 = arith.constant 99 : i32
    %swap3A_796 = arith.index_cast %swap3A_795 : i32 to index
    %swap3A_797 = arith.constant 0 : index
    %swap3A_798 = tpu.vector_load %arg7[%swap3A_796, %swap3A_797] {strides = array<i32>} : memref<128x16xf32, #tpu.memory_space<vmem>>, vector<1x16xf32>,
    %swap3A_799 = vector.shape_cast %swap3A_798 : vector<1x16xf32> to vector<16xf32>
    %swap3A_800 = vector.shape_cast %broadcast_in_dim3A_794 : vector<16xf32> to vector<1x16xf32>
    tpu.vector_store %arg7[%swap3A_796, %swap3A_797], %swap3A_800 {strides = array<i32>} : memref<128x16xf32, #tpu.memory_space<vmem>>, vector<1x16xf32>,
    %broadcast_in_dim3A_801 = arith.constant 1.000000e+00 : f32
    %broadcast_in_dim3A_802 = vector.broadcast %broadcast_in_dim3A_801 : f32 to vector<16xf32>
    %swap3A_803 = arith.constant 100 : i32
    %swap3A_804 = arith.index_cast %swap3A_803 : i32 to index
    %swap3A_805 = arith.constant 0 : index
    %swap3A_806 = tpu.vector_load %arg7[%swap3A_804, %swap3A_805] {strides = array<i32>} : memref<128x16xf32, #tpu.memory_space<vmem>>, vector<1x16xf32>,
    %swap3A_807 = vector.shape_cast %swap3A_806 : vector<1x16xf32> to vector<16xf32>
    %swap3A_808 = vector.shape_cast %broadcast_in_dim3A_802 : vector<16xf32> to vector<1x16xf32>
    tpu.vector_store %arg7[%swap3A_804, %swap3A_805], %swap3A_808 {strides = array<i32>} : memref<128x16xf32, #tpu.memory_space<vmem>>, vector<1x16xf32>,
    %broadcast_in_dim3A_809 = arith.constant 1.000000e+00 : f32
    %broadcast_in_dim3A_810 = vector.broadcast %broadcast_in_dim3A_809 : f32 to vector<16xf32>
    %swap3A_811 = arith.constant 101 : i32
    %swap3A_812 = arith.index_cast %swap3A_811 : i32 to index
    %swap3A_813 = arith.constant 0 : index
    %swap3A_814 = tpu.vector_load %arg7[%swap3A_812, %swap3A_813] {strides = array<i32>} : memref<128x16xf32, #tpu.memory_space<vmem>>, vector<1x16xf32>,
    %swap3A_815 = vector.shape_cast %swap3A_814 : vector<1x16xf32> to vector<16xf32>
    %swap3A_816 = vector.shape_cast %broadcast_in_dim3A_810 : vector<16xf32> to vector<1x16xf32>
    tpu.vector_store %arg7[%swap3A_812, %swap3A_813], %swap3A_816 {strides = array<i32>} : memref<128x16xf32, #tpu.memory_space<vmem>>, vector<1x16xf32>,
    %broadcast_in_dim3A_817 = arith.constant 1.000000e+00 : f32
    %broadcast_in_dim3A_818 = vector.broadcast %broadcast_in_dim3A_817 : f32 to vector<16xf32>
    %swap3A_819 = arith.constant 102 : i32
    %swap3A_820 = arith.index_cast %swap3A_819 : i32 to index
    %swap3A_821 = arith.constant 0 : index
    %swap3A_822 = tpu.vector_load %arg7[%swap3A_820, %swap3A_821] {strides = array<i32>} : memref<128x16xf32, #tpu.memory_space<vmem>>, vector<1x16xf32>,
    %swap3A_823 = vector.shape_cast %swap3A_822 : vector<1x16xf32> to vector<16xf32>
    %swap3A_824 = vector.shape_cast %broadcast_in_dim3A_818 : vector<16xf32> to vector<1x16xf32>
    tpu.vector_store %arg7[%swap3A_820, %swap3A_821], %swap3A_824 {strides = array<i32>} : memref<128x16xf32, #tpu.memory_space<vmem>>, vector<1x16xf32>,
    %broadcast_in_dim3A_825 = arith.constant 1.000000e+00 : f32
    %broadcast_in_dim3A_826 = vector.broadcast %broadcast_in_dim3A_825 : f32 to vector<16xf32>
    %swap3A_827 = arith.constant 103 : i32
    %swap3A_828 = arith.index_cast %swap3A_827 : i32 to index
    %swap3A_829 = arith.constant 0 : index
    %swap3A_830 = tpu.vector_load %arg7[%swap3A_828, %swap3A_829] {strides = array<i32>} : memref<128x16xf32, #tpu.memory_space<vmem>>, vector<1x16xf32>,
    %swap3A_831 = vector.shape_cast %swap3A_830 : vector<1x16xf32> to vector<16xf32>
    %swap3A_832 = vector.shape_cast %broadcast_in_dim3A_826 : vector<16xf32> to vector<1x16xf32>
    tpu.vector_store %arg7[%swap3A_828, %swap3A_829], %swap3A_832 {strides = array<i32>} : memref<128x16xf32, #tpu.memory_space<vmem>>, vector<1x16xf32>,
    %broadcast_in_dim3A_833 = arith.constant 1.000000e+00 : f32
    %broadcast_in_dim3A_834 = vector.broadcast %broadcast_in_dim3A_833 : f32 to vector<16xf32>
    %swap3A_835 = arith.constant 104 : i32
    %swap3A_836 = arith.index_cast %swap3A_835 : i32 to index
    %swap3A_837 = arith.constant 0 : index
    %swap3A_838 = tpu.vector_load %arg7[%swap3A_836, %swap3A_837] {strides = array<i32>} : memref<128x16xf32, #tpu.memory_space<vmem>>, vector<1x16xf32>,
    %swap3A_839 = vector.shape_cast %swap3A_838 : vector<1x16xf32> to vector<16xf32>
    %swap3A_840 = vector.shape_cast %broadcast_in_dim3A_834 : vector<16xf32> to vector<1x16xf32>
    tpu.vector_store %arg7[%swap3A_836, %swap3A_837], %swap3A_840 {strides = array<i32>} : memref<128x16xf32, #tpu.memory_space<vmem>>, vector<1x16xf32>,
    %broadcast_in_dim3A_841 = arith.constant 1.000000e+00 : f32
    %broadcast_in_dim3A_842 = vector.broadcast %broadcast_in_dim3A_841 : f32 to vector<16xf32>
    %swap3A_843 = arith.constant 105 : i32
    %swap3A_844 = arith.index_cast %swap3A_843 : i32 to index
    %swap3A_845 = arith.constant 0 : index
    %swap3A_846 = tpu.vector_load %arg7[%swap3A_844, %swap3A_845] {strides = array<i32>} : memref<128x16xf32, #tpu.memory_space<vmem>>, vector<1x16xf32>,
    %swap3A_847 = vector.shape_cast %swap3A_846 : vector<1x16xf32> to vector<16xf32>
    %swap3A_848 = vector.shape_cast %broadcast_in_dim3A_842 : vector<16xf32> to vector<1x16xf32>
    tpu.vector_store %arg7[%swap3A_844, %swap3A_845], %swap3A_848 {strides = array<i32>} : memref<128x16xf32, #tpu.memory_space<vmem>>, vector<1x16xf32>,
    %broadcast_in_dim3A_849 = arith.constant 1.000000e+00 : f32
    %broadcast_in_dim3A_850 = vector.broadcast %broadcast_in_dim3A_849 : f32 to vector<16xf32>
    %swap3A_851 = arith.constant 106 : i32
    %swap3A_852 = arith.index_cast %swap3A_851 : i32 to index
    %swap3A_853 = arith.constant 0 : index
    %swap3A_854 = tpu.vector_load %arg7[%swap3A_852, %swap3A_853] {strides = array<i32>} : memref<128x16xf32, #tpu.memory_space<vmem>>, vector<1x16xf32>,
    %swap3A_855 = vector.shape_cast %swap3A_854 : vector<1x16xf32> to vector<16xf32>
    %swap3A_856 = vector.shape_cast %broadcast_in_dim3A_850 : vector<16xf32> to vector<1x16xf32>
    tpu.vector_store %arg7[%swap3A_852, %swap3A_853], %swap3A_856 {strides = array<i32>} : memref<128x16xf32, #tpu.memory_space<vmem>>, vector<1x16xf32>,
    %broadcast_in_dim3A_857 = arith.constant 1.000000e+00 : f32
    %broadcast_in_dim3A_858 = vector.broadcast %broadcast_in_dim3A_857 : f32 to vector<16xf32>
    %swap3A_859 = arith.constant 107 : i32
    %swap3A_860 = arith.index_cast %swap3A_859 : i32 to index
    %swap3A_861 = arith.constant 0 : index
    %swap3A_862 = tpu.vector_load %arg7[%swap3A_860, %swap3A_861] {strides = array<i32>} : memref<128x16xf32, #tpu.memory_space<vmem>>, vector<1x16xf32>,
    %swap3A_863 = vector.shape_cast %swap3A_862 : vector<1x16xf32> to vector<16xf32>
    %swap3A_864 = vector.shape_cast %broadcast_in_dim3A_858 : vector<16xf32> to vector<1x16xf32>
    tpu.vector_store %arg7[%swap3A_860, %swap3A_861], %swap3A_864 {strides = array<i32>} : memref<128x16xf32, #tpu.memory_space<vmem>>, vector<1x16xf32>,
    %broadcast_in_dim3A_865 = arith.constant 1.000000e+00 : f32
    %broadcast_in_dim3A_866 = vector.broadcast %broadcast_in_dim3A_865 : f32 to vector<16xf32>
    %swap3A_867 = arith.constant 108 : i32
    %swap3A_868 = arith.index_cast %swap3A_867 : i32 to index
    %swap3A_869 = arith.constant 0 : index
    %swap3A_870 = tpu.vector_load %arg7[%swap3A_868, %swap3A_869] {strides = array<i32>} : memref<128x16xf32, #tpu.memory_space<vmem>>, vector<1x16xf32>,
    %swap3A_871 = vector.shape_cast %swap3A_870 : vector<1x16xf32> to vector<16xf32>
    %swap3A_872 = vector.shape_cast %broadcast_in_dim3A_866 : vector<16xf32> to vector<1x16xf32>
    tpu.vector_store %arg7[%swap3A_868, %swap3A_869], %swap3A_872 {strides = array<i32>} : memref<128x16xf32, #tpu.memory_space<vmem>>, vector<1x16xf32>,
    %broadcast_in_dim3A_873 = arith.constant 1.000000e+00 : f32
    %broadcast_in_dim3A_874 = vector.broadcast %broadcast_in_dim3A_873 : f32 to vector<16xf32>
    %swap3A_875 = arith.constant 109 : i32
    %swap3A_876 = arith.index_cast %swap3A_875 : i32 to index
    %swap3A_877 = arith.constant 0 : index
    %swap3A_878 = tpu.vector_load %arg7[%swap3A_876, %swap3A_877] {strides = array<i32>} : memref<128x16xf32, #tpu.memory_space<vmem>>, vector<1x16xf32>,
    %swap3A_879 = vector.shape_cast %swap3A_878 : vector<1x16xf32> to vector<16xf32>
    %swap3A_880 = vector.shape_cast %broadcast_in_dim3A_874 : vector<16xf32> to vector<1x16xf32>
    tpu.vector_store %arg7[%swap3A_876, %swap3A_877], %swap3A_880 {strides = array<i32>} : memref<128x16xf32, #tpu.memory_space<vmem>>, vector<1x16xf32>,
    %broadcast_in_dim3A_881 = arith.constant 1.000000e+00 : f32
    %broadcast_in_dim3A_882 = vector.broadcast %broadcast_in_dim3A_881 : f32 to vector<16xf32>
    %swap3A_883 = arith.constant 110 : i32
    %swap3A_884 = arith.index_cast %swap3A_883 : i32 to index
    %swap3A_885 = arith.constant 0 : index
    %swap3A_886 = tpu.vector_load %arg7[%swap3A_884, %swap3A_885] {strides = array<i32>} : memref<128x16xf32, #tpu.memory_space<vmem>>, vector<1x16xf32>,
    %swap3A_887 = vector.shape_cast %swap3A_886 : vector<1x16xf32> to vector<16xf32>
    %swap3A_888 = vector.shape_cast %broadcast_in_dim3A_882 : vector<16xf32> to vector<1x16xf32>
    tpu.vector_store %arg7[%swap3A_884, %swap3A_885], %swap3A_888 {strides = array<i32>} : memref<128x16xf32, #tpu.memory_space<vmem>>, vector<1x16xf32>,
    %broadcast_in_dim3A_889 = arith.constant 1.000000e+00 : f32
    %broadcast_in_dim3A_890 = vector.broadcast %broadcast_in_dim3A_889 : f32 to vector<16xf32>
    %swap3A_891 = arith.constant 111 : i32
    %swap3A_892 = arith.index_cast %swap3A_891 : i32 to index
    %swap3A_893 = arith.constant 0 : index
    %swap3A_894 = tpu.vector_load %arg7[%swap3A_892, %swap3A_893] {strides = array<i32>} : memref<128x16xf32, #tpu.memory_space<vmem>>, vector<1x16xf32>,
    %swap3A_895 = vector.shape_cast %swap3A_894 : vector<1x16xf32> to vector<16xf32>
    %swap3A_896 = vector.shape_cast %broadcast_in_dim3A_890 : vector<16xf32> to vector<1x16xf32>
    tpu.vector_store %arg7[%swap3A_892, %swap3A_893], %swap3A_896 {strides = array<i32>} : memref<128x16xf32, #tpu.memory_space<vmem>>, vector<1x16xf32>,
    %broadcast_in_dim3A_897 = arith.constant 1.000000e+00 : f32
    %broadcast_in_dim3A_898 = vector.broadcast %broadcast_in_dim3A_897 : f32 to vector<16xf32>
    %swap3A_899 = arith.constant 112 : i32
    %swap3A_900 = arith.index_cast %swap3A_899 : i32 to index
    %swap3A_901 = arith.constant 0 : index
    %swap3A_902 = tpu.vector_load %arg7[%swap3A_900, %swap3A_901] {strides = array<i32>} : memref<128x16xf32, #tpu.memory_space<vmem>>, vector<1x16xf32>,
    %swap3A_903 = vector.shape_cast %swap3A_902 : vector<1x16xf32> to vector<16xf32>
    %swap3A_904 = vector.shape_cast %broadcast_in_dim3A_898 : vector<16xf32> to vector<1x16xf32>
    tpu.vector_store %arg7[%swap3A_900, %swap3A_901], %swap3A_904 {strides = array<i32>} : memref<128x16xf32, #tpu.memory_space<vmem>>, vector<1x16xf32>,
    %broadcast_in_dim3A_905 = arith.constant 1.000000e+00 : f32
    %broadcast_in_dim3A_906 = vector.broadcast %broadcast_in_dim3A_905 : f32 to vector<16xf32>
    %swap3A_907 = arith.constant 113 : i32
    %swap3A_908 = arith.index_cast %swap3A_907 : i32 to index
    %swap3A_909 = arith.constant 0 : index
    %swap3A_910 = tpu.vector_load %arg7[%swap3A_908, %swap3A_909] {strides = array<i32>} : memref<128x16xf32, #tpu.memory_space<vmem>>, vector<1x16xf32>,
    %swap3A_911 = vector.shape_cast %swap3A_910 : vector<1x16xf32> to vector<16xf32>
    %swap3A_912 = vector.shape_cast %broadcast_in_dim3A_906 : vector<16xf32> to vector<1x16xf32>
    tpu.vector_store %arg7[%swap3A_908, %swap3A_909], %swap3A_912 {strides = array<i32>} : memref<128x16xf32, #tpu.memory_space<vmem>>, vector<1x16xf32>,
    %broadcast_in_dim3A_913 = arith.constant 1.000000e+00 : f32
    %broadcast_in_dim3A_914 = vector.broadcast %broadcast_in_dim3A_913 : f32 to vector<16xf32>
    %swap3A_915 = arith.constant 114 : i32
    %swap3A_916 = arith.index_cast %swap3A_915 : i32 to index
    %swap3A_917 = arith.constant 0 : index
    %swap3A_918 = tpu.vector_load %arg7[%swap3A_916, %swap3A_917] {strides = array<i32>} : memref<128x16xf32, #tpu.memory_space<vmem>>, vector<1x16xf32>,
    %swap3A_919 = vector.shape_cast %swap3A_918 : vector<1x16xf32> to vector<16xf32>
    %swap3A_920 = vector.shape_cast %broadcast_in_dim3A_914 : vector<16xf32> to vector<1x16xf32>
    tpu.vector_store %arg7[%swap3A_916, %swap3A_917], %swap3A_920 {strides = array<i32>} : memref<128x16xf32, #tpu.memory_space<vmem>>, vector<1x16xf32>,
    %broadcast_in_dim3A_921 = arith.constant 1.000000e+00 : f32
    %broadcast_in_dim3A_922 = vector.broadcast %broadcast_in_dim3A_921 : f32 to vector<16xf32>
    %swap3A_923 = arith.constant 115 : i32
    %swap3A_924 = arith.index_cast %swap3A_923 : i32 to index
    %swap3A_925 = arith.constant 0 : index
    %swap3A_926 = tpu.vector_load %arg7[%swap3A_924, %swap3A_925] {strides = array<i32>} : memref<128x16xf32, #tpu.memory_space<vmem>>, vector<1x16xf32>,
    %swap3A_927 = vector.shape_cast %swap3A_926 : vector<1x16xf32> to vector<16xf32>
    %swap3A_928 = vector.shape_cast %broadcast_in_dim3A_922 : vector<16xf32> to vector<1x16xf32>
    tpu.vector_store %arg7[%swap3A_924, %swap3A_925], %swap3A_928 {strides = array<i32>} : memref<128x16xf32, #tpu.memory_space<vmem>>, vector<1x16xf32>,
    %broadcast_in_dim3A_929 = arith.constant 1.000000e+00 : f32
    %broadcast_in_dim3A_930 = vector.broadcast %broadcast_in_dim3A_929 : f32 to vector<16xf32>
    %swap3A_931 = arith.constant 116 : i32
    %swap3A_932 = arith.index_cast %swap3A_931 : i32 to index
    %swap3A_933 = arith.constant 0 : index
    %swap3A_934 = tpu.vector_load %arg7[%swap3A_932, %swap3A_933] {strides = array<i32>} : memref<128x16xf32, #tpu.memory_space<vmem>>, vector<1x16xf32>,
    %swap3A_935 = vector.shape_cast %swap3A_934 : vector<1x16xf32> to vector<16xf32>
    %swap3A_936 = vector.shape_cast %broadcast_in_dim3A_930 : vector<16xf32> to vector<1x16xf32>
    tpu.vector_store %arg7[%swap3A_932, %swap3A_933], %swap3A_936 {strides = array<i32>} : memref<128x16xf32, #tpu.memory_space<vmem>>, vector<1x16xf32>,
    %broadcast_in_dim3A_937 = arith.constant 1.000000e+00 : f32
    %broadcast_in_dim3A_938 = vector.broadcast %broadcast_in_dim3A_937 : f32 to vector<16xf32>
    %swap3A_939 = arith.constant 117 : i32
    %swap3A_940 = arith.index_cast %swap3A_939 : i32 to index
    %swap3A_941 = arith.constant 0 : index
    %swap3A_942 = tpu.vector_load %arg7[%swap3A_940, %swap3A_941] {strides = array<i32>} : memref<128x16xf32, #tpu.memory_space<vmem>>, vector<1x16xf32>,
    %swap3A_943 = vector.shape_cast %swap3A_942 : vector<1x16xf32> to vector<16xf32>
    %swap3A_944 = vector.shape_cast %broadcast_in_dim3A_938 : vector<16xf32> to vector<1x16xf32>
    tpu.vector_store %arg7[%swap3A_940, %swap3A_941], %swap3A_944 {strides = array<i32>} : memref<128x16xf32, #tpu.memory_space<vmem>>, vector<1x16xf32>,
    %broadcast_in_dim3A_945 = arith.constant 1.000000e+00 : f32
    %broadcast_in_dim3A_946 = vector.broadcast %broadcast_in_dim3A_945 : f32 to vector<16xf32>
    %swap3A_947 = arith.constant 118 : i32
    %swap3A_948 = arith.index_cast %swap3A_947 : i32 to index
    %swap3A_949 = arith.constant 0 : index
    %swap3A_950 = tpu.vector_load %arg7[%swap3A_948, %swap3A_949] {strides = array<i32>} : memref<128x16xf32, #tpu.memory_space<vmem>>, vector<1x16xf32>,
    %swap3A_951 = vector.shape_cast %swap3A_950 : vector<1x16xf32> to vector<16xf32>
    %swap3A_952 = vector.shape_cast %broadcast_in_dim3A_946 : vector<16xf32> to vector<1x16xf32>
    tpu.vector_store %arg7[%swap3A_948, %swap3A_949], %swap3A_952 {strides = array<i32>} : memref<128x16xf32, #tpu.memory_space<vmem>>, vector<1x16xf32>,
    %broadcast_in_dim3A_953 = arith.constant 1.000000e+00 : f32
    %broadcast_in_dim3A_954 = vector.broadcast %broadcast_in_dim3A_953 : f32 to vector<16xf32>
    %swap3A_955 = arith.constant 119 : i32
    %swap3A_956 = arith.index_cast %swap3A_955 : i32 to index
    %swap3A_957 = arith.constant 0 : index
    %swap3A_958 = tpu.vector_load %arg7[%swap3A_956, %swap3A_957] {strides = array<i32>} : memref<128x16xf32, #tpu.memory_space<vmem>>, vector<1x16xf32>,
    %swap3A_959 = vector.shape_cast %swap3A_958 : vector<1x16xf32> to vector<16xf32>
    %swap3A_960 = vector.shape_cast %broadcast_in_dim3A_954 : vector<16xf32> to vector<1x16xf32>
    tpu.vector_store %arg7[%swap3A_956, %swap3A_957], %swap3A_960 {strides = array<i32>} : memref<128x16xf32, #tpu.memory_space<vmem>>, vector<1x16xf32>,
    %broadcast_in_dim3A_961 = arith.constant 1.000000e+00 : f32
    %broadcast_in_dim3A_962 = vector.broadcast %broadcast_in_dim3A_961 : f32 to vector<16xf32>
    %swap3A_963 = arith.constant 120 : i32
    %swap3A_964 = arith.index_cast %swap3A_963 : i32 to index
    %swap3A_965 = arith.constant 0 : index
    %swap3A_966 = tpu.vector_load %arg7[%swap3A_964, %swap3A_965] {strides = array<i32>} : memref<128x16xf32, #tpu.memory_space<vmem>>, vector<1x16xf32>,
    %swap3A_967 = vector.shape_cast %swap3A_966 : vector<1x16xf32> to vector<16xf32>
    %swap3A_968 = vector.shape_cast %broadcast_in_dim3A_962 : vector<16xf32> to vector<1x16xf32>
    tpu.vector_store %arg7[%swap3A_964, %swap3A_965], %swap3A_968 {strides = array<i32>} : memref<128x16xf32, #tpu.memory_space<vmem>>, vector<1x16xf32>,
    %broadcast_in_dim3A_969 = arith.constant 1.000000e+00 : f32
    %broadcast_in_dim3A_970 = vector.broadcast %broadcast_in_dim3A_969 : f32 to vector<16xf32>
    %swap3A_971 = arith.constant 121 : i32
    %swap3A_972 = arith.index_cast %swap3A_971 : i32 to index
    %swap3A_973 = arith.constant 0 : index
    %swap3A_974 = tpu.vector_load %arg7[%swap3A_972, %swap3A_973] {strides = array<i32>} : memref<128x16xf32, #tpu.memory_space<vmem>>, vector<1x16xf32>,
    %swap3A_975 = vector.shape_cast %swap3A_974 : vector<1x16xf32> to vector<16xf32>
    %swap3A_976 = vector.shape_cast %broadcast_in_dim3A_970 : vector<16xf32> to vector<1x16xf32>
    tpu.vector_store %arg7[%swap3A_972, %swap3A_973], %swap3A_976 {strides = array<i32>} : memref<128x16xf32, #tpu.memory_space<vmem>>, vector<1x16xf32>,
    %broadcast_in_dim3A_977 = arith.constant 1.000000e+00 : f32
    %broadcast_in_dim3A_978 = vector.broadcast %broadcast_in_dim3A_977 : f32 to vector<16xf32>
    %swap3A_979 = arith.constant 122 : i32
    %swap3A_980 = arith.index_cast %swap3A_979 : i32 to index
    %swap3A_981 = arith.constant 0 : index
    %swap3A_982 = tpu.vector_load %arg7[%swap3A_980, %swap3A_981] {strides = array<i32>} : memref<128x16xf32, #tpu.memory_space<vmem>>, vector<1x16xf32>,
    %swap3A_983 = vector.shape_cast %swap3A_982 : vector<1x16xf32> to vector<16xf32>
    %swap3A_984 = vector.shape_cast %broadcast_in_dim3A_978 : vector<16xf32> to vector<1x16xf32>
    tpu.vector_store %arg7[%swap3A_980, %swap3A_981], %swap3A_984 {strides = array<i32>} : memref<128x16xf32, #tpu.memory_space<vmem>>, vector<1x16xf32>,
    %broadcast_in_dim3A_985 = arith.constant 1.000000e+00 : f32
    %broadcast_in_dim3A_986 = vector.broadcast %broadcast_in_dim3A_985 : f32 to vector<16xf32>
    %swap3A_987 = arith.constant 123 : i32
    %swap3A_988 = arith.index_cast %swap3A_987 : i32 to index
    %swap3A_989 = arith.constant 0 : index
    %swap3A_990 = tpu.vector_load %arg7[%swap3A_988, %swap3A_989] {strides = array<i32>} : memref<128x16xf32, #tpu.memory_space<vmem>>, vector<1x16xf32>,
    %swap3A_991 = vector.shape_cast %swap3A_990 : vector<1x16xf32> to vector<16xf32>
    %swap3A_992 = vector.shape_cast %broadcast_in_dim3A_986 : vector<16xf32> to vector<1x16xf32>
    tpu.vector_store %arg7[%swap3A_988, %swap3A_989], %swap3A_992 {strides = array<i32>} : memref<128x16xf32, #tpu.memory_space<vmem>>, vector<1x16xf32>,
    %broadcast_in_dim3A_993 = arith.constant 1.000000e+00 : f32
    %broadcast_in_dim3A_994 = vector.broadcast %broadcast_in_dim3A_993 : f32 to vector<16xf32>
    %swap3A_995 = arith.constant 124 : i32
    %swap3A_996 = arith.index_cast %swap3A_995 : i32 to index
    %swap3A_997 = arith.constant 0 : index
    %swap3A_998 = tpu.vector_load %arg7[%swap3A_996, %swap3A_997] {strides = array<i32>} : memref<128x16xf32, #tpu.memory_space<vmem>>, vector<1x16xf32>,
    %swap3A_999 = vector.shape_cast %swap3A_998 : vector<1x16xf32> to vector<16xf32>
    %swap3A_1000 = vector.shape_cast %broadcast_in_dim3A_994 : vector<16xf32> to vector<1x16xf32>
    tpu.vector_store %arg7[%swap3A_996, %swap3A_997], %swap3A_1000 {strides = array<i32>} : memref<128x16xf32, #tpu.memory_space<vmem>>, vector<1x16xf32>,
    %broadcast_in_dim3A_1001 = arith.constant 1.000000e+00 : f32
    %broadcast_in_dim3A_1002 = vector.broadcast %broadcast_in_dim3A_1001 : f32 to vector<16xf32>
    %swap3A_1003 = arith.constant 125 : i32
    %swap3A_1004 = arith.index_cast %swap3A_1003 : i32 to index
    %swap3A_1005 = arith.constant 0 : index
    %swap3A_1006 = tpu.vector_load %arg7[%swap3A_1004, %swap3A_1005] {strides = array<i32>} : memref<128x16xf32, #tpu.memory_space<vmem>>, vector<1x16xf32>,
    %swap3A_1007 = vector.shape_cast %swap3A_1006 : vector<1x16xf32> to vector<16xf32>
    %swap3A_1008 = vector.shape_cast %broadcast_in_dim3A_1002 : vector<16xf32> to vector<1x16xf32>
    tpu.vector_store %arg7[%swap3A_1004, %swap3A_1005], %swap3A_1008 {strides = array<i32>} : memref<128x16xf32, #tpu.memory_space<vmem>>, vector<1x16xf32>,
    %broadcast_in_dim3A_1009 = arith.constant 1.000000e+00 : f32
    %broadcast_in_dim3A_1010 = vector.broadcast %broadcast_in_dim3A_1009 : f32 to vector<16xf32>
    %swap3A_1011 = arith.constant 126 : i32
    %swap3A_1012 = arith.index_cast %swap3A_1011 : i32 to index
    %swap3A_1013 = arith.constant 0 : index
    %swap3A_1014 = tpu.vector_load %arg7[%swap3A_1012, %swap3A_1013] {strides = array<i32>} : memref<128x16xf32, #tpu.memory_space<vmem>>, vector<1x16xf32>,
    %swap3A_1015 = vector.shape_cast %swap3A_1014 : vector<1x16xf32> to vector<16xf32>
    %swap3A_1016 = vector.shape_cast %broadcast_in_dim3A_1010 : vector<16xf32> to vector<1x16xf32>
    tpu.vector_store %arg7[%swap3A_1012, %swap3A_1013], %swap3A_1016 {strides = array<i32>} : memref<128x16xf32, #tpu.memory_space<vmem>>, vector<1x16xf32>,
    %broadcast_in_dim3A_1017 = arith.constant 1.000000e+00 : f32
    %broadcast_in_dim3A_1018 = vector.broadcast %broadcast_in_dim3A_1017 : f32 to vector<16xf32>
    %swap3A_1019 = arith.constant 127 : i32
    %swap3A_1020 = arith.index_cast %swap3A_1019 : i32 to index
    %swap3A_1021 = arith.constant 0 : index
    %swap3A_1022 = tpu.vector_load %arg7[%swap3A_1020, %swap3A_1021] {strides = array<i32>} : memref<128x16xf32, #tpu.memory_space<vmem>>, vector<1x16xf32>,
    %swap3A_1023 = vector.shape_cast %swap3A_1022 : vector<1x16xf32> to vector<16xf32>
    %swap3A_1024 = vector.shape_cast %broadcast_in_dim3A_1018 : vector<16xf32> to vector<1x16xf32>
    tpu.vector_store %arg7[%swap3A_1020, %swap3A_1021], %swap3A_1024 {strides = array<i32>} : memref<128x16xf32, #tpu.memory_space<vmem>>, vector<1x16xf32>,
    %barrier3A = arith.constant 0 : index
    tpu.barrier barrier_id(%barrier3A)
    %scan3A = arith.constant 0 : i32
    %scan3A_1025 = arith.constant 0 : i32
    %scan3A_1026 = arith.constant 49 : i32
    %scan3A_1027 = arith.addi %scan3A_1025, %scan3A_1026 : i32
    %scan3A_1028 = arith.constant 1 : i32
    scf.for %scan3A_1035 = %scan3A_1025 to %scan3A_1027 step %scan3A_1028  : i32 {
      %mul3A_1036 = arith.constant 8 : i32
      %mul3A_1037 = arith.muli %scan3A_1035, %mul3A_1036 : i32
      "tpu.region"() ({
        %run_scoped3A = tpu.sem_alloc : memref<!tpu.dma_semaphore, #tpu.memory_space<semaphore_mem>>
        %dma_start3A_1148 = arith.constant 0 : i32
        %dma_start3A_1149 = tpu.memref_slice %arg2[%arg0, %arg1, %mul3A_1037, %dma_start3A_1148] : memref<2x16x392x128xi32, #tpu.memory_space<hbm>> -> memref<1x1x8x128xi32, #tpu.memory_space<hbm>>
        %dma_start3A_1150 = tpu.memref_squeeze %dma_start3A_1149 : memref<1x1x8x128xi32, #tpu.memory_space<hbm>> -> memref<8x128xi32, #tpu.memory_space<hbm>>
        %dma_start3A_1151 = arith.constant 0 : i32
        %dma_start3A_1152 = tpu.memref_slice %arg2[%arg0, %arg1, %mul3A_1037, %dma_start3A_1151] : memref<2x16x392x128xi32, #tpu.memory_space<hbm>> -> memref<1x1x8x128xi32, #tpu.memory_space<hbm>>
        %dma_start3A_1153 = tpu.memref_squeeze %dma_start3A_1152 : memref<1x1x8x128xi32, #tpu.memory_space<hbm>> -> memref<8x128xi32, #tpu.memory_space<hbm>>
        tpu.enqueue_dma source(%dma_start3A_1153 : memref<8x128xi32, #tpu.memory_space<hbm>>) target(%arg6 : memref<8x128xi32, #tpu.memory_space<vmem>>) target_semaphore(%run_scoped3A : memref<!tpu.dma_semaphore, #tpu.memory_space<semaphore_mem>>)
        %dma_wait3A_1154 = arith.constant 0 : i32
        %dma_wait3A_1155 = tpu.memref_slice %arg2[%arg0, %arg1, %mul3A_1037, %dma_wait3A_1154] : memref<2x16x392x128xi32, #tpu.memory_space<hbm>> -> memref<1x1x8x128xi32, #tpu.memory_space<hbm>>
        %dma_wait3A_1156 = tpu.memref_squeeze %dma_wait3A_1155 : memref<1x1x8x128xi32, #tpu.memory_space<hbm>> -> memref<8x128xi32, #tpu.memory_space<hbm>>
        %dma_wait3A_1157 = arith.constant 0 : i32
        %dma_wait3A_1158 = tpu.memref_slice %arg2[%arg0, %arg1, %mul3A_1037, %dma_wait3A_1157] : memref<2x16x392x128xi32, #tpu.memory_space<hbm>> -> memref<1x1x8x128xi32, #tpu.memory_space<hbm>>
        %dma_wait3A_1159 = tpu.memref_squeeze %dma_wait3A_1158 : memref<1x1x8x128xi32, #tpu.memory_space<hbm>> -> memref<8x128xi32, #tpu.memory_space<hbm>>
        tpu.wait_dma2 semaphore(%run_scoped3A : memref<!tpu.dma_semaphore, #tpu.memory_space<semaphore_mem>>) src(%dma_wait3A_1159 : memref<8x128xi32, #tpu.memory_space<hbm>>) dst(%arg6 : memref<8x128xi32, #tpu.memory_space<vmem>>)
        tpu.yield
      }) : () -> ()
      %dma_start3A = arith.constant 0 : i32
      %dma_start3A_1038 = arith.constant 0 : i32
      %dma_start3A_1039 = tpu.memref_slice %arg6[%dma_start3A, %dma_start3A_1038] : memref<8x128xi32, #tpu.memory_space<vmem>> -> memref<1x128xi32, #tpu.memory_space<vmem>>
      %dma_start3A_1040 = tpu.memref_squeeze %dma_start3A_1039 : memref<1x128xi32, #tpu.memory_space<vmem>> -> memref<128xi32, #tpu.memory_space<vmem>>
      %dma_start3A_1041 = arith.constant 0 : i32
      %dma_start3A_1042 = arith.constant 0 : i32
      %dma_start3A_1043 = tpu.memref_slice %arg5[%dma_start3A_1041, %dma_start3A_1042] : memref<100352x16xf32, #tpu.memory_space<vmem_shared>> -> memref<100352x16xf32, #tpu.memory_space<vmem_shared>>
      tpu.enqueue_indirect_dma source(%arg7 : memref<128x16xf32, #tpu.memory_space<vmem>>) target(%dma_start3A_1043 : memref<100352x16xf32, #tpu.memory_space<vmem_shared>>) offsets(%dma_start3A_1040 : memref<128xi32, #tpu.memory_space<vmem>>) semaphore(%arg8 : memref<!tpu.dma_semaphore, #tpu.memory_space<semaphore_mem>>) {add = true}
      %dma_start3A_1044 = arith.constant 1 : i32
      %dma_start3A_1045 = arith.constant 0 : i32
      %dma_start3A_1046 = tpu.memref_slice %arg6[%dma_start3A_1044, %dma_start3A_1045] : memref<8x128xi32, #tpu.memory_space<vmem>> -> memref<1x128xi32, #tpu.memory_space<vmem>>
      %dma_start3A_1047 = tpu.memref_squeeze %dma_start3A_1046 : memref<1x128xi32, #tpu.memory_space<vmem>> -> memref<128xi32, #tpu.memory_space<vmem>>
      %dma_start3A_1048 = arith.constant 0 : i32
      %dma_start3A_1049 = arith.constant 0 : i32
      %dma_start3A_1050 = tpu.memref_slice %arg5[%dma_start3A_1048, %dma_start3A_1049] : memref<100352x16xf32, #tpu.memory_space<vmem_shared>> -> memref<100352x16xf32, #tpu.memory_space<vmem_shared>>
      tpu.enqueue_indirect_dma source(%arg7 : memref<128x16xf32, #tpu.memory_space<vmem>>) target(%dma_start3A_1050 : memref<100352x16xf32, #tpu.memory_space<vmem_shared>>) offsets(%dma_start3A_1047 : memref<128xi32, #tpu.memory_space<vmem>>) semaphore(%arg8 : memref<!tpu.dma_semaphore, #tpu.memory_space<semaphore_mem>>) {add = true}
      %dma_start3A_1051 = arith.constant 2 : i32
      %dma_start3A_1052 = arith.constant 0 : i32
      %dma_start3A_1053 = tpu.memref_slice %arg6[%dma_start3A_1051, %dma_start3A_1052] : memref<8x128xi32, #tpu.memory_space<vmem>> -> memref<1x128xi32, #tpu.memory_space<vmem>>
      %dma_start3A_1054 = tpu.memref_squeeze %dma_start3A_1053 : memref<1x128xi32, #tpu.memory_space<vmem>> -> memref<128xi32, #tpu.memory_space<vmem>>
      %dma_start3A_1055 = arith.constant 0 : i32
      %dma_start3A_1056 = arith.constant 0 : i32
      %dma_start3A_1057 = tpu.memref_slice %arg5[%dma_start3A_1055, %dma_start3A_1056] : memref<100352x16xf32, #tpu.memory_space<vmem_shared>> -> memref<100352x16xf32, #tpu.memory_space<vmem_shared>>
      tpu.enqueue_indirect_dma source(%arg7 : memref<128x16xf32, #tpu.memory_space<vmem>>) target(%dma_start3A_1057 : memref<100352x16xf32, #tpu.memory_space<vmem_shared>>) offsets(%dma_start3A_1054 : memref<128xi32, #tpu.memory_space<vmem>>) semaphore(%arg8 : memref<!tpu.dma_semaphore, #tpu.memory_space<semaphore_mem>>) {add = true}
      %dma_start3A_1058 = arith.constant 3 : i32
      %dma_start3A_1059 = arith.constant 0 : i32
      %dma_start3A_1060 = tpu.memref_slice %arg6[%dma_start3A_1058, %dma_start3A_1059] : memref<8x128xi32, #tpu.memory_space<vmem>> -> memref<1x128xi32, #tpu.memory_space<vmem>>
      %dma_start3A_1061 = tpu.memref_squeeze %dma_start3A_1060 : memref<1x128xi32, #tpu.memory_space<vmem>> -> memref<128xi32, #tpu.memory_space<vmem>>
      %dma_start3A_1062 = arith.constant 0 : i32
      %dma_start3A_1063 = arith.constant 0 : i32
      %dma_start3A_1064 = tpu.memref_slice %arg5[%dma_start3A_1062, %dma_start3A_1063] : memref<100352x16xf32, #tpu.memory_space<vmem_shared>> -> memref<100352x16xf32, #tpu.memory_space<vmem_shared>>
      tpu.enqueue_indirect_dma source(%arg7 : memref<128x16xf32, #tpu.memory_space<vmem>>) target(%dma_start3A_1064 : memref<100352x16xf32, #tpu.memory_space<vmem_shared>>) offsets(%dma_start3A_1061 : memref<128xi32, #tpu.memory_space<vmem>>) semaphore(%arg8 : memref<!tpu.dma_semaphore, #tpu.memory_space<semaphore_mem>>) {add = true}
      %dma_start3A_1065 = arith.constant 4 : i32
      %dma_start3A_1066 = arith.constant 0 : i32
      %dma_start3A_1067 = tpu.memref_slice %arg6[%dma_start3A_1065, %dma_start3A_1066] : memref<8x128xi32, #tpu.memory_space<vmem>> -> memref<1x128xi32, #tpu.memory_space<vmem>>
      %dma_start3A_1068 = tpu.memref_squeeze %dma_start3A_1067 : memref<1x128xi32, #tpu.memory_space<vmem>> -> memref<128xi32, #tpu.memory_space<vmem>>
      %dma_start3A_1069 = arith.constant 0 : i32
      %dma_start3A_1070 = arith.constant 0 : i32
      %dma_start3A_1071 = tpu.memref_slice %arg5[%dma_start3A_1069, %dma_start3A_1070] : memref<100352x16xf32, #tpu.memory_space<vmem_shared>> -> memref<100352x16xf32, #tpu.memory_space<vmem_shared>>
      tpu.enqueue_indirect_dma source(%arg7 : memref<128x16xf32, #tpu.memory_space<vmem>>) target(%dma_start3A_1071 : memref<100352x16xf32, #tpu.memory_space<vmem_shared>>) offsets(%dma_start3A_1068 : memref<128xi32, #tpu.memory_space<vmem>>) semaphore(%arg8 : memref<!tpu.dma_semaphore, #tpu.memory_space<semaphore_mem>>) {add = true}
      %dma_start3A_1072 = arith.constant 5 : i32
      %dma_start3A_1073 = arith.constant 0 : i32
      %dma_start3A_1074 = tpu.memref_slice %arg6[%dma_start3A_1072, %dma_start3A_1073] : memref<8x128xi32, #tpu.memory_space<vmem>> -> memref<1x128xi32, #tpu.memory_space<vmem>>
      %dma_start3A_1075 = tpu.memref_squeeze %dma_start3A_1074 : memref<1x128xi32, #tpu.memory_space<vmem>> -> memref<128xi32, #tpu.memory_space<vmem>>
      %dma_start3A_1076 = arith.constant 0 : i32
      %dma_start3A_1077 = arith.constant 0 : i32
      %dma_start3A_1078 = tpu.memref_slice %arg5[%dma_start3A_1076, %dma_start3A_1077] : memref<100352x16xf32, #tpu.memory_space<vmem_shared>> -> memref<100352x16xf32, #tpu.memory_space<vmem_shared>>
      tpu.enqueue_indirect_dma source(%arg7 : memref<128x16xf32, #tpu.memory_space<vmem>>) target(%dma_start3A_1078 : memref<100352x16xf32, #tpu.memory_space<vmem_shared>>) offsets(%dma_start3A_1075 : memref<128xi32, #tpu.memory_space<vmem>>) semaphore(%arg8 : memref<!tpu.dma_semaphore, #tpu.memory_space<semaphore_mem>>) {add = true}
      %dma_start3A_1079 = arith.constant 6 : i32
      %dma_start3A_1080 = arith.constant 0 : i32
      %dma_start3A_1081 = tpu.memref_slice %arg6[%dma_start3A_1079, %dma_start3A_1080] : memref<8x128xi32, #tpu.memory_space<vmem>> -> memref<1x128xi32, #tpu.memory_space<vmem>>
      %dma_start3A_1082 = tpu.memref_squeeze %dma_start3A_1081 : memref<1x128xi32, #tpu.memory_space<vmem>> -> memref<128xi32, #tpu.memory_space<vmem>>
      %dma_start3A_1083 = arith.constant 0 : i32
      %dma_start3A_1084 = arith.constant 0 : i32
      %dma_start3A_1085 = tpu.memref_slice %arg5[%dma_start3A_1083, %dma_start3A_1084] : memref<100352x16xf32, #tpu.memory_space<vmem_shared>> -> memref<100352x16xf32, #tpu.memory_space<vmem_shared>>
      tpu.enqueue_indirect_dma source(%arg7 : memref<128x16xf32, #tpu.memory_space<vmem>>) target(%dma_start3A_1085 : memref<100352x16xf32, #tpu.memory_space<vmem_shared>>) offsets(%dma_start3A_1082 : memref<128xi32, #tpu.memory_space<vmem>>) semaphore(%arg8 : memref<!tpu.dma_semaphore, #tpu.memory_space<semaphore_mem>>) {add = true}
      %dma_start3A_1086 = arith.constant 7 : i32
      %dma_start3A_1087 = arith.constant 0 : i32
      %dma_start3A_1088 = tpu.memref_slice %arg6[%dma_start3A_1086, %dma_start3A_1087] : memref<8x128xi32, #tpu.memory_space<vmem>> -> memref<1x128xi32, #tpu.memory_space<vmem>>
      %dma_start3A_1089 = tpu.memref_squeeze %dma_start3A_1088 : memref<1x128xi32, #tpu.memory_space<vmem>> -> memref<128xi32, #tpu.memory_space<vmem>>
      %dma_start3A_1090 = arith.constant 0 : i32
      %dma_start3A_1091 = arith.constant 0 : i32
      %dma_start3A_1092 = tpu.memref_slice %arg5[%dma_start3A_1090, %dma_start3A_1091] : memref<100352x16xf32, #tpu.memory_space<vmem_shared>> -> memref<100352x16xf32, #tpu.memory_space<vmem_shared>>
      tpu.enqueue_indirect_dma source(%arg7 : memref<128x16xf32, #tpu.memory_space<vmem>>) target(%dma_start3A_1092 : memref<100352x16xf32, #tpu.memory_space<vmem_shared>>) offsets(%dma_start3A_1089 : memref<128xi32, #tpu.memory_space<vmem>>) semaphore(%arg8 : memref<!tpu.dma_semaphore, #tpu.memory_space<semaphore_mem>>) {add = true}
      %dma_wait3A = arith.constant 0 : i32
      %dma_wait3A_1093 = arith.constant 0 : i32
      %dma_wait3A_1094 = tpu.memref_slice %arg6[%dma_wait3A, %dma_wait3A_1093] : memref<8x128xi32, #tpu.memory_space<vmem>> -> memref<1x128xi32, #tpu.memory_space<vmem>>
      %dma_wait3A_1095 = tpu.memref_squeeze %dma_wait3A_1094 : memref<1x128xi32, #tpu.memory_space<vmem>> -> memref<128xi32, #tpu.memory_space<vmem>>
      %dma_wait3A_1096 = arith.constant 0 : i32
      %dma_wait3A_1097 = arith.constant 0 : i32
      %dma_wait3A_1098 = tpu.memref_slice %arg5[%dma_wait3A_1096, %dma_wait3A_1097] : memref<100352x16xf32, #tpu.memory_space<vmem_shared>> -> memref<100352x16xf32, #tpu.memory_space<vmem_shared>>
      tpu.wait_indirect_dma semaphore(%arg8 : memref<!tpu.dma_semaphore, #tpu.memory_space<semaphore_mem>>) src(%arg7 : memref<128x16xf32, #tpu.memory_space<vmem>>) dst(%dma_wait3A_1098 : memref<100352x16xf32, #tpu.memory_space<vmem_shared>>)
      %dma_wait3A_1099 = arith.constant 1 : i32
      %dma_wait3A_1100 = arith.constant 0 : i32
      %dma_wait3A_1101 = tpu.memref_slice %arg6[%dma_wait3A_1099, %dma_wait3A_1100] : memref<8x128xi32, #tpu.memory_space<vmem>> -> memref<1x128xi32, #tpu.memory_space<vmem>>
      %dma_wait3A_1102 = tpu.memref_squeeze %dma_wait3A_1101 : memref<1x128xi32, #tpu.memory_space<vmem>> -> memref<128xi32, #tpu.memory_space<vmem>>
      %dma_wait3A_1103 = arith.constant 0 : i32
      %dma_wait3A_1104 = arith.constant 0 : i32
      %dma_wait3A_1105 = tpu.memref_slice %arg5[%dma_wait3A_1103, %dma_wait3A_1104] : memref<100352x16xf32, #tpu.memory_space<vmem_shared>> -> memref<100352x16xf32, #tpu.memory_space<vmem_shared>>
      tpu.wait_indirect_dma semaphore(%arg8 : memref<!tpu.dma_semaphore, #tpu.memory_space<semaphore_mem>>) src(%arg7 : memref<128x16xf32, #tpu.memory_space<vmem>>) dst(%dma_wait3A_1105 : memref<100352x16xf32, #tpu.memory_space<vmem_shared>>)
      %dma_wait3A_1106 = arith.constant 2 : i32
      %dma_wait3A_1107 = arith.constant 0 : i32
      %dma_wait3A_1108 = tpu.memref_slice %arg6[%dma_wait3A_1106, %dma_wait3A_1107] : memref<8x128xi32, #tpu.memory_space<vmem>> -> memref<1x128xi32, #tpu.memory_space<vmem>>
      %dma_wait3A_1109 = tpu.memref_squeeze %dma_wait3A_1108 : memref<1x128xi32, #tpu.memory_space<vmem>> -> memref<128xi32, #tpu.memory_space<vmem>>
      %dma_wait3A_1110 = arith.constant 0 : i32
      %dma_wait3A_1111 = arith.constant 0 : i32
      %dma_wait3A_1112 = tpu.memref_slice %arg5[%dma_wait3A_1110, %dma_wait3A_1111] : memref<100352x16xf32, #tpu.memory_space<vmem_shared>> -> memref<100352x16xf32, #tpu.memory_space<vmem_shared>>
      tpu.wait_indirect_dma semaphore(%arg8 : memref<!tpu.dma_semaphore, #tpu.memory_space<semaphore_mem>>) src(%arg7 : memref<128x16xf32, #tpu.memory_space<vmem>>) dst(%dma_wait3A_1112 : memref<100352x16xf32, #tpu.memory_space<vmem_shared>>)
      %dma_wait3A_1113 = arith.constant 3 : i32
      %dma_wait3A_1114 = arith.constant 0 : i32
      %dma_wait3A_1115 = tpu.memref_slice %arg6[%dma_wait3A_1113, %dma_wait3A_1114] : memref<8x128xi32, #tpu.memory_space<vmem>> -> memref<1x128xi32, #tpu.memory_space<vmem>>
      %dma_wait3A_1116 = tpu.memref_squeeze %dma_wait3A_1115 : memref<1x128xi32, #tpu.memory_space<vmem>> -> memref<128xi32, #tpu.memory_space<vmem>>
      %dma_wait3A_1117 = arith.constant 0 : i32
      %dma_wait3A_1118 = arith.constant 0 : i32
      %dma_wait3A_1119 = tpu.memref_slice %arg5[%dma_wait3A_1117, %dma_wait3A_1118] : memref<100352x16xf32, #tpu.memory_space<vmem_shared>> -> memref<100352x16xf32, #tpu.memory_space<vmem_shared>>
      tpu.wait_indirect_dma semaphore(%arg8 : memref<!tpu.dma_semaphore, #tpu.memory_space<semaphore_mem>>) src(%arg7 : memref<128x16xf32, #tpu.memory_space<vmem>>) dst(%dma_wait3A_1119 : memref<100352x16xf32, #tpu.memory_space<vmem_shared>>)
      %dma_wait3A_1120 = arith.constant 4 : i32
      %dma_wait3A_1121 = arith.constant 0 : i32
      %dma_wait3A_1122 = tpu.memref_slice %arg6[%dma_wait3A_1120, %dma_wait3A_1121] : memref<8x128xi32, #tpu.memory_space<vmem>> -> memref<1x128xi32, #tpu.memory_space<vmem>>
      %dma_wait3A_1123 = tpu.memref_squeeze %dma_wait3A_1122 : memref<1x128xi32, #tpu.memory_space<vmem>> -> memref<128xi32, #tpu.memory_space<vmem>>
      %dma_wait3A_1124 = arith.constant 0 : i32
      %dma_wait3A_1125 = arith.constant 0 : i32
      %dma_wait3A_1126 = tpu.memref_slice %arg5[%dma_wait3A_1124, %dma_wait3A_1125] : memref<100352x16xf32, #tpu.memory_space<vmem_shared>> -> memref<100352x16xf32, #tpu.memory_space<vmem_shared>>
      tpu.wait_indirect_dma semaphore(%arg8 : memref<!tpu.dma_semaphore, #tpu.memory_space<semaphore_mem>>) src(%arg7 : memref<128x16xf32, #tpu.memory_space<vmem>>) dst(%dma_wait3A_1126 : memref<100352x16xf32, #tpu.memory_space<vmem_shared>>)
      %dma_wait3A_1127 = arith.constant 5 : i32
      %dma_wait3A_1128 = arith.constant 0 : i32
      %dma_wait3A_1129 = tpu.memref_slice %arg6[%dma_wait3A_1127, %dma_wait3A_1128] : memref<8x128xi32, #tpu.memory_space<vmem>> -> memref<1x128xi32, #tpu.memory_space<vmem>>
      %dma_wait3A_1130 = tpu.memref_squeeze %dma_wait3A_1129 : memref<1x128xi32, #tpu.memory_space<vmem>> -> memref<128xi32, #tpu.memory_space<vmem>>
      %dma_wait3A_1131 = arith.constant 0 : i32
      %dma_wait3A_1132 = arith.constant 0 : i32
      %dma_wait3A_1133 = tpu.memref_slice %arg5[%dma_wait3A_1131, %dma_wait3A_1132] : memref<100352x16xf32, #tpu.memory_space<vmem_shared>> -> memref<100352x16xf32, #tpu.memory_space<vmem_shared>>
      tpu.wait_indirect_dma semaphore(%arg8 : memref<!tpu.dma_semaphore, #tpu.memory_space<semaphore_mem>>) src(%arg7 : memref<128x16xf32, #tpu.memory_space<vmem>>) dst(%dma_wait3A_1133 : memref<100352x16xf32, #tpu.memory_space<vmem_shared>>)
      %dma_wait3A_1134 = arith.constant 6 : i32
      %dma_wait3A_1135 = arith.constant 0 : i32
      %dma_wait3A_1136 = tpu.memref_slice %arg6[%dma_wait3A_1134, %dma_wait3A_1135] : memref<8x128xi32, #tpu.memory_space<vmem>> -> memref<1x128xi32, #tpu.memory_space<vmem>>
      %dma_wait3A_1137 = tpu.memref_squeeze %dma_wait3A_1136 : memref<1x128xi32, #tpu.memory_space<vmem>> -> memref<128xi32, #tpu.memory_space<vmem>>
      %dma_wait3A_1138 = arith.constant 0 : i32
      %dma_wait3A_1139 = arith.constant 0 : i32
      %dma_wait3A_1140 = tpu.memref_slice %arg5[%dma_wait3A_1138, %dma_wait3A_1139] : memref<100352x16xf32, #tpu.memory_space<vmem_shared>> -> memref<100352x16xf32, #tpu.memory_space<vmem_shared>>
      tpu.wait_indirect_dma semaphore(%arg8 : memref<!tpu.dma_semaphore, #tpu.memory_space<semaphore_mem>>) src(%arg7 : memref<128x16xf32, #tpu.memory_space<vmem>>) dst(%dma_wait3A_1140 : memref<100352x16xf32, #tpu.memory_space<vmem_shared>>)
      %dma_wait3A_1141 = arith.constant 7 : i32
      %dma_wait3A_1142 = arith.constant 0 : i32
      %dma_wait3A_1143 = tpu.memref_slice %arg6[%dma_wait3A_1141, %dma_wait3A_1142] : memref<8x128xi32, #tpu.memory_space<vmem>> -> memref<1x128xi32, #tpu.memory_space<vmem>>
      %dma_wait3A_1144 = tpu.memref_squeeze %dma_wait3A_1143 : memref<1x128xi32, #tpu.memory_space<vmem>> -> memref<128xi32, #tpu.memory_space<vmem>>
      %dma_wait3A_1145 = arith.constant 0 : i32
      %dma_wait3A_1146 = arith.constant 0 : i32
      %dma_wait3A_1147 = tpu.memref_slice %arg5[%dma_wait3A_1145, %dma_wait3A_1146] : memref<100352x16xf32, #tpu.memory_space<vmem_shared>> -> memref<100352x16xf32, #tpu.memory_space<vmem_shared>>
      tpu.wait_indirect_dma semaphore(%arg8 : memref<!tpu.dma_semaphore, #tpu.memory_space<semaphore_mem>>) src(%arg7 : memref<128x16xf32, #tpu.memory_space<vmem>>) dst(%dma_wait3A_1147 : memref<100352x16xf32, #tpu.memory_space<vmem_shared>>)
    }
    %scan3A_1029 = arith.constant 49 : i32
    %barrier3A_1030 = arith.constant 0 : index
    tpu.barrier barrier_id(%barrier3A_1030)
    %mul3A_1031 = arith.constant 6272 : i32
    %mul3A_1032 = arith.muli %arg1, %mul3A_1031 : i32
    %mul3A_1033 = arith.constant 6272 : i32
    %mul3A_1034 = arith.muli %arg1, %mul3A_1033 : i32
    "tpu.region"() ({
      %run_scoped3A = tpu.sem_alloc : memref<!tpu.dma_semaphore, #tpu.memory_space<semaphore_mem>>
      %dma_start3A = arith.constant 0 : i32
      %dma_start3A_1035 = tpu.memref_slice %arg4[%arg0, %mul3A_1034, %dma_start3A] : memref<2x100352x16xf32, #tpu.memory_space<hbm>> -> memref<1x6272x16xf32, #tpu.memory_space<hbm>>
      %dma_start3A_1036 = tpu.memref_squeeze %dma_start3A_1035 : memref<1x6272x16xf32, #tpu.memory_space<hbm>> -> memref<6272x16xf32, #tpu.memory_space<hbm>>
      %dma_start3A_1037 = arith.constant 0 : i32
      %dma_start3A_1038 = tpu.memref_slice %arg5[%mul3A_1032, %dma_start3A_1037] : memref<100352x16xf32, #tpu.memory_space<vmem_shared>> -> memref<6272x16xf32, #tpu.memory_space<vmem_shared>>
      tpu.enqueue_dma source(%dma_start3A_1038 : memref<6272x16xf32, #tpu.memory_space<vmem_shared>>) target(%dma_start3A_1036 : memref<6272x16xf32, #tpu.memory_space<hbm>>) target_semaphore(%run_scoped3A : memref<!tpu.dma_semaphore, #tpu.memory_space<semaphore_mem>>)
      %dma_wait3A = arith.constant 0 : i32
      %dma_wait3A_1039 = tpu.memref_slice %arg4[%arg0, %mul3A_1034, %dma_wait3A] : memref<2x100352x16xf32, #tpu.memory_space<hbm>> -> memref<1x6272x16xf32, #tpu.memory_space<hbm>>
      %dma_wait3A_1040 = tpu.memref_squeeze %dma_wait3A_1039 : memref<1x6272x16xf32, #tpu.memory_space<hbm>> -> memref<6272x16xf32, #tpu.memory_space<hbm>>
      %dma_wait3A_1041 = arith.constant 0 : i32
      %dma_wait3A_1042 = tpu.memref_slice %arg5[%mul3A_1032, %dma_wait3A_1041] : memref<100352x16xf32, #tpu.memory_space<vmem_shared>> -> memref<6272x16xf32, #tpu.memory_space<vmem_shared>>
      tpu.wait_dma2 semaphore(%run_scoped3A : memref<!tpu.dma_semaphore, #tpu.memory_space<semaphore_mem>>) src(%dma_wait3A_1042 : memref<6272x16xf32, #tpu.memory_space<vmem_shared>>) dst(%dma_wait3A_1040 : memref<6272x16xf32, #tpu.memory_space<hbm>>)
      tpu.yield
    }) : () -> ()
    return
  }
}

module attributes {stable_mosaic.version = 14 : i64} {
  func.func @_prep_body(%arg0: i32, %arg1: memref<2x1792x128xf32, #tpu.memory_space<vmem>>, %arg2: memref<1792x256xf32, #tpu.memory_space<vmem>>, %arg3: memref<128x256xf32, #tpu.memory_space<vmem>>, %arg4: memref<256x128xf32, #tpu.memory_space<vmem>>, %arg5: memref<256x128xf32, #tpu.memory_space<vmem>>, %arg6: memref<1792x128xf32, #tpu.memory_space<vmem>>, %arg7: memref<1792x256xf32, #tpu.memory_space<vmem>>, %arg8: memref<2x1792x128xf32, #tpu.memory_space<vmem>>) attributes {dimension_semantics = [#tpu.dimension_semantics<arbitrary>], iteration_bounds = array<i64: 7>, scalar_prefetch = 0 : i64, scratch_operands = 0 : i64, tpu.core_type = #tpu.core_type<tc>, window_params = [{transform_indices = @transform_0, window_bounds = array<i64: 2, 1792, 128>}, {transform_indices = @transform_1, window_bounds = array<i64: 1792, 256>}, {pipeline_mode = #tpu.pipeline_mode<synchronous>, transform_indices = @transform_2, window_bounds = array<i64: 128, 256>}, {pipeline_mode = #tpu.pipeline_mode<synchronous>, transform_indices = @transform_3, window_bounds = array<i64: 256, 128>}, {pipeline_mode = #tpu.pipeline_mode<synchronous>, transform_indices = @transform_4, window_bounds = array<i64: 256, 128>}, {transform_indices = @transform_5, window_bounds = array<i64: 1792, 128>}, {transform_indices = @transform_6, window_bounds = array<i64: 1792, 256>}, {transform_indices = @transform_7, window_bounds = array<i64: 2, 1792, 128>}]} {
    %get3A = arith.constant 0 : index
    %get3A_0 = arith.constant 0 : index
    %get3A_1 = arith.constant 0 : index
    %get3A_2 = vector.load %arg1[%get3A, %get3A_0, %get3A_1] : memref<2x1792x128xf32, #tpu.memory_space<vmem>>, vector<1x1792x128xf32>
    %get3A_3 = vector.shape_cast %get3A_2 : vector<1x1792x128xf32> to vector<1792x128xf32>
    %get3A_4 = arith.constant 1 : index
    %get3A_5 = arith.constant 0 : index
    %get3A_6 = arith.constant 0 : index
    %get3A_7 = vector.load %arg1[%get3A_4, %get3A_5, %get3A_6] : memref<2x1792x128xf32, #tpu.memory_space<vmem>>, vector<1x1792x128xf32>
    %get3A_8 = vector.shape_cast %get3A_7 : vector<1x1792x128xf32> to vector<1792x128xf32>
    %add3A = arith.addf %get3A_3, %get3A_8 : vector<1792x128xf32>
    %add3A_9 = arith.constant 1.000000e+00 : f32
    %add3A_10 = vector.broadcast %add3A_9 : f32 to vector<1792x128xf32>
    %add3A_11 = arith.addf %add3A_10, %add3A : vector<1792x128xf32>
    %rsqrt3A = math.rsqrt %add3A_11 : vector<1792x128xf32>
    %swap3A = arith.constant 0 : index
    %swap3A_12 = arith.constant 0 : index
    %swap3A_13 = vector.load %arg6[%swap3A, %swap3A_12] : memref<1792x128xf32, #tpu.memory_space<vmem>>, vector<1792x128xf32>
    tpu.vector_store %arg6[%swap3A, %swap3A_12], %rsqrt3A {strides = array<i32>} : memref<1792x128xf32, #tpu.memory_space<vmem>>, vector<1792x128xf32>,
    %get3A_14 = arith.constant 0 : index
    %get3A_15 = arith.constant 0 : index
    %get3A_16 = vector.load %arg3[%get3A_14, %get3A_15] : memref<128x256xf32, #tpu.memory_space<vmem>>, vector<128x256xf32>
    %dot_general3A = arith.constant dense<0.000000e+00> : vector<1792x256xf32>
    %dot_general3A_17 = tpu.matmul %rsqrt3A, %get3A_16, %dot_general3A {dimension_numbers = #tpu.dot_dimension_numbers<[1], [0], [0], [1], [0, 0, 1, 1], [], []>, precision = #tpu.contract_precision<fp32>, transpose_lhs_hint = false} : vector<1792x128xf32>, vector<128x256xf32>, vector<1792x256xf32> -> vector<1792x256xf32>
    %swap3A_18 = arith.constant 0 : index
    %swap3A_19 = arith.constant 0 : index
    %swap3A_20 = vector.load %arg7[%swap3A_18, %swap3A_19] : memref<1792x256xf32, #tpu.memory_space<vmem>>, vector<1792x256xf32>
    tpu.vector_store %arg7[%swap3A_18, %swap3A_19], %dot_general3A_17 {strides = array<i32>} : memref<1792x256xf32, #tpu.memory_space<vmem>>, vector<1792x256xf32>,
    %get3A_21 = arith.constant 0 : index
    %get3A_22 = arith.constant 0 : index
    %get3A_23 = vector.load %arg2[%get3A_21, %get3A_22] : memref<1792x256xf32, #tpu.memory_space<vmem>>, vector<1792x256xf32>
    %mul3A = arith.mulf %get3A_23, %dot_general3A_17 : vector<1792x256xf32>
    %get3A_24 = arith.constant 0 : index
    %get3A_25 = arith.constant 0 : index
    %get3A_26 = vector.load %arg4[%get3A_24, %get3A_25] : memref<256x128xf32, #tpu.memory_space<vmem>>, vector<256x128xf32>
    %dot_general3A_27 = arith.constant dense<0.000000e+00> : vector<1792x128xf32>
    %dot_general3A_28 = tpu.matmul %mul3A, %get3A_26, %dot_general3A_27 {dimension_numbers = #tpu.dot_dimension_numbers<[1], [0], [0], [1], [0, 0, 1, 1], [], []>, precision = #tpu.contract_precision<fp32>, transpose_lhs_hint = false} : vector<1792x256xf32>, vector<256x128xf32>, vector<1792x128xf32> -> vector<1792x128xf32>
    %swap3A_29 = arith.constant 0 : index
    %swap3A_30 = arith.constant 0 : index
    %swap3A_31 = arith.constant 0 : index
    %swap3A_32 = vector.load %arg8[%swap3A_29, %swap3A_30, %swap3A_31] : memref<2x1792x128xf32, #tpu.memory_space<vmem>>, vector<1x1792x128xf32>
    %swap3A_33 = vector.shape_cast %swap3A_32 : vector<1x1792x128xf32> to vector<1792x128xf32>
    %swap3A_34 = vector.shape_cast %dot_general3A_28 : vector<1792x128xf32> to vector<1x1792x128xf32>
    tpu.vector_store %arg8[%swap3A_29, %swap3A_30, %swap3A_31], %swap3A_34 {strides = array<i32>} : memref<2x1792x128xf32, #tpu.memory_space<vmem>>, vector<1x1792x128xf32>,
    %get3A_35 = arith.constant 0 : index
    %get3A_36 = arith.constant 0 : index
    %get3A_37 = vector.load %arg5[%get3A_35, %get3A_36] : memref<256x128xf32, #tpu.memory_space<vmem>>, vector<256x128xf32>
    %dot_general3A_38 = arith.constant dense<0.000000e+00> : vector<1792x128xf32>
    %dot_general3A_39 = tpu.matmul %mul3A, %get3A_37, %dot_general3A_38 {dimension_numbers = #tpu.dot_dimension_numbers<[1], [0], [0], [1], [0, 0, 1, 1], [], []>, precision = #tpu.contract_precision<fp32>, transpose_lhs_hint = false} : vector<1792x256xf32>, vector<256x128xf32>, vector<1792x128xf32> -> vector<1792x128xf32>
    %swap3A_40 = arith.constant 1 : index
    %swap3A_41 = arith.constant 0 : index
    %swap3A_42 = arith.constant 0 : index
    %swap3A_43 = vector.load %arg8[%swap3A_40, %swap3A_41, %swap3A_42] : memref<2x1792x128xf32, #tpu.memory_space<vmem>>, vector<1x1792x128xf32>
    %swap3A_44 = vector.shape_cast %swap3A_43 : vector<1x1792x128xf32> to vector<1792x128xf32>
    %swap3A_45 = vector.shape_cast %dot_general3A_39 : vector<1792x128xf32> to vector<1x1792x128xf32>
    tpu.vector_store %arg8[%swap3A_40, %swap3A_41, %swap3A_42], %swap3A_45 {strides = array<i32>} : memref<2x1792x128xf32, #tpu.memory_space<vmem>>, vector<1x1792x128xf32>,
    return
  }
  func.func @transform_0(%arg0: i32) -> (i32, i32, i32) {
    %c0_i32 = arith.constant 0 : i32
    %c0_i32_0 = arith.constant 0 : i32
    %c0_i32_1 = arith.constant 0 : i32
    return %c0_i32, %arg0, %c0_i32_0 : i32, i32, i32
  }
  func.func @transform_1(%arg0: i32) -> (i32, i32) {
    %c0_i32 = arith.constant 0 : i32
    %c0_i32_0 = arith.constant 0 : i32
    return %arg0, %c0_i32 : i32, i32
  }
  func.func @transform_2(%arg0: i32) -> (i32, i32) {
    %c0_i32 = arith.constant 0 : i32
    %c0_i32_0 = arith.constant 0 : i32
    %c0_i32_1 = arith.constant 0 : i32
    return %c0_i32, %c0_i32_0 : i32, i32
  }
  func.func @transform_3(%arg0: i32) -> (i32, i32) {
    %c0_i32 = arith.constant 0 : i32
    %c0_i32_0 = arith.constant 0 : i32
    %c0_i32_1 = arith.constant 0 : i32
    return %c0_i32, %c0_i32_0 : i32, i32
  }
  func.func @transform_4(%arg0: i32) -> (i32, i32) {
    %c0_i32 = arith.constant 0 : i32
    %c0_i32_0 = arith.constant 0 : i32
    %c0_i32_1 = arith.constant 0 : i32
    return %c0_i32, %c0_i32_0 : i32, i32
  }
  func.func @transform_5(%arg0: i32) -> (i32, i32) {
    %c0_i32 = arith.constant 0 : i32
    %c0_i32_0 = arith.constant 0 : i32
    return %arg0, %c0_i32 : i32, i32
  }
  func.func @transform_6(%arg0: i32) -> (i32, i32) {
    %c0_i32 = arith.constant 0 : i32
    %c0_i32_0 = arith.constant 0 : i32
    return %arg0, %c0_i32 : i32, i32
  }
  func.func @transform_7(%arg0: i32) -> (i32, i32, i32) {
    %c0_i32 = arith.constant 0 : i32
    %c0_i32_0 = arith.constant 0 : i32
    %c0_i32_1 = arith.constant 0 : i32
    return %c0_i32, %arg0, %c0_i32_0 : i32, i32, i32
  }
}

module attributes {stable_mosaic.version = 14 : i64} {
  func.func @_matstats_body(%arg0: i32, %arg1: memref<2x1792x128xf32, #tpu.memory_space<vmem>>, %arg2: memref<1792x128xf32, #tpu.memory_space<vmem>>, %arg3: memref<128x256xf32, #tpu.memory_space<vmem>>, %arg4: memref<128x256xf32, #tpu.memory_space<vmem>>, %arg5: memref<1x256xf32, #tpu.memory_space<vmem>>, %arg6: memref<1792x256xf32, #tpu.memory_space<vmem>>, %arg7: memref<1x256xf32, #tpu.memory_space<vmem>>, %arg8: memref<1x256xf32, #tpu.memory_space<vmem>>) attributes {dimension_semantics = [#tpu.dimension_semantics<arbitrary>], iteration_bounds = array<i64: 7>, scalar_prefetch = 0 : i64, scratch_operands = 0 : i64, tpu.core_type = #tpu.core_type<tc>, window_params = [{transform_indices = @transform_0, window_bounds = array<i64: 2, 1792, 128>}, {transform_indices = @transform_1, window_bounds = array<i64: 1792, 128>}, {pipeline_mode = #tpu.pipeline_mode<synchronous>, transform_indices = @transform_2, window_bounds = array<i64: 128, 256>}, {pipeline_mode = #tpu.pipeline_mode<synchronous>, transform_indices = @transform_3, window_bounds = array<i64: 128, 256>}, {pipeline_mode = #tpu.pipeline_mode<synchronous>, transform_indices = @transform_4, window_bounds = array<i64: 1, 256>}, {transform_indices = @transform_5, window_bounds = array<i64: 1792, 256>}, {pipeline_mode = #tpu.pipeline_mode<synchronous>, transform_indices = @transform_6, window_bounds = array<i64: 1, 256>}, {pipeline_mode = #tpu.pipeline_mode<synchronous>, transform_indices = @transform_7, window_bounds = array<i64: 1, 256>}]} {
    %get3A = arith.constant 0 : index
    %get3A_0 = arith.constant 0 : index
    %get3A_1 = vector.load %arg2[%get3A, %get3A_0] : memref<1792x128xf32, #tpu.memory_space<vmem>>, vector<1792x128xf32>
    %get3A_2 = arith.constant 0 : index
    %get3A_3 = arith.constant 0 : index
    %get3A_4 = arith.constant 0 : index
    %get3A_5 = vector.load %arg1[%get3A_2, %get3A_3, %get3A_4] : memref<2x1792x128xf32, #tpu.memory_space<vmem>>, vector<1x1792x128xf32>
    %get3A_6 = vector.shape_cast %get3A_5 : vector<1x1792x128xf32> to vector<1792x128xf32>
    %mul3A = arith.mulf %get3A_6, %get3A_1 : vector<1792x128xf32>
    %get3A_7 = arith.constant 0 : index
    %get3A_8 = arith.constant 0 : index
    %get3A_9 = vector.load %arg3[%get3A_7, %get3A_8] : memref<128x256xf32, #tpu.memory_space<vmem>>, vector<128x256xf32>
    %dot_general3A = arith.constant dense<0.000000e+00> : vector<1792x256xf32>
    %dot_general3A_10 = tpu.matmul %mul3A, %get3A_9, %dot_general3A {dimension_numbers = #tpu.dot_dimension_numbers<[1], [0], [0], [1], [0, 0, 1, 1], [], []>, transpose_lhs_hint = false} : vector<1792x128xf32>, vector<128x256xf32>, vector<1792x256xf32> -> vector<1792x256xf32>
    %get3A_11 = arith.constant 1 : index
    %get3A_12 = arith.constant 0 : index
    %get3A_13 = arith.constant 0 : index
    %get3A_14 = vector.load %arg1[%get3A_11, %get3A_12, %get3A_13] : memref<2x1792x128xf32, #tpu.memory_space<vmem>>, vector<1x1792x128xf32>
    %get3A_15 = vector.shape_cast %get3A_14 : vector<1x1792x128xf32> to vector<1792x128xf32>
    %mul3A_16 = arith.mulf %get3A_15, %get3A_1 : vector<1792x128xf32>
    %get3A_17 = arith.constant 0 : index
    %get3A_18 = arith.constant 0 : index
    %get3A_19 = vector.load %arg4[%get3A_17, %get3A_18] : memref<128x256xf32, #tpu.memory_space<vmem>>, vector<128x256xf32>
    %dot_general3A_20 = arith.constant dense<0.000000e+00> : vector<1792x256xf32>
    %dot_general3A_21 = tpu.matmul %mul3A_16, %get3A_19, %dot_general3A_20 {dimension_numbers = #tpu.dot_dimension_numbers<[1], [0], [0], [1], [0, 0, 1, 1], [], []>, transpose_lhs_hint = false} : vector<1792x128xf32>, vector<128x256xf32>, vector<1792x256xf32> -> vector<1792x256xf32>
    %add3A = arith.addf %dot_general3A_10, %dot_general3A_21 : vector<1792x256xf32>
    %get3A_22 = arith.constant 0 : index
    %get3A_23 = arith.constant 0 : index
    %get3A_24 = vector.load %arg5[%get3A_22, %get3A_23] : memref<1x256xf32, #tpu.memory_space<vmem>>, vector<1x256xf32>
    %add3A_25 = vector.broadcast %get3A_24 : vector<1x256xf32> to vector<1792x256xf32>
    %add3A_26 = arith.addf %add3A, %add3A_25 : vector<1792x256xf32>
    %swap3A = arith.constant 0 : index
    %swap3A_27 = arith.constant 0 : index
    %swap3A_28 = vector.load %arg6[%swap3A, %swap3A_27] : memref<1792x256xf32, #tpu.memory_space<vmem>>, vector<1792x256xf32>
    tpu.vector_store %arg6[%swap3A, %swap3A_27], %add3A_26 {strides = array<i32>} : memref<1792x256xf32, #tpu.memory_space<vmem>>, vector<1792x256xf32>,
    %iota3A = tpu.iota {dimensions = array<i32: 0>} : vector<1792x256xi32>
    %iota3A_29 = tpu.iota {dimensions = array<i32: 1>} : vector<1792x256xi32>
    %mul3A_30 = arith.constant 14336 : i32
    %mul3A_31 = arith.muli %arg0, %mul3A_30 : i32
    %mul3A_32 = arith.constant 8 : i32
    %mul3A_33 = vector.broadcast %mul3A_32 : i32 to vector<1792x256xi32>
    %mul3A_34 = arith.muli %iota3A, %mul3A_33 : vector<1792x256xi32>
    %add3A_35 = vector.broadcast %mul3A_31 : i32 to vector<1792x256xi32>
    %add3A_36 = arith.addi %add3A_35, %mul3A_34 : vector<1792x256xi32>
    %jit3A = arith.constant 32 : i32
    %div3A = vector.broadcast %jit3A : i32 to vector<1792x256xi32>
    %div3A_37 = arith.divsi %iota3A_29, %div3A : vector<1792x256xi32>
    %sign3A = arith.constant 0 : i32
    %sign3A_38 = vector.broadcast %sign3A : i32 to vector<1792x256xi32>
    %sign3A_39 = arith.cmpi sgt, %iota3A_29, %sign3A_38 : vector<1792x256xi32>
    %sign3A_40 = arith.extui %sign3A_39 : vector<1792x256xi1> to vector<1792x256xi32>
    %sign3A_41 = arith.constant 0 : i32
    %sign3A_42 = vector.broadcast %sign3A_41 : i32 to vector<1792x256xi32>
    %sign3A_43 = arith.cmpi slt, %iota3A_29, %sign3A_42 : vector<1792x256xi32>
    %sign3A_44 = arith.extui %sign3A_43 : vector<1792x256xi1> to vector<1792x256xi32>
    %sign3A_45 = arith.subi %sign3A_40, %sign3A_44 : vector<1792x256xi32>
    %sign3A_46 = arith.constant 0 : i32
    %sign3A_47 = arith.cmpi sgt, %jit3A, %sign3A_46 : i32
    %sign3A_48 = arith.extui %sign3A_47 : i1 to i32
    %sign3A_49 = arith.constant 0 : i32
    %sign3A_50 = arith.cmpi slt, %jit3A, %sign3A_49 : i32
    %sign3A_51 = arith.extui %sign3A_50 : i1 to i32
    %sign3A_52 = arith.subi %sign3A_48, %sign3A_51 : i32
    %ne3A = vector.broadcast %sign3A_52 : i32 to vector<1792x256xi32>
    %ne3A_53 = arith.cmpi ne, %sign3A_45, %ne3A : vector<1792x256xi32>
    %rem3A = vector.broadcast %jit3A : i32 to vector<1792x256xi32>
    %rem3A_54 = arith.remsi %iota3A_29, %rem3A : vector<1792x256xi32>
    %ne3A_55 = arith.constant 0 : i32
    %ne3A_56 = vector.broadcast %ne3A_55 : i32 to vector<1792x256xi32>
    %ne3A_57 = arith.cmpi ne, %rem3A_54, %ne3A_56 : vector<1792x256xi32>
    %and3A = arith.andi %ne3A_53, %ne3A_57 : vector<1792x256xi1>
    %sub3A = arith.constant 1 : i32
    %sub3A_58 = vector.broadcast %sub3A : i32 to vector<1792x256xi32>
    %sub3A_59 = arith.subi %div3A_37, %sub3A_58 : vector<1792x256xi32>
    %select_n3A = arith.select %and3A, %sub3A_59, %div3A_37 : vector<1792x256xi1>, vector<1792x256xi32>
    %add3A_60 = arith.addi %add3A_36, %select_n3A : vector<1792x256xi32>
    %lt3A = arith.constant 100000 : i32
    %lt3A_61 = vector.broadcast %lt3A : i32 to vector<1792x256xi32>
    %lt3A_62 = arith.cmpi slt, %add3A_60, %lt3A_61 : vector<1792x256xi32>
    %jit3A_63 = arith.constant 0.000000e+00 : f32
    %broadcast_in_dim3A = vector.broadcast %jit3A_63 : f32 to vector<1792x256xf32>
    %select_n3A_64 = arith.select %lt3A_62, %add3A_26, %broadcast_in_dim3A : vector<1792x256xi1>, vector<1792x256xf32>
    %eq3A = arith.constant 0 : i32
    %eq3A_65 = arith.cmpi eq, %arg0, %eq3A : i32
    %convert_element_type3A = arith.extui %eq3A_65 : i1 to i32
    %cond3A = arith.constant 0 : i32
    %cond3A_66 = arith.cmpi ne, %convert_element_type3A, %cond3A : i32
    scf.if %cond3A_66 {
      %broadcast_in_dim3A_87 = arith.constant 0.000000e+00 : f32
      %broadcast_in_dim3A_88 = vector.broadcast %broadcast_in_dim3A_87 : f32 to vector<1x256xf32>
      %swap3A_89 = arith.constant 0 : index
      %swap3A_90 = arith.constant 0 : index
      %swap3A_91 = vector.load %arg7[%swap3A_89, %swap3A_90] : memref<1x256xf32, #tpu.memory_space<vmem>>, vector<1x256xf32>
      tpu.vector_store %arg7[%swap3A_89, %swap3A_90], %broadcast_in_dim3A_88 {strides = array<i32>} : memref<1x256xf32, #tpu.memory_space<vmem>>, vector<1x256xf32>,
      %broadcast_in_dim3A_92 = arith.constant 0.000000e+00 : f32
      %broadcast_in_dim3A_93 = vector.broadcast %broadcast_in_dim3A_92 : f32 to vector<1x256xf32>
      %swap3A_94 = arith.constant 0 : index
      %swap3A_95 = arith.constant 0 : index
      %swap3A_96 = vector.load %arg8[%swap3A_94, %swap3A_95] : memref<1x256xf32, #tpu.memory_space<vmem>>, vector<1x256xf32>
      tpu.vector_store %arg8[%swap3A_94, %swap3A_95], %broadcast_in_dim3A_93 {strides = array<i32>} : memref<1x256xf32, #tpu.memory_space<vmem>>, vector<1x256xf32>,
    } else {
    }
    %get3A_67 = arith.constant 0 : index
    %get3A_68 = arith.constant 0 : index
    %get3A_69 = vector.load %arg7[%get3A_67, %get3A_68] : memref<1x256xf32, #tpu.memory_space<vmem>>, vector<1x256xf32>
    %reduce_sum3A = arith.constant dense<0.000000e+00> : vector<256xf32>
    %reduce_sum3A_70 = vector.multi_reduction <add>, %select_n3A_64, %reduce_sum3A [0] : vector<1792x256xf32> to vector<256xf32>
    %broadcast_in_dim3A_71 = vector.shape_cast %reduce_sum3A_70 : vector<256xf32> to vector<1x256xf32>
    %add3A_72 = arith.addf %get3A_69, %broadcast_in_dim3A_71 : vector<1x256xf32>
    %swap3A_73 = arith.constant 0 : index
    %swap3A_74 = arith.constant 0 : index
    %swap3A_75 = vector.load %arg7[%swap3A_73, %swap3A_74] : memref<1x256xf32, #tpu.memory_space<vmem>>, vector<1x256xf32>
    tpu.vector_store %arg7[%swap3A_73, %swap3A_74], %add3A_72 {strides = array<i32>} : memref<1x256xf32, #tpu.memory_space<vmem>>, vector<1x256xf32>,
    %get3A_76 = arith.constant 0 : index
    %get3A_77 = arith.constant 0 : index
    %get3A_78 = vector.load %arg8[%get3A_76, %get3A_77] : memref<1x256xf32, #tpu.memory_space<vmem>>, vector<1x256xf32>
    %mul3A_79 = arith.mulf %select_n3A_64, %select_n3A_64 : vector<1792x256xf32>
    %reduce_sum3A_80 = arith.constant dense<0.000000e+00> : vector<256xf32>
    %reduce_sum3A_81 = vector.multi_reduction <add>, %mul3A_79, %reduce_sum3A_80 [0] : vector<1792x256xf32> to vector<256xf32>
    %broadcast_in_dim3A_82 = vector.shape_cast %reduce_sum3A_81 : vector<256xf32> to vector<1x256xf32>
    %add3A_83 = arith.addf %get3A_78, %broadcast_in_dim3A_82 : vector<1x256xf32>
    %swap3A_84 = arith.constant 0 : index
    %swap3A_85 = arith.constant 0 : index
    %swap3A_86 = vector.load %arg8[%swap3A_84, %swap3A_85] : memref<1x256xf32, #tpu.memory_space<vmem>>, vector<1x256xf32>
    tpu.vector_store %arg8[%swap3A_84, %swap3A_85], %add3A_83 {strides = array<i32>} : memref<1x256xf32, #tpu.memory_space<vmem>>, vector<1x256xf32>,
    return
  }
  func.func @transform_0(%arg0: i32) -> (i32, i32, i32) {
    %c0_i32 = arith.constant 0 : i32
    %c0_i32_0 = arith.constant 0 : i32
    %c0_i32_1 = arith.constant 0 : i32
    return %c0_i32, %arg0, %c0_i32_0 : i32, i32, i32
  }
  func.func @transform_1(%arg0: i32) -> (i32, i32) {
    %c0_i32 = arith.constant 0 : i32
    %c0_i32_0 = arith.constant 0 : i32
    return %arg0, %c0_i32 : i32, i32
  }
  func.func @transform_2(%arg0: i32) -> (i32, i32) {
    %c0_i32 = arith.constant 0 : i32
    %c0_i32_0 = arith.constant 0 : i32
    %c0_i32_1 = arith.constant 0 : i32
    return %c0_i32, %c0_i32_0 : i32, i32
  }
  func.func @transform_3(%arg0: i32) -> (i32, i32) {
    %c0_i32 = arith.constant 0 : i32
    %c0_i32_0 = arith.constant 0 : i32
    %c0_i32_1 = arith.constant 0 : i32
    return %c0_i32, %c0_i32_0 : i32, i32
  }
  func.func @transform_4(%arg0: i32) -> (i32, i32) {
    %c0_i32 = arith.constant 0 : i32
    %c0_i32_0 = arith.constant 0 : i32
    %c0_i32_1 = arith.constant 0 : i32
    return %c0_i32, %c0_i32_0 : i32, i32
  }
  func.func @transform_5(%arg0: i32) -> (i32, i32) {
    %c0_i32 = arith.constant 0 : i32
    %c0_i32_0 = arith.constant 0 : i32
    return %arg0, %c0_i32 : i32, i32
  }
  func.func @transform_6(%arg0: i32) -> (i32, i32) {
    %c0_i32 = arith.constant 0 : i32
    %c0_i32_0 = arith.constant 0 : i32
    %c0_i32_1 = arith.constant 0 : i32
    return %c0_i32, %c0_i32_0 : i32, i32
  }
  func.func @transform_7(%arg0: i32) -> (i32, i32) {
    %c0_i32 = arith.constant 0 : i32
    %c0_i32_0 = arith.constant 0 : i32
    %c0_i32_1 = arith.constant 0 : i32
    return %c0_i32, %c0_i32_0 : i32, i32
  }
}

module attributes {stable_mosaic.version = 14 : i64} {
  func.func @_bnrelu_body(%arg0: i32, %arg1: memref<1792x256xf32, #tpu.memory_space<vmem>>, %arg2: memref<1x256xf32, #tpu.memory_space<vmem>>, %arg3: memref<1x256xf32, #tpu.memory_space<vmem>>, %arg4: memref<1792x256xf32, #tpu.memory_space<vmem>>, %arg5: memref<1x256xf32, #tpu.memory_space<vmem>>, %arg6: memref<1x256xf32, #tpu.memory_space<vmem>>, %arg7: memref<256x32xf32, #tpu.memory_space<vmem>>, %arg8: memref<32x256xf32, #tpu.memory_space<vmem>>, %arg9: memref<256x128xf32, #tpu.memory_space<vmem>>, %arg10: memref<256x128xf32, #tpu.memory_space<vmem>>, %arg11: memref<2x1792x128xf32, #tpu.memory_space<vmem>>) attributes {dimension_semantics = [#tpu.dimension_semantics<arbitrary>], iteration_bounds = array<i64: 7>, scalar_prefetch = 0 : i64, scratch_operands = 0 : i64, tpu.core_type = #tpu.core_type<tc>, window_params = [{transform_indices = @transform_0, window_bounds = array<i64: 1792, 256>}, {pipeline_mode = #tpu.pipeline_mode<synchronous>, transform_indices = @transform_1, window_bounds = array<i64: 1, 256>}, {pipeline_mode = #tpu.pipeline_mode<synchronous>, transform_indices = @transform_2, window_bounds = array<i64: 1, 256>}, {transform_indices = @transform_3, window_bounds = array<i64: 1792, 256>}, {pipeline_mode = #tpu.pipeline_mode<synchronous>, transform_indices = @transform_4, window_bounds = array<i64: 1, 256>}, {pipeline_mode = #tpu.pipeline_mode<synchronous>, transform_indices = @transform_5, window_bounds = array<i64: 1, 256>}, {pipeline_mode = #tpu.pipeline_mode<synchronous>, transform_indices = @transform_6, window_bounds = array<i64: 256, 32>}, {pipeline_mode = #tpu.pipeline_mode<synchronous>, transform_indices = @transform_7, window_bounds = array<i64: 32, 256>}, {pipeline_mode = #tpu.pipeline_mode<synchronous>, transform_indices = @transform_8, window_bounds = array<i64: 256, 128>}, {pipeline_mode = #tpu.pipeline_mode<synchronous>, transform_indices = @transform_9, window_bounds = array<i64: 256, 128>}, {transform_indices = @transform_10, window_bounds = array<i64: 2, 1792, 128>}]} {
    %get3A = arith.constant 0 : index
    %get3A_0 = arith.constant 0 : index
    %get3A_1 = vector.load %arg7[%get3A, %get3A_0] : memref<256x32xf32, #tpu.memory_space<vmem>>, vector<256x32xf32>
    %get3A_2 = arith.constant 0 : index
    %get3A_3 = arith.constant 0 : index
    %get3A_4 = vector.load %arg2[%get3A_2, %get3A_3] : memref<1x256xf32, #tpu.memory_space<vmem>>, vector<1x256xf32>
    %dot_general3A = arith.constant dense<0.000000e+00> : vector<1x32xf32>
    %dot_general3A_5 = tpu.matmul %get3A_4, %get3A_1, %dot_general3A {dimension_numbers = #tpu.dot_dimension_numbers<[1], [0], [0], [1], [0, 0, 1, 1], [], []>, precision = #tpu.contract_precision<fp32>, transpose_lhs_hint = false} : vector<1x256xf32>, vector<256x32xf32>, vector<1x32xf32> -> vector<1x32xf32>
    %div3A = arith.constant 1.000000e+05 : f32
    %div3A_6 = vector.broadcast %div3A : f32 to vector<1x32xf32>
    %div3A_7 = arith.divf %dot_general3A_5, %div3A_6 : vector<1x32xf32>
    %get3A_8 = arith.constant 0 : index
    %get3A_9 = arith.constant 0 : index
    %get3A_10 = vector.load %arg3[%get3A_8, %get3A_9] : memref<1x256xf32, #tpu.memory_space<vmem>>, vector<1x256xf32>
    %dot_general3A_11 = arith.constant dense<0.000000e+00> : vector<1x32xf32>
    %dot_general3A_12 = tpu.matmul %get3A_10, %get3A_1, %dot_general3A_11 {dimension_numbers = #tpu.dot_dimension_numbers<[1], [0], [0], [1], [0, 0, 1, 1], [], []>, precision = #tpu.contract_precision<fp32>, transpose_lhs_hint = false} : vector<1x256xf32>, vector<256x32xf32>, vector<1x32xf32> -> vector<1x32xf32>
    %div3A_13 = arith.constant 1.000000e+05 : f32
    %div3A_14 = vector.broadcast %div3A_13 : f32 to vector<1x32xf32>
    %div3A_15 = arith.divf %dot_general3A_12, %div3A_14 : vector<1x32xf32>
    %mul3A = arith.mulf %div3A_7, %div3A_7 : vector<1x32xf32>
    %sub3A = arith.subf %div3A_15, %mul3A : vector<1x32xf32>
    %add3A = arith.constant 9.99999974E-6 : f32
    %add3A_16 = vector.broadcast %add3A : f32 to vector<1x32xf32>
    %add3A_17 = arith.addf %sub3A, %add3A_16 : vector<1x32xf32>
    %rsqrt3A = math.rsqrt %add3A_17 : vector<1x32xf32>
    %get3A_18 = arith.constant 0 : index
    %get3A_19 = arith.constant 0 : index
    %get3A_20 = vector.load %arg8[%get3A_18, %get3A_19] : memref<32x256xf32, #tpu.memory_space<vmem>>, vector<32x256xf32>
    %dot_general3A_21 = arith.constant dense<0.000000e+00> : vector<1x256xf32>
    %dot_general3A_22 = tpu.matmul %div3A_7, %get3A_20, %dot_general3A_21 {dimension_numbers = #tpu.dot_dimension_numbers<[1], [0], [0], [1], [0, 0, 1, 1], [], []>, precision = #tpu.contract_precision<fp32>, transpose_lhs_hint = false} : vector<1x32xf32>, vector<32x256xf32>, vector<1x256xf32> -> vector<1x256xf32>
    %get3A_23 = arith.constant 0 : index
    %get3A_24 = arith.constant 0 : index
    %get3A_25 = vector.load %arg8[%get3A_23, %get3A_24] : memref<32x256xf32, #tpu.memory_space<vmem>>, vector<32x256xf32>
    %dot_general3A_26 = arith.constant dense<0.000000e+00> : vector<1x256xf32>
    %dot_general3A_27 = tpu.matmul %rsqrt3A, %get3A_25, %dot_general3A_26 {dimension_numbers = #tpu.dot_dimension_numbers<[1], [0], [0], [1], [0, 0, 1, 1], [], []>, precision = #tpu.contract_precision<fp32>, transpose_lhs_hint = false} : vector<1x32xf32>, vector<32x256xf32>, vector<1x256xf32> -> vector<1x256xf32>
    %get3A_28 = arith.constant 0 : index
    %get3A_29 = arith.constant 0 : index
    %get3A_30 = vector.load %arg1[%get3A_28, %get3A_29] : memref<1792x256xf32, #tpu.memory_space<vmem>>, vector<1792x256xf32>
    %sub3A_31 = vector.broadcast %dot_general3A_22 : vector<1x256xf32> to vector<1792x256xf32>
    %sub3A_32 = arith.subf %get3A_30, %sub3A_31 : vector<1792x256xf32>
    %mul3A_33 = vector.broadcast %dot_general3A_27 : vector<1x256xf32> to vector<1792x256xf32>
    %mul3A_34 = arith.mulf %sub3A_32, %mul3A_33 : vector<1792x256xf32>
    %get3A_35 = arith.constant 0 : index
    %get3A_36 = arith.constant 0 : index
    %get3A_37 = vector.load %arg5[%get3A_35, %get3A_36] : memref<1x256xf32, #tpu.memory_space<vmem>>, vector<1x256xf32>
    %mul3A_38 = vector.broadcast %get3A_37 : vector<1x256xf32> to vector<1792x256xf32>
    %mul3A_39 = arith.mulf %mul3A_34, %mul3A_38 : vector<1792x256xf32>
    %get3A_40 = arith.constant 0 : index
    %get3A_41 = arith.constant 0 : index
    %get3A_42 = vector.load %arg6[%get3A_40, %get3A_41] : memref<1x256xf32, #tpu.memory_space<vmem>>, vector<1x256xf32>
    %add3A_43 = vector.broadcast %get3A_42 : vector<1x256xf32> to vector<1792x256xf32>
    %add3A_44 = arith.addf %mul3A_39, %add3A_43 : vector<1792x256xf32>
    %max3A = arith.constant 0.000000e+00 : f32
    %max3A_45 = vector.broadcast %max3A : f32 to vector<1792x256xf32>
    %max3A_46 = arith.maximumf %add3A_44, %max3A_45 : vector<1792x256xf32>
    %get3A_47 = arith.constant 0 : index
    %get3A_48 = arith.constant 0 : index
    %get3A_49 = vector.load %arg4[%get3A_47, %get3A_48] : memref<1792x256xf32, #tpu.memory_space<vmem>>, vector<1792x256xf32>
    %mul3A_50 = arith.mulf %max3A_46, %get3A_49 : vector<1792x256xf32>
    %get3A_51 = arith.constant 0 : index
    %get3A_52 = arith.constant 0 : index
    %get3A_53 = vector.load %arg9[%get3A_51, %get3A_52] : memref<256x128xf32, #tpu.memory_space<vmem>>, vector<256x128xf32>
    %dot_general3A_54 = arith.constant dense<0.000000e+00> : vector<1792x128xf32>
    %dot_general3A_55 = tpu.matmul %mul3A_50, %get3A_53, %dot_general3A_54 {dimension_numbers = #tpu.dot_dimension_numbers<[1], [0], [0], [1], [0, 0, 1, 1], [], []>, precision = #tpu.contract_precision<fp32>, transpose_lhs_hint = false} : vector<1792x256xf32>, vector<256x128xf32>, vector<1792x128xf32> -> vector<1792x128xf32>
    %swap3A = arith.constant 0 : index
    %swap3A_56 = arith.constant 0 : index
    %swap3A_57 = arith.constant 0 : index
    %swap3A_58 = vector.load %arg11[%swap3A, %swap3A_56, %swap3A_57] : memref<2x1792x128xf32, #tpu.memory_space<vmem>>, vector<1x1792x128xf32>
    %swap3A_59 = vector.shape_cast %swap3A_58 : vector<1x1792x128xf32> to vector<1792x128xf32>
    %swap3A_60 = vector.shape_cast %dot_general3A_55 : vector<1792x128xf32> to vector<1x1792x128xf32>
    tpu.vector_store %arg11[%swap3A, %swap3A_56, %swap3A_57], %swap3A_60 {strides = array<i32>} : memref<2x1792x128xf32, #tpu.memory_space<vmem>>, vector<1x1792x128xf32>,
    %get3A_61 = arith.constant 0 : index
    %get3A_62 = arith.constant 0 : index
    %get3A_63 = vector.load %arg10[%get3A_61, %get3A_62] : memref<256x128xf32, #tpu.memory_space<vmem>>, vector<256x128xf32>
    %dot_general3A_64 = arith.constant dense<0.000000e+00> : vector<1792x128xf32>
    %dot_general3A_65 = tpu.matmul %mul3A_50, %get3A_63, %dot_general3A_64 {dimension_numbers = #tpu.dot_dimension_numbers<[1], [0], [0], [1], [0, 0, 1, 1], [], []>, precision = #tpu.contract_precision<fp32>, transpose_lhs_hint = false} : vector<1792x256xf32>, vector<256x128xf32>, vector<1792x128xf32> -> vector<1792x128xf32>
    %swap3A_66 = arith.constant 1 : index
    %swap3A_67 = arith.constant 0 : index
    %swap3A_68 = arith.constant 0 : index
    %swap3A_69 = vector.load %arg11[%swap3A_66, %swap3A_67, %swap3A_68] : memref<2x1792x128xf32, #tpu.memory_space<vmem>>, vector<1x1792x128xf32>
    %swap3A_70 = vector.shape_cast %swap3A_69 : vector<1x1792x128xf32> to vector<1792x128xf32>
    %swap3A_71 = vector.shape_cast %dot_general3A_65 : vector<1792x128xf32> to vector<1x1792x128xf32>
    tpu.vector_store %arg11[%swap3A_66, %swap3A_67, %swap3A_68], %swap3A_71 {strides = array<i32>} : memref<2x1792x128xf32, #tpu.memory_space<vmem>>, vector<1x1792x128xf32>,
    return
  }
  func.func @transform_0(%arg0: i32) -> (i32, i32) {
    %c0_i32 = arith.constant 0 : i32
    %c0_i32_0 = arith.constant 0 : i32
    return %arg0, %c0_i32 : i32, i32
  }
  func.func @transform_1(%arg0: i32) -> (i32, i32) {
    %c0_i32 = arith.constant 0 : i32
    %c0_i32_0 = arith.constant 0 : i32
    %c0_i32_1 = arith.constant 0 : i32
    return %c0_i32, %c0_i32_0 : i32, i32
  }
  func.func @transform_2(%arg0: i32) -> (i32, i32) {
    %c0_i32 = arith.constant 0 : i32
    %c0_i32_0 = arith.constant 0 : i32
    %c0_i32_1 = arith.constant 0 : i32
    return %c0_i32, %c0_i32_0 : i32, i32
  }
  func.func @transform_3(%arg0: i32) -> (i32, i32) {
    %c0_i32 = arith.constant 0 : i32
    %c0_i32_0 = arith.constant 0 : i32
    return %arg0, %c0_i32 : i32, i32
  }
  func.func @transform_4(%arg0: i32) -> (i32, i32) {
    %c0_i32 = arith.constant 0 : i32
    %c0_i32_0 = arith.constant 0 : i32
    %c0_i32_1 = arith.constant 0 : i32
    return %c0_i32, %c0_i32_0 : i32, i32
  }
  func.func @transform_5(%arg0: i32) -> (i32, i32) {
    %c0_i32 = arith.constant 0 : i32
    %c0_i32_0 = arith.constant 0 : i32
    %c0_i32_1 = arith.constant 0 : i32
    return %c0_i32, %c0_i32_0 : i32, i32
  }
  func.func @transform_6(%arg0: i32) -> (i32, i32) {
    %c0_i32 = arith.constant 0 : i32
    %c0_i32_0 = arith.constant 0 : i32
    %c0_i32_1 = arith.constant 0 : i32
    return %c0_i32, %c0_i32_0 : i32, i32
  }
  func.func @transform_7(%arg0: i32) -> (i32, i32) {
    %c0_i32 = arith.constant 0 : i32
    %c0_i32_0 = arith.constant 0 : i32
    %c0_i32_1 = arith.constant 0 : i32
    return %c0_i32, %c0_i32_0 : i32, i32
  }
  func.func @transform_8(%arg0: i32) -> (i32, i32) {
    %c0_i32 = arith.constant 0 : i32
    %c0_i32_0 = arith.constant 0 : i32
    %c0_i32_1 = arith.constant 0 : i32
    return %c0_i32, %c0_i32_0 : i32, i32
  }
  func.func @transform_9(%arg0: i32) -> (i32, i32) {
    %c0_i32 = arith.constant 0 : i32
    %c0_i32_0 = arith.constant 0 : i32
    %c0_i32_1 = arith.constant 0 : i32
    return %c0_i32, %c0_i32_0 : i32, i32
  }
  func.func @transform_10(%arg0: i32) -> (i32, i32, i32) {
    %c0_i32 = arith.constant 0 : i32
    %c0_i32_0 = arith.constant 0 : i32
    %c0_i32_1 = arith.constant 0 : i32
    return %c0_i32, %arg0, %c0_i32_0 : i32, i32, i32
  }
}

module attributes {stable_mosaic.version = 14 : i64} {
  func.func @_pool_body(%arg0: i32, %arg1: memref<2x1792x128xf32, #tpu.memory_space<vmem>>, %arg2: memref<1792x128xf32, #tpu.memory_space<vmem>>, %arg3: memref<128x256xf32, #tpu.memory_space<vmem>>, %arg4: memref<128x256xf32, #tpu.memory_space<vmem>>, %arg5: memref<1x256xf32, #tpu.memory_space<vmem>>, %arg6: memref<1792x8xi32, #tpu.memory_space<vmem>>, %arg7: memref<128x32xf32, #tpu.memory_space<vmem>>, %arg8: memref<128x1xf32, #tpu.memory_space<vmem>>) attributes {dimension_semantics = [#tpu.dimension_semantics<arbitrary>], iteration_bounds = array<i64: 7>, scalar_prefetch = 0 : i64, scratch_operands = 0 : i64, tpu.core_type = #tpu.core_type<tc>, window_params = [{transform_indices = @transform_0, window_bounds = array<i64: 2, 1792, 128>}, {transform_indices = @transform_1, window_bounds = array<i64: 1792, 128>}, {pipeline_mode = #tpu.pipeline_mode<synchronous>, transform_indices = @transform_2, window_bounds = array<i64: 128, 256>}, {pipeline_mode = #tpu.pipeline_mode<synchronous>, transform_indices = @transform_3, window_bounds = array<i64: 128, 256>}, {pipeline_mode = #tpu.pipeline_mode<synchronous>, transform_indices = @transform_4, window_bounds = array<i64: 1, 256>}, {transform_indices = @transform_5, window_bounds = array<i64: 1792, 8>}, {pipeline_mode = #tpu.pipeline_mode<synchronous>, transform_indices = @transform_6, window_bounds = array<i64: 128, 32>}, {pipeline_mode = #tpu.pipeline_mode<synchronous>, transform_indices = @transform_7, window_bounds = array<i64: 128, 1>}]} {
    %get3A = arith.constant 0 : index
    %get3A_0 = arith.constant 0 : index
    %get3A_1 = vector.load %arg2[%get3A, %get3A_0] : memref<1792x128xf32, #tpu.memory_space<vmem>>, vector<1792x128xf32>
    %get3A_2 = arith.constant 0 : index
    %get3A_3 = arith.constant 0 : index
    %get3A_4 = arith.constant 0 : index
    %get3A_5 = vector.load %arg1[%get3A_2, %get3A_3, %get3A_4] : memref<2x1792x128xf32, #tpu.memory_space<vmem>>, vector<1x1792x128xf32>
    %get3A_6 = vector.shape_cast %get3A_5 : vector<1x1792x128xf32> to vector<1792x128xf32>
    %mul3A = arith.mulf %get3A_6, %get3A_1 : vector<1792x128xf32>
    %get3A_7 = arith.constant 0 : index
    %get3A_8 = arith.constant 0 : index
    %get3A_9 = vector.load %arg3[%get3A_7, %get3A_8] : memref<128x256xf32, #tpu.memory_space<vmem>>, vector<128x256xf32>
    %dot_general3A = arith.constant dense<0.000000e+00> : vector<1792x256xf32>
    %dot_general3A_10 = tpu.matmul %mul3A, %get3A_9, %dot_general3A {dimension_numbers = #tpu.dot_dimension_numbers<[1], [0], [0], [1], [0, 0, 1, 1], [], []>, transpose_lhs_hint = false} : vector<1792x128xf32>, vector<128x256xf32>, vector<1792x256xf32> -> vector<1792x256xf32>
    %get3A_11 = arith.constant 1 : index
    %get3A_12 = arith.constant 0 : index
    %get3A_13 = arith.constant 0 : index
    %get3A_14 = vector.load %arg1[%get3A_11, %get3A_12, %get3A_13] : memref<2x1792x128xf32, #tpu.memory_space<vmem>>, vector<1x1792x128xf32>
    %get3A_15 = vector.shape_cast %get3A_14 : vector<1x1792x128xf32> to vector<1792x128xf32>
    %mul3A_16 = arith.mulf %get3A_15, %get3A_1 : vector<1792x128xf32>
    %get3A_17 = arith.constant 0 : index
    %get3A_18 = arith.constant 0 : index
    %get3A_19 = vector.load %arg4[%get3A_17, %get3A_18] : memref<128x256xf32, #tpu.memory_space<vmem>>, vector<128x256xf32>
    %dot_general3A_20 = arith.constant dense<0.000000e+00> : vector<1792x256xf32>
    %dot_general3A_21 = tpu.matmul %mul3A_16, %get3A_19, %dot_general3A_20 {dimension_numbers = #tpu.dot_dimension_numbers<[1], [0], [0], [1], [0, 0, 1, 1], [], []>, transpose_lhs_hint = false} : vector<1792x128xf32>, vector<128x256xf32>, vector<1792x256xf32> -> vector<1792x256xf32>
    %add3A = arith.addf %dot_general3A_10, %dot_general3A_21 : vector<1792x256xf32>
    %get3A_22 = arith.constant 0 : index
    %get3A_23 = arith.constant 0 : index
    %get3A_24 = vector.load %arg5[%get3A_22, %get3A_23] : memref<1x256xf32, #tpu.memory_space<vmem>>, vector<1x256xf32>
    %add3A_25 = vector.broadcast %get3A_24 : vector<1x256xf32> to vector<1792x256xf32>
    %add3A_26 = arith.addf %add3A, %add3A_25 : vector<1792x256xf32>
    %eq3A = arith.constant 0 : i32
    %eq3A_27 = arith.cmpi eq, %arg0, %eq3A : i32
    %convert_element_type3A = arith.extui %eq3A_27 : i1 to i32
    %cond3A = arith.constant 0 : i32
    %cond3A_28 = arith.cmpi ne, %convert_element_type3A, %cond3A : i32
    scf.if %cond3A_28 {
      %broadcast_in_dim3A_258 = arith.constant 0.000000e+00 : f32
      %broadcast_in_dim3A_259 = vector.broadcast %broadcast_in_dim3A_258 : f32 to vector<128x32xf32>
      %swap3A_260 = arith.constant 0 : index
      %swap3A_261 = arith.constant 0 : index
      %swap3A_262 = vector.load %arg7[%swap3A_260, %swap3A_261] : memref<128x32xf32, #tpu.memory_space<vmem>>, vector<128x32xf32>
      tpu.vector_store %arg7[%swap3A_260, %swap3A_261], %broadcast_in_dim3A_259 {strides = array<i32>} : memref<128x32xf32, #tpu.memory_space<vmem>>, vector<128x32xf32>,
      %broadcast_in_dim3A_263 = arith.constant 0.000000e+00 : f32
      %broadcast_in_dim3A_264 = vector.broadcast %broadcast_in_dim3A_263 : f32 to vector<128x1xf32>
      %swap3A_265 = arith.constant 0 : index
      %swap3A_266 = arith.constant 0 : index
      %swap3A_267 = vector.load %arg8[%swap3A_265, %swap3A_266] : memref<128x1xf32, #tpu.memory_space<vmem>>, vector<128x1xf32>
      tpu.vector_store %arg8[%swap3A_265, %swap3A_266], %broadcast_in_dim3A_264 {strides = array<i32>} : memref<128x1xf32, #tpu.memory_space<vmem>>, vector<128x1xf32>,
    } else {
    }
    %iota3A = tpu.iota {dimensions = array<i32: 1>} : vector<1792x128xi32>
    %broadcast_in_dim3A = arith.constant 1.000000e+00 : f32
    %broadcast_in_dim3A_29 = vector.broadcast %broadcast_in_dim3A : f32 to vector<1792x1xf32>
    %get3A_30 = arith.constant 0 : index
    %get3A_31 = arith.constant 0 : index
    %get3A_32 = vector.load %arg6[%get3A_30, %get3A_31] : memref<1792x8xi32, #tpu.memory_space<vmem>>, vector<1792x1xi32>
    %eq3A_33 = vector.broadcast %get3A_32 : vector<1792x1xi32> to vector<1792x128xi32>
    %eq3A_34 = arith.cmpi eq, %eq3A_33, %iota3A : vector<1792x128xi32>
    %jit3A = arith.constant 1.000000e+00 : f32
    %jit3A_35 = arith.constant 0.000000e+00 : f32
    %broadcast_in_dim3A_36 = vector.broadcast %jit3A : f32 to vector<1792x128xf32>
    %broadcast_in_dim3A_37 = vector.broadcast %jit3A_35 : f32 to vector<1792x128xf32>
    %select_n3A = arith.select %eq3A_34, %broadcast_in_dim3A_36, %broadcast_in_dim3A_37 : vector<1792x128xi1>, vector<1792x128xf32>
    %get3A_38 = arith.constant 0 : index
    %get3A_39 = arith.constant 0 : index
    %get3A_40 = vector.load %arg7[%get3A_38, %get3A_39] : memref<128x32xf32, #tpu.memory_space<vmem>>, vector<128x32xf32>
    %slice3A = vector.extract_strided_slice %add3A_26 {offsets = [0, 0], sizes = [1792, 32], strides = [1, 1]} : vector<1792x256xf32> to vector<1792x32xf32>
    %dot_general3A_41 = arith.constant dense<0.000000e+00> : vector<128x32xf32>
    %dot_general3A_42 = tpu.matmul %select_n3A, %slice3A, %dot_general3A_41 {dimension_numbers = #tpu.dot_dimension_numbers<[0], [0], [1], [1], [0, 1, 1, 1], [], []>, precision = #tpu.contract_precision<fp32>, transpose_lhs_hint = false} : vector<1792x128xf32>, vector<1792x32xf32>, vector<128x32xf32> -> vector<128x32xf32>
    %add3A_43 = arith.addf %get3A_40, %dot_general3A_42 : vector<128x32xf32>
    %swap3A = arith.constant 0 : index
    %swap3A_44 = arith.constant 0 : index
    %swap3A_45 = vector.load %arg7[%swap3A, %swap3A_44] : memref<128x32xf32, #tpu.memory_space<vmem>>, vector<128x32xf32>
    tpu.vector_store %arg7[%swap3A, %swap3A_44], %add3A_43 {strides = array<i32>} : memref<128x32xf32, #tpu.memory_space<vmem>>, vector<128x32xf32>,
    %get3A_46 = arith.constant 0 : index
    %get3A_47 = arith.constant 0 : index
    %get3A_48 = vector.load %arg8[%get3A_46, %get3A_47] : memref<128x1xf32, #tpu.memory_space<vmem>>, vector<128x1xf32>
    %dot_general3A_49 = arith.constant dense<0.000000e+00> : vector<128x1xf32>
    %dot_general3A_50 = tpu.matmul %select_n3A, %broadcast_in_dim3A_29, %dot_general3A_49 {dimension_numbers = #tpu.dot_dimension_numbers<[0], [0], [1], [1], [0, 1, 1, 1], [], []>, precision = #tpu.contract_precision<fp32>, transpose_lhs_hint = false} : vector<1792x128xf32>, vector<1792x1xf32>, vector<128x1xf32> -> vector<128x1xf32>
    %add3A_51 = arith.addf %get3A_48, %dot_general3A_50 : vector<128x1xf32>
    %swap3A_52 = arith.constant 0 : index
    %swap3A_53 = arith.constant 0 : index
    %swap3A_54 = vector.load %arg8[%swap3A_52, %swap3A_53] : memref<128x1xf32, #tpu.memory_space<vmem>>, vector<128x1xf32>
    tpu.vector_store %arg8[%swap3A_52, %swap3A_53], %add3A_51 {strides = array<i32>} : memref<128x1xf32, #tpu.memory_space<vmem>>, vector<128x1xf32>,
    %get3A_55 = arith.constant 0 : index
    %get3A_56 = arith.constant 1 : index
    %get3A_57 = vector.load %arg6[%get3A_55, %get3A_56] : memref<1792x8xi32, #tpu.memory_space<vmem>>, vector<1792x1xi32>
    %eq3A_58 = vector.broadcast %get3A_57 : vector<1792x1xi32> to vector<1792x128xi32>
    %eq3A_59 = arith.cmpi eq, %eq3A_58, %iota3A : vector<1792x128xi32>
    %jit3A_60 = arith.constant 1.000000e+00 : f32
    %jit3A_61 = arith.constant 0.000000e+00 : f32
    %broadcast_in_dim3A_62 = vector.broadcast %jit3A_60 : f32 to vector<1792x128xf32>
    %broadcast_in_dim3A_63 = vector.broadcast %jit3A_61 : f32 to vector<1792x128xf32>
    %select_n3A_64 = arith.select %eq3A_59, %broadcast_in_dim3A_62, %broadcast_in_dim3A_63 : vector<1792x128xi1>, vector<1792x128xf32>
    %get3A_65 = arith.constant 0 : index
    %get3A_66 = arith.constant 0 : index
    %get3A_67 = vector.load %arg7[%get3A_65, %get3A_66] : memref<128x32xf32, #tpu.memory_space<vmem>>, vector<128x32xf32>
    %slice3A_68 = vector.extract_strided_slice %add3A_26 {offsets = [0, 32], sizes = [1792, 32], strides = [1, 1]} : vector<1792x256xf32> to vector<1792x32xf32>
    %dot_general3A_69 = arith.constant dense<0.000000e+00> : vector<128x32xf32>
    %dot_general3A_70 = tpu.matmul %select_n3A_64, %slice3A_68, %dot_general3A_69 {dimension_numbers = #tpu.dot_dimension_numbers<[0], [0], [1], [1], [0, 1, 1, 1], [], []>, precision = #tpu.contract_precision<fp32>, transpose_lhs_hint = false} : vector<1792x128xf32>, vector<1792x32xf32>, vector<128x32xf32> -> vector<128x32xf32>
    %add3A_71 = arith.addf %get3A_67, %dot_general3A_70 : vector<128x32xf32>
    %swap3A_72 = arith.constant 0 : index
    %swap3A_73 = arith.constant 0 : index
    %swap3A_74 = vector.load %arg7[%swap3A_72, %swap3A_73] : memref<128x32xf32, #tpu.memory_space<vmem>>, vector<128x32xf32>
    tpu.vector_store %arg7[%swap3A_72, %swap3A_73], %add3A_71 {strides = array<i32>} : memref<128x32xf32, #tpu.memory_space<vmem>>, vector<128x32xf32>,
    %get3A_75 = arith.constant 0 : index
    %get3A_76 = arith.constant 0 : index
    %get3A_77 = vector.load %arg8[%get3A_75, %get3A_76] : memref<128x1xf32, #tpu.memory_space<vmem>>, vector<128x1xf32>
    %dot_general3A_78 = arith.constant dense<0.000000e+00> : vector<128x1xf32>
    %dot_general3A_79 = tpu.matmul %select_n3A_64, %broadcast_in_dim3A_29, %dot_general3A_78 {dimension_numbers = #tpu.dot_dimension_numbers<[0], [0], [1], [1], [0, 1, 1, 1], [], []>, precision = #tpu.contract_precision<fp32>, transpose_lhs_hint = false} : vector<1792x128xf32>, vector<1792x1xf32>, vector<128x1xf32> -> vector<128x1xf32>
    %add3A_80 = arith.addf %get3A_77, %dot_general3A_79 : vector<128x1xf32>
    %swap3A_81 = arith.constant 0 : index
    %swap3A_82 = arith.constant 0 : index
    %swap3A_83 = vector.load %arg8[%swap3A_81, %swap3A_82] : memref<128x1xf32, #tpu.memory_space<vmem>>, vector<128x1xf32>
    tpu.vector_store %arg8[%swap3A_81, %swap3A_82], %add3A_80 {strides = array<i32>} : memref<128x1xf32, #tpu.memory_space<vmem>>, vector<128x1xf32>,
    %get3A_84 = arith.constant 0 : index
    %get3A_85 = arith.constant 2 : index
    %get3A_86 = vector.load %arg6[%get3A_84, %get3A_85] : memref<1792x8xi32, #tpu.memory_space<vmem>>, vector<1792x1xi32>
    %eq3A_87 = vector.broadcast %get3A_86 : vector<1792x1xi32> to vector<1792x128xi32>
    %eq3A_88 = arith.cmpi eq, %eq3A_87, %iota3A : vector<1792x128xi32>
    %jit3A_89 = arith.constant 1.000000e+00 : f32
    %jit3A_90 = arith.constant 0.000000e+00 : f32
    %broadcast_in_dim3A_91 = vector.broadcast %jit3A_89 : f32 to vector<1792x128xf32>
    %broadcast_in_dim3A_92 = vector.broadcast %jit3A_90 : f32 to vector<1792x128xf32>
    %select_n3A_93 = arith.select %eq3A_88, %broadcast_in_dim3A_91, %broadcast_in_dim3A_92 : vector<1792x128xi1>, vector<1792x128xf32>
    %get3A_94 = arith.constant 0 : index
    %get3A_95 = arith.constant 0 : index
    %get3A_96 = vector.load %arg7[%get3A_94, %get3A_95] : memref<128x32xf32, #tpu.memory_space<vmem>>, vector<128x32xf32>
    %slice3A_97 = vector.extract_strided_slice %add3A_26 {offsets = [0, 64], sizes = [1792, 32], strides = [1, 1]} : vector<1792x256xf32> to vector<1792x32xf32>
    %dot_general3A_98 = arith.constant dense<0.000000e+00> : vector<128x32xf32>
    %dot_general3A_99 = tpu.matmul %select_n3A_93, %slice3A_97, %dot_general3A_98 {dimension_numbers = #tpu.dot_dimension_numbers<[0], [0], [1], [1], [0, 1, 1, 1], [], []>, precision = #tpu.contract_precision<fp32>, transpose_lhs_hint = false} : vector<1792x128xf32>, vector<1792x32xf32>, vector<128x32xf32> -> vector<128x32xf32>
    %add3A_100 = arith.addf %get3A_96, %dot_general3A_99 : vector<128x32xf32>
    %swap3A_101 = arith.constant 0 : index
    %swap3A_102 = arith.constant 0 : index
    %swap3A_103 = vector.load %arg7[%swap3A_101, %swap3A_102] : memref<128x32xf32, #tpu.memory_space<vmem>>, vector<128x32xf32>
    tpu.vector_store %arg7[%swap3A_101, %swap3A_102], %add3A_100 {strides = array<i32>} : memref<128x32xf32, #tpu.memory_space<vmem>>, vector<128x32xf32>,
    %get3A_104 = arith.constant 0 : index
    %get3A_105 = arith.constant 0 : index
    %get3A_106 = vector.load %arg8[%get3A_104, %get3A_105] : memref<128x1xf32, #tpu.memory_space<vmem>>, vector<128x1xf32>
    %dot_general3A_107 = arith.constant dense<0.000000e+00> : vector<128x1xf32>
    %dot_general3A_108 = tpu.matmul %select_n3A_93, %broadcast_in_dim3A_29, %dot_general3A_107 {dimension_numbers = #tpu.dot_dimension_numbers<[0], [0], [1], [1], [0, 1, 1, 1], [], []>, precision = #tpu.contract_precision<fp32>, transpose_lhs_hint = false} : vector<1792x128xf32>, vector<1792x1xf32>, vector<128x1xf32> -> vector<128x1xf32>
    %add3A_109 = arith.addf %get3A_106, %dot_general3A_108 : vector<128x1xf32>
    %swap3A_110 = arith.constant 0 : index
    %swap3A_111 = arith.constant 0 : index
    %swap3A_112 = vector.load %arg8[%swap3A_110, %swap3A_111] : memref<128x1xf32, #tpu.memory_space<vmem>>, vector<128x1xf32>
    tpu.vector_store %arg8[%swap3A_110, %swap3A_111], %add3A_109 {strides = array<i32>} : memref<128x1xf32, #tpu.memory_space<vmem>>, vector<128x1xf32>,
    %get3A_113 = arith.constant 0 : index
    %get3A_114 = arith.constant 3 : index
    %get3A_115 = vector.load %arg6[%get3A_113, %get3A_114] : memref<1792x8xi32, #tpu.memory_space<vmem>>, vector<1792x1xi32>
    %eq3A_116 = vector.broadcast %get3A_115 : vector<1792x1xi32> to vector<1792x128xi32>
    %eq3A_117 = arith.cmpi eq, %eq3A_116, %iota3A : vector<1792x128xi32>
    %jit3A_118 = arith.constant 1.000000e+00 : f32
    %jit3A_119 = arith.constant 0.000000e+00 : f32
    %broadcast_in_dim3A_120 = vector.broadcast %jit3A_118 : f32 to vector<1792x128xf32>
    %broadcast_in_dim3A_121 = vector.broadcast %jit3A_119 : f32 to vector<1792x128xf32>
    %select_n3A_122 = arith.select %eq3A_117, %broadcast_in_dim3A_120, %broadcast_in_dim3A_121 : vector<1792x128xi1>, vector<1792x128xf32>
    %get3A_123 = arith.constant 0 : index
    %get3A_124 = arith.constant 0 : index
    %get3A_125 = vector.load %arg7[%get3A_123, %get3A_124] : memref<128x32xf32, #tpu.memory_space<vmem>>, vector<128x32xf32>
    %slice3A_126 = vector.extract_strided_slice %add3A_26 {offsets = [0, 96], sizes = [1792, 32], strides = [1, 1]} : vector<1792x256xf32> to vector<1792x32xf32>
    %dot_general3A_127 = arith.constant dense<0.000000e+00> : vector<128x32xf32>
    %dot_general3A_128 = tpu.matmul %select_n3A_122, %slice3A_126, %dot_general3A_127 {dimension_numbers = #tpu.dot_dimension_numbers<[0], [0], [1], [1], [0, 1, 1, 1], [], []>, precision = #tpu.contract_precision<fp32>, transpose_lhs_hint = false} : vector<1792x128xf32>, vector<1792x32xf32>, vector<128x32xf32> -> vector<128x32xf32>
    %add3A_129 = arith.addf %get3A_125, %dot_general3A_128 : vector<128x32xf32>
    %swap3A_130 = arith.constant 0 : index
    %swap3A_131 = arith.constant 0 : index
    %swap3A_132 = vector.load %arg7[%swap3A_130, %swap3A_131] : memref<128x32xf32, #tpu.memory_space<vmem>>, vector<128x32xf32>
    tpu.vector_store %arg7[%swap3A_130, %swap3A_131], %add3A_129 {strides = array<i32>} : memref<128x32xf32, #tpu.memory_space<vmem>>, vector<128x32xf32>,
    %get3A_133 = arith.constant 0 : index
    %get3A_134 = arith.constant 0 : index
    %get3A_135 = vector.load %arg8[%get3A_133, %get3A_134] : memref<128x1xf32, #tpu.memory_space<vmem>>, vector<128x1xf32>
    %dot_general3A_136 = arith.constant dense<0.000000e+00> : vector<128x1xf32>
    %dot_general3A_137 = tpu.matmul %select_n3A_122, %broadcast_in_dim3A_29, %dot_general3A_136 {dimension_numbers = #tpu.dot_dimension_numbers<[0], [0], [1], [1], [0, 1, 1, 1], [], []>, precision = #tpu.contract_precision<fp32>, transpose_lhs_hint = false} : vector<1792x128xf32>, vector<1792x1xf32>, vector<128x1xf32> -> vector<128x1xf32>
    %add3A_138 = arith.addf %get3A_135, %dot_general3A_137 : vector<128x1xf32>
    %swap3A_139 = arith.constant 0 : index
    %swap3A_140 = arith.constant 0 : index
    %swap3A_141 = vector.load %arg8[%swap3A_139, %swap3A_140] : memref<128x1xf32, #tpu.memory_space<vmem>>, vector<128x1xf32>
    tpu.vector_store %arg8[%swap3A_139, %swap3A_140], %add3A_138 {strides = array<i32>} : memref<128x1xf32, #tpu.memory_space<vmem>>, vector<128x1xf32>,
    %get3A_142 = arith.constant 0 : index
    %get3A_143 = arith.constant 4 : index
    %get3A_144 = vector.load %arg6[%get3A_142, %get3A_143] : memref<1792x8xi32, #tpu.memory_space<vmem>>, vector<1792x1xi32>
    %eq3A_145 = vector.broadcast %get3A_144 : vector<1792x1xi32> to vector<1792x128xi32>
    %eq3A_146 = arith.cmpi eq, %eq3A_145, %iota3A : vector<1792x128xi32>
    %jit3A_147 = arith.constant 1.000000e+00 : f32
    %jit3A_148 = arith.constant 0.000000e+00 : f32
    %broadcast_in_dim3A_149 = vector.broadcast %jit3A_147 : f32 to vector<1792x128xf32>
    %broadcast_in_dim3A_150 = vector.broadcast %jit3A_148 : f32 to vector<1792x128xf32>
    %select_n3A_151 = arith.select %eq3A_146, %broadcast_in_dim3A_149, %broadcast_in_dim3A_150 : vector<1792x128xi1>, vector<1792x128xf32>
    %get3A_152 = arith.constant 0 : index
    %get3A_153 = arith.constant 0 : index
    %get3A_154 = vector.load %arg7[%get3A_152, %get3A_153] : memref<128x32xf32, #tpu.memory_space<vmem>>, vector<128x32xf32>
    %slice3A_155 = vector.extract_strided_slice %add3A_26 {offsets = [0, 128], sizes = [1792, 32], strides = [1, 1]} : vector<1792x256xf32> to vector<1792x32xf32>
    %dot_general3A_156 = arith.constant dense<0.000000e+00> : vector<128x32xf32>
    %dot_general3A_157 = tpu.matmul %select_n3A_151, %slice3A_155, %dot_general3A_156 {dimension_numbers = #tpu.dot_dimension_numbers<[0], [0], [1], [1], [0, 1, 1, 1], [], []>, precision = #tpu.contract_precision<fp32>, transpose_lhs_hint = false} : vector<1792x128xf32>, vector<1792x32xf32>, vector<128x32xf32> -> vector<128x32xf32>
    %add3A_158 = arith.addf %get3A_154, %dot_general3A_157 : vector<128x32xf32>
    %swap3A_159 = arith.constant 0 : index
    %swap3A_160 = arith.constant 0 : index
    %swap3A_161 = vector.load %arg7[%swap3A_159, %swap3A_160] : memref<128x32xf32, #tpu.memory_space<vmem>>, vector<128x32xf32>
    tpu.vector_store %arg7[%swap3A_159, %swap3A_160], %add3A_158 {strides = array<i32>} : memref<128x32xf32, #tpu.memory_space<vmem>>, vector<128x32xf32>,
    %get3A_162 = arith.constant 0 : index
    %get3A_163 = arith.constant 0 : index
    %get3A_164 = vector.load %arg8[%get3A_162, %get3A_163] : memref<128x1xf32, #tpu.memory_space<vmem>>, vector<128x1xf32>
    %dot_general3A_165 = arith.constant dense<0.000000e+00> : vector<128x1xf32>
    %dot_general3A_166 = tpu.matmul %select_n3A_151, %broadcast_in_dim3A_29, %dot_general3A_165 {dimension_numbers = #tpu.dot_dimension_numbers<[0], [0], [1], [1], [0, 1, 1, 1], [], []>, precision = #tpu.contract_precision<fp32>, transpose_lhs_hint = false} : vector<1792x128xf32>, vector<1792x1xf32>, vector<128x1xf32> -> vector<128x1xf32>
    %add3A_167 = arith.addf %get3A_164, %dot_general3A_166 : vector<128x1xf32>
    %swap3A_168 = arith.constant 0 : index
    %swap3A_169 = arith.constant 0 : index
    %swap3A_170 = vector.load %arg8[%swap3A_168, %swap3A_169] : memref<128x1xf32, #tpu.memory_space<vmem>>, vector<128x1xf32>
    tpu.vector_store %arg8[%swap3A_168, %swap3A_169], %add3A_167 {strides = array<i32>} : memref<128x1xf32, #tpu.memory_space<vmem>>, vector<128x1xf32>,
    %get3A_171 = arith.constant 0 : index
    %get3A_172 = arith.constant 5 : index
    %get3A_173 = vector.load %arg6[%get3A_171, %get3A_172] : memref<1792x8xi32, #tpu.memory_space<vmem>>, vector<1792x1xi32>
    %eq3A_174 = vector.broadcast %get3A_173 : vector<1792x1xi32> to vector<1792x128xi32>
    %eq3A_175 = arith.cmpi eq, %eq3A_174, %iota3A : vector<1792x128xi32>
    %jit3A_176 = arith.constant 1.000000e+00 : f32
    %jit3A_177 = arith.constant 0.000000e+00 : f32
    %broadcast_in_dim3A_178 = vector.broadcast %jit3A_176 : f32 to vector<1792x128xf32>
    %broadcast_in_dim3A_179 = vector.broadcast %jit3A_177 : f32 to vector<1792x128xf32>
    %select_n3A_180 = arith.select %eq3A_175, %broadcast_in_dim3A_178, %broadcast_in_dim3A_179 : vector<1792x128xi1>, vector<1792x128xf32>
    %get3A_181 = arith.constant 0 : index
    %get3A_182 = arith.constant 0 : index
    %get3A_183 = vector.load %arg7[%get3A_181, %get3A_182] : memref<128x32xf32, #tpu.memory_space<vmem>>, vector<128x32xf32>
    %slice3A_184 = vector.extract_strided_slice %add3A_26 {offsets = [0, 160], sizes = [1792, 32], strides = [1, 1]} : vector<1792x256xf32> to vector<1792x32xf32>
    %dot_general3A_185 = arith.constant dense<0.000000e+00> : vector<128x32xf32>
    %dot_general3A_186 = tpu.matmul %select_n3A_180, %slice3A_184, %dot_general3A_185 {dimension_numbers = #tpu.dot_dimension_numbers<[0], [0], [1], [1], [0, 1, 1, 1], [], []>, precision = #tpu.contract_precision<fp32>, transpose_lhs_hint = false} : vector<1792x128xf32>, vector<1792x32xf32>, vector<128x32xf32> -> vector<128x32xf32>
    %add3A_187 = arith.addf %get3A_183, %dot_general3A_186 : vector<128x32xf32>
    %swap3A_188 = arith.constant 0 : index
    %swap3A_189 = arith.constant 0 : index
    %swap3A_190 = vector.load %arg7[%swap3A_188, %swap3A_189] : memref<128x32xf32, #tpu.memory_space<vmem>>, vector<128x32xf32>
    tpu.vector_store %arg7[%swap3A_188, %swap3A_189], %add3A_187 {strides = array<i32>} : memref<128x32xf32, #tpu.memory_space<vmem>>, vector<128x32xf32>,
    %get3A_191 = arith.constant 0 : index
    %get3A_192 = arith.constant 0 : index
    %get3A_193 = vector.load %arg8[%get3A_191, %get3A_192] : memref<128x1xf32, #tpu.memory_space<vmem>>, vector<128x1xf32>
    %dot_general3A_194 = arith.constant dense<0.000000e+00> : vector<128x1xf32>
    %dot_general3A_195 = tpu.matmul %select_n3A_180, %broadcast_in_dim3A_29, %dot_general3A_194 {dimension_numbers = #tpu.dot_dimension_numbers<[0], [0], [1], [1], [0, 1, 1, 1], [], []>, precision = #tpu.contract_precision<fp32>, transpose_lhs_hint = false} : vector<1792x128xf32>, vector<1792x1xf32>, vector<128x1xf32> -> vector<128x1xf32>
    %add3A_196 = arith.addf %get3A_193, %dot_general3A_195 : vector<128x1xf32>
    %swap3A_197 = arith.constant 0 : index
    %swap3A_198 = arith.constant 0 : index
    %swap3A_199 = vector.load %arg8[%swap3A_197, %swap3A_198] : memref<128x1xf32, #tpu.memory_space<vmem>>, vector<128x1xf32>
    tpu.vector_store %arg8[%swap3A_197, %swap3A_198], %add3A_196 {strides = array<i32>} : memref<128x1xf32, #tpu.memory_space<vmem>>, vector<128x1xf32>,
    %get3A_200 = arith.constant 0 : index
    %get3A_201 = arith.constant 6 : index
    %get3A_202 = vector.load %arg6[%get3A_200, %get3A_201] : memref<1792x8xi32, #tpu.memory_space<vmem>>, vector<1792x1xi32>
    %eq3A_203 = vector.broadcast %get3A_202 : vector<1792x1xi32> to vector<1792x128xi32>
    %eq3A_204 = arith.cmpi eq, %eq3A_203, %iota3A : vector<1792x128xi32>
    %jit3A_205 = arith.constant 1.000000e+00 : f32
    %jit3A_206 = arith.constant 0.000000e+00 : f32
    %broadcast_in_dim3A_207 = vector.broadcast %jit3A_205 : f32 to vector<1792x128xf32>
    %broadcast_in_dim3A_208 = vector.broadcast %jit3A_206 : f32 to vector<1792x128xf32>
    %select_n3A_209 = arith.select %eq3A_204, %broadcast_in_dim3A_207, %broadcast_in_dim3A_208 : vector<1792x128xi1>, vector<1792x128xf32>
    %get3A_210 = arith.constant 0 : index
    %get3A_211 = arith.constant 0 : index
    %get3A_212 = vector.load %arg7[%get3A_210, %get3A_211] : memref<128x32xf32, #tpu.memory_space<vmem>>, vector<128x32xf32>
    %slice3A_213 = vector.extract_strided_slice %add3A_26 {offsets = [0, 192], sizes = [1792, 32], strides = [1, 1]} : vector<1792x256xf32> to vector<1792x32xf32>
    %dot_general3A_214 = arith.constant dense<0.000000e+00> : vector<128x32xf32>
    %dot_general3A_215 = tpu.matmul %select_n3A_209, %slice3A_213, %dot_general3A_214 {dimension_numbers = #tpu.dot_dimension_numbers<[0], [0], [1], [1], [0, 1, 1, 1], [], []>, precision = #tpu.contract_precision<fp32>, transpose_lhs_hint = false} : vector<1792x128xf32>, vector<1792x32xf32>, vector<128x32xf32> -> vector<128x32xf32>
    %add3A_216 = arith.addf %get3A_212, %dot_general3A_215 : vector<128x32xf32>
    %swap3A_217 = arith.constant 0 : index
    %swap3A_218 = arith.constant 0 : index
    %swap3A_219 = vector.load %arg7[%swap3A_217, %swap3A_218] : memref<128x32xf32, #tpu.memory_space<vmem>>, vector<128x32xf32>
    tpu.vector_store %arg7[%swap3A_217, %swap3A_218], %add3A_216 {strides = array<i32>} : memref<128x32xf32, #tpu.memory_space<vmem>>, vector<128x32xf32>,
    %get3A_220 = arith.constant 0 : index
    %get3A_221 = arith.constant 0 : index
    %get3A_222 = vector.load %arg8[%get3A_220, %get3A_221] : memref<128x1xf32, #tpu.memory_space<vmem>>, vector<128x1xf32>
    %dot_general3A_223 = arith.constant dense<0.000000e+00> : vector<128x1xf32>
    %dot_general3A_224 = tpu.matmul %select_n3A_209, %broadcast_in_dim3A_29, %dot_general3A_223 {dimension_numbers = #tpu.dot_dimension_numbers<[0], [0], [1], [1], [0, 1, 1, 1], [], []>, precision = #tpu.contract_precision<fp32>, transpose_lhs_hint = false} : vector<1792x128xf32>, vector<1792x1xf32>, vector<128x1xf32> -> vector<128x1xf32>
    %add3A_225 = arith.addf %get3A_222, %dot_general3A_224 : vector<128x1xf32>
    %swap3A_226 = arith.constant 0 : index
    %swap3A_227 = arith.constant 0 : index
    %swap3A_228 = vector.load %arg8[%swap3A_226, %swap3A_227] : memref<128x1xf32, #tpu.memory_space<vmem>>, vector<128x1xf32>
    tpu.vector_store %arg8[%swap3A_226, %swap3A_227], %add3A_225 {strides = array<i32>} : memref<128x1xf32, #tpu.memory_space<vmem>>, vector<128x1xf32>,
    %get3A_229 = arith.constant 0 : index
    %get3A_230 = arith.constant 7 : index
    %get3A_231 = vector.load %arg6[%get3A_229, %get3A_230] : memref<1792x8xi32, #tpu.memory_space<vmem>>, vector<1792x1xi32>
    %eq3A_232 = vector.broadcast %get3A_231 : vector<1792x1xi32> to vector<1792x128xi32>
    %eq3A_233 = arith.cmpi eq, %eq3A_232, %iota3A : vector<1792x128xi32>
    %jit3A_234 = arith.constant 1.000000e+00 : f32
    %jit3A_235 = arith.constant 0.000000e+00 : f32
    %broadcast_in_dim3A_236 = vector.broadcast %jit3A_234 : f32 to vector<1792x128xf32>
    %broadcast_in_dim3A_237 = vector.broadcast %jit3A_235 : f32 to vector<1792x128xf32>
    %select_n3A_238 = arith.select %eq3A_233, %broadcast_in_dim3A_236, %broadcast_in_dim3A_237 : vector<1792x128xi1>, vector<1792x128xf32>
    %get3A_239 = arith.constant 0 : index
    %get3A_240 = arith.constant 0 : index
    %get3A_241 = vector.load %arg7[%get3A_239, %get3A_240] : memref<128x32xf32, #tpu.memory_space<vmem>>, vector<128x32xf32>
    %slice3A_242 = vector.extract_strided_slice %add3A_26 {offsets = [0, 224], sizes = [1792, 32], strides = [1, 1]} : vector<1792x256xf32> to vector<1792x32xf32>
    %dot_general3A_243 = arith.constant dense<0.000000e+00> : vector<128x32xf32>
    %dot_general3A_244 = tpu.matmul %select_n3A_238, %slice3A_242, %dot_general3A_243 {dimension_numbers = #tpu.dot_dimension_numbers<[0], [0], [1], [1], [0, 1, 1, 1], [], []>, precision = #tpu.contract_precision<fp32>, transpose_lhs_hint = false} : vector<1792x128xf32>, vector<1792x32xf32>, vector<128x32xf32> -> vector<128x32xf32>
    %add3A_245 = arith.addf %get3A_241, %dot_general3A_244 : vector<128x32xf32>
    %swap3A_246 = arith.constant 0 : index
    %swap3A_247 = arith.constant 0 : index
    %swap3A_248 = vector.load %arg7[%swap3A_246, %swap3A_247] : memref<128x32xf32, #tpu.memory_space<vmem>>, vector<128x32xf32>
    tpu.vector_store %arg7[%swap3A_246, %swap3A_247], %add3A_245 {strides = array<i32>} : memref<128x32xf32, #tpu.memory_space<vmem>>, vector<128x32xf32>,
    %get3A_249 = arith.constant 0 : index
    %get3A_250 = arith.constant 0 : index
    %get3A_251 = vector.load %arg8[%get3A_249, %get3A_250] : memref<128x1xf32, #tpu.memory_space<vmem>>, vector<128x1xf32>
    %dot_general3A_252 = arith.constant dense<0.000000e+00> : vector<128x1xf32>
    %dot_general3A_253 = tpu.matmul %select_n3A_238, %broadcast_in_dim3A_29, %dot_general3A_252 {dimension_numbers = #tpu.dot_dimension_numbers<[0], [0], [1], [1], [0, 1, 1, 1], [], []>, precision = #tpu.contract_precision<fp32>, transpose_lhs_hint = false} : vector<1792x128xf32>, vector<1792x1xf32>, vector<128x1xf32> -> vector<128x1xf32>
    %add3A_254 = arith.addf %get3A_251, %dot_general3A_253 : vector<128x1xf32>
    %swap3A_255 = arith.constant 0 : index
    %swap3A_256 = arith.constant 0 : index
    %swap3A_257 = vector.load %arg8[%swap3A_255, %swap3A_256] : memref<128x1xf32, #tpu.memory_space<vmem>>, vector<128x1xf32>
    tpu.vector_store %arg8[%swap3A_255, %swap3A_256], %add3A_254 {strides = array<i32>} : memref<128x1xf32, #tpu.memory_space<vmem>>, vector<128x1xf32>,
    return
  }
  func.func @transform_0(%arg0: i32) -> (i32, i32, i32) {
    %c0_i32 = arith.constant 0 : i32
    %c0_i32_0 = arith.constant 0 : i32
    %c0_i32_1 = arith.constant 0 : i32
    return %c0_i32, %arg0, %c0_i32_0 : i32, i32, i32
  }
  func.func @transform_1(%arg0: i32) -> (i32, i32) {
    %c0_i32 = arith.constant 0 : i32
    %c0_i32_0 = arith.constant 0 : i32
    return %arg0, %c0_i32 : i32, i32
  }
  func.func @transform_2(%arg0: i32) -> (i32, i32) {
    %c0_i32 = arith.constant 0 : i32
    %c0_i32_0 = arith.constant 0 : i32
    %c0_i32_1 = arith.constant 0 : i32
    return %c0_i32, %c0_i32_0 : i32, i32
  }
  func.func @transform_3(%arg0: i32) -> (i32, i32) {
    %c0_i32 = arith.constant 0 : i32
    %c0_i32_0 = arith.constant 0 : i32
    %c0_i32_1 = arith.constant 0 : i32
    return %c0_i32, %c0_i32_0 : i32, i32
  }
  func.func @transform_4(%arg0: i32) -> (i32, i32) {
    %c0_i32 = arith.constant 0 : i32
    %c0_i32_0 = arith.constant 0 : i32
    %c0_i32_1 = arith.constant 0 : i32
    return %c0_i32, %c0_i32_0 : i32, i32
  }
  func.func @transform_5(%arg0: i32) -> (i32, i32) {
    %c0_i32 = arith.constant 0 : i32
    %c0_i32_0 = arith.constant 0 : i32
    return %arg0, %c0_i32 : i32, i32
  }
  func.func @transform_6(%arg0: i32) -> (i32, i32) {
    %c0_i32 = arith.constant 0 : i32
    %c0_i32_0 = arith.constant 0 : i32
    %c0_i32_1 = arith.constant 0 : i32
    return %c0_i32, %c0_i32_0 : i32, i32
  }
  func.func @transform_7(%arg0: i32) -> (i32, i32) {
    %c0_i32 = arith.constant 0 : i32
    %c0_i32_0 = arith.constant 0 : i32
    %c0_i32_1 = arith.constant 0 : i32
    return %c0_i32, %c0_i32_0 : i32, i32
  }
}

module attributes {stable_mosaic.version = 14 : i64} {
  func.func @_head_body(%arg0: memref<128x32xf32, #tpu.memory_space<vmem>>, %arg1: memref<128x1xf32, #tpu.memory_space<vmem>>, %arg2: memref<128x16xf32, #tpu.memory_space<vmem>>, %arg3: memref<16x16xf32, #tpu.memory_space<vmem>>, %arg4: memref<1x16xf32, #tpu.memory_space<vmem>>, %arg5: memref<32x32xf32, #tpu.memory_space<vmem>>, %arg6: memref<16x32xf32, #tpu.memory_space<vmem>>, %arg7: memref<1x32xf32, #tpu.memory_space<vmem>>, %arg8: memref<32x8xf32, #tpu.memory_space<vmem>>, %arg9: memref<1x8xf32, #tpu.memory_space<vmem>>, %arg10: memref<128x8xf32, #tpu.memory_space<vmem>>) attributes {dimension_semantics = [], scalar_prefetch = 0 : i64, scratch_operands = 0 : i64, tpu.core_type = #tpu.core_type<tc>} {
    %get3A = arith.constant 0 : index
    %get3A_0 = arith.constant 0 : index
    %get3A_1 = vector.load %arg0[%get3A, %get3A_0] : memref<128x32xf32, #tpu.memory_space<vmem>>, vector<128x32xf32>
    %get3A_2 = arith.constant 0 : index
    %get3A_3 = arith.constant 0 : index
    %get3A_4 = vector.load %arg1[%get3A_2, %get3A_3] : memref<128x1xf32, #tpu.memory_space<vmem>>, vector<128x1xf32>
    %max3A = arith.constant 1.000000e+00 : f32
    %max3A_5 = vector.broadcast %max3A : f32 to vector<128x1xf32>
    %max3A_6 = arith.maximumf %get3A_4, %max3A_5 : vector<128x1xf32>
    %div3A = vector.broadcast %max3A_6 : vector<128x1xf32> to vector<128x32xf32>
    %div3A_7 = arith.divf %get3A_1, %div3A : vector<128x32xf32>
    %get3A_8 = arith.constant 0 : index
    %get3A_9 = arith.constant 0 : index
    %get3A_10 = vector.load %arg2[%get3A_8, %get3A_9] : memref<128x16xf32, #tpu.memory_space<vmem>>, vector<128x16xf32>
    %get3A_11 = arith.constant 0 : index
    %get3A_12 = arith.constant 0 : index
    %get3A_13 = vector.load %arg3[%get3A_11, %get3A_12] : memref<16x16xf32, #tpu.memory_space<vmem>>, vector<16x16xf32>
    %dot_general3A = arith.constant dense<0.000000e+00> : vector<128x16xf32>
    %dot_general3A_14 = tpu.matmul %get3A_10, %get3A_13, %dot_general3A {dimension_numbers = #tpu.dot_dimension_numbers<[1], [0], [0], [1], [0, 0, 1, 1], [], []>, transpose_lhs_hint = false} : vector<128x16xf32>, vector<16x16xf32>, vector<128x16xf32> -> vector<128x16xf32>
    %get3A_15 = arith.constant 0 : index
    %get3A_16 = arith.constant 0 : index
    %get3A_17 = vector.load %arg4[%get3A_15, %get3A_16] : memref<1x16xf32, #tpu.memory_space<vmem>>, vector<1x16xf32>
    %add3A = vector.broadcast %get3A_17 : vector<1x16xf32> to vector<128x16xf32>
    %add3A_18 = arith.addf %dot_general3A_14, %add3A : vector<128x16xf32>
    %max3A_19 = arith.constant 0.000000e+00 : f32
    %max3A_20 = vector.broadcast %max3A_19 : f32 to vector<128x16xf32>
    %max3A_21 = arith.maximumf %add3A_18, %max3A_20 : vector<128x16xf32>
    %get3A_22 = arith.constant 0 : index
    %get3A_23 = arith.constant 0 : index
    %get3A_24 = vector.load %arg5[%get3A_22, %get3A_23] : memref<32x32xf32, #tpu.memory_space<vmem>>, vector<32x32xf32>
    %dot_general3A_25 = arith.constant dense<0.000000e+00> : vector<128x32xf32>
    %dot_general3A_26 = tpu.matmul %div3A_7, %get3A_24, %dot_general3A_25 {dimension_numbers = #tpu.dot_dimension_numbers<[1], [0], [0], [1], [0, 0, 1, 1], [], []>, transpose_lhs_hint = false} : vector<128x32xf32>, vector<32x32xf32>, vector<128x32xf32> -> vector<128x32xf32>
    %get3A_27 = arith.constant 0 : index
    %get3A_28 = arith.constant 0 : index
    %get3A_29 = vector.load %arg6[%get3A_27, %get3A_28] : memref<16x32xf32, #tpu.memory_space<vmem>>, vector<16x32xf32>
    %dot_general3A_30 = arith.constant dense<0.000000e+00> : vector<128x32xf32>
    %dot_general3A_31 = tpu.matmul %max3A_21, %get3A_29, %dot_general3A_30 {dimension_numbers = #tpu.dot_dimension_numbers<[1], [0], [0], [1], [0, 0, 1, 1], [], []>, transpose_lhs_hint = false} : vector<128x16xf32>, vector<16x32xf32>, vector<128x32xf32> -> vector<128x32xf32>
    %add3A_32 = arith.addf %dot_general3A_26, %dot_general3A_31 : vector<128x32xf32>
    %get3A_33 = arith.constant 0 : index
    %get3A_34 = arith.constant 0 : index
    %get3A_35 = vector.load %arg7[%get3A_33, %get3A_34] : memref<1x32xf32, #tpu.memory_space<vmem>>, vector<1x32xf32>
    %add3A_36 = vector.broadcast %get3A_35 : vector<1x32xf32> to vector<128x32xf32>
    %add3A_37 = arith.addf %add3A_32, %add3A_36 : vector<128x32xf32>
    %max3A_38 = arith.constant 0.000000e+00 : f32
    %max3A_39 = vector.broadcast %max3A_38 : f32 to vector<128x32xf32>
    %max3A_40 = arith.maximumf %add3A_37, %max3A_39 : vector<128x32xf32>
    %get3A_41 = arith.constant 0 : index
    %get3A_42 = arith.constant 0 : index
    %get3A_43 = vector.load %arg8[%get3A_41, %get3A_42] : memref<32x8xf32, #tpu.memory_space<vmem>>, vector<32x8xf32>
    %dot_general3A_44 = arith.constant dense<0.000000e+00> : vector<128x8xf32>
    %dot_general3A_45 = tpu.matmul %max3A_40, %get3A_43, %dot_general3A_44 {dimension_numbers = #tpu.dot_dimension_numbers<[1], [0], [0], [1], [0, 0, 1, 1], [], []>, transpose_lhs_hint = false} : vector<128x32xf32>, vector<32x8xf32>, vector<128x8xf32> -> vector<128x8xf32>
    %get3A_46 = arith.constant 0 : index
    %get3A_47 = arith.constant 0 : index
    %get3A_48 = vector.load %arg9[%get3A_46, %get3A_47] : memref<1x8xf32, #tpu.memory_space<vmem>>, vector<1x8xf32>
    %add3A_49 = vector.broadcast %get3A_48 : vector<1x8xf32> to vector<128x8xf32>
    %add3A_50 = arith.addf %dot_general3A_45, %add3A_49 : vector<128x8xf32>
    %swap3A = arith.constant 0 : index
    %swap3A_51 = arith.constant 0 : index
    %swap3A_52 = vector.load %arg10[%swap3A, %swap3A_51] : memref<128x8xf32, #tpu.memory_space<vmem>>, vector<128x8xf32>
    tpu.vector_store %arg10[%swap3A, %swap3A_51], %add3A_50 {strides = array<i32>} : memref<128x8xf32, #tpu.memory_space<vmem>>, vector<128x8xf32>,
    return
  }
}

</mosaic_0001>

<sc_bundles>
// kernel: kernel.13.cloned.1.call-start
scs
__scs_entry_jumppad:
0x0: {  	(pc) =	sbr.rel $0x88, $3  }
0x1: {  	(tag) =	ssettag $0x0;
	lr =	simm.s32 $0x1  }
0x2: {  	[smem:$0x3F8D] =	sst lr;
	_ =	strace $0xD0000000  }
0x3: {  	_ = 	snop  }
0x4: {  	_ = 	snop  }
0x5: {  	_ = 	snop  }
0x6: {  	_ = 	snop  }
0x7: {  	_ = 	snop  }
__scs_overlays_trampoline_lowered:
0x8: {  	[smem:$0x3F9C] =	sst s0  }
0x9: {  	[smem:$0x3F9D] =	sst s1  }
0xa: {  	[smem:$0x3F9E] =	sst s2  }
0xb: {  	[smem:$0x3F9F] =	sst s3  }
0xc: {  	[smem:$0x3FA0] =	sst s4  }
0xd: {  	[smem:$0x3FA1] =	sst s5  }
0xe: {  	[smem:$0x3FA2] =	sst s6  }
0xf: {  	[smem:$0x3FA3] =	sst s7  }
0x10: {  	[smem:$0x3FA4] =	sst s8  }
0x11: {  	[smem:$0x3FA5] =	sst s9;
	s0 =	simm.s32 @!p0 $0x0  }
0x12: {  	s1 =	sld [smem:$0x3F8B];
	s0 =	simm.s32 @p0 $0x1  }
0x13: {  	[smem:$0x3FA6] =	sst s0;
	s0 =	simm.s32 @!p1 $0x0  }
0x14: {  	s2 =	sld [smem:$0x3F8A];
	s0 =	simm.s32 @p1 $0x1  }
0x15: {  	[smem:$0x3FA7] =	sst s0;
	s0 =	simm.s32 @!p2 $0x0  }
0x16: {  	s3 =	sld [smem:$0x3FDB];
	s0 =	simm.s32 @p2 $0x1  }
0x17: {  	s4 =	simm.s32 $0x1BF5;
	[smem:$0x3FA9] =	sst s0  }
0x18: {  	s0 =	sld [smem:$0x3F8C];
	_ =	swait.ge [sflag:s4], $0x0  }
0x19: {  	s7 =	sld [smem:$0x3F8D]  }
0x1a: {  	s8 =	sadd.s32 $0xFFFFE003, lr  }
0x1b: {  	s9 =	sadd.s32 $0xFFFFFEF7, lr;
	s5 =	simm.s32 $0xFFFFFFFF;
	p2 =	slt.u32 s8, $0xFFFFF086  }
0x1c: {  	p1 =	slt.u32 s9, $0xF7A;
	s5 =	simm.s32 @!p2 $0x0  }
0x1d: {  	s5 =	simm.s32 @p1 $0x1;
	p0 =	seq.s32 s7, s2  }
0x1e: {  	s7 =	smul.u32 @!p0 $0xF7A, s2;
	p2 =	seq.s32 @!p0 s5, $0x0  }
0x1f: {  	s9 =	smul.u32 $0xF7A, s1;
	s8 =	simm.s32 @!p0 $0x1BF5;
	p2 =	por !p2, p0  }
0x20: {  	[sflag:s8] =	ssyncset.s32 @!p0 $0xFFFFF086;
	s6 =	sadd.s32 @!p0 s3, s7;
	s7 =	simm.s32 @!p0 $0x108  }
0x21: {  	s3 =	sadd.s32 s3, s9;
	s6 =	sadd.s32 @!p0 $0x88, s6;
	s7 =	simm.s32 @p2 $0x1082  }
0x22: {  	[simem:s7], [sflag:s8] =	dma.local @!p0 [hbm:s6], $0xF7A  }
0x23: {  	s9 =	sor.u32 $0xD0000000, s2;
	s6 =	simm.s32 $0x108;
	_ =	swait.ge @!p0 [sflag:s8], $0x0  }
0x24: {  	s3 =	sadd.s32 $0x88, s3;
	s6 =	simm.s32 @!p1 $0x1082;
	[sflag:s4] =	ssyncset.s32 $0xFFFFF086  }
0x25: {  	[simem:s6], [sflag:s4] =	dma.local [hbm:s3], $0xF7A  }
0x26: {  	[smem:$0x3F8D] =	sst s1;
	(tag) =	ssettag s2;
	_ =	strace s9  }
0x27: {  	s1 =	sld [smem:$0x3F9D]  }
0x28: {  	s2 =	sld [smem:$0x3F9E]  }
0x29: {  	s4 =	sld [smem:$0x3FA0]  }
0x2a: {  	p0 =	seq.s32 s5, $0x0;
	s5 =	sld [smem:$0x3FA1]  }
0x2b: {  	s6 =	sld [smem:$0x3FA2]  }
0x2c: {  	s7 =	sld [smem:$0x3FA3]  }
0x2d: {  	s3 =	simm.s32 $0x108;
	s8 =	sld [smem:$0x3FA4]  }
0x2e: {  	s3 =	simm.s32 @!p0 $0x1082;
	s9 =	sld [smem:$0x3FA5]  }
0x2f: {  	lr =	sadd.s32 s0, s3;
	s0 =	sld [smem:$0x3F9C]  }
0x30: {  	s3 =	sld [smem:$0x3F9F]  }
0x31: {  	[smem:$0x3FA8] =	sst s10  }
0x32: {  	s10 =	sld [smem:$0x3FA6];
	_ =	sdelay $0x3  }
0x33: {  	p0 =	seq.s32 s10, $0x1;
	s10 =	sld [smem:$0x3FA8];
	_ =	sdelay $0x3  }
0x34: {  	[smem:$0x3FA8] =	sst s10  }
0x35: {  	s10 =	sld [smem:$0x3FA7];
	_ =	sdelay $0x3  }
0x36: {  	p1 =	seq.s32 s10, $0x1;
	s10 =	sld [smem:$0x3FA8];
	_ =	sdelay $0x3  }
0x37: {  	[smem:$0x3FA8] =	sst s10  }
0x38: {  	s10 =	sld [smem:$0x3FA9]  }
0x39: {  	_ = 	snop;
	(pc) =	sbr.ind lr, $3  }
0x3a: {  	_ = 	snop  }
0x3b: {  	_ = 	snop  }
0x3c: {  	p2 =	seq.s32 s10, $0x1;
	s10 =	sld [smem:$0x3FA8]  }
0x3d: {  	_ =	shalt  }
0x3e: {  	_ =	shalt  }
0x3f: {  	_ =	shalt  }
0x40: {  	_ =	shalt  }
0x41: {  	_ =	shalt  }
0x42: {  	_ =	shalt  }
0x43: {  	_ =	shalt  }
0x44: {  	_ =	shalt  }
0x45: {  	_ =	shalt  }
0x46: {  	_ =	shalt  }
0x47: {  	_ =	shalt  }
0x48: {  	_ =	shalt  }
0x49: {  	_ =	shalt  }
0x4a: {  	_ =	shalt  }
0x4b: {  	_ =	shalt  }
0x4c: {  	_ =	shalt  }
0x4d: {  	_ =	shalt  }
0x4e: {  	_ =	shalt  }
0x4f: {  	_ =	shalt  }
0x50: {  	_ =	shalt  }
0x51: {  	_ =	shalt  }
0x52: {  	_ =	shalt  }
0x53: {  	_ =	shalt  }
0x54: {  	_ =	shalt  }
0x55: {  	_ =	shalt  }
0x56: {  	_ =	shalt  }
0x57: {  	_ =	shalt  }
0x58: {  	_ =	shalt  }
0x59: {  	_ =	shalt  }
0x5a: {  	_ =	shalt  }
0x5b: {  	_ =	shalt  }
0x5c: {  	_ =	shalt  }
0x5d: {  	_ =	shalt  }
0x5e: {  	_ =	shalt  }
0x5f: {  	_ =	shalt  }
0x60: {  	_ =	shalt  }
0x61: {  	_ =	shalt  }
0x62: {  	_ =	shalt  }
0x63: {  	_ =	shalt  }
0x64: {  	_ =	shalt  }
0x65: {  	_ =	shalt  }
0x66: {  	_ =	shalt  }
0x67: {  	_ =	shalt  }
0x68: {  	_ =	shalt  }
0x69: {  	_ =	shalt  }
0x6a: {  	_ =	shalt  }
0x6b: {  	_ =	shalt  }
0x6c: {  	_ =	shalt  }
0x6d: {  	_ =	shalt  }
0x6e: {  	_ =	shalt  }
0x6f: {  	_ =	shalt  }
0x70: {  	_ =	shalt  }
0x71: {  	_ =	shalt  }
0x72: {  	_ =	shalt  }
0x73: {  	_ =	shalt  }
0x74: {  	_ =	shalt  }
0x75: {  	_ =	shalt  }
0x76: {  	_ =	shalt  }
0x77: {  	_ =	shalt  }
0x78: {  	_ =	shalt  }
0x79: {  	_ =	shalt  }
0x7a: {  	_ =	shalt  }
0x7b: {  	_ =	shalt  }
0x7c: {  	_ =	shalt  }
0x7d: {  	_ =	shalt  }
0x7e: {  	_ =	shalt  }
0x7f: {  	_ =	shalt  }
0x80: {  	_ =	shalt  }
0x81: {  	_ =	shalt  }
0x82: {  	_ =	shalt  }
0x83: {  	_ =	shalt  }
0x84: {  	_ =	shalt  }
0x85: {  	_ =	shalt  }
0x86: {  	_ =	shalt  }
0x87: {  	_ =	shalt  }
.Lfunc_end0:
.L_simem_size_0:
called_computation_lowered:
.L_overlay_start_0:
0x88: {  	s2 =	sld [smem:$0x3FD9]  }
0x89: {  	s3 =	sld [smem:$0x3FFE];
	_ =	sdelay $0x1  }
0x8a: {  	s1 =	srdreg.scid  }
0x8b: {  	s0 =	sand.u32 $0x1, s1  }
0x8c: {  	s16 =	sshll.u32 s0, $0xA;
	s2 =	sadd.s32 s3, s2  }
0x8d: {  	s2 =	sadd.s32 s2, s16  }
0x8e: {  	[smem:$0x3FB4] =	sst s2  }
0x8f: {  	_ = 	snop  }
0x90: {  	(tm) =	ssettm $0x1  }
0x91: {  	s17 =	sld [smem:$0x3FFB];
	_ =	sdelay $0x3  }
0x92: {  	_ =	strace s17  }
0x93: {  	s2 =	sld [smem:$0x3FFC];
	_ =	sdelay $0x3  }
0x94: {  	_ =	strace s2  }
0x95: {  	s2 =	sld [smem:$0x3FFD];
	_ =	sdelay $0x3  }
0x96: {  	_ =	strace s2  }
0x97: {  	_ =	strace $0x8FFFFFFF  }
0x98: {  	s18 =	sld [smem:$0x3FDB];
	_ =	sdelay $0x1  }
0x99: {  	s19 =	simm.s32 $_scs_section_size  }
0x9a: {  	s4 =	simm.s32 $_size__tile_overlayer_lowered;
	s5 =	simm.s32 $_tile_overlayer_lowered  }
0x9b: {  	s22 =	simm.s32 $0x1BFF;
	s21 =	sshll.u32 s5, $0x1;
	s2 =	sadd.s32 s19, s18  }
0x9c: {  	s6 =	simm.s32 $0x0;
	s20 =	sshll.u32 s4, $0x1;
	s4 =	sadd.s32 s21, s2  }
0x9d: {  	[timem:s6], [sflag:s22] =	dma.local [hbm:s4], s20  }
0x9e: {  	_ =	swait.ge [sflag:s22], s20  }
0x9f: {  	s3 =	ssub.s32 $0x0, s20;
	[sflag:s22] =	ssyncset.done $0x0  }
0xa0: {  	[sflag:s22] =	ssyncadd.s32 s3;
	_ =	sdelay $0x1  }
0xa1: {  	s23 =	simm.s32 $0x1B8B  }
0xa2: {  	_ =	swait.ge [sflag:s23], $0x1  }
0xa3: {  	[sflag:s23] =	ssyncset.done $0x0  }
0xa4: {  	s25 =	simm.s32 $0x1B8E;
	s24 =	sld [smem:$0x3FFE];
	[sflag:s23] =	ssyncadd.s32 $0xFFFFFFFF  }
0xa5: {  	s26 =	simm.s32 $execute0_lowered;
	[smem:$0x3FD2] =	sst s25  }
0xa6: {  	s4 =	sshll.u32 s26, $0x1;
	_ =	strace $0x80000046;
	[dreg:$0x1] =	wrdreg $0xFFFFFFFF  }
0xa7: {  	s28 =	simm.s32 $_size_execute0_lowered;
	s2 =	sadd.s32 s2, s4;
	[dreg:$0x0] =	wrdreg $0x0  }
0xa8: {  	s4 =	sshll.u32 s28, $0x1;
	[dreg:$0x2] =	wrdreg s2  }
0xa9: {  	[dreg:$0x3] =	wrdreg s4  }
0xaa: {  	[dreg:$0x4] =	wrdreg $0xC0  }
0xab: {  	_ =	task [dreg:s6], $0x5FFFF  }
0xac: {  	[dreg:$0x1] =	wrdreg $0xFFFFFFFF  }
0xad: {  	[dreg:$0x0] =	wrdreg $0x60  }
0xae: {  	[dreg:$0x2] =	wrdreg s24  }
0xaf: {  	[dreg:$0x3] =	wrdreg $0x0  }
0xb0: {  	[dreg:$0x4] =	wrdreg $0x9  }
0xb1: {  	_ =	task.clear_ibuf [dreg:s6], $0x5FFFF;
	_ =	strace $0x90000046  }
0xb2: {  	s29 =	simm.s32 $0x9;
	_ =	strace $0x80000048  }
0xb3: {  	_ =	swait.ge [sflag:s29], $0x1  }
0xb4: {  	[sflag:s29] =	ssyncadd.s32 $0xFFFFFFFF  }
0xb5: {  	_ =	strace $0x90000048  }
0xb6: {  	_ =	sfence  }
0xb7: {  	s30 =	sld [smem:$0x0];
	_ =	sdelay $0x2  }
0xb8: {  	s31 =	sshll.u32 s1, $0xD;
	s1 =	sshrl.u32 s1, $0x2  }
0xb9: {  	s3 =	sand.u32 $0x4000, s31;
	s1 =	sadd.s32 s1, s30  }
0xba: {  	s0 =	sor.u32 s3, s0;
	s1 =	sshll.u32 s1, $0x11  }
0xbb: {  	s0 =	sor.u32 s1, s0  }
0xbc: {  	s0 =	sadd.s32 $0x8F2B, s0  }
0xbd: {  	[sflag:s0] =	ssyncadd.remote.s32 $0x1  }
0xbe: {  	_ =	sfence.sel $0xFFFF  }
0xbf: {  	[dreg:$0x0] =	wrdreg $0xFFFFFFFF;
	(pc) =	sbr.abs _section_cstart, $3  }
0xc0: {  	[dreg:$0x1] =	wrdreg $0xFFFFFFFF  }
0xc1: {  	_ =	task.clear_ibuf [dreg:s6], $0x2FFFF;
	_ =	strace $0x9FFFFFFF  }
0xc2: {  	(tm) =	ssettm $0x7FFFFFFF  }
0xc3: {  	_ =	shalt  }
tec
execute0_lowered:
.L_overlay_start_1:
0x0: {  	(tag) =	ssettag $0x1  }
0x1: {  	s4 =	rddreg [dreg:$0x0]  }
0x2: {  	s0 =	srdreg.scid;
	s2 =	rddreg [dreg:$0x1]  }
0x3: {  	s1 =	rddreg [dreg:$0x2];
	s3 =	simm.s32 $0x0;
	s12 =	simm.s32 $0x80  }
0x4: {  	s13 =	simm.s32 $0x18C00;
	s14 =	simm.s32 $0x18880;
	s15 =	simm.s32 $0x18900  }
0x5: {  	s16 =	simm.s32 $0x18980;
	s17 =	simm.s32 $0x18A00;
	s5 =	sand.u32 $0x1, s0  }
0x6: {  	s18 =	simm.s32 $0x18A80;
	s0 =	stileid.u32;
	s6 =	smul.u32 $0xC4000, s5  }
0x7: {  	s19 =	simm.s32 $0x18B00;
	s20 =	simm.s32 $0x18B80;
	s7 =	smul.u32 $0xC400, s0  }
0x8: {  	s21 =	simm.s32 $0x1;
	s22 =	simm.s32 $0x0;
	s8 =	smul.u32 $0x18800, s0  }
0x9: {  	[smem:$0x7FF] =	sst s3;
	s28 =	smul.u32 $0x188000, s5;
	s5 =	ssub.s32 $0x2, s5  }
0xa: {  	_ =	strace $0x80000047;
	s31 =	sshll.u32 s0, $0x6;
	s10 =	sshrl.u32 s5, $0x1  }
0xb: {  	s6 =	sadd.s32 s7, s6;
	s29 =	sadd.s32 s8, s28;
	s30 =	sshrl.u32 s8, $0x3  }
0xc: {  	s10 =	ssub.s32 s5, s10;
	s11 =	sadd.s32 s8, s2;
	s6 =	sshrl.u32 s6, $0x3  }
0xd: {  	s7 =	sadd.s32 s30, s4;
	s9 =	sadd.s32 s6, s4;
	s6 =	sshrl.u32 s29, $0x3  }
0xe: {  	s5 =	sor.u32 $0x1C02, s31;
	s6 =	sadd.s32 s6, s4;
	s4 =	sadd.s32 $0x67C00, s7  }
0xf: {  	s7 =	smax.u32 s10, $0x1;
	s8 =	sadd.s32 $0x36C00, s9;
	s9 =	sshrl.u32 s11, $0x3  }
0x10: {  	v0 =	vimm.f32 $1.000000000e+00;
	s10 =	simm.s32 $0x2;
	s11 =	simm.s32 $0x18800;
	s6 =	sadd.s32 $0x98C00, s6  }
.LBB2_1:
0x11: {  	[spmem:s9], [sflag:s5] =	dma.local [hbm:s4], $0x3100  }
0x12: {  	_ =	swait.ge [sflag:s10], $0x3100  }
0x13: {  	[sflag:s10] =	ssyncset.done $0x0  }
0x14: {  	[sflag:s10] =	ssyncadd.s32 $0xFFFFCF00  }
0x15: {  	[tilespmem:$0x18C00] =	vst v0  }
0x16: {  	[tilespmem:$0x18C10] =	vst v0  }
0x17: {  	[tilespmem:$0x18C20] =	vst v0  }
0x18: {  	[tilespmem:$0x18C30] =	vst v0  }
0x19: {  	[tilespmem:$0x18C40] =	vst v0  }
0x1a: {  	[tilespmem:$0x18C50] =	vst v0  }
0x1b: {  	[tilespmem:$0x18C60] =	vst v0  }
0x1c: {  	[tilespmem:$0x18C70] =	vst v0  }
0x1d: {  	[tilespmem:$0x18C80] =	vst v0  }
0x1e: {  	[tilespmem:$0x18C90] =	vst v0  }
0x1f: {  	[tilespmem:$0x18CA0] =	vst v0  }
0x20: {  	[tilespmem:$0x18CB0] =	vst v0  }
0x21: {  	[tilespmem:$0x18CC0] =	vst v0  }
0x22: {  	[tilespmem:$0x18CD0] =	vst v0  }
0x23: {  	[tilespmem:$0x18CE0] =	vst v0  }
0x24: {  	[tilespmem:$0x18CF0] =	vst v0  }
0x25: {  	[tilespmem:$0x18D00] =	vst v0  }
0x26: {  	[tilespmem:$0x18D10] =	vst v0  }
0x27: {  	[tilespmem:$0x18D20] =	vst v0  }
0x28: {  	[tilespmem:$0x18D30] =	vst v0  }
0x29: {  	[tilespmem:$0x18D40] =	vst v0  }
0x2a: {  	[tilespmem:$0x18D50] =	vst v0  }
0x2b: {  	[tilespmem:$0x18D60] =	vst v0  }
0x2c: {  	[tilespmem:$0x18D70] =	vst v0  }
0x2d: {  	[tilespmem:$0x18D80] =	vst v0  }
0x2e: {  	[tilespmem:$0x18D90] =	vst v0  }
0x2f: {  	[tilespmem:$0x18DA0] =	vst v0  }
0x30: {  	[tilespmem:$0x18DB0] =	vst v0  }
0x31: {  	[tilespmem:$0x18DC0] =	vst v0  }
0x32: {  	[tilespmem:$0x18DD0] =	vst v0  }
0x33: {  	[tilespmem:$0x18DE0] =	vst v0  }
0x34: {  	[tilespmem:$0x18DF0] =	vst v0  }
0x35: {  	[tilespmem:$0x18E00] =	vst v0  }
0x36: {  	[tilespmem:$0x18E10] =	vst v0  }
0x37: {  	[tilespmem:$0x18E20] =	vst v0  }
0x38: {  	[tilespmem:$0x18E30] =	vst v0  }
0x39: {  	[tilespmem:$0x18E40] =	vst v0  }
0x3a: {  	[tilespmem:$0x18E50] =	vst v0  }
0x3b: {  	[tilespmem:$0x18E60] =	vst v0  }
0x3c: {  	[tilespmem:$0x18E70] =	vst v0  }
0x3d: {  	[tilespmem:$0x18E80] =	vst v0  }
0x3e: {  	[tilespmem:$0x18E90] =	vst v0  }
0x3f: {  	[tilespmem:$0x18EA0] =	vst v0  }
0x40: {  	[tilespmem:$0x18EB0] =	vst v0  }
0x41: {  	[tilespmem:$0x18EC0] =	vst v0  }
0x42: {  	[tilespmem:$0x18ED0] =	vst v0  }
0x43: {  	[tilespmem:$0x18EE0] =	vst v0  }
0x44: {  	[tilespmem:$0x18EF0] =	vst v0  }
0x45: {  	[tilespmem:$0x18F00] =	vst v0  }
0x46: {  	[tilespmem:$0x18F10] =	vst v0  }
0x47: {  	[tilespmem:$0x18F20] =	vst v0  }
0x48: {  	[tilespmem:$0x18F30] =	vst v0  }
0x49: {  	[tilespmem:$0x18F40] =	vst v0  }
0x4a: {  	[tilespmem:$0x18F50] =	vst v0  }
0x4b: {  	[tilespmem:$0x18F60] =	vst v0  }
0x4c: {  	[tilespmem:$0x18F70] =	vst v0  }
0x4d: {  	[tilespmem:$0x18F80] =	vst v0  }
0x4e: {  	[tilespmem:$0x18F90] =	vst v0  }
0x4f: {  	[tilespmem:$0x18FA0] =	vst v0  }
0x50: {  	[tilespmem:$0x18FB0] =	vst v0  }
0x51: {  	[tilespmem:$0x18FC0] =	vst v0  }
0x52: {  	[tilespmem:$0x18FD0] =	vst v0  }
0x53: {  	[tilespmem:$0x18FE0] =	vst v0  }
0x54: {  	[tilespmem:$0x18FF0] =	vst v0  }
0x55: {  	[tilespmem:$0x19000] =	vst v0  }
0x56: {  	[tilespmem:$0x19010] =	vst v0  }
0x57: {  	[tilespmem:$0x19020] =	vst v0  }
0x58: {  	[tilespmem:$0x19030] =	vst v0  }
0x59: {  	[tilespmem:$0x19040] =	vst v0  }
0x5a: {  	[tilespmem:$0x19050] =	vst v0  }
0x5b: {  	[tilespmem:$0x19060] =	vst v0  }
0x5c: {  	[tilespmem:$0x19070] =	vst v0  }
0x5d: {  	[tilespmem:$0x19080] =	vst v0  }
0x5e: {  	[tilespmem:$0x19090] =	vst v0  }
0x5f: {  	[tilespmem:$0x190A0] =	vst v0  }
0x60: {  	[tilespmem:$0x190B0] =	vst v0  }
0x61: {  	[tilespmem:$0x190C0] =	vst v0  }
0x62: {  	[tilespmem:$0x190D0] =	vst v0  }
0x63: {  	[tilespmem:$0x190E0] =	vst v0  }
0x64: {  	[tilespmem:$0x190F0] =	vst v0  }
0x65: {  	[tilespmem:$0x19100] =	vst v0  }
0x66: {  	[tilespmem:$0x19110] =	vst v0  }
0x67: {  	[tilespmem:$0x19120] =	vst v0  }
0x68: {  	[tilespmem:$0x19130] =	vst v0  }
0x69: {  	[tilespmem:$0x19140] =	vst v0  }
0x6a: {  	[tilespmem:$0x19150] =	vst v0  }
0x6b: {  	[tilespmem:$0x19160] =	vst v0  }
0x6c: {  	[tilespmem:$0x19170] =	vst v0  }
0x6d: {  	[tilespmem:$0x19180] =	vst v0  }
0x6e: {  	[tilespmem:$0x19190] =	vst v0  }
0x6f: {  	[tilespmem:$0x191A0] =	vst v0  }
0x70: {  	[tilespmem:$0x191B0] =	vst v0  }
0x71: {  	[tilespmem:$0x191C0] =	vst v0  }
0x72: {  	[tilespmem:$0x191D0] =	vst v0  }
0x73: {  	[tilespmem:$0x191E0] =	vst v0  }
0x74: {  	[tilespmem:$0x191F0] =	vst v0  }
0x75: {  	[tilespmem:$0x19200] =	vst v0  }
0x76: {  	[tilespmem:$0x19210] =	vst v0  }
0x77: {  	[tilespmem:$0x19220] =	vst v0  }
0x78: {  	[tilespmem:$0x19230] =	vst v0  }
0x79: {  	[tilespmem:$0x19240] =	vst v0  }
0x7a: {  	[tilespmem:$0x19250] =	vst v0  }
0x7b: {  	[tilespmem:$0x19260] =	vst v0  }
0x7c: {  	[tilespmem:$0x19270] =	vst v0  }
0x7d: {  	[tilespmem:$0x19280] =	vst v0  }
0x7e: {  	[tilespmem:$0x19290] =	vst v0  }
0x7f: {  	[tilespmem:$0x192A0] =	vst v0  }
0x80: {  	[tilespmem:$0x192B0] =	vst v0  }
0x81: {  	[tilespmem:$0x192C0] =	vst v0  }
0x82: {  	[tilespmem:$0x192D0] =	vst v0  }
0x83: {  	[tilespmem:$0x192E0] =	vst v0  }
0x84: {  	[tilespmem:$0x192F0] =	vst v0  }
0x85: {  	[tilespmem:$0x19300] =	vst v0  }
0x86: {  	[tilespmem:$0x19310] =	vst v0  }
0x87: {  	[tilespmem:$0x19320] =	vst v0  }
0x88: {  	[tilespmem:$0x19330] =	vst v0  }
0x89: {  	[tilespmem:$0x19340] =	vst v0  }
0x8a: {  	[tilespmem:$0x19350] =	vst v0  }
0x8b: {  	[tilespmem:$0x19360] =	vst v0  }
0x8c: {  	[tilespmem:$0x19370] =	vst v0  }
0x8d: {  	[tilespmem:$0x19380] =	vst v0  }
0x8e: {  	[tilespmem:$0x19390] =	vst v0  }
0x8f: {  	[tilespmem:$0x193A0] =	vst v0  }
0x90: {  	[tilespmem:$0x193B0] =	vst v0  }
0x91: {  	[tilespmem:$0x193C0] =	vst v0  }
0x92: {  	[tilespmem:$0x193D0] =	vst v0  }
0x93: {  	[tilespmem:$0x193E0] =	vst v0  }
0x94: {  	[tilespmem:$0x193F0] =	vst v0  }
0x95: {  	s23 =	sadd.s32 $0x0, s8;
	[bflag:$0x0] =	sbarrier.arrive $0xFFFF  }
0x96: {  	[tilespmem:s11], [sflag:$0x2] =	stream.linear.gather [hbm4b:s23+s3], $0x400, $0x38;
	[tilespmem:$0x19400] =	vst v63  }
0x97: {  	_ =	swait.ge [sflag:s10], $0x400  }
0x98: {  	[sflag:s10] =	ssyncset.done $0x0  }
0x99: {  	[sflag:s10] =	ssyncadd.s32 $0xFFFFFC00  }
0x9a: {  	[spmem:s2] =	stream.indirect.scatter.add.f32 [tilespmem:s13], [sflag:$0x1], $0x10, s11, s12, $0xb8;
	[tilespmem:$0x19400] =	vst v63  }
0x9b: {  	_ = 	snop  }
0x9c: {  	[spmem:s2] =	stream.indirect.scatter.add.f32 [tilespmem:s13], [sflag:$0x1], $0x10, s14, s12, $0xb8;
	[tilespmem:$0x19400] =	vst v63  }
0x9d: {  	_ = 	snop  }
0x9e: {  	[spmem:s2] =	stream.indirect.scatter.add.f32 [tilespmem:s13], [sflag:$0x1], $0x10, s15, s12, $0xb8;
	[tilespmem:$0x19400] =	vst v63  }
0x9f: {  	_ = 	snop  }
0xa0: {  	[spmem:s2] =	stream.indirect.scatter.add.f32 [tilespmem:s13], [sflag:$0x1], $0x10, s16, s12, $0xb8;
	[tilespmem:$0x19400] =	vst v63  }
0xa1: {  	_ = 	snop  }
0xa2: {  	[spmem:s2] =	stream.indirect.scatter.add.f32 [tilespmem:s13], [sflag:$0x1], $0x10, s17, s12, $0xb8;
	[tilespmem:$0x19400] =	vst v63  }
0xa3: {  	_ = 	snop  }
0xa4: {  	[spmem:s2] =	stream.indirect.scatter.add.f32 [tilespmem:s13], [sflag:$0x1], $0x10, s18, s12, $0xb8;
	[tilespmem:$0x19400] =	vst v63  }
0xa5: {  	_ = 	snop  }
0xa6: {  	[spmem:s2] =	stream.indirect.scatter.add.f32 [tilespmem:s13], [sflag:$0x1], $0x10, s19, s12, $0xb8;
	[tilespmem:$0x19400] =	vst v63  }
0xa7: {  	_ = 	snop  }
0xa8: {  	[spmem:s2] =	stream.indirect.scatter.add.f32 [tilespmem:s13], [sflag:$0x1], $0x10, s20, s12, $0xb8;
	[tilespmem:$0x19400] =	vst v63  }
0xa9: {  	_ =	swait.ge [sflag:s21], $0x800  }
0xaa: {  	[sflag:s21] =	ssyncset.done $0x0  }
0xab: {  	[sflag:s21] =	ssyncadd.s32 $0xFFFFF800  }
0xac: {  	_ =	swait.ge [sflag:s21], $0x800  }
0xad: {  	[sflag:s21] =	ssyncset.done $0x0  }
0xae: {  	[sflag:s21] =	ssyncadd.s32 $0xFFFFF800  }
0xaf: {  	_ =	swait.ge [sflag:s21], $0x800  }
0xb0: {  	[sflag:s21] =	ssyncset.done $0x0  }
0xb1: {  	[sflag:s21] =	ssyncadd.s32 $0xFFFFF800  }
0xb2: {  	_ =	swait.ge [sflag:s21], $0x800  }
0xb3: {  	[sflag:s21] =	ssyncset.done $0x0  }
0xb4: {  	[sflag:s21] =	ssyncadd.s32 $0xFFFFF800  }
0xb5: {  	_ =	swait.ge [sflag:s21], $0x800  }
0xb6: {  	[sflag:s21] =	ssyncset.done $0x0  }
0xb7: {  	[sflag:s21] =	ssyncadd.s32 $0xFFFFF800  }
0xb8: {  	_ =	swait.ge [sflag:s21], $0x800  }
0xb9: {  	[sflag:s21] =	ssyncset.done $0x0  }
0xba: {  	[sflag:s21] =	ssyncadd.s32 $0xFFFFF800  }
0xbb: {  	_ =	swait.ge [sflag:s21], $0x800  }
0xbc: {  	[sflag:s21] =	ssyncset.done $0x0  }
0xbd: {  	[sflag:s21] =	ssyncadd.s32 $0xFFFFF800  }
0xbe: {  	_ =	swait.ge [sflag:s21], $0x800  }
0xbf: {  	s25 =	simm.s32 $0x100;
	s23 =	simm.s32 $0x80;
	[sflag:s21] =	ssyncset.done $0x0  }
.LBB2_2:
0xc0: {  	s26 =	sadd.s32 s23, s8  }
0xc1: {  	[sflag:s21] =	ssyncadd.s32 $0xFFFFF800;
	s23 =	smov.u32 s25;
	s24 =	sadd.s32 $0x80, s25  }
0xc2: {  	[tilespmem:s11], [sflag:$0x2] =	stream.linear.gather [hbm4b:s26+s3], $0x400, $0x38;
	[tilespmem:$0x19400] =	vst v63  }
0xc3: {  	p0 =	sne.s32 s25, $0x1800;
	_ =	swait.ge [sflag:s10], $0x400  }
0xc4: {  	[sflag:s10] =	ssyncset.done $0x0  }
0xc5: {  	[sflag:s10] =	ssyncadd.s32 $0xFFFFFC00  }
0xc6: {  	[spmem:s2] =	stream.indirect.scatter.add.f32 [tilespmem:s13], [sflag:$0x1], $0x10, s11, s12, $0xb8;
	[tilespmem:$0x19400] =	vst v63  }
0xc7: {  	_ = 	snop  }
0xc8: {  	[spmem:s2] =	stream.indirect.scatter.add.f32 [tilespmem:s13], [sflag:$0x1], $0x10, s14, s12, $0xb8;
	[tilespmem:$0x19400] =	vst v63  }
0xc9: {  	_ = 	snop  }
0xca: {  	[spmem:s2] =	stream.indirect.scatter.add.f32 [tilespmem:s13], [sflag:$0x1], $0x10, s15, s12, $0xb8;
	[tilespmem:$0x19400] =	vst v63  }
0xcb: {  	_ = 	snop  }
0xcc: {  	[spmem:s2] =	stream.indirect.scatter.add.f32 [tilespmem:s13], [sflag:$0x1], $0x10, s16, s12, $0xb8;
	[tilespmem:$0x19400] =	vst v63  }
0xcd: {  	_ = 	snop  }
0xce: {  	[spmem:s2] =	stream.indirect.scatter.add.f32 [tilespmem:s13], [sflag:$0x1], $0x10, s17, s12, $0xb8;
	[tilespmem:$0x19400] =	vst v63  }
0xcf: {  	_ = 	snop  }
0xd0: {  	[spmem:s2] =	stream.indirect.scatter.add.f32 [tilespmem:s13], [sflag:$0x1], $0x10, s18, s12, $0xb8;
	[tilespmem:$0x19400] =	vst v63  }
0xd1: {  	_ = 	snop  }
0xd2: {  	[spmem:s2] =	stream.indirect.scatter.add.f32 [tilespmem:s13], [sflag:$0x1], $0x10, s19, s12, $0xb8;
	[tilespmem:$0x19400] =	vst v63  }
0xd3: {  	_ = 	snop  }
0xd4: {  	[spmem:s2] =	stream.indirect.scatter.add.f32 [tilespmem:s13], [sflag:$0x1], $0x10, s20, s12, $0xb8;
	[tilespmem:$0x19400] =	vst v63  }
0xd5: {  	_ =	swait.ge [sflag:s21], $0x800  }
0xd6: {  	[sflag:s21] =	ssyncset.done $0x0  }
0xd7: {  	[sflag:s21] =	ssyncadd.s32 $0xFFFFF800  }
0xd8: {  	_ =	swait.ge [sflag:s21], $0x800  }
0xd9: {  	[sflag:s21] =	ssyncset.done $0x0  }
0xda: {  	[sflag:s21] =	ssyncadd.s32 $0xFFFFF800  }
0xdb: {  	_ =	swait.ge [sflag:s21], $0x800  }
0xdc: {  	[sflag:s21] =	ssyncset.done $0x0  }
0xdd: {  	[sflag:s21] =	ssyncadd.s32 $0xFFFFF800  }
0xde: {  	_ =	swait.ge [sflag:s21], $0x800  }
0xdf: {  	[sflag:s21] =	ssyncset.done $0x0  }
0xe0: {  	[sflag:s21] =	ssyncadd.s32 $0xFFFFF800  }
0xe1: {  	_ =	swait.ge [sflag:s21], $0x800  }
0xe2: {  	[sflag:s21] =	ssyncset.done $0x0  }
0xe3: {  	[sflag:s21] =	ssyncadd.s32 $0xFFFFF800  }
0xe4: {  	_ =	swait.ge [sflag:s21], $0x800  }
0xe5: {  	[sflag:s21] =	ssyncset.done $0x0  }
0xe6: {  	[sflag:s21] =	ssyncadd.s32 $0xFFFFF800  }
.Ltmp0:
0xe7: {  	_ =	swait.ge [sflag:s21], $0x800;
	(pc) =	sbr.rel @p0 .LBB2_2-.Ltmp0, $4  }
0xe8: {  	[sflag:s21] =	ssyncset.done $0x0  }
0xe9: {  	[sflag:s21] =	ssyncadd.s32 $0xFFFFF800  }
0xea: {  	_ =	swait.ge [sflag:s21], $0x800  }
0xeb: {  	s25 =	smov.u32 s24;
	[sflag:s21] =	ssyncset.done $0x0  }
0xec: {  	s23 =	sadd.s32 s23, s8;
	[sflag:s21] =	ssyncadd.s32 $0xFFFFF800  }
0xed: {  	[tilespmem:s11], [sflag:$0x2] =	stream.linear.gather [hbm4b:s23+s3], $0x400, $0x38;
	[tilespmem:$0x19400] =	vst v63  }
0xee: {  	_ =	swait.ge [sflag:s10], $0x400  }
0xef: {  	[sflag:s10] =	ssyncset.done $0x0  }
0xf0: {  	[sflag:s10] =	ssyncadd.s32 $0xFFFFFC00  }
0xf1: {  	[spmem:s2] =	stream.indirect.scatter.add.f32 [tilespmem:s13], [sflag:$0x1], $0x10, s11, s12, $0xb8;
	[tilespmem:$0x19400] =	vst v63  }
0xf2: {  	_ = 	snop  }
0xf3: {  	[spmem:s2] =	stream.indirect.scatter.add.f32 [tilespmem:s13], [sflag:$0x1], $0x10, s14, s12, $0xb8;
	[tilespmem:$0x19400] =	vst v63  }
0xf4: {  	_ = 	snop  }
0xf5: {  	[spmem:s2] =	stream.indirect.scatter.add.f32 [tilespmem:s13], [sflag:$0x1], $0x10, s15, s12, $0xb8;
	[tilespmem:$0x19400] =	vst v63  }
0xf6: {  	_ = 	snop  }
0xf7: {  	[spmem:s2] =	stream.indirect.scatter.add.f32 [tilespmem:s13], [sflag:$0x1], $0x10, s16, s12, $0xb8;
	[tilespmem:$0x19400] =	vst v63  }
0xf8: {  	_ = 	snop  }
0xf9: {  	[spmem:s2] =	stream.indirect.scatter.add.f32 [tilespmem:s13], [sflag:$0x1], $0x10, s17, s12, $0xb8;
	[tilespmem:$0x19400] =	vst v63  }
0xfa: {  	_ = 	snop  }
0xfb: {  	[spmem:s2] =	stream.indirect.scatter.add.f32 [tilespmem:s13], [sflag:$0x1], $0x10, s18, s12, $0xb8;
	[tilespmem:$0x19400] =	vst v63  }
0xfc: {  	_ = 	snop  }
0xfd: {  	[spmem:s2] =	stream.indirect.scatter.add.f32 [tilespmem:s13], [sflag:$0x1], $0x10, s19, s12, $0xb8;
	[tilespmem:$0x19400] =	vst v63  }
0xfe: {  	_ = 	snop  }
0xff: {  	[spmem:s2] =	stream.indirect.scatter.add.f32 [tilespmem:s13], [sflag:$0x1], $0x10, s20, s12, $0xb8;
	[tilespmem:$0x19400] =	vst v63  }
0x100: {  	_ =	swait.ge [sflag:s21], $0x800  }
0x101: {  	[sflag:s21] =	ssyncset.done $0x0  }
0x102: {  	[sflag:s21] =	ssyncadd.s32 $0xFFFFF800  }
0x103: {  	_ =	swait.ge [sflag:s21], $0x800  }
0x104: {  	[sflag:s21] =	ssyncset.done $0x0  }
0x105: {  	[sflag:s21] =	ssyncadd.s32 $0xFFFFF800  }
0x106: {  	_ =	swait.ge [sflag:s21], $0x800  }
0x107: {  	[sflag:s21] =	ssyncset.done $0x0  }
0x108: {  	[sflag:s21] =	ssyncadd.s32 $0xFFFFF800  }
0x109: {  	_ =	swait.ge [sflag:s21], $0x800  }
0x10a: {  	[sflag:s21] =	ssyncset.done $0x0  }
0x10b: {  	[sflag:s21] =	ssyncadd.s32 $0xFFFFF800  }
0x10c: {  	_ =	swait.ge [sflag:s21], $0x800  }
0x10d: {  	[sflag:s21] =	ssyncset.done $0x0  }
0x10e: {  	[sflag:s21] =	ssyncadd.s32 $0xFFFFF800  }
0x10f: {  	_ =	swait.ge [sflag:s21], $0x800  }
0x110: {  	[sflag:s21] =	ssyncset.done $0x0  }
0x111: {  	[sflag:s21] =	ssyncadd.s32 $0xFFFFF800  }
0x112: {  	_ =	swait.ge [sflag:s21], $0x800  }
0x113: {  	[sflag:s21] =	ssyncset.done $0x0  }
0x114: {  	[sflag:s21] =	ssyncadd.s32 $0xFFFFF800  }
0x115: {  	_ =	swait.ge [sflag:s21], $0x800  }
0x116: {  	s22 =	sadd.s32 $0x1, s22;
	[sflag:s21] =	ssyncset.done $0x0  }
0x117: {  	p0 =	sne.s32 s22, s7;
	[sflag:s21] =	ssyncadd.s32 $0xFFFFF800  }
.Ltmp1:
0x118: {  	[bflag:$0x0] =	sbarrier.arrive $0xFFFF;
	(pc) =	sbr.rel @p0 .LBB2_1-.Ltmp1, $4  }
0x119: {  	[hbm:s6], [sflag:s5] =	dma.local [spmem:s9], $0x3100  }
0x11a: {  	_ =	swait.ge [sflag:s10], $0x3100  }
0x11b: {  	[sflag:s10] =	ssyncset.done $0x0  }
0x11c: {  	[sflag:s10] =	ssyncadd.s32 $0xFFFFCF00  }
0x11d: {  	_ =	sfence.sel $0x180000  }
0x11e: {  	[bflag:$0x0] =	sbarrier.arrive $0xFFFF  }
0x11f: {  	p0 =	sne.s32 s0, $0x0;
	_ =	strace $0x90000047  }
0x120: {  	s0 =	sadd.s32 @!p0 $0x100000, s1;
	[bflag:$0x2] =	sbarrier.arrive $0xFFFF  }
0x121: {  	[sflag:s0] =	ssyncadd.tile.s32 @!p0 $0x1;
	_ =	shalt  }
.Lfunc_end2:
_tile_overlayer_lowered:
.L_overlay_start_2:
0x122: {  	(tag) =	ssettag $0x2  }
0x123: {  	s0 =	rddreg [dreg:$0x0];
	s2 =	stileid.u32  }
0x124: {  	s1 =	rddreg [dreg:$0x1];
	p0 =	sne.s32 s2, $0x0  }
0x125: {  	s3 =	rddreg [dreg:$0x2];
	[bflag:$0x3] =	sbarrier.arrive $0xFFFF;
	s2 =	simm.s32 @!p0 $0x1C02  }
0x126: {  	[timem:s3], [sflag:s2] =	dma.local @!p0 [hbm:s0], s1  }
0x127: {  	s0 =	simm.s32 @!p0 $0x2  }
0x128: {  	_ =	swait.ge @!p0 [sflag:s0], s1  }
0x129: {  	s1 =	ssub.s32 @!p0 $0x0, s1;
	[sflag:s0] =	ssyncset.done @!p0 $0x0  }
0x12a: {  	[sflag:s0] =	ssyncadd.s32 @!p0 s1  }
0x12b: {  	[bflag:$0x3] =	sbarrier.arrive $0xFFFF  }
0x12c: {  	_ =	shalt  }

// kernel: kernel.16.cloned.1.call-start
scs
__scs_entry_jumppad:
0x0: {  	(pc) =	sbr.rel $0x88, $3  }
0x1: {  	(tag) =	ssettag $0x0;
	lr =	simm.s32 $0x1  }
0x2: {  	[smem:$0x3F8D] =	sst lr;
	_ =	strace $0xD0000000  }
0x3: {  	_ = 	snop  }
0x4: {  	_ = 	snop  }
0x5: {  	_ = 	snop  }
0x6: {  	_ = 	snop  }
0x7: {  	_ = 	snop  }
__scs_overlays_trampoline_lowered:
0x8: {  	[smem:$0x3F9C] =	sst s0  }
0x9: {  	[smem:$0x3F9D] =	sst s1  }
0xa: {  	[smem:$0x3F9E] =	sst s2  }
0xb: {  	[smem:$0x3F9F] =	sst s3  }
0xc: {  	[smem:$0x3FA0] =	sst s4  }
0xd: {  	[smem:$0x3FA1] =	sst s5  }
0xe: {  	[smem:$0x3FA2] =	sst s6  }
0xf: {  	[smem:$0x3FA3] =	sst s7  }
0x10: {  	[smem:$0x3FA4] =	sst s8  }
0x11: {  	[smem:$0x3FA5] =	sst s9;
	s0 =	simm.s32 @!p0 $0x0  }
0x12: {  	s1 =	sld [smem:$0x3F8B];
	s0 =	simm.s32 @p0 $0x1  }
0x13: {  	[smem:$0x3FA6] =	sst s0;
	s0 =	simm.s32 @!p1 $0x0  }
0x14: {  	s2 =	sld [smem:$0x3F8A];
	s0 =	simm.s32 @p1 $0x1  }
0x15: {  	[smem:$0x3FA7] =	sst s0;
	s0 =	simm.s32 @!p2 $0x0  }
0x16: {  	s3 =	sld [smem:$0x3FDB];
	s0 =	simm.s32 @p2 $0x1  }
0x17: {  	s4 =	simm.s32 $0x1BF5;
	[smem:$0x3FA9] =	sst s0  }
0x18: {  	s0 =	sld [smem:$0x3F8C];
	_ =	swait.ge [sflag:s4], $0x0  }
0x19: {  	s7 =	sld [smem:$0x3F8D]  }
0x1a: {  	s8 =	sadd.s32 $0xFFFFE003, lr  }
0x1b: {  	s9 =	sadd.s32 $0xFFFFFEF7, lr;
	s5 =	simm.s32 $0xFFFFFFFF;
	p2 =	slt.u32 s8, $0xFFFFF086  }
0x1c: {  	p1 =	slt.u32 s9, $0xF7A;
	s5 =	simm.s32 @!p2 $0x0  }
0x1d: {  	s5 =	simm.s32 @p1 $0x1;
	p0 =	seq.s32 s7, s2  }
0x1e: {  	s7 =	smul.u32 @!p0 $0xF7A, s2;
	p2 =	seq.s32 @!p0 s5, $0x0  }
0x1f: {  	s9 =	smul.u32 $0xF7A, s1;
	s8 =	simm.s32 @!p0 $0x1BF5;
	p2 =	por !p2, p0  }
0x20: {  	[sflag:s8] =	ssyncset.s32 @!p0 $0xFFFFF086;
	s6 =	sadd.s32 @!p0 s3, s7;
	s7 =	simm.s32 @!p0 $0x108  }
0x21: {  	s3 =	sadd.s32 s3, s9;
	s6 =	sadd.s32 @!p0 $0x88, s6;
	s7 =	simm.s32 @p2 $0x1082  }
0x22: {  	[simem:s7], [sflag:s8] =	dma.local @!p0 [hbm:s6], $0xF7A  }
0x23: {  	s9 =	sor.u32 $0xD0000000, s2;
	s6 =	simm.s32 $0x108;
	_ =	swait.ge @!p0 [sflag:s8], $0x0  }
0x24: {  	s3 =	sadd.s32 $0x88, s3;
	s6 =	simm.s32 @!p1 $0x1082;
	[sflag:s4] =	ssyncset.s32 $0xFFFFF086  }
0x25: {  	[simem:s6], [sflag:s4] =	dma.local [hbm:s3], $0xF7A  }
0x26: {  	[smem:$0x3F8D] =	sst s1;
	(tag) =	ssettag s2;
	_ =	strace s9  }
0x27: {  	s1 =	sld [smem:$0x3F9D]  }
0x28: {  	s2 =	sld [smem:$0x3F9E]  }
0x29: {  	s4 =	sld [smem:$0x3FA0]  }
0x2a: {  	p0 =	seq.s32 s5, $0x0;
	s5 =	sld [smem:$0x3FA1]  }
0x2b: {  	s6 =	sld [smem:$0x3FA2]  }
0x2c: {  	s7 =	sld [smem:$0x3FA3]  }
0x2d: {  	s3 =	simm.s32 $0x108;
	s8 =	sld [smem:$0x3FA4]  }
0x2e: {  	s3 =	simm.s32 @!p0 $0x1082;
	s9 =	sld [smem:$0x3FA5]  }
0x2f: {  	lr =	sadd.s32 s0, s3;
	s0 =	sld [smem:$0x3F9C]  }
0x30: {  	s3 =	sld [smem:$0x3F9F]  }
0x31: {  	[smem:$0x3FA8] =	sst s10  }
0x32: {  	s10 =	sld [smem:$0x3FA6];
	_ =	sdelay $0x3  }
0x33: {  	p0 =	seq.s32 s10, $0x1;
	s10 =	sld [smem:$0x3FA8];
	_ =	sdelay $0x3  }
0x34: {  	[smem:$0x3FA8] =	sst s10  }
0x35: {  	s10 =	sld [smem:$0x3FA7];
	_ =	sdelay $0x3  }
0x36: {  	p1 =	seq.s32 s10, $0x1;
	s10 =	sld [smem:$0x3FA8];
	_ =	sdelay $0x3  }
0x37: {  	[smem:$0x3FA8] =	sst s10  }
0x38: {  	s10 =	sld [smem:$0x3FA9]  }
0x39: {  	_ = 	snop;
	(pc) =	sbr.ind lr, $3  }
0x3a: {  	_ = 	snop  }
0x3b: {  	_ = 	snop  }
0x3c: {  	p2 =	seq.s32 s10, $0x1;
	s10 =	sld [smem:$0x3FA8]  }
0x3d: {  	_ =	shalt  }
0x3e: {  	_ =	shalt  }
0x3f: {  	_ =	shalt  }
0x40: {  	_ =	shalt  }
0x41: {  	_ =	shalt  }
0x42: {  	_ =	shalt  }
0x43: {  	_ =	shalt  }
0x44: {  	_ =	shalt  }
0x45: {  	_ =	shalt  }
0x46: {  	_ =	shalt  }
0x47: {  	_ =	shalt  }
0x48: {  	_ =	shalt  }
0x49: {  	_ =	shalt  }
0x4a: {  	_ =	shalt  }
0x4b: {  	_ =	shalt  }
0x4c: {  	_ =	shalt  }
0x4d: {  	_ =	shalt  }
0x4e: {  	_ =	shalt  }
0x4f: {  	_ =	shalt  }
0x50: {  	_ =	shalt  }
0x51: {  	_ =	shalt  }
0x52: {  	_ =	shalt  }
0x53: {  	_ =	shalt  }
0x54: {  	_ =	shalt  }
0x55: {  	_ =	shalt  }
0x56: {  	_ =	shalt  }
0x57: {  	_ =	shalt  }
0x58: {  	_ =	shalt  }
0x59: {  	_ =	shalt  }
0x5a: {  	_ =	shalt  }
0x5b: {  	_ =	shalt  }
0x5c: {  	_ =	shalt  }
0x5d: {  	_ =	shalt  }
0x5e: {  	_ =	shalt  }
0x5f: {  	_ =	shalt  }
0x60: {  	_ =	shalt  }
0x61: {  	_ =	shalt  }
0x62: {  	_ =	shalt  }
0x63: {  	_ =	shalt  }
0x64: {  	_ =	shalt  }
0x65: {  	_ =	shalt  }
0x66: {  	_ =	shalt  }
0x67: {  	_ =	shalt  }
0x68: {  	_ =	shalt  }
0x69: {  	_ =	shalt  }
0x6a: {  	_ =	shalt  }
0x6b: {  	_ =	shalt  }
0x6c: {  	_ =	shalt  }
0x6d: {  	_ =	shalt  }
0x6e: {  	_ =	shalt  }
0x6f: {  	_ =	shalt  }
0x70: {  	_ =	shalt  }
0x71: {  	_ =	shalt  }
0x72: {  	_ =	shalt  }
0x73: {  	_ =	shalt  }
0x74: {  	_ =	shalt  }
0x75: {  	_ =	shalt  }
0x76: {  	_ =	shalt  }
0x77: {  	_ =	shalt  }
0x78: {  	_ =	shalt  }
0x79: {  	_ =	shalt  }
0x7a: {  	_ =	shalt  }
0x7b: {  	_ =	shalt  }
0x7c: {  	_ =	shalt  }
0x7d: {  	_ =	shalt  }
0x7e: {  	_ =	shalt  }
0x7f: {  	_ =	shalt  }
0x80: {  	_ =	shalt  }
0x81: {  	_ =	shalt  }
0x82: {  	_ =	shalt  }
0x83: {  	_ =	shalt  }
0x84: {  	_ =	shalt  }
0x85: {  	_ =	shalt  }
0x86: {  	_ =	shalt  }
0x87: {  	_ =	shalt  }
.Lfunc_end0:
.L_simem_size_0:
called_computation.1_lowered:
.L_overlay_start_0:
0x88: {  	s2 =	sld [smem:$0x3FD9]  }
0x89: {  	s3 =	sld [smem:$0x3FFE];
	_ =	sdelay $0x1  }
0x8a: {  	s1 =	srdreg.scid  }
0x8b: {  	s0 =	sand.u32 $0x1, s1  }
0x8c: {  	s16 =	sshll.u32 s0, $0xA;
	s2 =	sadd.s32 s3, s2  }
0x8d: {  	s2 =	sadd.s32 s2, s16  }
0x8e: {  	[smem:$0x3FB4] =	sst s2  }
0x8f: {  	_ = 	snop  }
0x90: {  	(tm) =	ssettm $0x1  }
0x91: {  	s17 =	sld [smem:$0x3FFB];
	_ =	sdelay $0x3  }
0x92: {  	_ =	strace s17  }
0x93: {  	s2 =	sld [smem:$0x3FFC];
	_ =	sdelay $0x3  }
0x94: {  	_ =	strace s2  }
0x95: {  	s2 =	sld [smem:$0x3FFD];
	_ =	sdelay $0x3  }
0x96: {  	_ =	strace s2  }
0x97: {  	_ =	strace $0x8FFFFFFF  }
0x98: {  	s18 =	sld [smem:$0x3FDB];
	_ =	sdelay $0x1  }
0x99: {  	s19 =	simm.s32 $_scs_section_size  }
0x9a: {  	s4 =	simm.s32 $_size__tile_overlayer_lowered;
	s5 =	simm.s32 $_tile_overlayer_lowered  }
0x9b: {  	s22 =	simm.s32 $0x1BFF;
	s21 =	sshll.u32 s5, $0x1;
	s2 =	sadd.s32 s19, s18  }
0x9c: {  	s6 =	simm.s32 $0x0;
	s20 =	sshll.u32 s4, $0x1;
	s4 =	sadd.s32 s21, s2  }
0x9d: {  	[timem:s6], [sflag:s22] =	dma.local [hbm:s4], s20  }
0x9e: {  	_ =	swait.ge [sflag:s22], s20  }
0x9f: {  	s3 =	ssub.s32 $0x0, s20;
	[sflag:s22] =	ssyncset.done $0x0  }
0xa0: {  	[sflag:s22] =	ssyncadd.s32 s3;
	_ =	sdelay $0x1  }
0xa1: {  	s23 =	simm.s32 $0x1B8B  }
0xa2: {  	_ =	swait.ge [sflag:s23], $0x1  }
0xa3: {  	[sflag:s23] =	ssyncset.done $0x0  }
0xa4: {  	s25 =	simm.s32 $0x1B8E;
	s24 =	sld [smem:$0x3FFE];
	[sflag:s23] =	ssyncadd.s32 $0xFFFFFFFF  }
0xa5: {  	s26 =	simm.s32 $execute0_lowered;
	[smem:$0x3FD2] =	sst s25  }
0xa6: {  	s4 =	sshll.u32 s26, $0x1;
	_ =	strace $0x80000049;
	[dreg:$0x1] =	wrdreg $0xFFFFFFFF  }
0xa7: {  	s28 =	simm.s32 $_size_execute0_lowered;
	s2 =	sadd.s32 s2, s4;
	[dreg:$0x0] =	wrdreg $0x0  }
0xa8: {  	s4 =	sshll.u32 s28, $0x1;
	[dreg:$0x2] =	wrdreg s2  }
0xa9: {  	[dreg:$0x3] =	wrdreg s4  }
0xaa: {  	[dreg:$0x4] =	wrdreg $0xC0  }
0xab: {  	_ =	task [dreg:s6], $0x5FFFF  }
0xac: {  	[dreg:$0x1] =	wrdreg $0xFFFFFFFF  }
0xad: {  	[dreg:$0x0] =	wrdreg $0x60  }
0xae: {  	[dreg:$0x2] =	wrdreg s24  }
0xaf: {  	[dreg:$0x3] =	wrdreg $0x0  }
0xb0: {  	[dreg:$0x4] =	wrdreg $0x9  }
0xb1: {  	_ =	task.clear_ibuf [dreg:s6], $0x5FFFF;
	_ =	strace $0x90000049  }
0xb2: {  	s29 =	simm.s32 $0x9;
	_ =	strace $0x8000004B  }
0xb3: {  	_ =	swait.ge [sflag:s29], $0x1  }
0xb4: {  	[sflag:s29] =	ssyncadd.s32 $0xFFFFFFFF  }
0xb5: {  	_ =	strace $0x9000004B  }
0xb6: {  	_ =	sfence  }
0xb7: {  	s30 =	sld [smem:$0x0];
	_ =	sdelay $0x2  }
0xb8: {  	s31 =	sshll.u32 s1, $0xD;
	s1 =	sshrl.u32 s1, $0x2  }
0xb9: {  	s3 =	sand.u32 $0x4000, s31;
	s1 =	sadd.s32 s1, s30  }
0xba: {  	s0 =	sor.u32 s3, s0;
	s1 =	sshll.u32 s1, $0x11  }
0xbb: {  	s0 =	sor.u32 s1, s0  }
0xbc: {  	s0 =	sadd.s32 $0x8F2B, s0  }
0xbd: {  	[sflag:s0] =	ssyncadd.remote.s32 $0x1  }
0xbe: {  	_ =	sfence.sel $0xFFFF  }
0xbf: {  	[dreg:$0x0] =	wrdreg $0xFFFFFFFF;
	(pc) =	sbr.abs _section_cstart, $3  }
0xc0: {  	[dreg:$0x1] =	wrdreg $0xFFFFFFFF  }
0xc1: {  	_ =	task.clear_ibuf [dreg:s6], $0x2FFFF;
	_ =	strace $0x9FFFFFFF  }
0xc2: {  	(tm) =	ssettm $0x7FFFFFFF  }
0xc3: {  	_ =	shalt  }
tec
execute0_lowered:
.L_overlay_start_1:
0x0: {  	(tag) =	ssettag $0x1  }
0x1: {  	s4 =	rddreg [dreg:$0x0]  }
0x2: {  	s1 =	srdreg.scid;
	s0 =	stileid.u32  }
0x3: {  	s2 =	rddreg [dreg:$0x1];
	s3 =	simm.s32 $0x0;
	s17 =	simm.s32 $0x18800  }
0x4: {  	s18 =	simm.s32 $0x18C00;
	s19 =	simm.s32 $0x200;
	s20 =	simm.s32 $0x19000  }
0x5: {  	s21 =	simm.s32 $0x18A00;
	s22 =	simm.s32 $0x18E00;
	s23 =	simm.s32 $0x1  }
0x6: {  	s24 =	simm.s32 $0x1B000;
	s25 =	simm.s32 $0x2;
	s26 =	simm.s32 $0x0  }
0x7: {  	s5 =	sand.u32 $0x1, s1;
	s6 =	smul.u32 $0x18800, s0;
	[smem:$0x7FF] =	sst s3  }
0x8: {  	s9 =	sadd.s32 $0x15CC00, s4;
	s14 =	sadd.s32 $0x5C00, s4;
	s13 =	sadd.s32 $0x36C00, s4  }
0x9: {  	s31 =	sshll.u32 s0, $0x6;
	s8 =	smul.u32 $0x188000, s5;
	s5 =	ssub.s32 $0x2, s5  }
0xa: {  	s16 =	smul.u32 $0x3100, s0;
	_ =	strace $0x8000004A;
	s30 =	sshrl.u32 s5, $0x1  }
0xb: {  	s15 =	sadd.s32 s6, s2;
	s12 =	sshrl.u32 s6, $0x3;
	s7 =	sadd.s32 s6, s8  }
0xc: {  	s11 =	ssub.s32 s5, s30;
	s5 =	sor.u32 $0x1C03, s31;
	s6 =	sadd.s32 s14, s12  }
0xd: {  	s8 =	sshrl.u32 s8, $0x3;
	s15 =	sshrl.u32 s15, $0x3;
	s7 =	sshrl.u32 s7, $0x3  }
0xe: {  	s8 =	sadd.s32 s9, s8;
	s10 =	sadd.s32 s7, s4;
	s4 =	sadd.s32 s9, s7  }
0xf: {  	s7 =	sadd.s32 s13, s12;
	s12 =	sadd.s32 $0x30C0, s12;
	s9 =	sadd.s32 $0xC9C00, s10  }
0x10: {  	s10 =	smax.u32 s11, $0x1;
	s11 =	sadd.s32 s14, s12;
	s12 =	sadd.s32 s13, s12  }
0x11: {  	s13 =	sadd.s32 s16, s13;
	s14 =	sadd.s32 s16, s14;
	s16 =	simm.s32 $0x3  }
.LBB2_1:
0x12: {  	[spmem:s15], [sflag:s5] =	dma.local [hbm:s4], $0x3100  }
0x13: {  	_ =	swait.ge [sflag:s16], $0x3100  }
0x14: {  	[sflag:s16] =	ssyncset.done $0x0  }
0x15: {  	[sflag:s16] =	ssyncadd.s32 $0xFFFFCF00  }
0x16: {  	[bflag:$0x0] =	sbarrier.arrive $0xFFFF  }
0x17: {  	[tilespmem:s17], [sflag:$0x3] =	stream.linear.gather [hbm4b:s6+s3], $0x200, $0x38;
	[tilespmem:$0x1D000] =	vst v63  }
0x18: {  	_ =	swait.ge [sflag:s16], $0x200  }
0x19: {  	[sflag:s16] =	ssyncset.done $0x0  }
0x1a: {  	[sflag:s16] =	ssyncadd.s32 $0xFFFFFE00  }
0x1b: {  	[tilespmem:s18], [sflag:$0x3] =	stream.linear.gather [hbm4b:s7+s3], $0x200, $0x38;
	[tilespmem:$0x1D000] =	vst v63  }
0x1c: {  	_ =	swait.ge [sflag:s16], $0x200  }
0x1d: {  	[sflag:s16] =	ssyncset.done $0x0  }
0x1e: {  	s28 =	sadd.s32 $0xFFFFCF80, s14;
	[sflag:s16] =	ssyncadd.s32 $0xFFFFFE00  }
0x1f: {  	[tilespmem:s20], [sflag:$0x1] =	stream.indirect.gather [hbm4b:s8+s19], $0x10, s17, s19, $0xb8;
	[tilespmem:$0x1D000] =	vst v63  }
0x20: {  	s29 =	sadd.s32 $0x30C0, s28  }
0x21: {  	[tilespmem:s21], [sflag:$0x3] =	stream.linear.gather [hbm4b:s29+s3], $0x200, $0x38;
	[tilespmem:$0x1D000] =	vst v63  }
0x22: {  	_ =	swait.ge [sflag:s16], $0x200  }
0x23: {  	s31 =	sadd.s32 $0xFFFFCF80, s13;
	[sflag:s16] =	ssyncset.done $0x0  }
0x24: {  	s30 =	sadd.s32 $0x30C0, s31;
	[sflag:s16] =	ssyncadd.s32 $0xFFFFFE00  }
0x25: {  	[tilespmem:s22], [sflag:$0x3] =	stream.linear.gather [hbm4b:s30+s3], $0x200, $0x38;
	[tilespmem:$0x1D000] =	vst v63  }
0x26: {  	_ =	swait.ge [sflag:s16], $0x200  }
0x27: {  	[sflag:s16] =	ssyncset.done $0x0  }
0x28: {  	[sflag:s16] =	ssyncadd.s32 $0xFFFFFE00  }
0x29: {  	_ =	swait.ge [sflag:s23], $0x2000  }
0x2a: {  	[sflag:s23] =	ssyncset.done $0x0  }
0x2b: {  	[sflag:s23] =	ssyncadd.s32 $0xFFFFE000  }
0x2c: {  	[tilespmem:s24], [sflag:$0x1] =	stream.indirect.gather [hbm4b:s8+s19], $0x10, s21, s19, $0xb8;
	[tilespmem:$0x1D000] =	vst v63  }
0x2d: {  	_ = 	snop  }
0x2e: {  	[spmem:s2] =	stream.indirect.scatter.add.f32 [tilespmem:s20], [sflag:$0x2], $0x10, s18, s19, $0xb8;
	[tilespmem:$0x1D000] =	vst v63  }
0x2f: {  	_ =	swait.ge [sflag:s25], $0x2000  }
0x30: {  	[sflag:s25] =	ssyncset.done $0x0  }
0x31: {  	s28 =	sadd.s32 $0x3100, s28;
	[sflag:s25] =	ssyncadd.s32 $0xFFFFE000  }
0x32: {  	[tilespmem:s17], [sflag:$0x3] =	stream.linear.gather [hbm4b:s28+s3], $0x200, $0x38;
	[tilespmem:$0x1D000] =	vst v63  }
0x33: {  	_ =	swait.ge [sflag:s16], $0x200  }
0x34: {  	[sflag:s16] =	ssyncset.done $0x0  }
0x35: {  	s28 =	sadd.s32 $0x3100, s31;
	[sflag:s16] =	ssyncadd.s32 $0xFFFFFE00  }
0x36: {  	[tilespmem:s18], [sflag:$0x3] =	stream.linear.gather [hbm4b:s28+s3], $0x200, $0x38;
	[tilespmem:$0x1D000] =	vst v63  }
0x37: {  	_ =	swait.ge [sflag:s16], $0x200  }
0x38: {  	[sflag:s16] =	ssyncset.done $0x0  }
0x39: {  	[sflag:s16] =	ssyncadd.s32 $0xFFFFFE00  }
0x3a: {  	_ =	swait.ge [sflag:s23], $0x2000  }
0x3b: {  	[sflag:s23] =	ssyncset.done $0x0  }
0x3c: {  	[sflag:s23] =	ssyncadd.s32 $0xFFFFE000  }
0x3d: {  	[tilespmem:s20], [sflag:$0x1] =	stream.indirect.gather [hbm4b:s8+s19], $0x10, s17, s19, $0xb8;
	[tilespmem:$0x1D000] =	vst v63  }
0x3e: {  	_ = 	snop  }
0x3f: {  	[spmem:s2] =	stream.indirect.scatter.add.f32 [tilespmem:s24], [sflag:$0x2], $0x10, s22, s19, $0xb8;
	[tilespmem:$0x1D000] =	vst v63  }
0x40: {  	_ =	swait.ge [sflag:s25], $0x2000  }
0x41: {  	s30 =	simm.s32 $0xFFFFD080;
	s28 =	simm.s32 $0xFFFFD000;
	[sflag:s25] =	ssyncset.done $0x0  }
.LBB2_2:
0x42: {  	s31 =	sadd.s32 s28, s14  }
0x43: {  	[sflag:s25] =	ssyncadd.s32 $0xFFFFE000;
	s1 =	smov.u32 s30;
	s29 =	sadd.s32 $0x80, s30  }
0x44: {  	p0 =	sne.s32 s30, $0xFFFFFF80;
	s30 =	sadd.s32 $0x30C0, s31  }
0x45: {  	[tilespmem:s21], [sflag:$0x3] =	stream.linear.gather [hbm4b:s30+s3], $0x200, $0x38;
	[tilespmem:$0x1D000] =	vst v63  }
0x46: {  	_ =	swait.ge [sflag:s16], $0x200  }
0x47: {  	s30 =	sadd.s32 s28, s13;
	s28 =	smov.u32 s1;
	[sflag:s16] =	ssyncset.done $0x0  }
0x48: {  	s1 =	sadd.s32 $0x30C0, s30;
	[sflag:s16] =	ssyncadd.s32 $0xFFFFFE00  }
0x49: {  	[tilespmem:s22], [sflag:$0x3] =	stream.linear.gather [hbm4b:s1+s3], $0x200, $0x38;
	[tilespmem:$0x1D000] =	vst v63  }
0x4a: {  	_ =	swait.ge [sflag:s16], $0x200  }
0x4b: {  	[sflag:s16] =	ssyncset.done $0x0  }
0x4c: {  	[sflag:s16] =	ssyncadd.s32 $0xFFFFFE00  }
0x4d: {  	_ =	swait.ge [sflag:s23], $0x2000  }
0x4e: {  	[sflag:s23] =	ssyncset.done $0x0  }
0x4f: {  	[sflag:s23] =	ssyncadd.s32 $0xFFFFE000  }
0x50: {  	[tilespmem:s24], [sflag:$0x1] =	stream.indirect.gather [hbm4b:s8+s19], $0x10, s21, s19, $0xb8;
	[tilespmem:$0x1D000] =	vst v63  }
0x51: {  	_ = 	snop  }
0x52: {  	[spmem:s2] =	stream.indirect.scatter.add.f32 [tilespmem:s20], [sflag:$0x2], $0x10, s18, s19, $0xb8;
	[tilespmem:$0x1D000] =	vst v63  }
0x53: {  	_ =	swait.ge [sflag:s25], $0x2000  }
0x54: {  	[sflag:s25] =	ssyncset.done $0x0  }
0x55: {  	s1 =	sadd.s32 $0x3100, s31;
	[sflag:s25] =	ssyncadd.s32 $0xFFFFE000  }
0x56: {  	[tilespmem:s17], [sflag:$0x3] =	stream.linear.gather [hbm4b:s1+s3], $0x200, $0x38;
	[tilespmem:$0x1D000] =	vst v63  }
0x57: {  	_ =	swait.ge [sflag:s16], $0x200  }
0x58: {  	[sflag:s16] =	ssyncset.done $0x0  }
0x59: {  	s1 =	sadd.s32 $0x3100, s30;
	[sflag:s16] =	ssyncadd.s32 $0xFFFFFE00  }
0x5a: {  	[tilespmem:s18], [sflag:$0x3] =	stream.linear.gather [hbm4b:s1+s3], $0x200, $0x38;
	[tilespmem:$0x1D000] =	vst v63  }
0x5b: {  	_ =	swait.ge [sflag:s16], $0x200  }
0x5c: {  	[sflag:s16] =	ssyncset.done $0x0  }
0x5d: {  	[sflag:s16] =	ssyncadd.s32 $0xFFFFFE00  }
0x5e: {  	_ =	swait.ge [sflag:s23], $0x2000  }
0x5f: {  	[sflag:s23] =	ssyncset.done $0x0  }
0x60: {  	[sflag:s23] =	ssyncadd.s32 $0xFFFFE000  }
0x61: {  	[tilespmem:s20], [sflag:$0x1] =	stream.indirect.gather [hbm4b:s8+s19], $0x10, s17, s19, $0xb8;
	[tilespmem:$0x1D000] =	vst v63  }
.Ltmp0:
0x62: {  	_ = 	snop;
	(pc) =	sbr.rel @p0 .LBB2_2-.Ltmp0, $4  }
0x63: {  	_ = 	snop  }
0x64: {  	[spmem:s2] =	stream.indirect.scatter.add.f32 [tilespmem:s24], [sflag:$0x2], $0x10, s22, s19, $0xb8;
	[tilespmem:$0x1D000] =	vst v63  }
0x65: {  	_ =	swait.ge [sflag:s25], $0x2000  }
0x66: {  	s30 =	smov.u32 s29;
	[sflag:s25] =	ssyncset.done $0x0  }
0x67: {  	s1 =	sadd.s32 s28, s14  }
0x68: {  	[sflag:s25] =	ssyncadd.s32 $0xFFFFE000;
	s29 =	sadd.s32 $0x30C0, s1  }
0x69: {  	[tilespmem:s21], [sflag:$0x3] =	stream.linear.gather [hbm4b:s29+s3], $0x200, $0x38;
	[tilespmem:$0x1D000] =	vst v63  }
0x6a: {  	_ =	swait.ge [sflag:s16], $0x200  }
0x6b: {  	s31 =	sadd.s32 s28, s13;
	[sflag:s16] =	ssyncset.done $0x0  }
0x6c: {  	s30 =	sadd.s32 $0x30C0, s31;
	[sflag:s16] =	ssyncadd.s32 $0xFFFFFE00  }
0x6d: {  	[tilespmem:s22], [sflag:$0x3] =	stream.linear.gather [hbm4b:s30+s3], $0x200, $0x38;
	[tilespmem:$0x1D000] =	vst v63  }
0x6e: {  	_ =	swait.ge [sflag:s16], $0x200  }
0x6f: {  	[sflag:s16] =	ssyncset.done $0x0  }
0x70: {  	[sflag:s16] =	ssyncadd.s32 $0xFFFFFE00  }
0x71: {  	_ =	swait.ge [sflag:s23], $0x2000  }
0x72: {  	[sflag:s23] =	ssyncset.done $0x0  }
0x73: {  	[sflag:s23] =	ssyncadd.s32 $0xFFFFE000  }
0x74: {  	[tilespmem:s24], [sflag:$0x1] =	stream.indirect.gather [hbm4b:s8+s19], $0x10, s21, s19, $0xb8;
	[tilespmem:$0x1D000] =	vst v63  }
0x75: {  	_ = 	snop  }
0x76: {  	[spmem:s2] =	stream.indirect.scatter.add.f32 [tilespmem:s20], [sflag:$0x2], $0x10, s18, s19, $0xb8;
	[tilespmem:$0x1D000] =	vst v63  }
0x77: {  	_ =	swait.ge [sflag:s25], $0x2000  }
0x78: {  	[sflag:s25] =	ssyncset.done $0x0  }
0x79: {  	s1 =	sadd.s32 $0x3100, s1;
	[sflag:s25] =	ssyncadd.s32 $0xFFFFE000  }
0x7a: {  	[tilespmem:s17], [sflag:$0x3] =	stream.linear.gather [hbm4b:s1+s3], $0x200, $0x38;
	[tilespmem:$0x1D000] =	vst v63  }
0x7b: {  	_ =	swait.ge [sflag:s16], $0x200  }
0x7c: {  	[sflag:s16] =	ssyncset.done $0x0  }
0x7d: {  	s31 =	sadd.s32 $0x3100, s31;
	[sflag:s16] =	ssyncadd.s32 $0xFFFFFE00  }
0x7e: {  	[tilespmem:s18], [sflag:$0x3] =	stream.linear.gather [hbm4b:s31+s3], $0x200, $0x38;
	[tilespmem:$0x1D000] =	vst v63  }
0x7f: {  	_ =	swait.ge [sflag:s16], $0x200  }
0x80: {  	[sflag:s16] =	ssyncset.done $0x0  }
0x81: {  	[sflag:s16] =	ssyncadd.s32 $0xFFFFFE00  }
0x82: {  	_ =	swait.ge [sflag:s23], $0x2000  }
0x83: {  	[sflag:s23] =	ssyncset.done $0x0  }
0x84: {  	[sflag:s23] =	ssyncadd.s32 $0xFFFFE000  }
0x85: {  	[tilespmem:s20], [sflag:$0x1] =	stream.indirect.gather [hbm4b:s8+s19], $0x10, s17, s19, $0xb8;
	[tilespmem:$0x1D000] =	vst v63  }
0x86: {  	_ = 	snop  }
0x87: {  	[spmem:s2] =	stream.indirect.scatter.add.f32 [tilespmem:s24], [sflag:$0x2], $0x10, s22, s19, $0xb8;
	[tilespmem:$0x1D000] =	vst v63  }
0x88: {  	_ =	swait.ge [sflag:s25], $0x2000  }
0x89: {  	[sflag:s25] =	ssyncset.done $0x0  }
0x8a: {  	[sflag:s25] =	ssyncadd.s32 $0xFFFFE000  }
0x8b: {  	[tilespmem:s21], [sflag:$0x3] =	stream.linear.gather [hbm4b:s11+s3], $0x200, $0x38;
	[tilespmem:$0x1D000] =	vst v63  }
0x8c: {  	_ =	swait.ge [sflag:s16], $0x200  }
0x8d: {  	[sflag:s16] =	ssyncset.done $0x0  }
0x8e: {  	[sflag:s16] =	ssyncadd.s32 $0xFFFFFE00  }
0x8f: {  	[tilespmem:s22], [sflag:$0x3] =	stream.linear.gather [hbm4b:s12+s3], $0x200, $0x38;
	[tilespmem:$0x1D000] =	vst v63  }
0x90: {  	_ =	swait.ge [sflag:s16], $0x200  }
0x91: {  	[sflag:s16] =	ssyncset.done $0x0  }
0x92: {  	[sflag:s16] =	ssyncadd.s32 $0xFFFFFE00  }
0x93: {  	_ =	swait.ge [sflag:s23], $0x2000  }
0x94: {  	[sflag:s23] =	ssyncset.done $0x0  }
0x95: {  	[sflag:s23] =	ssyncadd.s32 $0xFFFFE000  }
0x96: {  	[tilespmem:s24], [sflag:$0x1] =	stream.indirect.gather [hbm4b:s8+s19], $0x10, s21, s19, $0xb8;
	[tilespmem:$0x1D000] =	vst v63  }
0x97: {  	_ = 	snop  }
0x98: {  	[spmem:s2] =	stream.indirect.scatter.add.f32 [tilespmem:s20], [sflag:$0x2], $0x10, s18, s19, $0xb8;
	[tilespmem:$0x1D000] =	vst v63  }
0x99: {  	_ =	swait.ge [sflag:s25], $0x2000  }
0x9a: {  	[sflag:s25] =	ssyncset.done $0x0  }
0x9b: {  	[sflag:s25] =	ssyncadd.s32 $0xFFFFE000  }
0x9c: {  	_ =	swait.ge [sflag:s23], $0x2000  }
0x9d: {  	[sflag:s23] =	ssyncset.done $0x0  }
0x9e: {  	[sflag:s23] =	ssyncadd.s32 $0xFFFFE000  }
0x9f: {  	[spmem:s2] =	stream.indirect.scatter.add.f32 [tilespmem:s24], [sflag:$0x2], $0x10, s22, s19, $0xb8;
	[tilespmem:$0x1D000] =	vst v63  }
0xa0: {  	_ =	swait.ge [sflag:s25], $0x2000  }
0xa1: {  	s26 =	sadd.s32 $0x1, s26;
	[sflag:s25] =	ssyncset.done $0x0  }
0xa2: {  	p0 =	sne.s32 s26, s10;
	[sflag:s25] =	ssyncadd.s32 $0xFFFFE000  }
.Ltmp1:
0xa3: {  	[bflag:$0x0] =	sbarrier.arrive $0xFFFF;
	(pc) =	sbr.rel @p0 .LBB2_1-.Ltmp1, $4  }
0xa4: {  	[hbm:s9], [sflag:s5] =	dma.local [spmem:s15], $0x3100  }
0xa5: {  	_ =	swait.ge [sflag:s16], $0x3100  }
0xa6: {  	[sflag:s16] =	ssyncset.done $0x0  }
0xa7: {  	[sflag:s16] =	ssyncadd.s32 $0xFFFFCF00  }
0xa8: {  	_ =	sfence.sel $0x180000  }
0xa9: {  	[bflag:$0x0] =	sbarrier.arrive $0xFFFF  }
0xaa: {  	_ =	strace $0x9000004A  }
0xab: {  	[bflag:$0x2] =	sbarrier.arrive $0xFFFF  }
0xac: {  	p0 =	sne.s32 s0, $0x0;
	s0 =	rddreg [dreg:$0x2]  }
0xad: {  	s0 =	sadd.s32 @!p0 $0x100000, s0  }
0xae: {  	[sflag:s0] =	ssyncadd.tile.s32 @!p0 $0x1;
	_ =	shalt  }
.Lfunc_end2:
_tile_overlayer_lowered:
.L_overlay_start_2:
0xaf: {  	(tag) =	ssettag $0x2  }
0xb0: {  	s0 =	rddreg [dreg:$0x0];
	s2 =	stileid.u32  }
0xb1: {  	s1 =	rddreg [dreg:$0x1];
	p0 =	sne.s32 s2, $0x0  }
0xb2: {  	s3 =	rddreg [dreg:$0x2];
	[bflag:$0x3] =	sbarrier.arrive $0xFFFF;
	s2 =	simm.s32 @!p0 $0x1C03  }
0xb3: {  	[timem:s3], [sflag:s2] =	dma.local @!p0 [hbm:s0], s1  }
0xb4: {  	s0 =	simm.s32 @!p0 $0x3  }
0xb5: {  	_ =	swait.ge @!p0 [sflag:s0], s1  }
0xb6: {  	s1 =	ssub.s32 @!p0 $0x0, s1;
	[sflag:s0] =	ssyncset.done @!p0 $0x0  }
0xb7: {  	[sflag:s0] =	ssyncadd.s32 @!p0 s1  }
0xb8: {  	[bflag:$0x3] =	sbarrier.arrive $0xFFFF  }
0xb9: {  	_ =	shalt  }

// kernel: kernel.19.cloned.1.call-start
scs
__scs_entry_jumppad:
0x0: {  	(pc) =	sbr.rel $0x88, $3  }
0x1: {  	(tag) =	ssettag $0x0;
	lr =	simm.s32 $0x1  }
0x2: {  	[smem:$0x3F8D] =	sst lr;
	_ =	strace $0xD0000000  }
0x3: {  	_ = 	snop  }
0x4: {  	_ = 	snop  }
0x5: {  	_ = 	snop  }
0x6: {  	_ = 	snop  }
0x7: {  	_ = 	snop  }
__scs_overlays_trampoline_lowered:
0x8: {  	[smem:$0x3F9C] =	sst s0  }
0x9: {  	[smem:$0x3F9D] =	sst s1  }
0xa: {  	[smem:$0x3F9E] =	sst s2  }
0xb: {  	[smem:$0x3F9F] =	sst s3  }
0xc: {  	[smem:$0x3FA0] =	sst s4  }
0xd: {  	[smem:$0x3FA1] =	sst s5  }
0xe: {  	[smem:$0x3FA2] =	sst s6  }
0xf: {  	[smem:$0x3FA3] =	sst s7  }
0x10: {  	[smem:$0x3FA4] =	sst s8  }
0x11: {  	[smem:$0x3FA5] =	sst s9;
	s0 =	simm.s32 @!p0 $0x0  }
0x12: {  	s1 =	sld [smem:$0x3F8B];
	s0 =	simm.s32 @p0 $0x1  }
0x13: {  	[smem:$0x3FA6] =	sst s0;
	s0 =	simm.s32 @!p1 $0x0  }
0x14: {  	s2 =	sld [smem:$0x3F8A];
	s0 =	simm.s32 @p1 $0x1  }
0x15: {  	[smem:$0x3FA7] =	sst s0;
	s0 =	simm.s32 @!p2 $0x0  }
0x16: {  	s3 =	sld [smem:$0x3FDB];
	s0 =	simm.s32 @p2 $0x1  }
0x17: {  	s4 =	simm.s32 $0x1BF5;
	[smem:$0x3FA9] =	sst s0  }
0x18: {  	s0 =	sld [smem:$0x3F8C];
	_ =	swait.ge [sflag:s4], $0x0  }
0x19: {  	s7 =	sld [smem:$0x3F8D]  }
0x1a: {  	s8 =	sadd.s32 $0xFFFFE003, lr  }
0x1b: {  	s9 =	sadd.s32 $0xFFFFFEF7, lr;
	s5 =	simm.s32 $0xFFFFFFFF;
	p2 =	slt.u32 s8, $0xFFFFF086  }
0x1c: {  	p1 =	slt.u32 s9, $0xF7A;
	s5 =	simm.s32 @!p2 $0x0  }
0x1d: {  	s5 =	simm.s32 @p1 $0x1;
	p0 =	seq.s32 s7, s2  }
0x1e: {  	s7 =	smul.u32 @!p0 $0xF7A, s2;
	p2 =	seq.s32 @!p0 s5, $0x0  }
0x1f: {  	s9 =	smul.u32 $0xF7A, s1;
	s8 =	simm.s32 @!p0 $0x1BF5;
	p2 =	por !p2, p0  }
0x20: {  	[sflag:s8] =	ssyncset.s32 @!p0 $0xFFFFF086;
	s6 =	sadd.s32 @!p0 s3, s7;
	s7 =	simm.s32 @!p0 $0x108  }
0x21: {  	s3 =	sadd.s32 s3, s9;
	s6 =	sadd.s32 @!p0 $0x88, s6;
	s7 =	simm.s32 @p2 $0x1082  }
0x22: {  	[simem:s7], [sflag:s8] =	dma.local @!p0 [hbm:s6], $0xF7A  }
0x23: {  	s9 =	sor.u32 $0xD0000000, s2;
	s6 =	simm.s32 $0x108;
	_ =	swait.ge @!p0 [sflag:s8], $0x0  }
0x24: {  	s3 =	sadd.s32 $0x88, s3;
	s6 =	simm.s32 @!p1 $0x1082;
	[sflag:s4] =	ssyncset.s32 $0xFFFFF086  }
0x25: {  	[simem:s6], [sflag:s4] =	dma.local [hbm:s3], $0xF7A  }
0x26: {  	[smem:$0x3F8D] =	sst s1;
	(tag) =	ssettag s2;
	_ =	strace s9  }
0x27: {  	s1 =	sld [smem:$0x3F9D]  }
0x28: {  	s2 =	sld [smem:$0x3F9E]  }
0x29: {  	s4 =	sld [smem:$0x3FA0]  }
0x2a: {  	p0 =	seq.s32 s5, $0x0;
	s5 =	sld [smem:$0x3FA1]  }
0x2b: {  	s6 =	sld [smem:$0x3FA2]  }
0x2c: {  	s7 =	sld [smem:$0x3FA3]  }
0x2d: {  	s3 =	simm.s32 $0x108;
	s8 =	sld [smem:$0x3FA4]  }
0x2e: {  	s3 =	simm.s32 @!p0 $0x1082;
	s9 =	sld [smem:$0x3FA5]  }
0x2f: {  	lr =	sadd.s32 s0, s3;
	s0 =	sld [smem:$0x3F9C]  }
0x30: {  	s3 =	sld [smem:$0x3F9F]  }
0x31: {  	[smem:$0x3FA8] =	sst s10  }
0x32: {  	s10 =	sld [smem:$0x3FA6];
	_ =	sdelay $0x3  }
0x33: {  	p0 =	seq.s32 s10, $0x1;
	s10 =	sld [smem:$0x3FA8];
	_ =	sdelay $0x3  }
0x34: {  	[smem:$0x3FA8] =	sst s10  }
0x35: {  	s10 =	sld [smem:$0x3FA7];
	_ =	sdelay $0x3  }
0x36: {  	p1 =	seq.s32 s10, $0x1;
	s10 =	sld [smem:$0x3FA8];
	_ =	sdelay $0x3  }
0x37: {  	[smem:$0x3FA8] =	sst s10  }
0x38: {  	s10 =	sld [smem:$0x3FA9]  }
0x39: {  	_ = 	snop;
	(pc) =	sbr.ind lr, $3  }
0x3a: {  	_ = 	snop  }
0x3b: {  	_ = 	snop  }
0x3c: {  	p2 =	seq.s32 s10, $0x1;
	s10 =	sld [smem:$0x3FA8]  }
0x3d: {  	_ =	shalt  }
0x3e: {  	_ =	shalt  }
0x3f: {  	_ =	shalt  }
0x40: {  	_ =	shalt  }
0x41: {  	_ =	shalt  }
0x42: {  	_ =	shalt  }
0x43: {  	_ =	shalt  }
0x44: {  	_ =	shalt  }
0x45: {  	_ =	shalt  }
0x46: {  	_ =	shalt  }
0x47: {  	_ =	shalt  }
0x48: {  	_ =	shalt  }
0x49: {  	_ =	shalt  }
0x4a: {  	_ =	shalt  }
0x4b: {  	_ =	shalt  }
0x4c: {  	_ =	shalt  }
0x4d: {  	_ =	shalt  }
0x4e: {  	_ =	shalt  }
0x4f: {  	_ =	shalt  }
0x50: {  	_ =	shalt  }
0x51: {  	_ =	shalt  }
0x52: {  	_ =	shalt  }
0x53: {  	_ =	shalt  }
0x54: {  	_ =	shalt  }
0x55: {  	_ =	shalt  }
0x56: {  	_ =	shalt  }
0x57: {  	_ =	shalt  }
0x58: {  	_ =	shalt  }
0x59: {  	_ =	shalt  }
0x5a: {  	_ =	shalt  }
0x5b: {  	_ =	shalt  }
0x5c: {  	_ =	shalt  }
0x5d: {  	_ =	shalt  }
0x5e: {  	_ =	shalt  }
0x5f: {  	_ =	shalt  }
0x60: {  	_ =	shalt  }
0x61: {  	_ =	shalt  }
0x62: {  	_ =	shalt  }
0x63: {  	_ =	shalt  }
0x64: {  	_ =	shalt  }
0x65: {  	_ =	shalt  }
0x66: {  	_ =	shalt  }
0x67: {  	_ =	shalt  }
0x68: {  	_ =	shalt  }
0x69: {  	_ =	shalt  }
0x6a: {  	_ =	shalt  }
0x6b: {  	_ =	shalt  }
0x6c: {  	_ =	shalt  }
0x6d: {  	_ =	shalt  }
0x6e: {  	_ =	shalt  }
0x6f: {  	_ =	shalt  }
0x70: {  	_ =	shalt  }
0x71: {  	_ =	shalt  }
0x72: {  	_ =	shalt  }
0x73: {  	_ =	shalt  }
0x74: {  	_ =	shalt  }
0x75: {  	_ =	shalt  }
0x76: {  	_ =	shalt  }
0x77: {  	_ =	shalt  }
0x78: {  	_ =	shalt  }
0x79: {  	_ =	shalt  }
0x7a: {  	_ =	shalt  }
0x7b: {  	_ =	shalt  }
0x7c: {  	_ =	shalt  }
0x7d: {  	_ =	shalt  }
0x7e: {  	_ =	shalt  }
0x7f: {  	_ =	shalt  }
0x80: {  	_ =	shalt  }
0x81: {  	_ =	shalt  }
0x82: {  	_ =	shalt  }
0x83: {  	_ =	shalt  }
0x84: {  	_ =	shalt  }
0x85: {  	_ =	shalt  }
0x86: {  	_ =	shalt  }
0x87: {  	_ =	shalt  }
.Lfunc_end0:
.L_simem_size_0:
called_computation.2_lowered:
.L_overlay_start_0:
0x88: {  	s2 =	sld [smem:$0x3FD9]  }
0x89: {  	s3 =	sld [smem:$0x3FFE];
	_ =	sdelay $0x1  }
0x8a: {  	s1 =	srdreg.scid  }
0x8b: {  	s0 =	sand.u32 $0x1, s1  }
0x8c: {  	s16 =	sshll.u32 s0, $0xA;
	s2 =	sadd.s32 s3, s2  }
0x8d: {  	s2 =	sadd.s32 s2, s16  }
0x8e: {  	[smem:$0x3FB4] =	sst s2  }
0x8f: {  	_ = 	snop  }
0x90: {  	(tm) =	ssettm $0x1  }
0x91: {  	s17 =	sld [smem:$0x3FFB];
	_ =	sdelay $0x3  }
0x92: {  	_ =	strace s17  }
0x93: {  	s2 =	sld [smem:$0x3FFC];
	_ =	sdelay $0x3  }
0x94: {  	_ =	strace s2  }
0x95: {  	s2 =	sld [smem:$0x3FFD];
	_ =	sdelay $0x3  }
0x96: {  	_ =	strace s2  }
0x97: {  	_ =	strace $0x8FFFFFFF  }
0x98: {  	s18 =	sld [smem:$0x3FDB];
	_ =	sdelay $0x1  }
0x99: {  	s19 =	simm.s32 $_scs_section_size  }
0x9a: {  	s4 =	simm.s32 $_size__tile_overlayer_lowered;
	s5 =	simm.s32 $_tile_overlayer_lowered  }
0x9b: {  	s22 =	simm.s32 $0x1BFF;
	s21 =	sshll.u32 s5, $0x1;
	s2 =	sadd.s32 s19, s18  }
0x9c: {  	s6 =	simm.s32 $0x0;
	s20 =	sshll.u32 s4, $0x1;
	s4 =	sadd.s32 s21, s2  }
0x9d: {  	[timem:s6], [sflag:s22] =	dma.local [hbm:s4], s20  }
0x9e: {  	_ =	swait.ge [sflag:s22], s20  }
0x9f: {  	s3 =	ssub.s32 $0x0, s20;
	[sflag:s22] =	ssyncset.done $0x0  }
0xa0: {  	[sflag:s22] =	ssyncadd.s32 s3;
	_ =	sdelay $0x1  }
0xa1: {  	s23 =	simm.s32 $0x1B8B  }
0xa2: {  	_ =	swait.ge [sflag:s23], $0x1  }
0xa3: {  	[sflag:s23] =	ssyncset.done $0x0  }
0xa4: {  	s25 =	simm.s32 $0x1B8E;
	s24 =	sld [smem:$0x3FFE];
	[sflag:s23] =	ssyncadd.s32 $0xFFFFFFFF  }
0xa5: {  	s26 =	simm.s32 $execute0_lowered;
	[smem:$0x3FD2] =	sst s25  }
0xa6: {  	s4 =	sshll.u32 s26, $0x1;
	_ =	strace $0x8000004C;
	[dreg:$0x1] =	wrdreg $0xFFFFFFFF  }
0xa7: {  	s28 =	simm.s32 $_size_execute0_lowered;
	s2 =	sadd.s32 s2, s4;
	[dreg:$0x0] =	wrdreg $0x0  }
0xa8: {  	s4 =	sshll.u32 s28, $0x1;
	[dreg:$0x2] =	wrdreg s2  }
0xa9: {  	[dreg:$0x3] =	wrdreg s4  }
0xaa: {  	[dreg:$0x4] =	wrdreg $0xC0  }
0xab: {  	_ =	task [dreg:s6], $0x5FFFF  }
0xac: {  	[dreg:$0x1] =	wrdreg $0xFFFFFFFF  }
0xad: {  	[dreg:$0x0] =	wrdreg $0x60  }
0xae: {  	[dreg:$0x2] =	wrdreg s24  }
0xaf: {  	[dreg:$0x3] =	wrdreg $0x0  }
0xb0: {  	[dreg:$0x4] =	wrdreg $0x9  }
0xb1: {  	_ =	task.clear_ibuf [dreg:s6], $0x5FFFF;
	_ =	strace $0x9000004C  }
0xb2: {  	s29 =	simm.s32 $0x9;
	_ =	strace $0x8000004E  }
0xb3: {  	_ =	swait.ge [sflag:s29], $0x1  }
0xb4: {  	[sflag:s29] =	ssyncadd.s32 $0xFFFFFFFF  }
0xb5: {  	_ =	strace $0x9000004E  }
0xb6: {  	_ =	sfence  }
0xb7: {  	s30 =	sld [smem:$0x0];
	_ =	sdelay $0x2  }
0xb8: {  	s31 =	sshll.u32 s1, $0xD;
	s1 =	sshrl.u32 s1, $0x2  }
0xb9: {  	s3 =	sand.u32 $0x4000, s31;
	s1 =	sadd.s32 s1, s30  }
0xba: {  	s0 =	sor.u32 s3, s0;
	s1 =	sshll.u32 s1, $0x11  }
0xbb: {  	s0 =	sor.u32 s1, s0  }
0xbc: {  	s0 =	sadd.s32 $0x8F2B, s0  }
0xbd: {  	[sflag:s0] =	ssyncadd.remote.s32 $0x1  }
0xbe: {  	_ =	sfence.sel $0xFFFF  }
0xbf: {  	[dreg:$0x0] =	wrdreg $0xFFFFFFFF;
	(pc) =	sbr.abs _section_cstart, $3  }
0xc0: {  	[dreg:$0x1] =	wrdreg $0xFFFFFFFF  }
0xc1: {  	_ =	task.clear_ibuf [dreg:s6], $0x2FFFF;
	_ =	strace $0x9FFFFFFF  }
0xc2: {  	(tm) =	ssettm $0x7FFFFFFF  }
0xc3: {  	_ =	shalt  }
tec
execute0_lowered:
.L_overlay_start_1:
0x0: {  	(tag) =	ssettag $0x1  }
0x1: {  	s4 =	rddreg [dreg:$0x0]  }
0x2: {  	s1 =	srdreg.scid;
	s0 =	stileid.u32  }
0x3: {  	s2 =	rddreg [dreg:$0x1];
	s3 =	simm.s32 $0x0;
	s17 =	simm.s32 $0x18800  }
0x4: {  	s18 =	simm.s32 $0x18C00;
	s19 =	simm.s32 $0x200;
	s20 =	simm.s32 $0x19000  }
0x5: {  	s21 =	simm.s32 $0x18A00;
	s22 =	simm.s32 $0x18E00;
	s23 =	simm.s32 $0x1  }
0x6: {  	s24 =	simm.s32 $0x1B000;
	s25 =	simm.s32 $0x2;
	s26 =	simm.s32 $0x0  }
0x7: {  	s5 =	sand.u32 $0x1, s1;
	s6 =	smul.u32 $0x18800, s0;
	[smem:$0x7FF] =	sst s3  }
0x8: {  	s9 =	sadd.s32 $0xC9C00, s4;
	s14 =	sadd.s32 $0x5C00, s4;
	s13 =	sadd.s32 $0x36C00, s4  }
0x9: {  	s31 =	sshll.u32 s0, $0x6;
	s8 =	smul.u32 $0x188000, s5;
	s5 =	ssub.s32 $0x2, s5  }
0xa: {  	s16 =	smul.u32 $0x3100, s0;
	_ =	strace $0x8000004D;
	s30 =	sshrl.u32 s5, $0x1  }
0xb: {  	s15 =	sadd.s32 s6, s2;
	s12 =	sshrl.u32 s6, $0x3;
	s7 =	sadd.s32 s6, s8  }
0xc: {  	s11 =	ssub.s32 s5, s30;
	s5 =	sor.u32 $0x1C03, s31;
	s6 =	sadd.s32 s14, s12  }
0xd: {  	s8 =	sshrl.u32 s8, $0x3;
	s15 =	sshrl.u32 s15, $0x3;
	s7 =	sshrl.u32 s7, $0x3  }
0xe: {  	s8 =	sadd.s32 s9, s8;
	s10 =	sadd.s32 s7, s4;
	s4 =	sadd.s32 s9, s7  }
0xf: {  	s7 =	sadd.s32 s13, s12;
	s12 =	sadd.s32 $0x30C0, s12;
	s9 =	sadd.s32 $0x12BC00, s10  }
0x10: {  	s10 =	smax.u32 s11, $0x1;
	s11 =	sadd.s32 s14, s12;
	s12 =	sadd.s32 s13, s12  }
0x11: {  	s13 =	sadd.s32 s16, s13;
	s14 =	sadd.s32 s16, s14;
	s16 =	simm.s32 $0x3  }
.LBB2_1:
0x12: {  	[spmem:s15], [sflag:s5] =	dma.local [hbm:s4], $0x3100  }
0x13: {  	_ =	swait.ge [sflag:s16], $0x3100  }
0x14: {  	[sflag:s16] =	ssyncset.done $0x0  }
0x15: {  	[sflag:s16] =	ssyncadd.s32 $0xFFFFCF00  }
0x16: {  	[bflag:$0x0] =	sbarrier.arrive $0xFFFF  }
0x17: {  	[tilespmem:s17], [sflag:$0x3] =	stream.linear.gather [hbm4b:s6+s3], $0x200, $0x38;
	[tilespmem:$0x1D000] =	vst v63  }
0x18: {  	_ =	swait.ge [sflag:s16], $0x200  }
0x19: {  	[sflag:s16] =	ssyncset.done $0x0  }
0x1a: {  	[sflag:s16] =	ssyncadd.s32 $0xFFFFFE00  }
0x1b: {  	[tilespmem:s18], [sflag:$0x3] =	stream.linear.gather [hbm4b:s7+s3], $0x200, $0x38;
	[tilespmem:$0x1D000] =	vst v63  }
0x1c: {  	_ =	swait.ge [sflag:s16], $0x200  }
0x1d: {  	[sflag:s16] =	ssyncset.done $0x0  }
0x1e: {  	s28 =	sadd.s32 $0xFFFFCF80, s14;
	[sflag:s16] =	ssyncadd.s32 $0xFFFFFE00  }
0x1f: {  	[tilespmem:s20], [sflag:$0x1] =	stream.indirect.gather [hbm4b:s8+s19], $0x10, s17, s19, $0xb8;
	[tilespmem:$0x1D000] =	vst v63  }
0x20: {  	s29 =	sadd.s32 $0x30C0, s28  }
0x21: {  	[tilespmem:s21], [sflag:$0x3] =	stream.linear.gather [hbm4b:s29+s3], $0x200, $0x38;
	[tilespmem:$0x1D000] =	vst v63  }
0x22: {  	_ =	swait.ge [sflag:s16], $0x200  }
0x23: {  	s31 =	sadd.s32 $0xFFFFCF80, s13;
	[sflag:s16] =	ssyncset.done $0x0  }
0x24: {  	s30 =	sadd.s32 $0x30C0, s31;
	[sflag:s16] =	ssyncadd.s32 $0xFFFFFE00  }
0x25: {  	[tilespmem:s22], [sflag:$0x3] =	stream.linear.gather [hbm4b:s30+s3], $0x200, $0x38;
	[tilespmem:$0x1D000] =	vst v63  }
0x26: {  	_ =	swait.ge [sflag:s16], $0x200  }
0x27: {  	[sflag:s16] =	ssyncset.done $0x0  }
0x28: {  	[sflag:s16] =	ssyncadd.s32 $0xFFFFFE00  }
0x29: {  	_ =	swait.ge [sflag:s23], $0x2000  }
0x2a: {  	[sflag:s23] =	ssyncset.done $0x0  }
0x2b: {  	[sflag:s23] =	ssyncadd.s32 $0xFFFFE000  }
0x2c: {  	[tilespmem:s24], [sflag:$0x1] =	stream.indirect.gather [hbm4b:s8+s19], $0x10, s21, s19, $0xb8;
	[tilespmem:$0x1D000] =	vst v63  }
0x2d: {  	_ = 	snop  }
0x2e: {  	[spmem:s2] =	stream.indirect.scatter.add.f32 [tilespmem:s20], [sflag:$0x2], $0x10, s18, s19, $0xb8;
	[tilespmem:$0x1D000] =	vst v63  }
0x2f: {  	_ =	swait.ge [sflag:s25], $0x2000  }
0x30: {  	[sflag:s25] =	ssyncset.done $0x0  }
0x31: {  	s28 =	sadd.s32 $0x3100, s28;
	[sflag:s25] =	ssyncadd.s32 $0xFFFFE000  }
0x32: {  	[tilespmem:s17], [sflag:$0x3] =	stream.linear.gather [hbm4b:s28+s3], $0x200, $0x38;
	[tilespmem:$0x1D000] =	vst v63  }
0x33: {  	_ =	swait.ge [sflag:s16], $0x200  }
0x34: {  	[sflag:s16] =	ssyncset.done $0x0  }
0x35: {  	s28 =	sadd.s32 $0x3100, s31;
	[sflag:s16] =	ssyncadd.s32 $0xFFFFFE00  }
0x36: {  	[tilespmem:s18], [sflag:$0x3] =	stream.linear.gather [hbm4b:s28+s3], $0x200, $0x38;
	[tilespmem:$0x1D000] =	vst v63  }
0x37: {  	_ =	swait.ge [sflag:s16], $0x200  }
0x38: {  	[sflag:s16] =	ssyncset.done $0x0  }
0x39: {  	[sflag:s16] =	ssyncadd.s32 $0xFFFFFE00  }
0x3a: {  	_ =	swait.ge [sflag:s23], $0x2000  }
0x3b: {  	[sflag:s23] =	ssyncset.done $0x0  }
0x3c: {  	[sflag:s23] =	ssyncadd.s32 $0xFFFFE000  }
0x3d: {  	[tilespmem:s20], [sflag:$0x1] =	stream.indirect.gather [hbm4b:s8+s19], $0x10, s17, s19, $0xb8;
	[tilespmem:$0x1D000] =	vst v63  }
0x3e: {  	_ = 	snop  }
0x3f: {  	[spmem:s2] =	stream.indirect.scatter.add.f32 [tilespmem:s24], [sflag:$0x2], $0x10, s22, s19, $0xb8;
	[tilespmem:$0x1D000] =	vst v63  }
0x40: {  	_ =	swait.ge [sflag:s25], $0x2000  }
0x41: {  	s30 =	simm.s32 $0xFFFFD080;
	s28 =	simm.s32 $0xFFFFD000;
	[sflag:s25] =	ssyncset.done $0x0  }
.LBB2_2:
0x42: {  	s31 =	sadd.s32 s28, s14  }
0x43: {  	[sflag:s25] =	ssyncadd.s32 $0xFFFFE000;
	s1 =	smov.u32 s30;
	s29 =	sadd.s32 $0x80, s30  }
0x44: {  	p0 =	sne.s32 s30, $0xFFFFFF80;
	s30 =	sadd.s32 $0x30C0, s31  }
0x45: {  	[tilespmem:s21], [sflag:$0x3] =	stream.linear.gather [hbm4b:s30+s3], $0x200, $0x38;
	[tilespmem:$0x1D000] =	vst v63  }
0x46: {  	_ =	swait.ge [sflag:s16], $0x200  }
0x47: {  	s30 =	sadd.s32 s28, s13;
	s28 =	smov.u32 s1;
	[sflag:s16] =	ssyncset.done $0x0  }
0x48: {  	s1 =	sadd.s32 $0x30C0, s30;
	[sflag:s16] =	ssyncadd.s32 $0xFFFFFE00  }
0x49: {  	[tilespmem:s22], [sflag:$0x3] =	stream.linear.gather [hbm4b:s1+s3], $0x200, $0x38;
	[tilespmem:$0x1D000] =	vst v63  }
0x4a: {  	_ =	swait.ge [sflag:s16], $0x200  }
0x4b: {  	[sflag:s16] =	ssyncset.done $0x0  }
0x4c: {  	[sflag:s16] =	ssyncadd.s32 $0xFFFFFE00  }
0x4d: {  	_ =	swait.ge [sflag:s23], $0x2000  }
0x4e: {  	[sflag:s23] =	ssyncset.done $0x0  }
0x4f: {  	[sflag:s23] =	ssyncadd.s32 $0xFFFFE000  }
0x50: {  	[tilespmem:s24], [sflag:$0x1] =	stream.indirect.gather [hbm4b:s8+s19], $0x10, s21, s19, $0xb8;
	[tilespmem:$0x1D000] =	vst v63  }
0x51: {  	_ = 	snop  }
0x52: {  	[spmem:s2] =	stream.indirect.scatter.add.f32 [tilespmem:s20], [sflag:$0x2], $0x10, s18, s19, $0xb8;
	[tilespmem:$0x1D000] =	vst v63  }
0x53: {  	_ =	swait.ge [sflag:s25], $0x2000  }
0x54: {  	[sflag:s25] =	ssyncset.done $0x0  }
0x55: {  	s1 =	sadd.s32 $0x3100, s31;
	[sflag:s25] =	ssyncadd.s32 $0xFFFFE000  }
0x56: {  	[tilespmem:s17], [sflag:$0x3] =	stream.linear.gather [hbm4b:s1+s3], $0x200, $0x38;
	[tilespmem:$0x1D000] =	vst v63  }
0x57: {  	_ =	swait.ge [sflag:s16], $0x200  }
0x58: {  	[sflag:s16] =	ssyncset.done $0x0  }
0x59: {  	s1 =	sadd.s32 $0x3100, s30;
	[sflag:s16] =	ssyncadd.s32 $0xFFFFFE00  }
0x5a: {  	[tilespmem:s18], [sflag:$0x3] =	stream.linear.gather [hbm4b:s1+s3], $0x200, $0x38;
	[tilespmem:$0x1D000] =	vst v63  }
0x5b: {  	_ =	swait.ge [sflag:s16], $0x200  }
0x5c: {  	[sflag:s16] =	ssyncset.done $0x0  }
0x5d: {  	[sflag:s16] =	ssyncadd.s32 $0xFFFFFE00  }
0x5e: {  	_ =	swait.ge [sflag:s23], $0x2000  }
0x5f: {  	[sflag:s23] =	ssyncset.done $0x0  }
0x60: {  	[sflag:s23] =	ssyncadd.s32 $0xFFFFE000  }
0x61: {  	[tilespmem:s20], [sflag:$0x1] =	stream.indirect.gather [hbm4b:s8+s19], $0x10, s17, s19, $0xb8;
	[tilespmem:$0x1D000] =	vst v63  }
.Ltmp0:
0x62: {  	_ = 	snop;
	(pc) =	sbr.rel @p0 .LBB2_2-.Ltmp0, $4  }
0x63: {  	_ = 	snop  }
0x64: {  	[spmem:s2] =	stream.indirect.scatter.add.f32 [tilespmem:s24], [sflag:$0x2], $0x10, s22, s19, $0xb8;
	[tilespmem:$0x1D000] =	vst v63  }
0x65: {  	_ =	swait.ge [sflag:s25], $0x2000  }
0x66: {  	s30 =	smov.u32 s29;
	[sflag:s25] =	ssyncset.done $0x0  }
0x67: {  	s1 =	sadd.s32 s28, s14  }
0x68: {  	[sflag:s25] =	ssyncadd.s32 $0xFFFFE000;
	s29 =	sadd.s32 $0x30C0, s1  }
0x69: {  	[tilespmem:s21], [sflag:$0x3] =	stream.linear.gather [hbm4b:s29+s3], $0x200, $0x38;
	[tilespmem:$0x1D000] =	vst v63  }
0x6a: {  	_ =	swait.ge [sflag:s16], $0x200  }
0x6b: {  	s31 =	sadd.s32 s28, s13;
	[sflag:s16] =	ssyncset.done $0x0  }
0x6c: {  	s30 =	sadd.s32 $0x30C0, s31;
	[sflag:s16] =	ssyncadd.s32 $0xFFFFFE00  }
0x6d: {  	[tilespmem:s22], [sflag:$0x3] =	stream.linear.gather [hbm4b:s30+s3], $0x200, $0x38;
	[tilespmem:$0x1D000] =	vst v63  }
0x6e: {  	_ =	swait.ge [sflag:s16], $0x200  }
0x6f: {  	[sflag:s16] =	ssyncset.done $0x0  }
0x70: {  	[sflag:s16] =	ssyncadd.s32 $0xFFFFFE00  }
0x71: {  	_ =	swait.ge [sflag:s23], $0x2000  }
0x72: {  	[sflag:s23] =	ssyncset.done $0x0  }
0x73: {  	[sflag:s23] =	ssyncadd.s32 $0xFFFFE000  }
0x74: {  	[tilespmem:s24], [sflag:$0x1] =	stream.indirect.gather [hbm4b:s8+s19], $0x10, s21, s19, $0xb8;
	[tilespmem:$0x1D000] =	vst v63  }
0x75: {  	_ = 	snop  }
0x76: {  	[spmem:s2] =	stream.indirect.scatter.add.f32 [tilespmem:s20], [sflag:$0x2], $0x10, s18, s19, $0xb8;
	[tilespmem:$0x1D000] =	vst v63  }
0x77: {  	_ =	swait.ge [sflag:s25], $0x2000  }
0x78: {  	[sflag:s25] =	ssyncset.done $0x0  }
0x79: {  	s1 =	sadd.s32 $0x3100, s1;
	[sflag:s25] =	ssyncadd.s32 $0xFFFFE000  }
0x7a: {  	[tilespmem:s17], [sflag:$0x3] =	stream.linear.gather [hbm4b:s1+s3], $0x200, $0x38;
	[tilespmem:$0x1D000] =	vst v63  }
0x7b: {  	_ =	swait.ge [sflag:s16], $0x200  }
0x7c: {  	[sflag:s16] =	ssyncset.done $0x0  }
0x7d: {  	s31 =	sadd.s32 $0x3100, s31;
	[sflag:s16] =	ssyncadd.s32 $0xFFFFFE00  }
0x7e: {  	[tilespmem:s18], [sflag:$0x3] =	stream.linear.gather [hbm4b:s31+s3], $0x200, $0x38;
	[tilespmem:$0x1D000] =	vst v63  }
0x7f: {  	_ =	swait.ge [sflag:s16], $0x200  }
0x80: {  	[sflag:s16] =	ssyncset.done $0x0  }
0x81: {  	[sflag:s16] =	ssyncadd.s32 $0xFFFFFE00  }
0x82: {  	_ =	swait.ge [sflag:s23], $0x2000  }
0x83: {  	[sflag:s23] =	ssyncset.done $0x0  }
0x84: {  	[sflag:s23] =	ssyncadd.s32 $0xFFFFE000  }
0x85: {  	[tilespmem:s20], [sflag:$0x1] =	stream.indirect.gather [hbm4b:s8+s19], $0x10, s17, s19, $0xb8;
	[tilespmem:$0x1D000] =	vst v63  }
0x86: {  	_ = 	snop  }
0x87: {  	[spmem:s2] =	stream.indirect.scatter.add.f32 [tilespmem:s24], [sflag:$0x2], $0x10, s22, s19, $0xb8;
	[tilespmem:$0x1D000] =	vst v63  }
0x88: {  	_ =	swait.ge [sflag:s25], $0x2000  }
0x89: {  	[sflag:s25] =	ssyncset.done $0x0  }
0x8a: {  	[sflag:s25] =	ssyncadd.s32 $0xFFFFE000  }
0x8b: {  	[tilespmem:s21], [sflag:$0x3] =	stream.linear.gather [hbm4b:s11+s3], $0x200, $0x38;
	[tilespmem:$0x1D000] =	vst v63  }
0x8c: {  	_ =	swait.ge [sflag:s16], $0x200  }
0x8d: {  	[sflag:s16] =	ssyncset.done $0x0  }
0x8e: {  	[sflag:s16] =	ssyncadd.s32 $0xFFFFFE00  }
0x8f: {  	[tilespmem:s22], [sflag:$0x3] =	stream.linear.gather [hbm4b:s12+s3], $0x200, $0x38;
	[tilespmem:$0x1D000] =	vst v63  }
0x90: {  	_ =	swait.ge [sflag:s16], $0x200  }
0x91: {  	[sflag:s16] =	ssyncset.done $0x0  }
0x92: {  	[sflag:s16] =	ssyncadd.s32 $0xFFFFFE00  }
0x93: {  	_ =	swait.ge [sflag:s23], $0x2000  }
0x94: {  	[sflag:s23] =	ssyncset.done $0x0  }
0x95: {  	[sflag:s23] =	ssyncadd.s32 $0xFFFFE000  }
0x96: {  	[tilespmem:s24], [sflag:$0x1] =	stream.indirect.gather [hbm4b:s8+s19], $0x10, s21, s19, $0xb8;
	[tilespmem:$0x1D000] =	vst v63  }
0x97: {  	_ = 	snop  }
0x98: {  	[spmem:s2] =	stream.indirect.scatter.add.f32 [tilespmem:s20], [sflag:$0x2], $0x10, s18, s19, $0xb8;
	[tilespmem:$0x1D000] =	vst v63  }
0x99: {  	_ =	swait.ge [sflag:s25], $0x2000  }
0x9a: {  	[sflag:s25] =	ssyncset.done $0x0  }
0x9b: {  	[sflag:s25] =	ssyncadd.s32 $0xFFFFE000  }
0x9c: {  	_ =	swait.ge [sflag:s23], $0x2000  }
0x9d: {  	[sflag:s23] =	ssyncset.done $0x0  }
0x9e: {  	[sflag:s23] =	ssyncadd.s32 $0xFFFFE000  }
0x9f: {  	[spmem:s2] =	stream.indirect.scatter.add.f32 [tilespmem:s24], [sflag:$0x2], $0x10, s22, s19, $0xb8;
	[tilespmem:$0x1D000] =	vst v63  }
0xa0: {  	_ =	swait.ge [sflag:s25], $0x2000  }
0xa1: {  	s26 =	sadd.s32 $0x1, s26;
	[sflag:s25] =	ssyncset.done $0x0  }
0xa2: {  	p0 =	sne.s32 s26, s10;
	[sflag:s25] =	ssyncadd.s32 $0xFFFFE000  }
.Ltmp1:
0xa3: {  	[bflag:$0x0] =	sbarrier.arrive $0xFFFF;
	(pc) =	sbr.rel @p0 .LBB2_1-.Ltmp1, $4  }
0xa4: {  	[hbm:s9], [sflag:s5] =	dma.local [spmem:s15], $0x3100  }
0xa5: {  	_ =	swait.ge [sflag:s16], $0x3100  }
0xa6: {  	[sflag:s16] =	ssyncset.done $0x0  }
0xa7: {  	[sflag:s16] =	ssyncadd.s32 $0xFFFFCF00  }
0xa8: {  	_ =	sfence.sel $0x180000  }
0xa9: {  	[bflag:$0x0] =	sbarrier.arrive $0xFFFF  }
0xaa: {  	_ =	strace $0x9000004D  }
0xab: {  	[bflag:$0x2] =	sbarrier.arrive $0xFFFF  }
0xac: {  	p0 =	sne.s32 s0, $0x0;
	s0 =	rddreg [dreg:$0x2]  }
0xad: {  	s0 =	sadd.s32 @!p0 $0x100000, s0  }
0xae: {  	[sflag:s0] =	ssyncadd.tile.s32 @!p0 $0x1;
	_ =	shalt  }
.Lfunc_end2:
_tile_overlayer_lowered:
.L_overlay_start_2:
0xaf: {  	(tag) =	ssettag $0x2  }
0xb0: {  	s0 =	rddreg [dreg:$0x0];
	s2 =	stileid.u32  }
0xb1: {  	s1 =	rddreg [dreg:$0x1];
	p0 =	sne.s32 s2, $0x0  }
0xb2: {  	s3 =	rddreg [dreg:$0x2];
	[bflag:$0x3] =	sbarrier.arrive $0xFFFF;
	s2 =	simm.s32 @!p0 $0x1C03  }
0xb3: {  	[timem:s3], [sflag:s2] =	dma.local @!p0 [hbm:s0], s1  }
0xb4: {  	s0 =	simm.s32 @!p0 $0x3  }
0xb5: {  	_ =	swait.ge @!p0 [sflag:s0], s1  }
0xb6: {  	s1 =	ssub.s32 @!p0 $0x0, s1;
	[sflag:s0] =	ssyncset.done @!p0 $0x0  }
0xb7: {  	[sflag:s0] =	ssyncadd.s32 @!p0 s1  }
0xb8: {  	[bflag:$0x3] =	sbarrier.arrive $0xFFFF  }
0xb9: {  	_ =	shalt  }

// kernel: kernel.22.cloned.1.call-start
scs
__scs_entry_jumppad:
0x0: {  	(pc) =	sbr.rel $0x88, $3  }
0x1: {  	(tag) =	ssettag $0x0;
	lr =	simm.s32 $0x1  }
0x2: {  	[smem:$0x3F8D] =	sst lr;
	_ =	strace $0xD0000000  }
0x3: {  	_ = 	snop  }
0x4: {  	_ = 	snop  }
0x5: {  	_ = 	snop  }
0x6: {  	_ = 	snop  }
0x7: {  	_ = 	snop  }
__scs_overlays_trampoline_lowered:
0x8: {  	[smem:$0x3F9C] =	sst s0  }
0x9: {  	[smem:$0x3F9D] =	sst s1  }
0xa: {  	[smem:$0x3F9E] =	sst s2  }
0xb: {  	[smem:$0x3F9F] =	sst s3  }
0xc: {  	[smem:$0x3FA0] =	sst s4  }
0xd: {  	[smem:$0x3FA1] =	sst s5  }
0xe: {  	[smem:$0x3FA2] =	sst s6  }
0xf: {  	[smem:$0x3FA3] =	sst s7  }
0x10: {  	[smem:$0x3FA4] =	sst s8  }
0x11: {  	[smem:$0x3FA5] =	sst s9;
	s0 =	simm.s32 @!p0 $0x0  }
0x12: {  	s1 =	sld [smem:$0x3F8B];
	s0 =	simm.s32 @p0 $0x1  }
0x13: {  	[smem:$0x3FA6] =	sst s0;
	s0 =	simm.s32 @!p1 $0x0  }
0x14: {  	s2 =	sld [smem:$0x3F8A];
	s0 =	simm.s32 @p1 $0x1  }
0x15: {  	[smem:$0x3FA7] =	sst s0;
	s0 =	simm.s32 @!p2 $0x0  }
0x16: {  	s3 =	sld [smem:$0x3FDB];
	s0 =	simm.s32 @p2 $0x1  }
0x17: {  	s4 =	simm.s32 $0x1BF5;
	[smem:$0x3FA9] =	sst s0  }
0x18: {  	s0 =	sld [smem:$0x3F8C];
	_ =	swait.ge [sflag:s4], $0x0  }
0x19: {  	s7 =	sld [smem:$0x3F8D]  }
0x1a: {  	s8 =	sadd.s32 $0xFFFFE003, lr  }
0x1b: {  	s9 =	sadd.s32 $0xFFFFFEF7, lr;
	s5 =	simm.s32 $0xFFFFFFFF;
	p2 =	slt.u32 s8, $0xFFFFF086  }
0x1c: {  	p1 =	slt.u32 s9, $0xF7A;
	s5 =	simm.s32 @!p2 $0x0  }
0x1d: {  	s5 =	simm.s32 @p1 $0x1;
	p0 =	seq.s32 s7, s2  }
0x1e: {  	s7 =	smul.u32 @!p0 $0xF7A, s2;
	p2 =	seq.s32 @!p0 s5, $0x0  }
0x1f: {  	s9 =	smul.u32 $0xF7A, s1;
	s8 =	simm.s32 @!p0 $0x1BF5;
	p2 =	por !p2, p0  }
0x20: {  	[sflag:s8] =	ssyncset.s32 @!p0 $0xFFFFF086;
	s6 =	sadd.s32 @!p0 s3, s7;
	s7 =	simm.s32 @!p0 $0x108  }
0x21: {  	s3 =	sadd.s32 s3, s9;
	s6 =	sadd.s32 @!p0 $0x88, s6;
	s7 =	simm.s32 @p2 $0x1082  }
0x22: {  	[simem:s7], [sflag:s8] =	dma.local @!p0 [hbm:s6], $0xF7A  }
0x23: {  	s9 =	sor.u32 $0xD0000000, s2;
	s6 =	simm.s32 $0x108;
	_ =	swait.ge @!p0 [sflag:s8], $0x0  }
0x24: {  	s3 =	sadd.s32 $0x88, s3;
	s6 =	simm.s32 @!p1 $0x1082;
	[sflag:s4] =	ssyncset.s32 $0xFFFFF086  }
0x25: {  	[simem:s6], [sflag:s4] =	dma.local [hbm:s3], $0xF7A  }
0x26: {  	[smem:$0x3F8D] =	sst s1;
	(tag) =	ssettag s2;
	_ =	strace s9  }
0x27: {  	s1 =	sld [smem:$0x3F9D]  }
0x28: {  	s2 =	sld [smem:$0x3F9E]  }
0x29: {  	s4 =	sld [smem:$0x3FA0]  }
0x2a: {  	p0 =	seq.s32 s5, $0x0;
	s5 =	sld [smem:$0x3FA1]  }
0x2b: {  	s6 =	sld [smem:$0x3FA2]  }
0x2c: {  	s7 =	sld [smem:$0x3FA3]  }
0x2d: {  	s3 =	simm.s32 $0x108;
	s8 =	sld [smem:$0x3FA4]  }
0x2e: {  	s3 =	simm.s32 @!p0 $0x1082;
	s9 =	sld [smem:$0x3FA5]  }
0x2f: {  	lr =	sadd.s32 s0, s3;
	s0 =	sld [smem:$0x3F9C]  }
0x30: {  	s3 =	sld [smem:$0x3F9F]  }
0x31: {  	[smem:$0x3FA8] =	sst s10  }
0x32: {  	s10 =	sld [smem:$0x3FA6];
	_ =	sdelay $0x3  }
0x33: {  	p0 =	seq.s32 s10, $0x1;
	s10 =	sld [smem:$0x3FA8];
	_ =	sdelay $0x3  }
0x34: {  	[smem:$0x3FA8] =	sst s10  }
0x35: {  	s10 =	sld [smem:$0x3FA7];
	_ =	sdelay $0x3  }
0x36: {  	p1 =	seq.s32 s10, $0x1;
	s10 =	sld [smem:$0x3FA8];
	_ =	sdelay $0x3  }
0x37: {  	[smem:$0x3FA8] =	sst s10  }
0x38: {  	s10 =	sld [smem:$0x3FA9]  }
0x39: {  	_ = 	snop;
	(pc) =	sbr.ind lr, $3  }
0x3a: {  	_ = 	snop  }
0x3b: {  	_ = 	snop  }
0x3c: {  	p2 =	seq.s32 s10, $0x1;
	s10 =	sld [smem:$0x3FA8]  }
0x3d: {  	_ =	shalt  }
0x3e: {  	_ =	shalt  }
0x3f: {  	_ =	shalt  }
0x40: {  	_ =	shalt  }
0x41: {  	_ =	shalt  }
0x42: {  	_ =	shalt  }
0x43: {  	_ =	shalt  }
0x44: {  	_ =	shalt  }
0x45: {  	_ =	shalt  }
0x46: {  	_ =	shalt  }
0x47: {  	_ =	shalt  }
0x48: {  	_ =	shalt  }
0x49: {  	_ =	shalt  }
0x4a: {  	_ =	shalt  }
0x4b: {  	_ =	shalt  }
0x4c: {  	_ =	shalt  }
0x4d: {  	_ =	shalt  }
0x4e: {  	_ =	shalt  }
0x4f: {  	_ =	shalt  }
0x50: {  	_ =	shalt  }
0x51: {  	_ =	shalt  }
0x52: {  	_ =	shalt  }
0x53: {  	_ =	shalt  }
0x54: {  	_ =	shalt  }
0x55: {  	_ =	shalt  }
0x56: {  	_ =	shalt  }
0x57: {  	_ =	shalt  }
0x58: {  	_ =	shalt  }
0x59: {  	_ =	shalt  }
0x5a: {  	_ =	shalt  }
0x5b: {  	_ =	shalt  }
0x5c: {  	_ =	shalt  }
0x5d: {  	_ =	shalt  }
0x5e: {  	_ =	shalt  }
0x5f: {  	_ =	shalt  }
0x60: {  	_ =	shalt  }
0x61: {  	_ =	shalt  }
0x62: {  	_ =	shalt  }
0x63: {  	_ =	shalt  }
0x64: {  	_ =	shalt  }
0x65: {  	_ =	shalt  }
0x66: {  	_ =	shalt  }
0x67: {  	_ =	shalt  }
0x68: {  	_ =	shalt  }
0x69: {  	_ =	shalt  }
0x6a: {  	_ =	shalt  }
0x6b: {  	_ =	shalt  }
0x6c: {  	_ =	shalt  }
0x6d: {  	_ =	shalt  }
0x6e: {  	_ =	shalt  }
0x6f: {  	_ =	shalt  }
0x70: {  	_ =	shalt  }
0x71: {  	_ =	shalt  }
0x72: {  	_ =	shalt  }
0x73: {  	_ =	shalt  }
0x74: {  	_ =	shalt  }
0x75: {  	_ =	shalt  }
0x76: {  	_ =	shalt  }
0x77: {  	_ =	shalt  }
0x78: {  	_ =	shalt  }
0x79: {  	_ =	shalt  }
0x7a: {  	_ =	shalt  }
0x7b: {  	_ =	shalt  }
0x7c: {  	_ =	shalt  }
0x7d: {  	_ =	shalt  }
0x7e: {  	_ =	shalt  }
0x7f: {  	_ =	shalt  }
0x80: {  	_ =	shalt  }
0x81: {  	_ =	shalt  }
0x82: {  	_ =	shalt  }
0x83: {  	_ =	shalt  }
0x84: {  	_ =	shalt  }
0x85: {  	_ =	shalt  }
0x86: {  	_ =	shalt  }
0x87: {  	_ =	shalt  }
.Lfunc_end0:
.L_simem_size_0:
called_computation.3_lowered:
.L_overlay_start_0:
0x88: {  	s2 =	sld [smem:$0x3FD9]  }
0x89: {  	s3 =	sld [smem:$0x3FFE];
	_ =	sdelay $0x1  }
0x8a: {  	s1 =	srdreg.scid  }
0x8b: {  	s0 =	sand.u32 $0x1, s1  }
0x8c: {  	s16 =	sshll.u32 s0, $0xA;
	s2 =	sadd.s32 s3, s2  }
0x8d: {  	s2 =	sadd.s32 s2, s16  }
0x8e: {  	[smem:$0x3FB4] =	sst s2  }
0x8f: {  	_ = 	snop  }
0x90: {  	(tm) =	ssettm $0x1  }
0x91: {  	s17 =	sld [smem:$0x3FFB];
	_ =	sdelay $0x3  }
0x92: {  	_ =	strace s17  }
0x93: {  	s2 =	sld [smem:$0x3FFC];
	_ =	sdelay $0x3  }
0x94: {  	_ =	strace s2  }
0x95: {  	s2 =	sld [smem:$0x3FFD];
	_ =	sdelay $0x3  }
0x96: {  	_ =	strace s2  }
0x97: {  	_ =	strace $0x8FFFFFFF  }
0x98: {  	s18 =	sld [smem:$0x3FDB];
	_ =	sdelay $0x1  }
0x99: {  	s19 =	simm.s32 $_scs_section_size  }
0x9a: {  	s4 =	simm.s32 $_size__tile_overlayer_lowered;
	s5 =	simm.s32 $_tile_overlayer_lowered  }
0x9b: {  	s22 =	simm.s32 $0x1BFF;
	s21 =	sshll.u32 s5, $0x1;
	s2 =	sadd.s32 s19, s18  }
0x9c: {  	s6 =	simm.s32 $0x0;
	s20 =	sshll.u32 s4, $0x1;
	s4 =	sadd.s32 s21, s2  }
0x9d: {  	[timem:s6], [sflag:s22] =	dma.local [hbm:s4], s20  }
0x9e: {  	_ =	swait.ge [sflag:s22], s20  }
0x9f: {  	s3 =	ssub.s32 $0x0, s20;
	[sflag:s22] =	ssyncset.done $0x0  }
0xa0: {  	[sflag:s22] =	ssyncadd.s32 s3;
	_ =	sdelay $0x1  }
0xa1: {  	s23 =	simm.s32 $0x1B8B  }
0xa2: {  	_ =	swait.ge [sflag:s23], $0x1  }
0xa3: {  	[sflag:s23] =	ssyncset.done $0x0  }
0xa4: {  	s25 =	simm.s32 $0x1B8E;
	s24 =	sld [smem:$0x3FFE];
	[sflag:s23] =	ssyncadd.s32 $0xFFFFFFFF  }
0xa5: {  	s26 =	simm.s32 $execute0_lowered;
	[smem:$0x3FD2] =	sst s25  }
0xa6: {  	s4 =	sshll.u32 s26, $0x1;
	_ =	strace $0x8000004F;
	[dreg:$0x1] =	wrdreg $0xFFFFFFFF  }
0xa7: {  	s28 =	simm.s32 $_size_execute0_lowered;
	s2 =	sadd.s32 s2, s4;
	[dreg:$0x0] =	wrdreg $0x0  }
0xa8: {  	s4 =	sshll.u32 s28, $0x1;
	[dreg:$0x2] =	wrdreg s2  }
0xa9: {  	[dreg:$0x3] =	wrdreg s4  }
0xaa: {  	[dreg:$0x4] =	wrdreg $0xC0  }
0xab: {  	_ =	task [dreg:s6], $0x5FFFF  }
0xac: {  	[dreg:$0x1] =	wrdreg $0xFFFFFFFF  }
0xad: {  	[dreg:$0x0] =	wrdreg $0x60  }
0xae: {  	[dreg:$0x2] =	wrdreg s24  }
0xaf: {  	[dreg:$0x3] =	wrdreg $0x0  }
0xb0: {  	[dreg:$0x4] =	wrdreg $0x9  }
0xb1: {  	_ =	task.clear_ibuf [dreg:s6], $0x5FFFF;
	_ =	strace $0x9000004F  }
0xb2: {  	s29 =	simm.s32 $0x9;
	_ =	strace $0x80000051  }
0xb3: {  	_ =	swait.ge [sflag:s29], $0x1  }
0xb4: {  	[sflag:s29] =	ssyncadd.s32 $0xFFFFFFFF  }
0xb5: {  	_ =	strace $0x90000051  }
0xb6: {  	_ =	sfence  }
0xb7: {  	s30 =	sld [smem:$0x0];
	_ =	sdelay $0x2  }
0xb8: {  	s31 =	sshll.u32 s1, $0xD;
	s1 =	sshrl.u32 s1, $0x2  }
0xb9: {  	s3 =	sand.u32 $0x4000, s31;
	s1 =	sadd.s32 s1, s30  }
0xba: {  	s0 =	sor.u32 s3, s0;
	s1 =	sshll.u32 s1, $0x11  }
0xbb: {  	s0 =	sor.u32 s1, s0  }
0xbc: {  	s0 =	sadd.s32 $0x8F2B, s0  }
0xbd: {  	[sflag:s0] =	ssyncadd.remote.s32 $0x1  }
0xbe: {  	_ =	sfence.sel $0xFFFF  }
0xbf: {  	[dreg:$0x0] =	wrdreg $0xFFFFFFFF;
	(pc) =	sbr.abs _section_cstart, $3  }
0xc0: {  	[dreg:$0x1] =	wrdreg $0xFFFFFFFF  }
0xc1: {  	_ =	task.clear_ibuf [dreg:s6], $0x2FFFF;
	_ =	strace $0x9FFFFFFF  }
0xc2: {  	(tm) =	ssettm $0x7FFFFFFF  }
0xc3: {  	_ =	shalt  }
tec
execute0_lowered:
.L_overlay_start_1:
0x0: {  	(tag) =	ssettag $0x1  }
0x1: {  	s4 =	rddreg [dreg:$0x0]  }
0x2: {  	s1 =	srdreg.scid;
	s0 =	stileid.u32  }
0x3: {  	s2 =	rddreg [dreg:$0x1];
	s3 =	simm.s32 $0x0;
	s17 =	simm.s32 $0x18800  }
0x4: {  	s18 =	simm.s32 $0x18C00;
	s19 =	simm.s32 $0x200;
	s20 =	simm.s32 $0x19000  }
0x5: {  	s21 =	simm.s32 $0x18A00;
	s22 =	simm.s32 $0x18E00;
	s23 =	simm.s32 $0x1  }
0x6: {  	s24 =	simm.s32 $0x1B000;
	s25 =	simm.s32 $0x2;
	s26 =	simm.s32 $0x0  }
0x7: {  	s5 =	sand.u32 $0x1, s1;
	s6 =	smul.u32 $0x18800, s0;
	[smem:$0x7FF] =	sst s3  }
0x8: {  	s9 =	sadd.s32 $0x67C00, s4;
	s14 =	sadd.s32 $0x5C00, s4;
	s13 =	sadd.s32 $0x36C00, s4  }
0x9: {  	s31 =	sshll.u32 s0, $0x6;
	s8 =	smul.u32 $0x188000, s5;
	s5 =	ssub.s32 $0x2, s5  }
0xa: {  	s16 =	smul.u32 $0x3100, s0;
	_ =	strace $0x80000050;
	s30 =	sshrl.u32 s5, $0x1  }
0xb: {  	s15 =	sadd.s32 s6, s2;
	s12 =	sshrl.u32 s6, $0x3;
	s7 =	sadd.s32 s6, s8  }
0xc: {  	s11 =	ssub.s32 s5, s30;
	s5 =	sor.u32 $0x1C03, s31;
	s6 =	sadd.s32 s14, s12  }
0xd: {  	s8 =	sshrl.u32 s8, $0x3;
	s15 =	sshrl.u32 s15, $0x3;
	s7 =	sshrl.u32 s7, $0x3  }
0xe: {  	s8 =	sadd.s32 s9, s8;
	s10 =	sadd.s32 s7, s4;
	s4 =	sadd.s32 s9, s7  }
0xf: {  	s7 =	sadd.s32 s13, s12;
	s12 =	sadd.s32 $0x30C0, s12;
	s9 =	sadd.s32 $0xC9C00, s10  }
0x10: {  	s10 =	smax.u32 s11, $0x1;
	s11 =	sadd.s32 s14, s12;
	s12 =	sadd.s32 s13, s12  }
0x11: {  	s13 =	sadd.s32 s16, s13;
	s14 =	sadd.s32 s16, s14;
	s16 =	simm.s32 $0x3  }
.LBB2_1:
0x12: {  	[spmem:s15], [sflag:s5] =	dma.local [hbm:s4], $0x3100  }
0x13: {  	_ =	swait.ge [sflag:s16], $0x3100  }
0x14: {  	[sflag:s16] =	ssyncset.done $0x0  }
0x15: {  	[sflag:s16] =	ssyncadd.s32 $0xFFFFCF00  }
0x16: {  	[bflag:$0x0] =	sbarrier.arrive $0xFFFF  }
0x17: {  	[tilespmem:s17], [sflag:$0x3] =	stream.linear.gather [hbm4b:s6+s3], $0x200, $0x38;
	[tilespmem:$0x1D000] =	vst v63  }
0x18: {  	_ =	swait.ge [sflag:s16], $0x200  }
0x19: {  	[sflag:s16] =	ssyncset.done $0x0  }
0x1a: {  	[sflag:s16] =	ssyncadd.s32 $0xFFFFFE00  }
0x1b: {  	[tilespmem:s18], [sflag:$0x3] =	stream.linear.gather [hbm4b:s7+s3], $0x200, $0x38;
	[tilespmem:$0x1D000] =	vst v63  }
0x1c: {  	_ =	swait.ge [sflag:s16], $0x200  }
0x1d: {  	[sflag:s16] =	ssyncset.done $0x0  }
0x1e: {  	s28 =	sadd.s32 $0xFFFFCF80, s14;
	[sflag:s16] =	ssyncadd.s32 $0xFFFFFE00  }
0x1f: {  	[tilespmem:s20], [sflag:$0x1] =	stream.indirect.gather [hbm4b:s8+s19], $0x10, s17, s19, $0xb8;
	[tilespmem:$0x1D000] =	vst v63  }
0x20: {  	s29 =	sadd.s32 $0x30C0, s28  }
0x21: {  	[tilespmem:s21], [sflag:$0x3] =	stream.linear.gather [hbm4b:s29+s3], $0x200, $0x38;
	[tilespmem:$0x1D000] =	vst v63  }
0x22: {  	_ =	swait.ge [sflag:s16], $0x200  }
0x23: {  	s31 =	sadd.s32 $0xFFFFCF80, s13;
	[sflag:s16] =	ssyncset.done $0x0  }
0x24: {  	s30 =	sadd.s32 $0x30C0, s31;
	[sflag:s16] =	ssyncadd.s32 $0xFFFFFE00  }
0x25: {  	[tilespmem:s22], [sflag:$0x3] =	stream.linear.gather [hbm4b:s30+s3], $0x200, $0x38;
	[tilespmem:$0x1D000] =	vst v63  }
0x26: {  	_ =	swait.ge [sflag:s16], $0x200  }
0x27: {  	[sflag:s16] =	ssyncset.done $0x0  }
0x28: {  	[sflag:s16] =	ssyncadd.s32 $0xFFFFFE00  }
0x29: {  	_ =	swait.ge [sflag:s23], $0x2000  }
0x2a: {  	[sflag:s23] =	ssyncset.done $0x0  }
0x2b: {  	[sflag:s23] =	ssyncadd.s32 $0xFFFFE000  }
0x2c: {  	[tilespmem:s24], [sflag:$0x1] =	stream.indirect.gather [hbm4b:s8+s19], $0x10, s21, s19, $0xb8;
	[tilespmem:$0x1D000] =	vst v63  }
0x2d: {  	_ = 	snop  }
0x2e: {  	[spmem:s2] =	stream.indirect.scatter.add.f32 [tilespmem:s20], [sflag:$0x2], $0x10, s18, s19, $0xb8;
	[tilespmem:$0x1D000] =	vst v63  }
0x2f: {  	_ =	swait.ge [sflag:s25], $0x2000  }
0x30: {  	[sflag:s25] =	ssyncset.done $0x0  }
0x31: {  	s28 =	sadd.s32 $0x3100, s28;
	[sflag:s25] =	ssyncadd.s32 $0xFFFFE000  }
0x32: {  	[tilespmem:s17], [sflag:$0x3] =	stream.linear.gather [hbm4b:s28+s3], $0x200, $0x38;
	[tilespmem:$0x1D000] =	vst v63  }
0x33: {  	_ =	swait.ge [sflag:s16], $0x200  }
0x34: {  	[sflag:s16] =	ssyncset.done $0x0  }
0x35: {  	s28 =	sadd.s32 $0x3100, s31;
	[sflag:s16] =	ssyncadd.s32 $0xFFFFFE00  }
0x36: {  	[tilespmem:s18], [sflag:$0x3] =	stream.linear.gather [hbm4b:s28+s3], $0x200, $0x38;
	[tilespmem:$0x1D000] =	vst v63  }
0x37: {  	_ =	swait.ge [sflag:s16], $0x200  }
0x38: {  	[sflag:s16] =	ssyncset.done $0x0  }
0x39: {  	[sflag:s16] =	ssyncadd.s32 $0xFFFFFE00  }
0x3a: {  	_ =	swait.ge [sflag:s23], $0x2000  }
0x3b: {  	[sflag:s23] =	ssyncset.done $0x0  }
0x3c: {  	[sflag:s23] =	ssyncadd.s32 $0xFFFFE000  }
0x3d: {  	[tilespmem:s20], [sflag:$0x1] =	stream.indirect.gather [hbm4b:s8+s19], $0x10, s17, s19, $0xb8;
	[tilespmem:$0x1D000] =	vst v63  }
0x3e: {  	_ = 	snop  }
0x3f: {  	[spmem:s2] =	stream.indirect.scatter.add.f32 [tilespmem:s24], [sflag:$0x2], $0x10, s22, s19, $0xb8;
	[tilespmem:$0x1D000] =	vst v63  }
0x40: {  	_ =	swait.ge [sflag:s25], $0x2000  }
0x41: {  	s30 =	simm.s32 $0xFFFFD080;
	s28 =	simm.s32 $0xFFFFD000;
	[sflag:s25] =	ssyncset.done $0x0  }
.LBB2_2:
0x42: {  	s31 =	sadd.s32 s28, s14  }
0x43: {  	[sflag:s25] =	ssyncadd.s32 $0xFFFFE000;
	s1 =	smov.u32 s30;
	s29 =	sadd.s32 $0x80, s30  }
0x44: {  	p0 =	sne.s32 s30, $0xFFFFFF80;
	s30 =	sadd.s32 $0x30C0, s31  }
0x45: {  	[tilespmem:s21], [sflag:$0x3] =	stream.linear.gather [hbm4b:s30+s3], $0x200, $0x38;
	[tilespmem:$0x1D000] =	vst v63  }
0x46: {  	_ =	swait.ge [sflag:s16], $0x200  }
0x47: {  	s30 =	sadd.s32 s28, s13;
	s28 =	smov.u32 s1;
	[sflag:s16] =	ssyncset.done $0x0  }
0x48: {  	s1 =	sadd.s32 $0x30C0, s30;
	[sflag:s16] =	ssyncadd.s32 $0xFFFFFE00  }
0x49: {  	[tilespmem:s22], [sflag:$0x3] =	stream.linear.gather [hbm4b:s1+s3], $0x200, $0x38;
	[tilespmem:$0x1D000] =	vst v63  }
0x4a: {  	_ =	swait.ge [sflag:s16], $0x200  }
0x4b: {  	[sflag:s16] =	ssyncset.done $0x0  }
0x4c: {  	[sflag:s16] =	ssyncadd.s32 $0xFFFFFE00  }
0x4d: {  	_ =	swait.ge [sflag:s23], $0x2000  }
0x4e: {  	[sflag:s23] =	ssyncset.done $0x0  }
0x4f: {  	[sflag:s23] =	ssyncadd.s32 $0xFFFFE000  }
0x50: {  	[tilespmem:s24], [sflag:$0x1] =	stream.indirect.gather [hbm4b:s8+s19], $0x10, s21, s19, $0xb8;
	[tilespmem:$0x1D000] =	vst v63  }
0x51: {  	_ = 	snop  }
0x52: {  	[spmem:s2] =	stream.indirect.scatter.add.f32 [tilespmem:s20], [sflag:$0x2], $0x10, s18, s19, $0xb8;
	[tilespmem:$0x1D000] =	vst v63  }
0x53: {  	_ =	swait.ge [sflag:s25], $0x2000  }
0x54: {  	[sflag:s25] =	ssyncset.done $0x0  }
0x55: {  	s1 =	sadd.s32 $0x3100, s31;
	[sflag:s25] =	ssyncadd.s32 $0xFFFFE000  }
0x56: {  	[tilespmem:s17], [sflag:$0x3] =	stream.linear.gather [hbm4b:s1+s3], $0x200, $0x38;
	[tilespmem:$0x1D000] =	vst v63  }
0x57: {  	_ =	swait.ge [sflag:s16], $0x200  }
0x58: {  	[sflag:s16] =	ssyncset.done $0x0  }
0x59: {  	s1 =	sadd.s32 $0x3100, s30;
	[sflag:s16] =	ssyncadd.s32 $0xFFFFFE00  }
0x5a: {  	[tilespmem:s18], [sflag:$0x3] =	stream.linear.gather [hbm4b:s1+s3], $0x200, $0x38;
	[tilespmem:$0x1D000] =	vst v63  }
0x5b: {  	_ =	swait.ge [sflag:s16], $0x200  }
0x5c: {  	[sflag:s16] =	ssyncset.done $0x0  }
0x5d: {  	[sflag:s16] =	ssyncadd.s32 $0xFFFFFE00  }
0x5e: {  	_ =	swait.ge [sflag:s23], $0x2000  }
0x5f: {  	[sflag:s23] =	ssyncset.done $0x0  }
0x60: {  	[sflag:s23] =	ssyncadd.s32 $0xFFFFE000  }
0x61: {  	[tilespmem:s20], [sflag:$0x1] =	stream.indirect.gather [hbm4b:s8+s19], $0x10, s17, s19, $0xb8;
	[tilespmem:$0x1D000] =	vst v63  }
.Ltmp0:
0x62: {  	_ = 	snop;
	(pc) =	sbr.rel @p0 .LBB2_2-.Ltmp0, $4  }
0x63: {  	_ = 	snop  }
0x64: {  	[spmem:s2] =	stream.indirect.scatter.add.f32 [tilespmem:s24], [sflag:$0x2], $0x10, s22, s19, $0xb8;
	[tilespmem:$0x1D000] =	vst v63  }
0x65: {  	_ =	swait.ge [sflag:s25], $0x2000  }
0x66: {  	s30 =	smov.u32 s29;
	[sflag:s25] =	ssyncset.done $0x0  }
0x67: {  	s1 =	sadd.s32 s28, s14  }
0x68: {  	[sflag:s25] =	ssyncadd.s32 $0xFFFFE000;
	s29 =	sadd.s32 $0x30C0, s1  }
0x69: {  	[tilespmem:s21], [sflag:$0x3] =	stream.linear.gather [hbm4b:s29+s3], $0x200, $0x38;
	[tilespmem:$0x1D000] =	vst v63  }
0x6a: {  	_ =	swait.ge [sflag:s16], $0x200  }
0x6b: {  	s31 =	sadd.s32 s28, s13;
	[sflag:s16] =	ssyncset.done $0x0  }
0x6c: {  	s30 =	sadd.s32 $0x30C0, s31;
	[sflag:s16] =	ssyncadd.s32 $0xFFFFFE00  }
0x6d: {  	[tilespmem:s22], [sflag:$0x3] =	stream.linear.gather [hbm4b:s30+s3], $0x200, $0x38;
	[tilespmem:$0x1D000] =	vst v63  }
0x6e: {  	_ =	swait.ge [sflag:s16], $0x200  }
0x6f: {  	[sflag:s16] =	ssyncset.done $0x0  }
0x70: {  	[sflag:s16] =	ssyncadd.s32 $0xFFFFFE00  }
0x71: {  	_ =	swait.ge [sflag:s23], $0x2000  }
0x72: {  	[sflag:s23] =	ssyncset.done $0x0  }
0x73: {  	[sflag:s23] =	ssyncadd.s32 $0xFFFFE000  }
0x74: {  	[tilespmem:s24], [sflag:$0x1] =	stream.indirect.gather [hbm4b:s8+s19], $0x10, s21, s19, $0xb8;
	[tilespmem:$0x1D000] =	vst v63  }
0x75: {  	_ = 	snop  }
0x76: {  	[spmem:s2] =	stream.indirect.scatter.add.f32 [tilespmem:s20], [sflag:$0x2], $0x10, s18, s19, $0xb8;
	[tilespmem:$0x1D000] =	vst v63  }
0x77: {  	_ =	swait.ge [sflag:s25], $0x2000  }
0x78: {  	[sflag:s25] =	ssyncset.done $0x0  }
0x79: {  	s1 =	sadd.s32 $0x3100, s1;
	[sflag:s25] =	ssyncadd.s32 $0xFFFFE000  }
0x7a: {  	[tilespmem:s17], [sflag:$0x3] =	stream.linear.gather [hbm4b:s1+s3], $0x200, $0x38;
	[tilespmem:$0x1D000] =	vst v63  }
0x7b: {  	_ =	swait.ge [sflag:s16], $0x200  }
0x7c: {  	[sflag:s16] =	ssyncset.done $0x0  }
0x7d: {  	s31 =	sadd.s32 $0x3100, s31;
	[sflag:s16] =	ssyncadd.s32 $0xFFFFFE00  }
0x7e: {  	[tilespmem:s18], [sflag:$0x3] =	stream.linear.gather [hbm4b:s31+s3], $0x200, $0x38;
	[tilespmem:$0x1D000] =	vst v63  }
0x7f: {  	_ =	swait.ge [sflag:s16], $0x200  }
0x80: {  	[sflag:s16] =	ssyncset.done $0x0  }
0x81: {  	[sflag:s16] =	ssyncadd.s32 $0xFFFFFE00  }
0x82: {  	_ =	swait.ge [sflag:s23], $0x2000  }
0x83: {  	[sflag:s23] =	ssyncset.done $0x0  }
0x84: {  	[sflag:s23] =	ssyncadd.s32 $0xFFFFE000  }
0x85: {  	[tilespmem:s20], [sflag:$0x1] =	stream.indirect.gather [hbm4b:s8+s19], $0x10, s17, s19, $0xb8;
	[tilespmem:$0x1D000] =	vst v63  }
0x86: {  	_ = 	snop  }
0x87: {  	[spmem:s2] =	stream.indirect.scatter.add.f32 [tilespmem:s24], [sflag:$0x2], $0x10, s22, s19, $0xb8;
	[tilespmem:$0x1D000] =	vst v63  }
0x88: {  	_ =	swait.ge [sflag:s25], $0x2000  }
0x89: {  	[sflag:s25] =	ssyncset.done $0x0  }
0x8a: {  	[sflag:s25] =	ssyncadd.s32 $0xFFFFE000  }
0x8b: {  	[tilespmem:s21], [sflag:$0x3] =	stream.linear.gather [hbm4b:s11+s3], $0x200, $0x38;
	[tilespmem:$0x1D000] =	vst v63  }
0x8c: {  	_ =	swait.ge [sflag:s16], $0x200  }
0x8d: {  	[sflag:s16] =	ssyncset.done $0x0  }
0x8e: {  	[sflag:s16] =	ssyncadd.s32 $0xFFFFFE00  }
0x8f: {  	[tilespmem:s22], [sflag:$0x3] =	stream.linear.gather [hbm4b:s12+s3], $0x200, $0x38;
	[tilespmem:$0x1D000] =	vst v63  }
0x90: {  	_ =	swait.ge [sflag:s16], $0x200  }
0x91: {  	[sflag:s16] =	ssyncset.done $0x0  }
0x92: {  	[sflag:s16] =	ssyncadd.s32 $0xFFFFFE00  }
0x93: {  	_ =	swait.ge [sflag:s23], $0x2000  }
0x94: {  	[sflag:s23] =	ssyncset.done $0x0  }
0x95: {  	[sflag:s23] =	ssyncadd.s32 $0xFFFFE000  }
0x96: {  	[tilespmem:s24], [sflag:$0x1] =	stream.indirect.gather [hbm4b:s8+s19], $0x10, s21, s19, $0xb8;
	[tilespmem:$0x1D000] =	vst v63  }
0x97: {  	_ = 	snop  }
0x98: {  	[spmem:s2] =	stream.indirect.scatter.add.f32 [tilespmem:s20], [sflag:$0x2], $0x10, s18, s19, $0xb8;
	[tilespmem:$0x1D000] =	vst v63  }
0x99: {  	_ =	swait.ge [sflag:s25], $0x2000  }
0x9a: {  	[sflag:s25] =	ssyncset.done $0x0  }
0x9b: {  	[sflag:s25] =	ssyncadd.s32 $0xFFFFE000  }
0x9c: {  	_ =	swait.ge [sflag:s23], $0x2000  }
0x9d: {  	[sflag:s23] =	ssyncset.done $0x0  }
0x9e: {  	[sflag:s23] =	ssyncadd.s32 $0xFFFFE000  }
0x9f: {  	[spmem:s2] =	stream.indirect.scatter.add.f32 [tilespmem:s24], [sflag:$0x2], $0x10, s22, s19, $0xb8;
	[tilespmem:$0x1D000] =	vst v63  }
0xa0: {  	_ =	swait.ge [sflag:s25], $0x2000  }
0xa1: {  	s26 =	sadd.s32 $0x1, s26;
	[sflag:s25] =	ssyncset.done $0x0  }
0xa2: {  	p0 =	sne.s32 s26, s10;
	[sflag:s25] =	ssyncadd.s32 $0xFFFFE000  }
.Ltmp1:
0xa3: {  	[bflag:$0x0] =	sbarrier.arrive $0xFFFF;
	(pc) =	sbr.rel @p0 .LBB2_1-.Ltmp1, $4  }
0xa4: {  	[hbm:s9], [sflag:s5] =	dma.local [spmem:s15], $0x3100  }
0xa5: {  	_ =	swait.ge [sflag:s16], $0x3100  }
0xa6: {  	[sflag:s16] =	ssyncset.done $0x0  }
0xa7: {  	[sflag:s16] =	ssyncadd.s32 $0xFFFFCF00  }
0xa8: {  	_ =	sfence.sel $0x180000  }
0xa9: {  	[bflag:$0x0] =	sbarrier.arrive $0xFFFF  }
0xaa: {  	_ =	strace $0x90000050  }
0xab: {  	[bflag:$0x2] =	sbarrier.arrive $0xFFFF  }
0xac: {  	p0 =	sne.s32 s0, $0x0;
	s0 =	rddreg [dreg:$0x2]  }
0xad: {  	s0 =	sadd.s32 @!p0 $0x100000, s0  }
0xae: {  	[sflag:s0] =	ssyncadd.tile.s32 @!p0 $0x1;
	_ =	shalt  }
.Lfunc_end2:
_tile_overlayer_lowered:
.L_overlay_start_2:
0xaf: {  	(tag) =	ssettag $0x2  }
0xb0: {  	s0 =	rddreg [dreg:$0x0];
	s2 =	stileid.u32  }
0xb1: {  	s1 =	rddreg [dreg:$0x1];
	p0 =	sne.s32 s2, $0x0  }
0xb2: {  	s3 =	rddreg [dreg:$0x2];
	[bflag:$0x3] =	sbarrier.arrive $0xFFFF;
	s2 =	simm.s32 @!p0 $0x1C03  }
0xb3: {  	[timem:s3], [sflag:s2] =	dma.local @!p0 [hbm:s0], s1  }
0xb4: {  	s0 =	simm.s32 @!p0 $0x3  }
0xb5: {  	_ =	swait.ge @!p0 [sflag:s0], s1  }
0xb6: {  	s1 =	ssub.s32 @!p0 $0x0, s1;
	[sflag:s0] =	ssyncset.done @!p0 $0x0  }
0xb7: {  	[sflag:s0] =	ssyncadd.s32 @!p0 s1  }
0xb8: {  	[bflag:$0x3] =	sbarrier.arrive $0xFFFF  }
0xb9: {  	_ =	shalt  }

</sc_bundles>
